<compile_context>
chip_gen: v7x
topology: tpu7x:2x2x1
jax: 0.10.2.dev20260603
libtpu: 0.0.44.dev20260713+nightly
codegen_flags: <defaults>
</compile_context>

<pallas_src>
import dataclasses
import functools

import jax
import jax.numpy as jnp
from jax import lax
from jax.experimental import pallas as pl
from jax.experimental.pallas import tpu as pltpu
from jax.experimental.pallas import tpu_sc as plsc

_N = 10000
_E = 320000
_F = 128
_H = 128
_K = 64
_EPS = 1e-15
_SELU_SCALE = 1.0507009873554805
_SELU_ALPHA = 1.6732632423543772


def _selu(v):
    return _SELU_SCALE * jnp.where(v > 0, v, _SELU_ALPHA * (jnp.exp(v) - 1.0))


def _mm(a, b):
    return lax.dot_general(a, b, (((1,), (0,)), ((), ())),
                           preferred_element_type=jnp.float32,
                           precision=lax.Precision.DEFAULT)


def _ct(a, b):
    return lax.dot_general(a, b, (((0,), (0,)), ((), ())),
                           preferred_element_type=jnp.float32,
                           precision=lax.Precision.DEFAULT)



def _stage_a_body(x_ref, w1_ref, h1_ref):
    h1_ref[...] = _mm(x_ref[...], w1_ref[...])


def _stage_b_body(h1_ref, dp_ref, table1_ref, dinv_ref, degp_ref):
    degp = dp_ref[0, :, 0:1] + dp_ref[1, :, 0:1]
    degp_ref[...] = degp
    deg = degp + 1.0
    dinv = lax.rsqrt(jnp.maximum(deg, 1e-12))
    dinv_ref[...] = dinv
    table1_ref[...] = h1_ref[...] * dinv


def _stage_c_body(p_ref, table1_ref, dinv_ref, b1_ref, w2_ref,
                  table2_ref):
    dinv = dinv_ref[...]
    agg = dinv * (p_ref[0] + p_ref[1] + table1_ref[...]) + b1_ref[...]
    z = _selu(agg)
    table2_ref[...] = _mm(z, w2_ref[...]) * dinv


def _stage_d_body(p_ref, table2_ref, dinv_ref, b2_ref, ws_ref,
                  bs_ref, s_ref, hfin_ref):
    dinv = dinv_ref[...]
    agg = dinv * (p_ref[0] + p_ref[1] + table2_ref[...]) + b2_ref[...]
    z = _selu(agg)
    hfin_ref[...] = z
    logits = _mm(z, ws_ref[...]) + bs_ref[...]
    m = jnp.max(logits, axis=-1, keepdims=True)
    e = jnp.exp(logits - m)
    sm = e / jnp.sum(e, axis=-1, keepdims=True)
    s = sm / jnp.maximum(jnp.sum(sm, axis=-1, keepdims=True), _EPS)
    s_ref[:, 0:_K] = s
    s_ref[:, _K:2 * _K] = jnp.zeros((_N, _K), jnp.float32)


def _stage_f_body(s_ref, hfin_ref, a_ref, degp_ref,
                  out_ref, oa_ref, sl_ref, ol_ref, cl_ref):
    s = s_ref[:, 0:_K]
    hfin = hfin_ref[...]
    As = a_ref[0, :, 0:_K] + a_ref[1, :, 0:_K]
    degp = degp_ref[...]

    out_ref[...] = _selu(_ct(s, hfin))
    out_adj = _ct(s, As)
    ca = _ct(s, degp)
    two_m = jnp.maximum(jnp.sum(degp), _EPS)

    eye = (lax.broadcasted_iota(jnp.int32, (_K, _K), 0)
           == lax.broadcasted_iota(jnp.int32, (_K, _K), 1)).astype(jnp.float32)

    tr_adj = jnp.sum(out_adj * eye)
    tr_norm = jnp.sum(ca * ca) / two_m
    sl_ref[...] = jnp.broadcast_to(-(tr_adj - tr_norm) / two_m, (1, 1))

    ss = _ct(s, s)
    nrm_ss = jnp.sqrt(jnp.sum(ss * ss))
    i_nrm = jnp.sqrt(jnp.float32(_K))
    diff = ss / nrm_ss - eye / i_nrm
    ol_ref[...] = jnp.broadcast_to(jnp.sqrt(jnp.sum(diff * diff)), (1, 1))

    cs = jnp.sum(s, axis=0, keepdims=True)
    cl_ref[...] = jnp.broadcast_to(
        jnp.sqrt(jnp.sum(cs * cs)) / _N * jnp.sqrt(jnp.float32(_K)) - 1.0,
        (1, 1))

    m = out_adj * (1.0 - eye)
    d = jnp.sqrt(jnp.maximum(jnp.sum(m, axis=1, keepdims=True), 0.0)) + _EPS
    oa_ref[...] = m / d / jnp.transpose(d)


def _tc_call(body, out_shapes, *args):
    return pl.pallas_call(
        body,
        out_shape=out_shapes,
    )(*args)



_NC = 2
_NS = 16
_NW = _NC * _NS
_EPW = _E // _NW
_BE = 80
_NB = _EPW // _BE
_OSTEP = 624
_OLEN = 640
_ZCH = 128


def _sc_compiler_params():
    cp = pltpu.CompilerParams()
    if "needs_layout_passes" in pltpu.CompilerParams.__dataclass_fields__:
        cp = dataclasses.replace(cp, needs_layout_passes=False)
    return cp


def _sc_pass(src, dst, ew, table, D):
    mesh = plsc.VectorSubcoreMesh(core_axis_name="c", subcore_axis_name="s")
    R = 3
    has_tab = table is not None

    @functools.partial(
        pl.kernel, mesh=mesh,
        compiler_params=_sc_compiler_params(),
        out_type=jax.ShapeDtypeStruct((_NC, _N, D), jnp.float32),
        scratch_types=(
            [pltpu.VMEM((_BE,), jnp.int32) for _ in range(R)]
            + [pltpu.VMEM((_BE,), jnp.int32) for _ in range(R)]
            + [pltpu.VMEM((_BE,), jnp.float32) for _ in range(R)]
            + [pltpu.VMEM((_BE, 128), jnp.float32) for _ in range(R)]
            + [pltpu.VMEM_SHARED((_N, D), jnp.float32)]
            + [pltpu.SemaphoreType.DMA for _ in range(5 * R)]
        ))
    def k(*refs):
        if has_tab:
            table_hbm, src_hbm, dst_hbm, ew_hbm, out_hbm = refs[:5]
            sc = refs[5:]
        else:
            src_hbm, dst_hbm, ew_hbm, out_hbm = refs[:4]
            sc = refs[4:]
        sidx = sc[0:R]
        didx = sc[R:2 * R]
        ewv = sc[2 * R:3 * R]
        grows = sc[3 * R:4 * R]
        acc = sc[4 * R]
        isem = sc[4 * R + 1:4 * R + 1 + R]
        dsem = sc[4 * R + 1 + R:4 * R + 1 + 2 * R]
        wsem = sc[4 * R + 1 + 2 * R:4 * R + 1 + 3 * R]
        gsem = sc[4 * R + 1 + 3 * R:4 * R + 1 + 4 * R]
        ssem = sc[4 * R + 1 + 4 * R:4 * R + 1 + 5 * R]

        cid = lax.axis_index("c")
        sid = lax.axis_index("s")
        w = sid * _NC + cid
        r0 = sid * _OSTEP
        base0 = w * _EPW

        @pl.loop(0, _BE)
        def _(i):
            for j in range(D // 16):
                grows[0][i, pl.ds(j * 16, 16)] = jnp.zeros((16,), jnp.float32)

        @pl.loop(0, _OLEN // _BE)
        def _(cz):
            pltpu.sync_copy(grows[0].at[:, pl.ds(0, D)],
                            acc.at[pl.ds(r0 + cz * _BE, _BE)])

        plsc.subcore_barrier()

        def pf1(b, r):
            if has_tab:
                pltpu.async_copy(src_hbm.at[pl.ds(base0 + b * _BE, _BE)],
                                 sidx[r], isem[r])
            pltpu.async_copy(dst_hbm.at[pl.ds(base0 + b * _BE, _BE)],
                             didx[r], dsem[r])
            pltpu.async_copy(ew_hbm.at[pl.ds(base0 + b * _BE, _BE)],
                             ewv[r], wsem[r])

        def wait_idx(r):
            pltpu.make_async_copy(src_hbm.at[pl.ds(base0, _BE)],
                                  sidx[r], isem[r]).wait()

        def issue_gather(r):
            pltpu.async_copy(table_hbm.at[sidx[r]], grows[r], gsem[r])

        def wait_scat(r):
            pltpu.make_async_copy(grows[r].at[:, pl.ds(0, D)],
                                  acc.at[didx[r]], ssem[r]).wait()

        def body(b, r, steady):
            if has_tab:
                pltpu.make_async_copy(table_hbm.at[sidx[r]], grows[r],
                                      gsem[r]).wait()
            pltpu.make_async_copy(dst_hbm.at[pl.ds(base0, _BE)],
                                  didx[r], dsem[r]).wait()
            pltpu.make_async_copy(ew_hbm.at[pl.ds(base0, _BE)],
                                  ewv[r], wsem[r]).wait()

            @pl.loop(0, _BE)
            def _(i):
                wv = plsc.load_gather(ewv[r], [jnp.full((16,), i, jnp.int32)])
                for j in range(D // 16):
                    if has_tab:
                        grows[r][i, pl.ds(j * 16, 16)] = \
                            grows[r][i, pl.ds(j * 16, 16)] * wv
                    else:
                        grows[r][i, pl.ds(j * 16, 16)] = wv

            rr = (r + 2) % R

            @pl.when(b >= 1)
            def _():
                wait_scat(rr)

            if steady:
                @pl.when(b < _NB - 2)
                def _():
                    pf1(b + 2, rr)
                    if has_tab:
                        wait_idx(rr)
                        issue_gather(rr)

            pltpu.async_copy(grows[r].at[:, pl.ds(0, D)], acc.at[didx[r]],
                             ssem[r], add=True)

        for r in range(2):
            pf1(r, r)
        if has_tab:
            for r in range(2):
                wait_idx(r)
                issue_gather(r)

        @pl.loop(0, (_NB - 2) // R)
        def _(g):
            for r in range(R):
                body(g * R + r, r, True)

        for b in range(_NB - 2, _NB):
            body(b, b % R, False)

        wait_scat((_NB - 1) % R)

        plsc.subcore_barrier()
        pltpu.sync_copy(acc.at[pl.ds(r0, _OLEN)],
                        out_hbm.at[cid, pl.ds(r0, _OLEN)])

    if has_tab:
        return k(table, src, dst, ew)
    return k(src, dst, ew)


def _sc_edge_agg(table, src, dst, ew, D):
    return _sc_pass(src, dst, ew, table, D)


def _sc_deg(src, dst, ew):
    return _sc_pass(src, dst, ew, None, 128)



def kernel(x, edge_index, edge_weight, W1, b1, W2, b2, Ws, bs):
    src, dst = edge_index[0], edge_index[1]
    ew = edge_weight
    b1r = b1.reshape(1, _H)
    b2r = b2.reshape(1, _H)
    bsr = bs.reshape(1, _K)

    h1 = _tc_call(_stage_a_body, jax.ShapeDtypeStruct((_N, _H), jnp.float32),
                  x, W1)
    degP = _sc_deg(src, dst, ew)

    table1, dinv, degp = _tc_call(
        _stage_b_body,
        (jax.ShapeDtypeStruct((_N, _H), jnp.float32),
         jax.ShapeDtypeStruct((_N, 1), jnp.float32),
         jax.ShapeDtypeStruct((_N, 1), jnp.float32)),
        h1, degP)

    t1 = _sc_edge_agg(table1, src, dst, ew, _H)
    table2 = _tc_call(_stage_c_body,
                      jax.ShapeDtypeStruct((_N, _H), jnp.float32),
                      t1, table1, dinv, b1r, W2)

    t2 = _sc_edge_agg(table2, src, dst, ew, _H)
    s_pad, hfin = _tc_call(
        _stage_d_body,
        (jax.ShapeDtypeStruct((_N, 2 * _K), jnp.float32),
         jax.ShapeDtypeStruct((_N, _H), jnp.float32)),
        t2, table2, dinv, b2r, Ws, bsr)

    As = _sc_edge_agg(s_pad, src, dst, ew, 128)
    out, oa, sl, ol, cl = _tc_call(
        _stage_f_body,
        (jax.ShapeDtypeStruct((_K, _H), jnp.float32),
         jax.ShapeDtypeStruct((_K, _K), jnp.float32),
         jax.ShapeDtypeStruct((1, 1), jnp.float32),
         jax.ShapeDtypeStruct((1, 1), jnp.float32),
         jax.ShapeDtypeStruct((1, 1), jnp.float32)),
        s_pad, hfin, As, degp)

    return (s_pad[:, 0:_K], out, oa, sl[0, 0], ol[0, 0], cl[0, 0])

# --- scband reference (transcript-rebuilt; emitter-appended) ---
"""Pipeline reference for scband-gnn-69071664054740 (READ-ONLY COPY).

The authoritative reference and input builder live on the scoring server;
editing this copy changes nothing except your own understanding.
"""

import jax, jax.numpy as jnp
import numpy as np

N = 10000
E = 320000
F = 128
H = 128
K = 64
EPS = 1e-15


def setup_inputs(seed: int = 0) -> dict:
    key = jax.random.key(seed)
    ks = jax.random.split(key, 10)
    x = jax.random.normal(ks[0], (N, F), dtype=jnp.float32)
    edge_index = jax.random.randint(ks[1], (2, E), 0, N)
    edge_weight = jax.random.uniform(ks[2], (E,), dtype=jnp.float32)
    W1 = jax.random.normal(ks[3], (F, H), dtype=jnp.float32) * (1.0 / np.sqrt(F))
    b1 = jnp.zeros((H,), dtype=jnp.float32)
    W2 = jax.random.normal(ks[4], (H, H), dtype=jnp.float32) * (1.0 / np.sqrt(H))
    b2 = jnp.zeros((H,), dtype=jnp.float32)
    Ws = jax.random.normal(ks[5], (H, K), dtype=jnp.float32) * (1.0 / np.sqrt(H))
    bs = jnp.zeros((K,), dtype=jnp.float32)
    return {"x": x, "edge_index": edge_index, "edge_weight": edge_weight,
            "W1": W1, "b1": b1, "W2": W2, "b2": b2, "Ws": Ws, "bs": bs}


def _gcn(x, src, dst, ew, W, b):
    # NormGCNConv: L_hat = D^-1/2 (A + I) D^-1/2, out = L_hat X Theta + b
    n = x.shape[0]
    loop = jnp.arange(n)
    src2 = jnp.concatenate([src, loop])
    dst2 = jnp.concatenate([dst, loop])
    ew2 = jnp.concatenate([ew, jnp.ones((n,), dtype=ew.dtype)])
    deg = jax.ops.segment_sum(ew2, dst2, num_segments=n)
    dinv = jnp.where(deg > 0, jax.lax.rsqrt(jnp.maximum(deg, 1e-12)), 0.0)
    norm = dinv[src2] * ew2 * dinv[dst2]
    h = x @ W
    agg = jax.ops.segment_sum(norm[:, None] * h[src2], dst2, num_segments=n)
    return agg + b


def reference(x, edge_index, edge_weight, W1, b1, W2, b2, Ws, bs):
    src, dst = edge_index[0], edge_index[1]
    h = jax.nn.selu(_gcn(x, src, dst, edge_weight, W1, b1))
    h = jax.nn.selu(_gcn(h, src, dst, edge_weight, W2, b2))
    # Sparse DMoN pooling (single graph, B=1, exponent=1)
    s = jax.nn.softmax(h @ Ws + bs, axis=-1)
    exponent = 1.0
    s = s ** exponent
    s = s / jnp.maximum(s.sum(axis=-1, keepdims=True), EPS)
    out = jax.nn.selu(s.T @ h)                                      # [K, H]
    deg = jax.ops.segment_sum(edge_weight, dst, num_segments=N)     # [N]
    two_m = jnp.maximum(edge_weight.sum(), EPS)
    As = jax.ops.segment_sum(edge_weight[:, None] * s[src], dst, num_segments=N)  # [N, K]
    out_adj = s.T @ As                                              # [K, K]
    # Spectral (modularity) loss
    ca = s.T @ deg                                                  # [K]
    normalizer = jnp.outer(ca, ca) / two_m
    spectral_loss = -jnp.trace(out_adj - normalizer) / two_m
    # Orthogonality loss
    ss = s.T @ s
    i_s = jnp.eye(K, dtype=s.dtype)
    ortho_loss = jnp.linalg.norm(ss / jnp.linalg.norm(ss) - i_s / jnp.linalg.norm(i_s))
    # Cluster size loss
    cluster_size = s.sum(axis=0)
    cluster_loss = jnp.linalg.norm(cluster_size) / N * jnp.sqrt(jnp.float32(K)) - 1.0
    # Fix and normalize coarsened adjacency
    oa = out_adj * (1.0 - i_s)
    d = jnp.sqrt(jnp.maximum(oa.sum(axis=1), 0.0)) + EPS
    oa = oa / d[:, None] / d[None, :]
    return (s, out, oa, spectral_loss, ortho_loss, cluster_loss)

if __name__ == "__main__":
    import jax
    _d = setup_inputs()
    print(jax.jit(kernel)(*tuple(_d.values())))

</pallas_src>

<mosaic_0001>
#map = affine_map<(d0, d1) -> (0, 0)>
#map1 = affine_map<(d0, d1) -> (0)>
#map2 = affine_map<(d0, d1) -> (0, 0, 0)>
module attributes {stable_mosaic.version = 14 : i64} {
  func.func @k(%arg0: i32, %arg1: i32, %arg2: memref<10000x128xf32, #tpu.memory_space<hbm>>, %arg3: memref<320000xi32, #tpu.memory_space<hbm>>, %arg4: memref<320000xi32, #tpu.memory_space<hbm>>, %arg5: memref<320000xf32, #tpu.memory_space<hbm>>, %arg6: memref<2x10000x128xf32, #tpu.memory_space<hbm>>, %arg7: memref<80xi32, #tpu.memory_space<vmem>>, %arg8: memref<80xi32, #tpu.memory_space<vmem>>, %arg9: memref<80xi32, #tpu.memory_space<vmem>>, %arg10: memref<80xi32, #tpu.memory_space<vmem>>, %arg11: memref<80xi32, #tpu.memory_space<vmem>>, %arg12: memref<80xi32, #tpu.memory_space<vmem>>, %arg13: memref<80xf32, #tpu.memory_space<vmem>>, %arg14: memref<80xf32, #tpu.memory_space<vmem>>, %arg15: memref<80xf32, #tpu.memory_space<vmem>>, %arg16: memref<80x128xf32, #tpu.memory_space<vmem>>, %arg17: memref<80x128xf32, #tpu.memory_space<vmem>>, %arg18: memref<80x128xf32, #tpu.memory_space<vmem>>, %arg19: memref<10000x128xf32, #tpu.memory_space<vmem_shared>>, %arg20: memref<!tpu.dma_semaphore, #tpu.memory_space<semaphore_mem>>, %arg21: memref<!tpu.dma_semaphore, #tpu.memory_space<semaphore_mem>>, %arg22: memref<!tpu.dma_semaphore, #tpu.memory_space<semaphore_mem>>, %arg23: memref<!tpu.dma_semaphore, #tpu.memory_space<semaphore_mem>>, %arg24: memref<!tpu.dma_semaphore, #tpu.memory_space<semaphore_mem>>, %arg25: memref<!tpu.dma_semaphore, #tpu.memory_space<semaphore_mem>>, %arg26: memref<!tpu.dma_semaphore, #tpu.memory_space<semaphore_mem>>, %arg27: memref<!tpu.dma_semaphore, #tpu.memory_space<semaphore_mem>>, %arg28: memref<!tpu.dma_semaphore, #tpu.memory_space<semaphore_mem>>, %arg29: memref<!tpu.dma_semaphore, #tpu.memory_space<semaphore_mem>>, %arg30: memref<!tpu.dma_semaphore, #tpu.memory_space<semaphore_mem>>, %arg31: memref<!tpu.dma_semaphore, #tpu.memory_space<semaphore_mem>>, %arg32: memref<!tpu.dma_semaphore, #tpu.memory_space<semaphore_mem>>, %arg33: memref<!tpu.dma_semaphore, #tpu.memory_space<semaphore_mem>>, %arg34: memref<!tpu.dma_semaphore, #tpu.memory_space<semaphore_mem>>) attributes {dimension_semantics = [#tpu.dimension_semantics<core_parallel>, #tpu.dimension_semantics<subcore_parallel>], iteration_bounds = array<i64: 2, 16>, scalar_prefetch = 0 : i64, scratch_operands = 28 : i64, tpu.core_type = #tpu.core_type<sc_vector_subcore>, window_params = [{transform_indices = #map}, {transform_indices = #map1}, {transform_indices = #map1}, {transform_indices = #map1}, {transform_indices = #map2}]} {
    %mul3A = arith.constant 2 : i32
    %mul3A_0 = arith.muli %arg1, %mul3A : i32
    %add3A = arith.addi %mul3A_0, %arg0 : i32
    %mul3A_1 = arith.constant 624 : i32
    %mul3A_2 = arith.muli %arg1, %mul3A_1 : i32
    %mul3A_3 = arith.constant 10000 : i32
    %mul3A_4 = arith.muli %add3A, %mul3A_3 : i32
    %scan3A = arith.constant 0 : i32
    %scan3A_5 = arith.constant 80 : i32
    %scan3A_6 = arith.addi %scan3A, %scan3A_5 : i32
    %scan3A_7 = arith.constant 1 : i32
    scf.for %scan3A_106 = %scan3A to %scan3A_6 step %scan3A_7  : i32 {
      %mul3A_107 = arith.constant 1 : i32
      %mul3A_108 = arith.muli %scan3A_106, %mul3A_107 : i32
      %add3A_109 = arith.constant 0 : i32
      %add3A_110 = arith.addi %add3A_109, %mul3A_108 : i32
      %broadcast_in_dim3A = arith.constant 0.000000e+00 : f32
      %broadcast_in_dim3A_111 = vector.broadcast %broadcast_in_dim3A : f32 to vector<16xf32>
      %swap3A = arith.index_cast %add3A_110 : i32 to index
      %swap3A_112 = arith.constant 0 : index
      %swap3A_113 = tpu.vector_load %arg16[%swap3A, %swap3A_112] {strides = array<i32>} : memref<80x128xf32, #tpu.memory_space<vmem>>, vector<16xf32>,
      tpu.vector_store %arg16[%swap3A, %swap3A_112], %broadcast_in_dim3A_111 {strides = array<i32>} : memref<80x128xf32, #tpu.memory_space<vmem>>, vector<16xf32>,
      %broadcast_in_dim3A_114 = arith.constant 0.000000e+00 : f32
      %broadcast_in_dim3A_115 = vector.broadcast %broadcast_in_dim3A_114 : f32 to vector<16xf32>
      %swap3A_116 = arith.index_cast %add3A_110 : i32 to index
      %swap3A_117 = arith.constant 16 : index
      %swap3A_118 = tpu.vector_load %arg16[%swap3A_116, %swap3A_117] {strides = array<i32>} : memref<80x128xf32, #tpu.memory_space<vmem>>, vector<16xf32>,
      tpu.vector_store %arg16[%swap3A_116, %swap3A_117], %broadcast_in_dim3A_115 {strides = array<i32>} : memref<80x128xf32, #tpu.memory_space<vmem>>, vector<16xf32>,
      %broadcast_in_dim3A_119 = arith.constant 0.000000e+00 : f32
      %broadcast_in_dim3A_120 = vector.broadcast %broadcast_in_dim3A_119 : f32 to vector<16xf32>
      %swap3A_121 = arith.index_cast %add3A_110 : i32 to index
      %swap3A_122 = arith.constant 32 : index
      %swap3A_123 = tpu.vector_load %arg16[%swap3A_121, %swap3A_122] {strides = array<i32>} : memref<80x128xf32, #tpu.memory_space<vmem>>, vector<16xf32>,
      tpu.vector_store %arg16[%swap3A_121, %swap3A_122], %broadcast_in_dim3A_120 {strides = array<i32>} : memref<80x128xf32, #tpu.memory_space<vmem>>, vector<16xf32>,
      %broadcast_in_dim3A_124 = arith.constant 0.000000e+00 : f32
      %broadcast_in_dim3A_125 = vector.broadcast %broadcast_in_dim3A_124 : f32 to vector<16xf32>
      %swap3A_126 = arith.index_cast %add3A_110 : i32 to index
      %swap3A_127 = arith.constant 48 : index
      %swap3A_128 = tpu.vector_load %arg16[%swap3A_126, %swap3A_127] {strides = array<i32>} : memref<80x128xf32, #tpu.memory_space<vmem>>, vector<16xf32>,
      tpu.vector_store %arg16[%swap3A_126, %swap3A_127], %broadcast_in_dim3A_125 {strides = array<i32>} : memref<80x128xf32, #tpu.memory_space<vmem>>, vector<16xf32>,
      %broadcast_in_dim3A_129 = arith.constant 0.000000e+00 : f32
      %broadcast_in_dim3A_130 = vector.broadcast %broadcast_in_dim3A_129 : f32 to vector<16xf32>
      %swap3A_131 = arith.index_cast %add3A_110 : i32 to index
      %swap3A_132 = arith.constant 64 : index
      %swap3A_133 = tpu.vector_load %arg16[%swap3A_131, %swap3A_132] {strides = array<i32>} : memref<80x128xf32, #tpu.memory_space<vmem>>, vector<16xf32>,
      tpu.vector_store %arg16[%swap3A_131, %swap3A_132], %broadcast_in_dim3A_130 {strides = array<i32>} : memref<80x128xf32, #tpu.memory_space<vmem>>, vector<16xf32>,
      %broadcast_in_dim3A_134 = arith.constant 0.000000e+00 : f32
      %broadcast_in_dim3A_135 = vector.broadcast %broadcast_in_dim3A_134 : f32 to vector<16xf32>
      %swap3A_136 = arith.index_cast %add3A_110 : i32 to index
      %swap3A_137 = arith.constant 80 : index
      %swap3A_138 = tpu.vector_load %arg16[%swap3A_136, %swap3A_137] {strides = array<i32>} : memref<80x128xf32, #tpu.memory_space<vmem>>, vector<16xf32>,
      tpu.vector_store %arg16[%swap3A_136, %swap3A_137], %broadcast_in_dim3A_135 {strides = array<i32>} : memref<80x128xf32, #tpu.memory_space<vmem>>, vector<16xf32>,
      %broadcast_in_dim3A_139 = arith.constant 0.000000e+00 : f32
      %broadcast_in_dim3A_140 = vector.broadcast %broadcast_in_dim3A_139 : f32 to vector<16xf32>
      %swap3A_141 = arith.index_cast %add3A_110 : i32 to index
      %swap3A_142 = arith.constant 96 : index
      %swap3A_143 = tpu.vector_load %arg16[%swap3A_141, %swap3A_142] {strides = array<i32>} : memref<80x128xf32, #tpu.memory_space<vmem>>, vector<16xf32>,
      tpu.vector_store %arg16[%swap3A_141, %swap3A_142], %broadcast_in_dim3A_140 {strides = array<i32>} : memref<80x128xf32, #tpu.memory_space<vmem>>, vector<16xf32>,
      %broadcast_in_dim3A_144 = arith.constant 0.000000e+00 : f32
      %broadcast_in_dim3A_145 = vector.broadcast %broadcast_in_dim3A_144 : f32 to vector<16xf32>
      %swap3A_146 = arith.index_cast %add3A_110 : i32 to index
      %swap3A_147 = arith.constant 112 : index
      %swap3A_148 = tpu.vector_load %arg16[%swap3A_146, %swap3A_147] {strides = array<i32>} : memref<80x128xf32, #tpu.memory_space<vmem>>, vector<16xf32>,
      tpu.vector_store %arg16[%swap3A_146, %swap3A_147], %broadcast_in_dim3A_145 {strides = array<i32>} : memref<80x128xf32, #tpu.memory_space<vmem>>, vector<16xf32>,
    }
    %scan3A_8 = arith.constant 80 : i32
    %scan3A_9 = arith.constant 0 : i32
    %scan3A_10 = arith.constant 8 : i32
    %scan3A_11 = arith.addi %scan3A_9, %scan3A_10 : i32
    %scan3A_12 = arith.constant 1 : i32
    scf.for %scan3A_106 = %scan3A_9 to %scan3A_11 step %scan3A_12  : i32 {
      %mul3A_107 = arith.constant 1 : i32
      %mul3A_108 = arith.muli %scan3A_106, %mul3A_107 : i32
      %add3A_109 = arith.constant 0 : i32
      %add3A_110 = arith.addi %add3A_109, %mul3A_108 : i32
      %mul3A_111 = arith.constant 80 : i32
      %mul3A_112 = arith.muli %add3A_110, %mul3A_111 : i32
      %add3A_113 = arith.addi %mul3A_2, %mul3A_112 : i32
      "tpu.region"() ({
        %run_scoped3A = tpu.sem_alloc : memref<!tpu.dma_semaphore, #tpu.memory_space<semaphore_mem>>
        %dma_start3A_114 = arith.constant 0 : i32
        %dma_start3A_115 = arith.constant 0 : i32
        %dma_start3A_116 = tpu.memref_slice %arg16[%dma_start3A_114, %dma_start3A_115] : memref<80x128xf32, #tpu.memory_space<vmem>> -> memref<80x128xf32, #tpu.memory_space<vmem>>
        %dma_start3A_117 = arith.constant 0 : i32
        %dma_start3A_118 = tpu.memref_slice %arg19[%add3A_113, %dma_start3A_117] : memref<10000x128xf32, #tpu.memory_space<vmem_shared>> -> memref<80x128xf32, #tpu.memory_space<vmem_shared>>
        %dma_start3A_119 = arith.constant 0 : i32
        %dma_start3A_120 = tpu.memref_slice %arg19[%add3A_113, %dma_start3A_119] : memref<10000x128xf32, #tpu.memory_space<vmem_shared>> -> memref<80x128xf32, #tpu.memory_space<vmem_shared>>
        %dma_start3A_121 = arith.constant 0 : i32
        %dma_start3A_122 = arith.constant 0 : i32
        %dma_start3A_123 = tpu.memref_slice %arg16[%dma_start3A_121, %dma_start3A_122] : memref<80x128xf32, #tpu.memory_space<vmem>> -> memref<80x128xf32, #tpu.memory_space<vmem>>
        tpu.enqueue_dma source(%dma_start3A_123 : memref<80x128xf32, #tpu.memory_space<vmem>>) target(%dma_start3A_120 : memref<80x128xf32, #tpu.memory_space<vmem_shared>>) target_semaphore(%run_scoped3A : memref<!tpu.dma_semaphore, #tpu.memory_space<semaphore_mem>>)
        %dma_wait3A_124 = arith.constant 0 : i32
        %dma_wait3A_125 = arith.constant 0 : i32
        %dma_wait3A_126 = tpu.memref_slice %arg16[%dma_wait3A_124, %dma_wait3A_125] : memref<80x128xf32, #tpu.memory_space<vmem>> -> memref<80x128xf32, #tpu.memory_space<vmem>>
        %dma_wait3A_127 = arith.constant 0 : i32
        %dma_wait3A_128 = tpu.memref_slice %arg19[%add3A_113, %dma_wait3A_127] : memref<10000x128xf32, #tpu.memory_space<vmem_shared>> -> memref<80x128xf32, #tpu.memory_space<vmem_shared>>
        %dma_wait3A_129 = arith.constant 0 : i32
        %dma_wait3A_130 = tpu.memref_slice %arg19[%add3A_113, %dma_wait3A_129] : memref<10000x128xf32, #tpu.memory_space<vmem_shared>> -> memref<80x128xf32, #tpu.memory_space<vmem_shared>>
        %dma_wait3A_131 = arith.constant 0 : i32
        %dma_wait3A_132 = arith.constant 0 : i32
        %dma_wait3A_133 = tpu.memref_slice %arg16[%dma_wait3A_131, %dma_wait3A_132] : memref<80x128xf32, #tpu.memory_space<vmem>> -> memref<80x128xf32, #tpu.memory_space<vmem>>
        tpu.wait_dma2 semaphore(%run_scoped3A : memref<!tpu.dma_semaphore, #tpu.memory_space<semaphore_mem>>) src(%dma_wait3A_133 : memref<80x128xf32, #tpu.memory_space<vmem>>) dst(%dma_wait3A_130 : memref<80x128xf32, #tpu.memory_space<vmem_shared>>)
        tpu.yield
      }) : () -> ()
    }
    %scan3A_13 = arith.constant 8 : i32
    %barrier3A = arith.constant 0 : index
    tpu.barrier barrier_id(%barrier3A)
    %add3A_14 = arith.constant 0 : i32
    %add3A_15 = arith.addi %mul3A_4, %add3A_14 : i32
    %dma_start3A = tpu.memref_slice %arg3[%add3A_15] : memref<320000xi32, #tpu.memory_space<hbm>> -> memref<80xi32, #tpu.memory_space<hbm>>
    %dma_start3A_16 = tpu.memref_slice %arg3[%add3A_15] : memref<320000xi32, #tpu.memory_space<hbm>> -> memref<80xi32, #tpu.memory_space<hbm>>
    tpu.enqueue_dma source(%dma_start3A_16 : memref<80xi32, #tpu.memory_space<hbm>>) target(%arg7 : memref<80xi32, #tpu.memory_space<vmem>>) target_semaphore(%arg20 : memref<!tpu.dma_semaphore, #tpu.memory_space<semaphore_mem>>)
    %add3A_17 = arith.constant 0 : i32
    %add3A_18 = arith.addi %mul3A_4, %add3A_17 : i32
    %dma_start3A_19 = tpu.memref_slice %arg4[%add3A_18] : memref<320000xi32, #tpu.memory_space<hbm>> -> memref<80xi32, #tpu.memory_space<hbm>>
    %dma_start3A_20 = tpu.memref_slice %arg4[%add3A_18] : memref<320000xi32, #tpu.memory_space<hbm>> -> memref<80xi32, #tpu.memory_space<hbm>>
    tpu.enqueue_dma source(%dma_start3A_20 : memref<80xi32, #tpu.memory_space<hbm>>) target(%arg10 : memref<80xi32, #tpu.memory_space<vmem>>) target_semaphore(%arg23 : memref<!tpu.dma_semaphore, #tpu.memory_space<semaphore_mem>>)
    %add3A_21 = arith.constant 0 : i32
    %add3A_22 = arith.addi %mul3A_4, %add3A_21 : i32
    %dma_start3A_23 = tpu.memref_slice %arg5[%add3A_22] : memref<320000xf32, #tpu.memory_space<hbm>> -> memref<80xf32, #tpu.memory_space<hbm>>
    %dma_start3A_24 = tpu.memref_slice %arg5[%add3A_22] : memref<320000xf32, #tpu.memory_space<hbm>> -> memref<80xf32, #tpu.memory_space<hbm>>
    tpu.enqueue_dma source(%dma_start3A_24 : memref<80xf32, #tpu.memory_space<hbm>>) target(%arg13 : memref<80xf32, #tpu.memory_space<vmem>>) target_semaphore(%arg26 : memref<!tpu.dma_semaphore, #tpu.memory_space<semaphore_mem>>)
    %add3A_25 = arith.constant 80 : i32
    %add3A_26 = arith.addi %mul3A_4, %add3A_25 : i32
    %dma_start3A_27 = tpu.memref_slice %arg3[%add3A_26] : memref<320000xi32, #tpu.memory_space<hbm>> -> memref<80xi32, #tpu.memory_space<hbm>>
    %dma_start3A_28 = tpu.memref_slice %arg3[%add3A_26] : memref<320000xi32, #tpu.memory_space<hbm>> -> memref<80xi32, #tpu.memory_space<hbm>>
    tpu.enqueue_dma source(%dma_start3A_28 : memref<80xi32, #tpu.memory_space<hbm>>) target(%arg8 : memref<80xi32, #tpu.memory_space<vmem>>) target_semaphore(%arg21 : memref<!tpu.dma_semaphore, #tpu.memory_space<semaphore_mem>>)
    %add3A_29 = arith.constant 80 : i32
    %add3A_30 = arith.addi %mul3A_4, %add3A_29 : i32
    %dma_start3A_31 = tpu.memref_slice %arg4[%add3A_30] : memref<320000xi32, #tpu.memory_space<hbm>> -> memref<80xi32, #tpu.memory_space<hbm>>
    %dma_start3A_32 = tpu.memref_slice %arg4[%add3A_30] : memref<320000xi32, #tpu.memory_space<hbm>> -> memref<80xi32, #tpu.memory_space<hbm>>
    tpu.enqueue_dma source(%dma_start3A_32 : memref<80xi32, #tpu.memory_space<hbm>>) target(%arg11 : memref<80xi32, #tpu.memory_space<vmem>>) target_semaphore(%arg24 : memref<!tpu.dma_semaphore, #tpu.memory_space<semaphore_mem>>)
    %add3A_33 = arith.constant 80 : i32
    %add3A_34 = arith.addi %mul3A_4, %add3A_33 : i32
    %dma_start3A_35 = tpu.memref_slice %arg5[%add3A_34] : memref<320000xf32, #tpu.memory_space<hbm>> -> memref<80xf32, #tpu.memory_space<hbm>>
    %dma_start3A_36 = tpu.memref_slice %arg5[%add3A_34] : memref<320000xf32, #tpu.memory_space<hbm>> -> memref<80xf32, #tpu.memory_space<hbm>>
    tpu.enqueue_dma source(%dma_start3A_36 : memref<80xf32, #tpu.memory_space<hbm>>) target(%arg14 : memref<80xf32, #tpu.memory_space<vmem>>) target_semaphore(%arg27 : memref<!tpu.dma_semaphore, #tpu.memory_space<semaphore_mem>>)
    %dma_wait3A = tpu.memref_slice %arg3[%mul3A_4] : memref<320000xi32, #tpu.memory_space<hbm>> -> memref<80xi32, #tpu.memory_space<hbm>>
    %dma_wait3A_37 = tpu.memref_slice %arg3[%mul3A_4] : memref<320000xi32, #tpu.memory_space<hbm>> -> memref<80xi32, #tpu.memory_space<hbm>>
    tpu.wait_dma2 semaphore(%arg20 : memref<!tpu.dma_semaphore, #tpu.memory_space<semaphore_mem>>) src(%dma_wait3A_37 : memref<80xi32, #tpu.memory_space<hbm>>) dst(%arg7 : memref<80xi32, #tpu.memory_space<vmem>>)
    %dma_start3A_38 = arith.constant 0 : i32
    %dma_start3A_39 = arith.constant 0 : i32
    %dma_start3A_40 = tpu.memref_slice %arg2[%dma_start3A_38, %dma_start3A_39] : memref<10000x128xf32, #tpu.memory_space<hbm>> -> memref<10000x128xf32, #tpu.memory_space<hbm>>
    tpu.enqueue_indirect_dma source(%dma_start3A_40 : memref<10000x128xf32, #tpu.memory_space<hbm>>) target(%arg16 : memref<80x128xf32, #tpu.memory_space<vmem>>) offsets(%arg7 : memref<80xi32, #tpu.memory_space<vmem>>) semaphore(%arg29 : memref<!tpu.dma_semaphore, #tpu.memory_space<semaphore_mem>>)
    %dma_wait3A_41 = tpu.memref_slice %arg3[%mul3A_4] : memref<320000xi32, #tpu.memory_space<hbm>> -> memref<80xi32, #tpu.memory_space<hbm>>
    %dma_wait3A_42 = tpu.memref_slice %arg3[%mul3A_4] : memref<320000xi32, #tpu.memory_space<hbm>> -> memref<80xi32, #tpu.memory_space<hbm>>
    tpu.wait_dma2 semaphore(%arg21 : memref<!tpu.dma_semaphore, #tpu.memory_space<semaphore_mem>>) src(%dma_wait3A_42 : memref<80xi32, #tpu.memory_space<hbm>>) dst(%arg8 : memref<80xi32, #tpu.memory_space<vmem>>)
    %dma_start3A_43 = arith.constant 0 : i32
    %dma_start3A_44 = arith.constant 0 : i32
    %dma_start3A_45 = tpu.memref_slice %arg2[%dma_start3A_43, %dma_start3A_44] : memref<10000x128xf32, #tpu.memory_space<hbm>> -> memref<10000x128xf32, #tpu.memory_space<hbm>>
    tpu.enqueue_indirect_dma source(%dma_start3A_45 : memref<10000x128xf32, #tpu.memory_space<hbm>>) target(%arg17 : memref<80x128xf32, #tpu.memory_space<vmem>>) offsets(%arg8 : memref<80xi32, #tpu.memory_space<vmem>>) semaphore(%arg30 : memref<!tpu.dma_semaphore, #tpu.memory_space<semaphore_mem>>)
    %scan3A_46 = arith.constant 0 : i32
    %scan3A_47 = arith.constant 41 : i32
    %scan3A_48 = arith.addi %scan3A_46, %scan3A_47 : i32
    %scan3A_49 = arith.constant 1 : i32
    scf.for %scan3A_106 = %scan3A_46 to %scan3A_48 step %scan3A_49  : i32 {
      %mul3A_107 = arith.constant 1 : i32
      %mul3A_108 = arith.muli %scan3A_106, %mul3A_107 : i32
      %add3A_109 = arith.constant 0 : i32
      %add3A_110 = arith.addi %add3A_109, %mul3A_108 : i32
      %mul3A_111 = arith.constant 3 : i32
      %mul3A_112 = arith.muli %add3A_110, %mul3A_111 : i32
      %add3A_113 = arith.constant 0 : i32
      %add3A_114 = arith.addi %mul3A_112, %add3A_113 : i32
      %dma_wait3A_115 = arith.constant 0 : i32
      %dma_wait3A_116 = arith.constant 0 : i32
      %dma_wait3A_117 = tpu.memref_slice %arg2[%dma_wait3A_115, %dma_wait3A_116] : memref<10000x128xf32, #tpu.memory_space<hbm>> -> memref<10000x128xf32, #tpu.memory_space<hbm>>
      tpu.wait_indirect_dma semaphore(%arg29 : memref<!tpu.dma_semaphore, #tpu.memory_space<semaphore_mem>>) src(%dma_wait3A_117 : memref<10000x128xf32, #tpu.memory_space<hbm>>) dst(%arg16 : memref<80x128xf32, #tpu.memory_space<vmem>>)
      %dma_wait3A_118 = tpu.memref_slice %arg4[%mul3A_4] : memref<320000xi32, #tpu.memory_space<hbm>> -> memref<80xi32, #tpu.memory_space<hbm>>
      %dma_wait3A_119 = tpu.memref_slice %arg4[%mul3A_4] : memref<320000xi32, #tpu.memory_space<hbm>> -> memref<80xi32, #tpu.memory_space<hbm>>
      tpu.wait_dma2 semaphore(%arg23 : memref<!tpu.dma_semaphore, #tpu.memory_space<semaphore_mem>>) src(%dma_wait3A_119 : memref<80xi32, #tpu.memory_space<hbm>>) dst(%arg10 : memref<80xi32, #tpu.memory_space<vmem>>)
      %dma_wait3A_120 = tpu.memref_slice %arg5[%mul3A_4] : memref<320000xf32, #tpu.memory_space<hbm>> -> memref<80xf32, #tpu.memory_space<hbm>>
      %dma_wait3A_121 = tpu.memref_slice %arg5[%mul3A_4] : memref<320000xf32, #tpu.memory_space<hbm>> -> memref<80xf32, #tpu.memory_space<hbm>>
      tpu.wait_dma2 semaphore(%arg26 : memref<!tpu.dma_semaphore, #tpu.memory_space<semaphore_mem>>) src(%dma_wait3A_121 : memref<80xf32, #tpu.memory_space<hbm>>) dst(%arg13 : memref<80xf32, #tpu.memory_space<vmem>>)
      %scan3A_122 = arith.constant 0 : i32
      %scan3A_123 = arith.constant 80 : i32
      %scan3A_124 = arith.addi %scan3A_122, %scan3A_123 : i32
      %scan3A_125 = arith.constant 1 : i32
      scf.for %scan3A_203 = %scan3A_122 to %scan3A_124 step %scan3A_125  : i32 {
        %mul3A_204 = arith.constant 1 : i32
        %mul3A_205 = arith.muli %scan3A_203, %mul3A_204 : i32
        %add3A_206 = arith.constant 0 : i32
        %add3A_207 = arith.addi %add3A_206, %mul3A_205 : i32
        %broadcast_in_dim3A = vector.broadcast %add3A_207 : i32 to vector<16xi32>
        %gather3A = tpu.vector_load_idx %arg13[%broadcast_in_dim3A] : memref<80xf32, #tpu.memory_space<vmem>>[vector<16xi32>], vector<16xf32>,
        %get3A = arith.index_cast %add3A_207 : i32 to index
        %get3A_208 = arith.constant 0 : index
        %get3A_209 = tpu.vector_load %arg16[%get3A, %get3A_208] {strides = array<i32>} : memref<80x128xf32, #tpu.memory_space<vmem>>, vector<16xf32>,
        %mul3A_210 = arith.mulf %get3A_209, %gather3A : vector<16xf32>
        %swap3A = arith.index_cast %add3A_207 : i32 to index
        %swap3A_211 = arith.constant 0 : index
        %swap3A_212 = tpu.vector_load %arg16[%swap3A, %swap3A_211] {strides = array<i32>} : memref<80x128xf32, #tpu.memory_space<vmem>>, vector<16xf32>,
        tpu.vector_store %arg16[%swap3A, %swap3A_211], %mul3A_210 {strides = array<i32>} : memref<80x128xf32, #tpu.memory_space<vmem>>, vector<16xf32>,
        %get3A_213 = arith.index_cast %add3A_207 : i32 to index
        %get3A_214 = arith.constant 16 : index
        %get3A_215 = tpu.vector_load %arg16[%get3A_213, %get3A_214] {strides = array<i32>} : memref<80x128xf32, #tpu.memory_space<vmem>>, vector<16xf32>,
        %mul3A_216 = arith.mulf %get3A_215, %gather3A : vector<16xf32>
        %swap3A_217 = arith.index_cast %add3A_207 : i32 to index
        %swap3A_218 = arith.constant 16 : index
        %swap3A_219 = tpu.vector_load %arg16[%swap3A_217, %swap3A_218] {strides = array<i32>} : memref<80x128xf32, #tpu.memory_space<vmem>>, vector<16xf32>,
        tpu.vector_store %arg16[%swap3A_217, %swap3A_218], %mul3A_216 {strides = array<i32>} : memref<80x128xf32, #tpu.memory_space<vmem>>, vector<16xf32>,
        %get3A_220 = arith.index_cast %add3A_207 : i32 to index
        %get3A_221 = arith.constant 32 : index
        %get3A_222 = tpu.vector_load %arg16[%get3A_220, %get3A_221] {strides = array<i32>} : memref<80x128xf32, #tpu.memory_space<vmem>>, vector<16xf32>,
        %mul3A_223 = arith.mulf %get3A_222, %gather3A : vector<16xf32>
        %swap3A_224 = arith.index_cast %add3A_207 : i32 to index
        %swap3A_225 = arith.constant 32 : index
        %swap3A_226 = tpu.vector_load %arg16[%swap3A_224, %swap3A_225] {strides = array<i32>} : memref<80x128xf32, #tpu.memory_space<vmem>>, vector<16xf32>,
        tpu.vector_store %arg16[%swap3A_224, %swap3A_225], %mul3A_223 {strides = array<i32>} : memref<80x128xf32, #tpu.memory_space<vmem>>, vector<16xf32>,
        %get3A_227 = arith.index_cast %add3A_207 : i32 to index
        %get3A_228 = arith.constant 48 : index
        %get3A_229 = tpu.vector_load %arg16[%get3A_227, %get3A_228] {strides = array<i32>} : memref<80x128xf32, #tpu.memory_space<vmem>>, vector<16xf32>,
        %mul3A_230 = arith.mulf %get3A_229, %gather3A : vector<16xf32>
        %swap3A_231 = arith.index_cast %add3A_207 : i32 to index
        %swap3A_232 = arith.constant 48 : index
        %swap3A_233 = tpu.vector_load %arg16[%swap3A_231, %swap3A_232] {strides = array<i32>} : memref<80x128xf32, #tpu.memory_space<vmem>>, vector<16xf32>,
        tpu.vector_store %arg16[%swap3A_231, %swap3A_232], %mul3A_230 {strides = array<i32>} : memref<80x128xf32, #tpu.memory_space<vmem>>, vector<16xf32>,
        %get3A_234 = arith.index_cast %add3A_207 : i32 to index
        %get3A_235 = arith.constant 64 : index
        %get3A_236 = tpu.vector_load %arg16[%get3A_234, %get3A_235] {strides = array<i32>} : memref<80x128xf32, #tpu.memory_space<vmem>>, vector<16xf32>,
        %mul3A_237 = arith.mulf %get3A_236, %gather3A : vector<16xf32>
        %swap3A_238 = arith.index_cast %add3A_207 : i32 to index
        %swap3A_239 = arith.constant 64 : index
        %swap3A_240 = tpu.vector_load %arg16[%swap3A_238, %swap3A_239] {strides = array<i32>} : memref<80x128xf32, #tpu.memory_space<vmem>>, vector<16xf32>,
        tpu.vector_store %arg16[%swap3A_238, %swap3A_239], %mul3A_237 {strides = array<i32>} : memref<80x128xf32, #tpu.memory_space<vmem>>, vector<16xf32>,
        %get3A_241 = arith.index_cast %add3A_207 : i32 to index
        %get3A_242 = arith.constant 80 : index
        %get3A_243 = tpu.vector_load %arg16[%get3A_241, %get3A_242] {strides = array<i32>} : memref<80x128xf32, #tpu.memory_space<vmem>>, vector<16xf32>,
        %mul3A_244 = arith.mulf %get3A_243, %gather3A : vector<16xf32>
        %swap3A_245 = arith.index_cast %add3A_207 : i32 to index
        %swap3A_246 = arith.constant 80 : index
        %swap3A_247 = tpu.vector_load %arg16[%swap3A_245, %swap3A_246] {strides = array<i32>} : memref<80x128xf32, #tpu.memory_space<vmem>>, vector<16xf32>,
        tpu.vector_store %arg16[%swap3A_245, %swap3A_246], %mul3A_244 {strides = array<i32>} : memref<80x128xf32, #tpu.memory_space<vmem>>, vector<16xf32>,
        %get3A_248 = arith.index_cast %add3A_207 : i32 to index
        %get3A_249 = arith.constant 96 : index
        %get3A_250 = tpu.vector_load %arg16[%get3A_248, %get3A_249] {strides = array<i32>} : memref<80x128xf32, #tpu.memory_space<vmem>>, vector<16xf32>,
        %mul3A_251 = arith.mulf %get3A_250, %gather3A : vector<16xf32>
        %swap3A_252 = arith.index_cast %add3A_207 : i32 to index
        %swap3A_253 = arith.constant 96 : index
        %swap3A_254 = tpu.vector_load %arg16[%swap3A_252, %swap3A_253] {strides = array<i32>} : memref<80x128xf32, #tpu.memory_space<vmem>>, vector<16xf32>,
        tpu.vector_store %arg16[%swap3A_252, %swap3A_253], %mul3A_251 {strides = array<i32>} : memref<80x128xf32, #tpu.memory_space<vmem>>, vector<16xf32>,
        %get3A_255 = arith.index_cast %add3A_207 : i32 to index
        %get3A_256 = arith.constant 112 : index
        %get3A_257 = tpu.vector_load %arg16[%get3A_255, %get3A_256] {strides = array<i32>} : memref<80x128xf32, #tpu.memory_space<vmem>>, vector<16xf32>,
        %mul3A_258 = arith.mulf %get3A_257, %gather3A : vector<16xf32>
        %swap3A_259 = arith.index_cast %add3A_207 : i32 to index
        %swap3A_260 = arith.constant 112 : index
        %swap3A_261 = tpu.vector_load %arg16[%swap3A_259, %swap3A_260] {strides = array<i32>} : memref<80x128xf32, #tpu.memory_space<vmem>>, vector<16xf32>,
        tpu.vector_store %arg16[%swap3A_259, %swap3A_260], %mul3A_258 {strides = array<i32>} : memref<80x128xf32, #tpu.memory_space<vmem>>, vector<16xf32>,
      }
      %scan3A_126 = arith.constant 80 : i32
      %ge3A = arith.constant 1 : i32
      %ge3A_127 = arith.cmpi sge, %add3A_114, %ge3A : i32
      %convert_element_type3A = arith.extui %ge3A_127 : i1 to i32
      %cond3A = arith.constant 0 : i32
      %cond3A_128 = arith.cmpi ne, %convert_element_type3A, %cond3A : i32
      scf.if %cond3A_128 {
        %dma_wait3A_203 = arith.constant 0 : i32
        %dma_wait3A_204 = arith.constant 0 : i32
        %dma_wait3A_205 = tpu.memref_slice %arg18[%dma_wait3A_203, %dma_wait3A_204] : memref<80x128xf32, #tpu.memory_space<vmem>> -> memref<80x128xf32, #tpu.memory_space<vmem>>
        %dma_wait3A_206 = arith.constant 0 : i32
        %dma_wait3A_207 = arith.constant 0 : i32
        %dma_wait3A_208 = tpu.memref_slice %arg19[%dma_wait3A_206, %dma_wait3A_207] : memref<10000x128xf32, #tpu.memory_space<vmem_shared>> -> memref<10000x128xf32, #tpu.memory_space<vmem_shared>>
        tpu.wait_indirect_dma semaphore(%arg34 : memref<!tpu.dma_semaphore, #tpu.memory_space<semaphore_mem>>) src(%dma_wait3A_205 : memref<80x128xf32, #tpu.memory_space<vmem>>) dst(%dma_wait3A_208 : memref<10000x128xf32, #tpu.memory_space<vmem_shared>>)
      } else {
      }
      %lt3A = arith.constant 123 : i32
      %lt3A_129 = arith.cmpi slt, %add3A_114, %lt3A : i32
      %convert_element_type3A_130 = arith.extui %lt3A_129 : i1 to i32
      %cond3A_131 = arith.constant 0 : i32
      %cond3A_132 = arith.cmpi ne, %convert_element_type3A_130, %cond3A_131 : i32
      scf.if %cond3A_132 {
        %add3A_203 = arith.constant 2 : i32
        %add3A_204 = arith.addi %add3A_114, %add3A_203 : i32
        %mul3A_205 = arith.constant 80 : i32
        %mul3A_206 = arith.muli %add3A_204, %mul3A_205 : i32
        %add3A_207 = arith.addi %mul3A_4, %mul3A_206 : i32
        %dma_start3A_208 = tpu.memref_slice %arg3[%add3A_207] : memref<320000xi32, #tpu.memory_space<hbm>> -> memref<80xi32, #tpu.memory_space<hbm>>
        %dma_start3A_209 = tpu.memref_slice %arg3[%add3A_207] : memref<320000xi32, #tpu.memory_space<hbm>> -> memref<80xi32, #tpu.memory_space<hbm>>
        tpu.enqueue_dma source(%dma_start3A_209 : memref<80xi32, #tpu.memory_space<hbm>>) target(%arg9 : memref<80xi32, #tpu.memory_space<vmem>>) target_semaphore(%arg22 : memref<!tpu.dma_semaphore, #tpu.memory_space<semaphore_mem>>)
        %mul3A_210 = arith.constant 80 : i32
        %mul3A_211 = arith.muli %add3A_204, %mul3A_210 : i32
        %add3A_212 = arith.addi %mul3A_4, %mul3A_211 : i32
        %dma_start3A_213 = tpu.memref_slice %arg4[%add3A_212] : memref<320000xi32, #tpu.memory_space<hbm>> -> memref<80xi32, #tpu.memory_space<hbm>>
        %dma_start3A_214 = tpu.memref_slice %arg4[%add3A_212] : memref<320000xi32, #tpu.memory_space<hbm>> -> memref<80xi32, #tpu.memory_space<hbm>>
        tpu.enqueue_dma source(%dma_start3A_214 : memref<80xi32, #tpu.memory_space<hbm>>) target(%arg12 : memref<80xi32, #tpu.memory_space<vmem>>) target_semaphore(%arg25 : memref<!tpu.dma_semaphore, #tpu.memory_space<semaphore_mem>>)
        %mul3A_215 = arith.constant 80 : i32
        %mul3A_216 = arith.muli %add3A_204, %mul3A_215 : i32
        %add3A_217 = arith.addi %mul3A_4, %mul3A_216 : i32
        %dma_start3A_218 = tpu.memref_slice %arg5[%add3A_217] : memref<320000xf32, #tpu.memory_space<hbm>> -> memref<80xf32, #tpu.memory_space<hbm>>
        %dma_start3A_219 = tpu.memref_slice %arg5[%add3A_217] : memref<320000xf32, #tpu.memory_space<hbm>> -> memref<80xf32, #tpu.memory_space<hbm>>
        tpu.enqueue_dma source(%dma_start3A_219 : memref<80xf32, #tpu.memory_space<hbm>>) target(%arg15 : memref<80xf32, #tpu.memory_space<vmem>>) target_semaphore(%arg28 : memref<!tpu.dma_semaphore, #tpu.memory_space<semaphore_mem>>)
        %dma_wait3A_220 = tpu.memref_slice %arg3[%mul3A_4] : memref<320000xi32, #tpu.memory_space<hbm>> -> memref<80xi32, #tpu.memory_space<hbm>>
        %dma_wait3A_221 = tpu.memref_slice %arg3[%mul3A_4] : memref<320000xi32, #tpu.memory_space<hbm>> -> memref<80xi32, #tpu.memory_space<hbm>>
        tpu.wait_dma2 semaphore(%arg22 : memref<!tpu.dma_semaphore, #tpu.memory_space<semaphore_mem>>) src(%dma_wait3A_221 : memref<80xi32, #tpu.memory_space<hbm>>) dst(%arg9 : memref<80xi32, #tpu.memory_space<vmem>>)
        %dma_start3A_222 = arith.constant 0 : i32
        %dma_start3A_223 = arith.constant 0 : i32
        %dma_start3A_224 = tpu.memref_slice %arg2[%dma_start3A_222, %dma_start3A_223] : memref<10000x128xf32, #tpu.memory_space<hbm>> -> memref<10000x128xf32, #tpu.memory_space<hbm>>
        tpu.enqueue_indirect_dma source(%dma_start3A_224 : memref<10000x128xf32, #tpu.memory_space<hbm>>) target(%arg18 : memref<80x128xf32, #tpu.memory_space<vmem>>) offsets(%arg9 : memref<80xi32, #tpu.memory_space<vmem>>) semaphore(%arg31 : memref<!tpu.dma_semaphore, #tpu.memory_space<semaphore_mem>>)
      } else {
      }
      %dma_start3A_133 = arith.constant 0 : i32
      %dma_start3A_134 = arith.constant 0 : i32
      %dma_start3A_135 = tpu.memref_slice %arg16[%dma_start3A_133, %dma_start3A_134] : memref<80x128xf32, #tpu.memory_space<vmem>> -> memref<80x128xf32, #tpu.memory_space<vmem>>
      %dma_start3A_136 = arith.constant 0 : i32
      %dma_start3A_137 = arith.constant 0 : i32
      %dma_start3A_138 = tpu.memref_slice %arg19[%dma_start3A_136, %dma_start3A_137] : memref<10000x128xf32, #tpu.memory_space<vmem_shared>> -> memref<10000x128xf32, #tpu.memory_space<vmem_shared>>
      tpu.enqueue_indirect_dma source(%dma_start3A_135 : memref<80x128xf32, #tpu.memory_space<vmem>>) target(%dma_start3A_138 : memref<10000x128xf32, #tpu.memory_space<vmem_shared>>) offsets(%arg10 : memref<80xi32, #tpu.memory_space<vmem>>) semaphore(%arg32 : memref<!tpu.dma_semaphore, #tpu.memory_space<semaphore_mem>>) {add = true}
      %mul3A_139 = arith.constant 3 : i32
      %mul3A_140 = arith.muli %add3A_110, %mul3A_139 : i32
      %add3A_141 = arith.constant 1 : i32
      %add3A_142 = arith.addi %mul3A_140, %add3A_141 : i32
      %dma_wait3A_143 = arith.constant 0 : i32
      %dma_wait3A_144 = arith.constant 0 : i32
      %dma_wait3A_145 = tpu.memref_slice %arg2[%dma_wait3A_143, %dma_wait3A_144] : memref<10000x128xf32, #tpu.memory_space<hbm>> -> memref<10000x128xf32, #tpu.memory_space<hbm>>
      tpu.wait_indirect_dma semaphore(%arg30 : memref<!tpu.dma_semaphore, #tpu.memory_space<semaphore_mem>>) src(%dma_wait3A_145 : memref<10000x128xf32, #tpu.memory_space<hbm>>) dst(%arg17 : memref<80x128xf32, #tpu.memory_space<vmem>>)
      %dma_wait3A_146 = tpu.memref_slice %arg4[%mul3A_4] : memref<320000xi32, #tpu.memory_space<hbm>> -> memref<80xi32, #tpu.memory_space<hbm>>
      %dma_wait3A_147 = tpu.memref_slice %arg4[%mul3A_4] : memref<320000xi32, #tpu.memory_space<hbm>> -> memref<80xi32, #tpu.memory_space<hbm>>
      tpu.wait_dma2 semaphore(%arg24 : memref<!tpu.dma_semaphore, #tpu.memory_space<semaphore_mem>>) src(%dma_wait3A_147 : memref<80xi32, #tpu.memory_space<hbm>>) dst(%arg11 : memref<80xi32, #tpu.memory_space<vmem>>)
      %dma_wait3A_148 = tpu.memref_slice %arg5[%mul3A_4] : memref<320000xf32, #tpu.memory_space<hbm>> -> memref<80xf32, #tpu.memory_space<hbm>>
      %dma_wait3A_149 = tpu.memref_slice %arg5[%mul3A_4] : memref<320000xf32, #tpu.memory_space<hbm>> -> memref<80xf32, #tpu.memory_space<hbm>>
      tpu.wait_dma2 semaphore(%arg27 : memref<!tpu.dma_semaphore, #tpu.memory_space<semaphore_mem>>) src(%dma_wait3A_149 : memref<80xf32, #tpu.memory_space<hbm>>) dst(%arg14 : memref<80xf32, #tpu.memory_space<vmem>>)
      %scan3A_150 = arith.constant 0 : i32
      %scan3A_151 = arith.constant 80 : i32
      %scan3A_152 = arith.addi %scan3A_150, %scan3A_151 : i32
      %scan3A_153 = arith.constant 1 : i32
      scf.for %scan3A_203 = %scan3A_150 to %scan3A_152 step %scan3A_153  : i32 {
        %mul3A_204 = arith.constant 1 : i32
        %mul3A_205 = arith.muli %scan3A_203, %mul3A_204 : i32
        %add3A_206 = arith.constant 0 : i32
        %add3A_207 = arith.addi %add3A_206, %mul3A_205 : i32
        %broadcast_in_dim3A = vector.broadcast %add3A_207 : i32 to vector<16xi32>
        %gather3A = tpu.vector_load_idx %arg14[%broadcast_in_dim3A] : memref<80xf32, #tpu.memory_space<vmem>>[vector<16xi32>], vector<16xf32>,
        %get3A = arith.index_cast %add3A_207 : i32 to index
        %get3A_208 = arith.constant 0 : index
        %get3A_209 = tpu.vector_load %arg17[%get3A, %get3A_208] {strides = array<i32>} : memref<80x128xf32, #tpu.memory_space<vmem>>, vector<16xf32>,
        %mul3A_210 = arith.mulf %get3A_209, %gather3A : vector<16xf32>
        %swap3A = arith.index_cast %add3A_207 : i32 to index
        %swap3A_211 = arith.constant 0 : index
        %swap3A_212 = tpu.vector_load %arg17[%swap3A, %swap3A_211] {strides = array<i32>} : memref<80x128xf32, #tpu.memory_space<vmem>>, vector<16xf32>,
        tpu.vector_store %arg17[%swap3A, %swap3A_211], %mul3A_210 {strides = array<i32>} : memref<80x128xf32, #tpu.memory_space<vmem>>, vector<16xf32>,
        %get3A_213 = arith.index_cast %add3A_207 : i32 to index
        %get3A_214 = arith.constant 16 : index
        %get3A_215 = tpu.vector_load %arg17[%get3A_213, %get3A_214] {strides = array<i32>} : memref<80x128xf32, #tpu.memory_space<vmem>>, vector<16xf32>,
        %mul3A_216 = arith.mulf %get3A_215, %gather3A : vector<16xf32>
        %swap3A_217 = arith.index_cast %add3A_207 : i32 to index
        %swap3A_218 = arith.constant 16 : index
        %swap3A_219 = tpu.vector_load %arg17[%swap3A_217, %swap3A_218] {strides = array<i32>} : memref<80x128xf32, #tpu.memory_space<vmem>>, vector<16xf32>,
        tpu.vector_store %arg17[%swap3A_217, %swap3A_218], %mul3A_216 {strides = array<i32>} : memref<80x128xf32, #tpu.memory_space<vmem>>, vector<16xf32>,
        %get3A_220 = arith.index_cast %add3A_207 : i32 to index
        %get3A_221 = arith.constant 32 : index
        %get3A_222 = tpu.vector_load %arg17[%get3A_220, %get3A_221] {strides = array<i32>} : memref<80x128xf32, #tpu.memory_space<vmem>>, vector<16xf32>,
        %mul3A_223 = arith.mulf %get3A_222, %gather3A : vector<16xf32>
        %swap3A_224 = arith.index_cast %add3A_207 : i32 to index
        %swap3A_225 = arith.constant 32 : index
        %swap3A_226 = tpu.vector_load %arg17[%swap3A_224, %swap3A_225] {strides = array<i32>} : memref<80x128xf32, #tpu.memory_space<vmem>>, vector<16xf32>,
        tpu.vector_store %arg17[%swap3A_224, %swap3A_225], %mul3A_223 {strides = array<i32>} : memref<80x128xf32, #tpu.memory_space<vmem>>, vector<16xf32>,
        %get3A_227 = arith.index_cast %add3A_207 : i32 to index
        %get3A_228 = arith.constant 48 : index
        %get3A_229 = tpu.vector_load %arg17[%get3A_227, %get3A_228] {strides = array<i32>} : memref<80x128xf32, #tpu.memory_space<vmem>>, vector<16xf32>,
        %mul3A_230 = arith.mulf %get3A_229, %gather3A : vector<16xf32>
        %swap3A_231 = arith.index_cast %add3A_207 : i32 to index
        %swap3A_232 = arith.constant 48 : index
        %swap3A_233 = tpu.vector_load %arg17[%swap3A_231, %swap3A_232] {strides = array<i32>} : memref<80x128xf32, #tpu.memory_space<vmem>>, vector<16xf32>,
        tpu.vector_store %arg17[%swap3A_231, %swap3A_232], %mul3A_230 {strides = array<i32>} : memref<80x128xf32, #tpu.memory_space<vmem>>, vector<16xf32>,
        %get3A_234 = arith.index_cast %add3A_207 : i32 to index
        %get3A_235 = arith.constant 64 : index
        %get3A_236 = tpu.vector_load %arg17[%get3A_234, %get3A_235] {strides = array<i32>} : memref<80x128xf32, #tpu.memory_space<vmem>>, vector<16xf32>,
        %mul3A_237 = arith.mulf %get3A_236, %gather3A : vector<16xf32>
        %swap3A_238 = arith.index_cast %add3A_207 : i32 to index
        %swap3A_239 = arith.constant 64 : index
        %swap3A_240 = tpu.vector_load %arg17[%swap3A_238, %swap3A_239] {strides = array<i32>} : memref<80x128xf32, #tpu.memory_space<vmem>>, vector<16xf32>,
        tpu.vector_store %arg17[%swap3A_238, %swap3A_239], %mul3A_237 {strides = array<i32>} : memref<80x128xf32, #tpu.memory_space<vmem>>, vector<16xf32>,
        %get3A_241 = arith.index_cast %add3A_207 : i32 to index
        %get3A_242 = arith.constant 80 : index
        %get3A_243 = tpu.vector_load %arg17[%get3A_241, %get3A_242] {strides = array<i32>} : memref<80x128xf32, #tpu.memory_space<vmem>>, vector<16xf32>,
        %mul3A_244 = arith.mulf %get3A_243, %gather3A : vector<16xf32>
        %swap3A_245 = arith.index_cast %add3A_207 : i32 to index
        %swap3A_246 = arith.constant 80 : index
        %swap3A_247 = tpu.vector_load %arg17[%swap3A_245, %swap3A_246] {strides = array<i32>} : memref<80x128xf32, #tpu.memory_space<vmem>>, vector<16xf32>,
        tpu.vector_store %arg17[%swap3A_245, %swap3A_246], %mul3A_244 {strides = array<i32>} : memref<80x128xf32, #tpu.memory_space<vmem>>, vector<16xf32>,
        %get3A_248 = arith.index_cast %add3A_207 : i32 to index
        %get3A_249 = arith.constant 96 : index
        %get3A_250 = tpu.vector_load %arg17[%get3A_248, %get3A_249] {strides = array<i32>} : memref<80x128xf32, #tpu.memory_space<vmem>>, vector<16xf32>,
        %mul3A_251 = arith.mulf %get3A_250, %gather3A : vector<16xf32>
        %swap3A_252 = arith.index_cast %add3A_207 : i32 to index
        %swap3A_253 = arith.constant 96 : index
        %swap3A_254 = tpu.vector_load %arg17[%swap3A_252, %swap3A_253] {strides = array<i32>} : memref<80x128xf32, #tpu.memory_space<vmem>>, vector<16xf32>,
        tpu.vector_store %arg17[%swap3A_252, %swap3A_253], %mul3A_251 {strides = array<i32>} : memref<80x128xf32, #tpu.memory_space<vmem>>, vector<16xf32>,
        %get3A_255 = arith.index_cast %add3A_207 : i32 to index
        %get3A_256 = arith.constant 112 : index
        %get3A_257 = tpu.vector_load %arg17[%get3A_255, %get3A_256] {strides = array<i32>} : memref<80x128xf32, #tpu.memory_space<vmem>>, vector<16xf32>,
        %mul3A_258 = arith.mulf %get3A_257, %gather3A : vector<16xf32>
        %swap3A_259 = arith.index_cast %add3A_207 : i32 to index
        %swap3A_260 = arith.constant 112 : index
        %swap3A_261 = tpu.vector_load %arg17[%swap3A_259, %swap3A_260] {strides = array<i32>} : memref<80x128xf32, #tpu.memory_space<vmem>>, vector<16xf32>,
        tpu.vector_store %arg17[%swap3A_259, %swap3A_260], %mul3A_258 {strides = array<i32>} : memref<80x128xf32, #tpu.memory_space<vmem>>, vector<16xf32>,
      }
      %scan3A_154 = arith.constant 80 : i32
      %ge3A_155 = arith.constant 1 : i32
      %ge3A_156 = arith.cmpi sge, %add3A_142, %ge3A_155 : i32
      %convert_element_type3A_157 = arith.extui %ge3A_156 : i1 to i32
      %cond3A_158 = arith.constant 0 : i32
      %cond3A_159 = arith.cmpi ne, %convert_element_type3A_157, %cond3A_158 : i32
      scf.if %cond3A_159 {
        %dma_wait3A_203 = arith.constant 0 : i32
        %dma_wait3A_204 = arith.constant 0 : i32
        %dma_wait3A_205 = tpu.memref_slice %arg16[%dma_wait3A_203, %dma_wait3A_204] : memref<80x128xf32, #tpu.memory_space<vmem>> -> memref<80x128xf32, #tpu.memory_space<vmem>>
        %dma_wait3A_206 = arith.constant 0 : i32
        %dma_wait3A_207 = arith.constant 0 : i32
        %dma_wait3A_208 = tpu.memref_slice %arg19[%dma_wait3A_206, %dma_wait3A_207] : memref<10000x128xf32, #tpu.memory_space<vmem_shared>> -> memref<10000x128xf32, #tpu.memory_space<vmem_shared>>
        tpu.wait_indirect_dma semaphore(%arg32 : memref<!tpu.dma_semaphore, #tpu.memory_space<semaphore_mem>>) src(%dma_wait3A_205 : memref<80x128xf32, #tpu.memory_space<vmem>>) dst(%dma_wait3A_208 : memref<10000x128xf32, #tpu.memory_space<vmem_shared>>)
      } else {
      }
      %lt3A_160 = arith.constant 123 : i32
      %lt3A_161 = arith.cmpi slt, %add3A_142, %lt3A_160 : i32
      %convert_element_type3A_162 = arith.extui %lt3A_161 : i1 to i32
      %cond3A_163 = arith.constant 0 : i32
      %cond3A_164 = arith.cmpi ne, %convert_element_type3A_162, %cond3A_163 : i32
      scf.if %cond3A_164 {
        %add3A_203 = arith.constant 2 : i32
        %add3A_204 = arith.addi %add3A_142, %add3A_203 : i32
        %mul3A_205 = arith.constant 80 : i32
        %mul3A_206 = arith.muli %add3A_204, %mul3A_205 : i32
        %add3A_207 = arith.addi %mul3A_4, %mul3A_206 : i32
        %dma_start3A_208 = tpu.memref_slice %arg3[%add3A_207] : memref<320000xi32, #tpu.memory_space<hbm>> -> memref<80xi32, #tpu.memory_space<hbm>>
        %dma_start3A_209 = tpu.memref_slice %arg3[%add3A_207] : memref<320000xi32, #tpu.memory_space<hbm>> -> memref<80xi32, #tpu.memory_space<hbm>>
        tpu.enqueue_dma source(%dma_start3A_209 : memref<80xi32, #tpu.memory_space<hbm>>) target(%arg7 : memref<80xi32, #tpu.memory_space<vmem>>) target_semaphore(%arg20 : memref<!tpu.dma_semaphore, #tpu.memory_space<semaphore_mem>>)
        %mul3A_210 = arith.constant 80 : i32
        %mul3A_211 = arith.muli %add3A_204, %mul3A_210 : i32
        %add3A_212 = arith.addi %mul3A_4, %mul3A_211 : i32
        %dma_start3A_213 = tpu.memref_slice %arg4[%add3A_212] : memref<320000xi32, #tpu.memory_space<hbm>> -> memref<80xi32, #tpu.memory_space<hbm>>
        %dma_start3A_214 = tpu.memref_slice %arg4[%add3A_212] : memref<320000xi32, #tpu.memory_space<hbm>> -> memref<80xi32, #tpu.memory_space<hbm>>
        tpu.enqueue_dma source(%dma_start3A_214 : memref<80xi32, #tpu.memory_space<hbm>>) target(%arg10 : memref<80xi32, #tpu.memory_space<vmem>>) target_semaphore(%arg23 : memref<!tpu.dma_semaphore, #tpu.memory_space<semaphore_mem>>)
        %mul3A_215 = arith.constant 80 : i32
        %mul3A_216 = arith.muli %add3A_204, %mul3A_215 : i32
        %add3A_217 = arith.addi %mul3A_4, %mul3A_216 : i32
        %dma_start3A_218 = tpu.memref_slice %arg5[%add3A_217] : memref<320000xf32, #tpu.memory_space<hbm>> -> memref<80xf32, #tpu.memory_space<hbm>>
        %dma_start3A_219 = tpu.memref_slice %arg5[%add3A_217] : memref<320000xf32, #tpu.memory_space<hbm>> -> memref<80xf32, #tpu.memory_space<hbm>>
        tpu.enqueue_dma source(%dma_start3A_219 : memref<80xf32, #tpu.memory_space<hbm>>) target(%arg13 : memref<80xf32, #tpu.memory_space<vmem>>) target_semaphore(%arg26 : memref<!tpu.dma_semaphore, #tpu.memory_space<semaphore_mem>>)
        %dma_wait3A_220 = tpu.memref_slice %arg3[%mul3A_4] : memref<320000xi32, #tpu.memory_space<hbm>> -> memref<80xi32, #tpu.memory_space<hbm>>
        %dma_wait3A_221 = tpu.memref_slice %arg3[%mul3A_4] : memref<320000xi32, #tpu.memory_space<hbm>> -> memref<80xi32, #tpu.memory_space<hbm>>
        tpu.wait_dma2 semaphore(%arg20 : memref<!tpu.dma_semaphore, #tpu.memory_space<semaphore_mem>>) src(%dma_wait3A_221 : memref<80xi32, #tpu.memory_space<hbm>>) dst(%arg7 : memref<80xi32, #tpu.memory_space<vmem>>)
        %dma_start3A_222 = arith.constant 0 : i32
        %dma_start3A_223 = arith.constant 0 : i32
        %dma_start3A_224 = tpu.memref_slice %arg2[%dma_start3A_222, %dma_start3A_223] : memref<10000x128xf32, #tpu.memory_space<hbm>> -> memref<10000x128xf32, #tpu.memory_space<hbm>>
        tpu.enqueue_indirect_dma source(%dma_start3A_224 : memref<10000x128xf32, #tpu.memory_space<hbm>>) target(%arg16 : memref<80x128xf32, #tpu.memory_space<vmem>>) offsets(%arg7 : memref<80xi32, #tpu.memory_space<vmem>>) semaphore(%arg29 : memref<!tpu.dma_semaphore, #tpu.memory_space<semaphore_mem>>)
      } else {
      }
      %dma_start3A_165 = arith.constant 0 : i32
      %dma_start3A_166 = arith.constant 0 : i32
      %dma_start3A_167 = tpu.memref_slice %arg17[%dma_start3A_165, %dma_start3A_166] : memref<80x128xf32, #tpu.memory_space<vmem>> -> memref<80x128xf32, #tpu.memory_space<vmem>>
      %dma_start3A_168 = arith.constant 0 : i32
      %dma_start3A_169 = arith.constant 0 : i32
      %dma_start3A_170 = tpu.memref_slice %arg19[%dma_start3A_168, %dma_start3A_169] : memref<10000x128xf32, #tpu.memory_space<vmem_shared>> -> memref<10000x128xf32, #tpu.memory_space<vmem_shared>>
      tpu.enqueue_indirect_dma source(%dma_start3A_167 : memref<80x128xf32, #tpu.memory_space<vmem>>) target(%dma_start3A_170 : memref<10000x128xf32, #tpu.memory_space<vmem_shared>>) offsets(%arg11 : memref<80xi32, #tpu.memory_space<vmem>>) semaphore(%arg33 : memref<!tpu.dma_semaphore, #tpu.memory_space<semaphore_mem>>) {add = true}
      %mul3A_171 = arith.constant 3 : i32
      %mul3A_172 = arith.muli %add3A_110, %mul3A_171 : i32
      %add3A_173 = arith.constant 2 : i32
      %add3A_174 = arith.addi %mul3A_172, %add3A_173 : i32
      %dma_wait3A_175 = arith.constant 0 : i32
      %dma_wait3A_176 = arith.constant 0 : i32
      %dma_wait3A_177 = tpu.memref_slice %arg2[%dma_wait3A_175, %dma_wait3A_176] : memref<10000x128xf32, #tpu.memory_space<hbm>> -> memref<10000x128xf32, #tpu.memory_space<hbm>>
      tpu.wait_indirect_dma semaphore(%arg31 : memref<!tpu.dma_semaphore, #tpu.memory_space<semaphore_mem>>) src(%dma_wait3A_177 : memref<10000x128xf32, #tpu.memory_space<hbm>>) dst(%arg18 : memref<80x128xf32, #tpu.memory_space<vmem>>)
      %dma_wait3A_178 = tpu.memref_slice %arg4[%mul3A_4] : memref<320000xi32, #tpu.memory_space<hbm>> -> memref<80xi32, #tpu.memory_space<hbm>>
      %dma_wait3A_179 = tpu.memref_slice %arg4[%mul3A_4] : memref<320000xi32, #tpu.memory_space<hbm>> -> memref<80xi32, #tpu.memory_space<hbm>>
      tpu.wait_dma2 semaphore(%arg25 : memref<!tpu.dma_semaphore, #tpu.memory_space<semaphore_mem>>) src(%dma_wait3A_179 : memref<80xi32, #tpu.memory_space<hbm>>) dst(%arg12 : memref<80xi32, #tpu.memory_space<vmem>>)
      %dma_wait3A_180 = tpu.memref_slice %arg5[%mul3A_4] : memref<320000xf32, #tpu.memory_space<hbm>> -> memref<80xf32, #tpu.memory_space<hbm>>
      %dma_wait3A_181 = tpu.memref_slice %arg5[%mul3A_4] : memref<320000xf32, #tpu.memory_space<hbm>> -> memref<80xf32, #tpu.memory_space<hbm>>
      tpu.wait_dma2 semaphore(%arg28 : memref<!tpu.dma_semaphore, #tpu.memory_space<semaphore_mem>>) src(%dma_wait3A_181 : memref<80xf32, #tpu.memory_space<hbm>>) dst(%arg15 : memref<80xf32, #tpu.memory_space<vmem>>)
      %scan3A_182 = arith.constant 0 : i32
      %scan3A_183 = arith.constant 80 : i32
      %scan3A_184 = arith.addi %scan3A_182, %scan3A_183 : i32
      %scan3A_185 = arith.constant 1 : i32
      scf.for %scan3A_203 = %scan3A_182 to %scan3A_184 step %scan3A_185  : i32 {
        %mul3A_204 = arith.constant 1 : i32
        %mul3A_205 = arith.muli %scan3A_203, %mul3A_204 : i32
        %add3A_206 = arith.constant 0 : i32
        %add3A_207 = arith.addi %add3A_206, %mul3A_205 : i32
        %broadcast_in_dim3A = vector.broadcast %add3A_207 : i32 to vector<16xi32>
        %gather3A = tpu.vector_load_idx %arg15[%broadcast_in_dim3A] : memref<80xf32, #tpu.memory_space<vmem>>[vector<16xi32>], vector<16xf32>,
        %get3A = arith.index_cast %add3A_207 : i32 to index
        %get3A_208 = arith.constant 0 : index
        %get3A_209 = tpu.vector_load %arg18[%get3A, %get3A_208] {strides = array<i32>} : memref<80x128xf32, #tpu.memory_space<vmem>>, vector<16xf32>,
        %mul3A_210 = arith.mulf %get3A_209, %gather3A : vector<16xf32>
        %swap3A = arith.index_cast %add3A_207 : i32 to index
        %swap3A_211 = arith.constant 0 : index
        %swap3A_212 = tpu.vector_load %arg18[%swap3A, %swap3A_211] {strides = array<i32>} : memref<80x128xf32, #tpu.memory_space<vmem>>, vector<16xf32>,
        tpu.vector_store %arg18[%swap3A, %swap3A_211], %mul3A_210 {strides = array<i32>} : memref<80x128xf32, #tpu.memory_space<vmem>>, vector<16xf32>,
        %get3A_213 = arith.index_cast %add3A_207 : i32 to index
        %get3A_214 = arith.constant 16 : index
        %get3A_215 = tpu.vector_load %arg18[%get3A_213, %get3A_214] {strides = array<i32>} : memref<80x128xf32, #tpu.memory_space<vmem>>, vector<16xf32>,
        %mul3A_216 = arith.mulf %get3A_215, %gather3A : vector<16xf32>
        %swap3A_217 = arith.index_cast %add3A_207 : i32 to index
        %swap3A_218 = arith.constant 16 : index
        %swap3A_219 = tpu.vector_load %arg18[%swap3A_217, %swap3A_218] {strides = array<i32>} : memref<80x128xf32, #tpu.memory_space<vmem>>, vector<16xf32>,
        tpu.vector_store %arg18[%swap3A_217, %swap3A_218], %mul3A_216 {strides = array<i32>} : memref<80x128xf32, #tpu.memory_space<vmem>>, vector<16xf32>,
        %get3A_220 = arith.index_cast %add3A_207 : i32 to index
        %get3A_221 = arith.constant 32 : index
        %get3A_222 = tpu.vector_load %arg18[%get3A_220, %get3A_221] {strides = array<i32>} : memref<80x128xf32, #tpu.memory_space<vmem>>, vector<16xf32>,
        %mul3A_223 = arith.mulf %get3A_222, %gather3A : vector<16xf32>
        %swap3A_224 = arith.index_cast %add3A_207 : i32 to index
        %swap3A_225 = arith.constant 32 : index
        %swap3A_226 = tpu.vector_load %arg18[%swap3A_224, %swap3A_225] {strides = array<i32>} : memref<80x128xf32, #tpu.memory_space<vmem>>, vector<16xf32>,
        tpu.vector_store %arg18[%swap3A_224, %swap3A_225], %mul3A_223 {strides = array<i32>} : memref<80x128xf32, #tpu.memory_space<vmem>>, vector<16xf32>,
        %get3A_227 = arith.index_cast %add3A_207 : i32 to index
        %get3A_228 = arith.constant 48 : index
        %get3A_229 = tpu.vector_load %arg18[%get3A_227, %get3A_228] {strides = array<i32>} : memref<80x128xf32, #tpu.memory_space<vmem>>, vector<16xf32>,
        %mul3A_230 = arith.mulf %get3A_229, %gather3A : vector<16xf32>
        %swap3A_231 = arith.index_cast %add3A_207 : i32 to index
        %swap3A_232 = arith.constant 48 : index
        %swap3A_233 = tpu.vector_load %arg18[%swap3A_231, %swap3A_232] {strides = array<i32>} : memref<80x128xf32, #tpu.memory_space<vmem>>, vector<16xf32>,
        tpu.vector_store %arg18[%swap3A_231, %swap3A_232], %mul3A_230 {strides = array<i32>} : memref<80x128xf32, #tpu.memory_space<vmem>>, vector<16xf32>,
        %get3A_234 = arith.index_cast %add3A_207 : i32 to index
        %get3A_235 = arith.constant 64 : index
        %get3A_236 = tpu.vector_load %arg18[%get3A_234, %get3A_235] {strides = array<i32>} : memref<80x128xf32, #tpu.memory_space<vmem>>, vector<16xf32>,
        %mul3A_237 = arith.mulf %get3A_236, %gather3A : vector<16xf32>
        %swap3A_238 = arith.index_cast %add3A_207 : i32 to index
        %swap3A_239 = arith.constant 64 : index
        %swap3A_240 = tpu.vector_load %arg18[%swap3A_238, %swap3A_239] {strides = array<i32>} : memref<80x128xf32, #tpu.memory_space<vmem>>, vector<16xf32>,
        tpu.vector_store %arg18[%swap3A_238, %swap3A_239], %mul3A_237 {strides = array<i32>} : memref<80x128xf32, #tpu.memory_space<vmem>>, vector<16xf32>,
        %get3A_241 = arith.index_cast %add3A_207 : i32 to index
        %get3A_242 = arith.constant 80 : index
        %get3A_243 = tpu.vector_load %arg18[%get3A_241, %get3A_242] {strides = array<i32>} : memref<80x128xf32, #tpu.memory_space<vmem>>, vector<16xf32>,
        %mul3A_244 = arith.mulf %get3A_243, %gather3A : vector<16xf32>
        %swap3A_245 = arith.index_cast %add3A_207 : i32 to index
        %swap3A_246 = arith.constant 80 : index
        %swap3A_247 = tpu.vector_load %arg18[%swap3A_245, %swap3A_246] {strides = array<i32>} : memref<80x128xf32, #tpu.memory_space<vmem>>, vector<16xf32>,
        tpu.vector_store %arg18[%swap3A_245, %swap3A_246], %mul3A_244 {strides = array<i32>} : memref<80x128xf32, #tpu.memory_space<vmem>>, vector<16xf32>,
        %get3A_248 = arith.index_cast %add3A_207 : i32 to index
        %get3A_249 = arith.constant 96 : index
        %get3A_250 = tpu.vector_load %arg18[%get3A_248, %get3A_249] {strides = array<i32>} : memref<80x128xf32, #tpu.memory_space<vmem>>, vector<16xf32>,
        %mul3A_251 = arith.mulf %get3A_250, %gather3A : vector<16xf32>
        %swap3A_252 = arith.index_cast %add3A_207 : i32 to index
        %swap3A_253 = arith.constant 96 : index
        %swap3A_254 = tpu.vector_load %arg18[%swap3A_252, %swap3A_253] {strides = array<i32>} : memref<80x128xf32, #tpu.memory_space<vmem>>, vector<16xf32>,
        tpu.vector_store %arg18[%swap3A_252, %swap3A_253], %mul3A_251 {strides = array<i32>} : memref<80x128xf32, #tpu.memory_space<vmem>>, vector<16xf32>,
        %get3A_255 = arith.index_cast %add3A_207 : i32 to index
        %get3A_256 = arith.constant 112 : index
        %get3A_257 = tpu.vector_load %arg18[%get3A_255, %get3A_256] {strides = array<i32>} : memref<80x128xf32, #tpu.memory_space<vmem>>, vector<16xf32>,
        %mul3A_258 = arith.mulf %get3A_257, %gather3A : vector<16xf32>
        %swap3A_259 = arith.index_cast %add3A_207 : i32 to index
        %swap3A_260 = arith.constant 112 : index
        %swap3A_261 = tpu.vector_load %arg18[%swap3A_259, %swap3A_260] {strides = array<i32>} : memref<80x128xf32, #tpu.memory_space<vmem>>, vector<16xf32>,
        tpu.vector_store %arg18[%swap3A_259, %swap3A_260], %mul3A_258 {strides = array<i32>} : memref<80x128xf32, #tpu.memory_space<vmem>>, vector<16xf32>,
      }
      %scan3A_186 = arith.constant 80 : i32
      %ge3A_187 = arith.constant 1 : i32
      %ge3A_188 = arith.cmpi sge, %add3A_174, %ge3A_187 : i32
      %convert_element_type3A_189 = arith.extui %ge3A_188 : i1 to i32
      %cond3A_190 = arith.constant 0 : i32
      %cond3A_191 = arith.cmpi ne, %convert_element_type3A_189, %cond3A_190 : i32
      scf.if %cond3A_191 {
        %dma_wait3A_203 = arith.constant 0 : i32
        %dma_wait3A_204 = arith.constant 0 : i32
        %dma_wait3A_205 = tpu.memref_slice %arg17[%dma_wait3A_203, %dma_wait3A_204] : memref<80x128xf32, #tpu.memory_space<vmem>> -> memref<80x128xf32, #tpu.memory_space<vmem>>
        %dma_wait3A_206 = arith.constant 0 : i32
        %dma_wait3A_207 = arith.constant 0 : i32
        %dma_wait3A_208 = tpu.memref_slice %arg19[%dma_wait3A_206, %dma_wait3A_207] : memref<10000x128xf32, #tpu.memory_space<vmem_shared>> -> memref<10000x128xf32, #tpu.memory_space<vmem_shared>>
        tpu.wait_indirect_dma semaphore(%arg33 : memref<!tpu.dma_semaphore, #tpu.memory_space<semaphore_mem>>) src(%dma_wait3A_205 : memref<80x128xf32, #tpu.memory_space<vmem>>) dst(%dma_wait3A_208 : memref<10000x128xf32, #tpu.memory_space<vmem_shared>>)
      } else {
      }
      %lt3A_192 = arith.constant 123 : i32
      %lt3A_193 = arith.cmpi slt, %add3A_174, %lt3A_192 : i32
      %convert_element_type3A_194 = arith.extui %lt3A_193 : i1 to i32
      %cond3A_195 = arith.constant 0 : i32
      %cond3A_196 = arith.cmpi ne, %convert_element_type3A_194, %cond3A_195 : i32
      scf.if %cond3A_196 {
        %add3A_203 = arith.constant 2 : i32
        %add3A_204 = arith.addi %add3A_174, %add3A_203 : i32
        %mul3A_205 = arith.constant 80 : i32
        %mul3A_206 = arith.muli %add3A_204, %mul3A_205 : i32
        %add3A_207 = arith.addi %mul3A_4, %mul3A_206 : i32
        %dma_start3A_208 = tpu.memref_slice %arg3[%add3A_207] : memref<320000xi32, #tpu.memory_space<hbm>> -> memref<80xi32, #tpu.memory_space<hbm>>
        %dma_start3A_209 = tpu.memref_slice %arg3[%add3A_207] : memref<320000xi32, #tpu.memory_space<hbm>> -> memref<80xi32, #tpu.memory_space<hbm>>
        tpu.enqueue_dma source(%dma_start3A_209 : memref<80xi32, #tpu.memory_space<hbm>>) target(%arg8 : memref<80xi32, #tpu.memory_space<vmem>>) target_semaphore(%arg21 : memref<!tpu.dma_semaphore, #tpu.memory_space<semaphore_mem>>)
        %mul3A_210 = arith.constant 80 : i32
        %mul3A_211 = arith.muli %add3A_204, %mul3A_210 : i32
        %add3A_212 = arith.addi %mul3A_4, %mul3A_211 : i32
        %dma_start3A_213 = tpu.memref_slice %arg4[%add3A_212] : memref<320000xi32, #tpu.memory_space<hbm>> -> memref<80xi32, #tpu.memory_space<hbm>>
        %dma_start3A_214 = tpu.memref_slice %arg4[%add3A_212] : memref<320000xi32, #tpu.memory_space<hbm>> -> memref<80xi32, #tpu.memory_space<hbm>>
        tpu.enqueue_dma source(%dma_start3A_214 : memref<80xi32, #tpu.memory_space<hbm>>) target(%arg11 : memref<80xi32, #tpu.memory_space<vmem>>) target_semaphore(%arg24 : memref<!tpu.dma_semaphore, #tpu.memory_space<semaphore_mem>>)
        %mul3A_215 = arith.constant 80 : i32
        %mul3A_216 = arith.muli %add3A_204, %mul3A_215 : i32
        %add3A_217 = arith.addi %mul3A_4, %mul3A_216 : i32
        %dma_start3A_218 = tpu.memref_slice %arg5[%add3A_217] : memref<320000xf32, #tpu.memory_space<hbm>> -> memref<80xf32, #tpu.memory_space<hbm>>
        %dma_start3A_219 = tpu.memref_slice %arg5[%add3A_217] : memref<320000xf32, #tpu.memory_space<hbm>> -> memref<80xf32, #tpu.memory_space<hbm>>
        tpu.enqueue_dma source(%dma_start3A_219 : memref<80xf32, #tpu.memory_space<hbm>>) target(%arg14 : memref<80xf32, #tpu.memory_space<vmem>>) target_semaphore(%arg27 : memref<!tpu.dma_semaphore, #tpu.memory_space<semaphore_mem>>)
        %dma_wait3A_220 = tpu.memref_slice %arg3[%mul3A_4] : memref<320000xi32, #tpu.memory_space<hbm>> -> memref<80xi32, #tpu.memory_space<hbm>>
        %dma_wait3A_221 = tpu.memref_slice %arg3[%mul3A_4] : memref<320000xi32, #tpu.memory_space<hbm>> -> memref<80xi32, #tpu.memory_space<hbm>>
        tpu.wait_dma2 semaphore(%arg21 : memref<!tpu.dma_semaphore, #tpu.memory_space<semaphore_mem>>) src(%dma_wait3A_221 : memref<80xi32, #tpu.memory_space<hbm>>) dst(%arg8 : memref<80xi32, #tpu.memory_space<vmem>>)
        %dma_start3A_222 = arith.constant 0 : i32
        %dma_start3A_223 = arith.constant 0 : i32
        %dma_start3A_224 = tpu.memref_slice %arg2[%dma_start3A_222, %dma_start3A_223] : memref<10000x128xf32, #tpu.memory_space<hbm>> -> memref<10000x128xf32, #tpu.memory_space<hbm>>
        tpu.enqueue_indirect_dma source(%dma_start3A_224 : memref<10000x128xf32, #tpu.memory_space<hbm>>) target(%arg17 : memref<80x128xf32, #tpu.memory_space<vmem>>) offsets(%arg8 : memref<80xi32, #tpu.memory_space<vmem>>) semaphore(%arg30 : memref<!tpu.dma_semaphore, #tpu.memory_space<semaphore_mem>>)
      } else {
      }
      %dma_start3A_197 = arith.constant 0 : i32
      %dma_start3A_198 = arith.constant 0 : i32
      %dma_start3A_199 = tpu.memref_slice %arg18[%dma_start3A_197, %dma_start3A_198] : memref<80x128xf32, #tpu.memory_space<vmem>> -> memref<80x128xf32, #tpu.memory_space<vmem>>
      %dma_start3A_200 = arith.constant 0 : i32
      %dma_start3A_201 = arith.constant 0 : i32
      %dma_start3A_202 = tpu.memref_slice %arg19[%dma_start3A_200, %dma_start3A_201] : memref<10000x128xf32, #tpu.memory_space<vmem_shared>> -> memref<10000x128xf32, #tpu.memory_space<vmem_shared>>
      tpu.enqueue_indirect_dma source(%dma_start3A_199 : memref<80x128xf32, #tpu.memory_space<vmem>>) target(%dma_start3A_202 : memref<10000x128xf32, #tpu.memory_space<vmem_shared>>) offsets(%arg12 : memref<80xi32, #tpu.memory_space<vmem>>) semaphore(%arg34 : memref<!tpu.dma_semaphore, #tpu.memory_space<semaphore_mem>>) {add = true}
    }
    %scan3A_50 = arith.constant 41 : i32
    %dma_wait3A_51 = arith.constant 0 : i32
    %dma_wait3A_52 = arith.constant 0 : i32
    %dma_wait3A_53 = tpu.memref_slice %arg2[%dma_wait3A_51, %dma_wait3A_52] : memref<10000x128xf32, #tpu.memory_space<hbm>> -> memref<10000x128xf32, #tpu.memory_space<hbm>>
    tpu.wait_indirect_dma semaphore(%arg29 : memref<!tpu.dma_semaphore, #tpu.memory_space<semaphore_mem>>) src(%dma_wait3A_53 : memref<10000x128xf32, #tpu.memory_space<hbm>>) dst(%arg16 : memref<80x128xf32, #tpu.memory_space<vmem>>)
    %dma_wait3A_54 = tpu.memref_slice %arg4[%mul3A_4] : memref<320000xi32, #tpu.memory_space<hbm>> -> memref<80xi32, #tpu.memory_space<hbm>>
    %dma_wait3A_55 = tpu.memref_slice %arg4[%mul3A_4] : memref<320000xi32, #tpu.memory_space<hbm>> -> memref<80xi32, #tpu.memory_space<hbm>>
    tpu.wait_dma2 semaphore(%arg23 : memref<!tpu.dma_semaphore, #tpu.memory_space<semaphore_mem>>) src(%dma_wait3A_55 : memref<80xi32, #tpu.memory_space<hbm>>) dst(%arg10 : memref<80xi32, #tpu.memory_space<vmem>>)
    %dma_wait3A_56 = tpu.memref_slice %arg5[%mul3A_4] : memref<320000xf32, #tpu.memory_space<hbm>> -> memref<80xf32, #tpu.memory_space<hbm>>
    %dma_wait3A_57 = tpu.memref_slice %arg5[%mul3A_4] : memref<320000xf32, #tpu.memory_space<hbm>> -> memref<80xf32, #tpu.memory_space<hbm>>
    tpu.wait_dma2 semaphore(%arg26 : memref<!tpu.dma_semaphore, #tpu.memory_space<semaphore_mem>>) src(%dma_wait3A_57 : memref<80xf32, #tpu.memory_space<hbm>>) dst(%arg13 : memref<80xf32, #tpu.memory_space<vmem>>)
    %scan3A_58 = arith.constant 0 : i32
    %scan3A_59 = arith.constant 80 : i32
    %scan3A_60 = arith.addi %scan3A_58, %scan3A_59 : i32
    %scan3A_61 = arith.constant 1 : i32
    scf.for %scan3A_106 = %scan3A_58 to %scan3A_60 step %scan3A_61  : i32 {
      %mul3A_107 = arith.constant 1 : i32
      %mul3A_108 = arith.muli %scan3A_106, %mul3A_107 : i32
      %add3A_109 = arith.constant 0 : i32
      %add3A_110 = arith.addi %add3A_109, %mul3A_108 : i32
      %broadcast_in_dim3A = vector.broadcast %add3A_110 : i32 to vector<16xi32>
      %gather3A = tpu.vector_load_idx %arg13[%broadcast_in_dim3A] : memref<80xf32, #tpu.memory_space<vmem>>[vector<16xi32>], vector<16xf32>,
      %get3A = arith.index_cast %add3A_110 : i32 to index
      %get3A_111 = arith.constant 0 : index
      %get3A_112 = tpu.vector_load %arg16[%get3A, %get3A_111] {strides = array<i32>} : memref<80x128xf32, #tpu.memory_space<vmem>>, vector<16xf32>,
      %mul3A_113 = arith.mulf %get3A_112, %gather3A : vector<16xf32>
      %swap3A = arith.index_cast %add3A_110 : i32 to index
      %swap3A_114 = arith.constant 0 : index
      %swap3A_115 = tpu.vector_load %arg16[%swap3A, %swap3A_114] {strides = array<i32>} : memref<80x128xf32, #tpu.memory_space<vmem>>, vector<16xf32>,
      tpu.vector_store %arg16[%swap3A, %swap3A_114], %mul3A_113 {strides = array<i32>} : memref<80x128xf32, #tpu.memory_space<vmem>>, vector<16xf32>,
      %get3A_116 = arith.index_cast %add3A_110 : i32 to index
      %get3A_117 = arith.constant 16 : index
      %get3A_118 = tpu.vector_load %arg16[%get3A_116, %get3A_117] {strides = array<i32>} : memref<80x128xf32, #tpu.memory_space<vmem>>, vector<16xf32>,
      %mul3A_119 = arith.mulf %get3A_118, %gather3A : vector<16xf32>
      %swap3A_120 = arith.index_cast %add3A_110 : i32 to index
      %swap3A_121 = arith.constant 16 : index
      %swap3A_122 = tpu.vector_load %arg16[%swap3A_120, %swap3A_121] {strides = array<i32>} : memref<80x128xf32, #tpu.memory_space<vmem>>, vector<16xf32>,
      tpu.vector_store %arg16[%swap3A_120, %swap3A_121], %mul3A_119 {strides = array<i32>} : memref<80x128xf32, #tpu.memory_space<vmem>>, vector<16xf32>,
      %get3A_123 = arith.index_cast %add3A_110 : i32 to index
      %get3A_124 = arith.constant 32 : index
      %get3A_125 = tpu.vector_load %arg16[%get3A_123, %get3A_124] {strides = array<i32>} : memref<80x128xf32, #tpu.memory_space<vmem>>, vector<16xf32>,
      %mul3A_126 = arith.mulf %get3A_125, %gather3A : vector<16xf32>
      %swap3A_127 = arith.index_cast %add3A_110 : i32 to index
      %swap3A_128 = arith.constant 32 : index
      %swap3A_129 = tpu.vector_load %arg16[%swap3A_127, %swap3A_128] {strides = array<i32>} : memref<80x128xf32, #tpu.memory_space<vmem>>, vector<16xf32>,
      tpu.vector_store %arg16[%swap3A_127, %swap3A_128], %mul3A_126 {strides = array<i32>} : memref<80x128xf32, #tpu.memory_space<vmem>>, vector<16xf32>,
      %get3A_130 = arith.index_cast %add3A_110 : i32 to index
      %get3A_131 = arith.constant 48 : index
      %get3A_132 = tpu.vector_load %arg16[%get3A_130, %get3A_131] {strides = array<i32>} : memref<80x128xf32, #tpu.memory_space<vmem>>, vector<16xf32>,
      %mul3A_133 = arith.mulf %get3A_132, %gather3A : vector<16xf32>
      %swap3A_134 = arith.index_cast %add3A_110 : i32 to index
      %swap3A_135 = arith.constant 48 : index
      %swap3A_136 = tpu.vector_load %arg16[%swap3A_134, %swap3A_135] {strides = array<i32>} : memref<80x128xf32, #tpu.memory_space<vmem>>, vector<16xf32>,
      tpu.vector_store %arg16[%swap3A_134, %swap3A_135], %mul3A_133 {strides = array<i32>} : memref<80x128xf32, #tpu.memory_space<vmem>>, vector<16xf32>,
      %get3A_137 = arith.index_cast %add3A_110 : i32 to index
      %get3A_138 = arith.constant 64 : index
      %get3A_139 = tpu.vector_load %arg16[%get3A_137, %get3A_138] {strides = array<i32>} : memref<80x128xf32, #tpu.memory_space<vmem>>, vector<16xf32>,
      %mul3A_140 = arith.mulf %get3A_139, %gather3A : vector<16xf32>
      %swap3A_141 = arith.index_cast %add3A_110 : i32 to index
      %swap3A_142 = arith.constant 64 : index
      %swap3A_143 = tpu.vector_load %arg16[%swap3A_141, %swap3A_142] {strides = array<i32>} : memref<80x128xf32, #tpu.memory_space<vmem>>, vector<16xf32>,
      tpu.vector_store %arg16[%swap3A_141, %swap3A_142], %mul3A_140 {strides = array<i32>} : memref<80x128xf32, #tpu.memory_space<vmem>>, vector<16xf32>,
      %get3A_144 = arith.index_cast %add3A_110 : i32 to index
      %get3A_145 = arith.constant 80 : index
      %get3A_146 = tpu.vector_load %arg16[%get3A_144, %get3A_145] {strides = array<i32>} : memref<80x128xf32, #tpu.memory_space<vmem>>, vector<16xf32>,
      %mul3A_147 = arith.mulf %get3A_146, %gather3A : vector<16xf32>
      %swap3A_148 = arith.index_cast %add3A_110 : i32 to index
      %swap3A_149 = arith.constant 80 : index
      %swap3A_150 = tpu.vector_load %arg16[%swap3A_148, %swap3A_149] {strides = array<i32>} : memref<80x128xf32, #tpu.memory_space<vmem>>, vector<16xf32>,
      tpu.vector_store %arg16[%swap3A_148, %swap3A_149], %mul3A_147 {strides = array<i32>} : memref<80x128xf32, #tpu.memory_space<vmem>>, vector<16xf32>,
      %get3A_151 = arith.index_cast %add3A_110 : i32 to index
      %get3A_152 = arith.constant 96 : index
      %get3A_153 = tpu.vector_load %arg16[%get3A_151, %get3A_152] {strides = array<i32>} : memref<80x128xf32, #tpu.memory_space<vmem>>, vector<16xf32>,
      %mul3A_154 = arith.mulf %get3A_153, %gather3A : vector<16xf32>
      %swap3A_155 = arith.index_cast %add3A_110 : i32 to index
      %swap3A_156 = arith.constant 96 : index
      %swap3A_157 = tpu.vector_load %arg16[%swap3A_155, %swap3A_156] {strides = array<i32>} : memref<80x128xf32, #tpu.memory_space<vmem>>, vector<16xf32>,
      tpu.vector_store %arg16[%swap3A_155, %swap3A_156], %mul3A_154 {strides = array<i32>} : memref<80x128xf32, #tpu.memory_space<vmem>>, vector<16xf32>,
      %get3A_158 = arith.index_cast %add3A_110 : i32 to index
      %get3A_159 = arith.constant 112 : index
      %get3A_160 = tpu.vector_load %arg16[%get3A_158, %get3A_159] {strides = array<i32>} : memref<80x128xf32, #tpu.memory_space<vmem>>, vector<16xf32>,
      %mul3A_161 = arith.mulf %get3A_160, %gather3A : vector<16xf32>
      %swap3A_162 = arith.index_cast %add3A_110 : i32 to index
      %swap3A_163 = arith.constant 112 : index
      %swap3A_164 = tpu.vector_load %arg16[%swap3A_162, %swap3A_163] {strides = array<i32>} : memref<80x128xf32, #tpu.memory_space<vmem>>, vector<16xf32>,
      tpu.vector_store %arg16[%swap3A_162, %swap3A_163], %mul3A_161 {strides = array<i32>} : memref<80x128xf32, #tpu.memory_space<vmem>>, vector<16xf32>,
    }
    %scan3A_62 = arith.constant 80 : i32
    %dma_wait3A_63 = arith.constant 0 : i32
    %dma_wait3A_64 = arith.constant 0 : i32
    %dma_wait3A_65 = tpu.memref_slice %arg18[%dma_wait3A_63, %dma_wait3A_64] : memref<80x128xf32, #tpu.memory_space<vmem>> -> memref<80x128xf32, #tpu.memory_space<vmem>>
    %dma_wait3A_66 = arith.constant 0 : i32
    %dma_wait3A_67 = arith.constant 0 : i32
    %dma_wait3A_68 = tpu.memref_slice %arg19[%dma_wait3A_66, %dma_wait3A_67] : memref<10000x128xf32, #tpu.memory_space<vmem_shared>> -> memref<10000x128xf32, #tpu.memory_space<vmem_shared>>
    tpu.wait_indirect_dma semaphore(%arg34 : memref<!tpu.dma_semaphore, #tpu.memory_space<semaphore_mem>>) src(%dma_wait3A_65 : memref<80x128xf32, #tpu.memory_space<vmem>>) dst(%dma_wait3A_68 : memref<10000x128xf32, #tpu.memory_space<vmem_shared>>)
    %dma_start3A_69 = arith.constant 0 : i32
    %dma_start3A_70 = arith.constant 0 : i32
    %dma_start3A_71 = tpu.memref_slice %arg16[%dma_start3A_69, %dma_start3A_70] : memref<80x128xf32, #tpu.memory_space<vmem>> -> memref<80x128xf32, #tpu.memory_space<vmem>>
    %dma_start3A_72 = arith.constant 0 : i32
    %dma_start3A_73 = arith.constant 0 : i32
    %dma_start3A_74 = tpu.memref_slice %arg19[%dma_start3A_72, %dma_start3A_73] : memref<10000x128xf32, #tpu.memory_space<vmem_shared>> -> memref<10000x128xf32, #tpu.memory_space<vmem_shared>>
    tpu.enqueue_indirect_dma source(%dma_start3A_71 : memref<80x128xf32, #tpu.memory_space<vmem>>) target(%dma_start3A_74 : memref<10000x128xf32, #tpu.memory_space<vmem_shared>>) offsets(%arg10 : memref<80xi32, #tpu.memory_space<vmem>>) semaphore(%arg32 : memref<!tpu.dma_semaphore, #tpu.memory_space<semaphore_mem>>) {add = true}
    %dma_wait3A_75 = arith.constant 0 : i32
    %dma_wait3A_76 = arith.constant 0 : i32
    %dma_wait3A_77 = tpu.memref_slice %arg2[%dma_wait3A_75, %dma_wait3A_76] : memref<10000x128xf32, #tpu.memory_space<hbm>> -> memref<10000x128xf32, #tpu.memory_space<hbm>>
    tpu.wait_indirect_dma semaphore(%arg30 : memref<!tpu.dma_semaphore, #tpu.memory_space<semaphore_mem>>) src(%dma_wait3A_77 : memref<10000x128xf32, #tpu.memory_space<hbm>>) dst(%arg17 : memref<80x128xf32, #tpu.memory_space<vmem>>)
    %dma_wait3A_78 = tpu.memref_slice %arg4[%mul3A_4] : memref<320000xi32, #tpu.memory_space<hbm>> -> memref<80xi32, #tpu.memory_space<hbm>>
    %dma_wait3A_79 = tpu.memref_slice %arg4[%mul3A_4] : memref<320000xi32, #tpu.memory_space<hbm>> -> memref<80xi32, #tpu.memory_space<hbm>>
    tpu.wait_dma2 semaphore(%arg24 : memref<!tpu.dma_semaphore, #tpu.memory_space<semaphore_mem>>) src(%dma_wait3A_79 : memref<80xi32, #tpu.memory_space<hbm>>) dst(%arg11 : memref<80xi32, #tpu.memory_space<vmem>>)
    %dma_wait3A_80 = tpu.memref_slice %arg5[%mul3A_4] : memref<320000xf32, #tpu.memory_space<hbm>> -> memref<80xf32, #tpu.memory_space<hbm>>
    %dma_wait3A_81 = tpu.memref_slice %arg5[%mul3A_4] : memref<320000xf32, #tpu.memory_space<hbm>> -> memref<80xf32, #tpu.memory_space<hbm>>
    tpu.wait_dma2 semaphore(%arg27 : memref<!tpu.dma_semaphore, #tpu.memory_space<semaphore_mem>>) src(%dma_wait3A_81 : memref<80xf32, #tpu.memory_space<hbm>>) dst(%arg14 : memref<80xf32, #tpu.memory_space<vmem>>)
    %scan3A_82 = arith.constant 0 : i32
    %scan3A_83 = arith.constant 80 : i32
    %scan3A_84 = arith.addi %scan3A_82, %scan3A_83 : i32
    %scan3A_85 = arith.constant 1 : i32
    scf.for %scan3A_106 = %scan3A_82 to %scan3A_84 step %scan3A_85  : i32 {
      %mul3A_107 = arith.constant 1 : i32
      %mul3A_108 = arith.muli %scan3A_106, %mul3A_107 : i32
      %add3A_109 = arith.constant 0 : i32
      %add3A_110 = arith.addi %add3A_109, %mul3A_108 : i32
      %broadcast_in_dim3A = vector.broadcast %add3A_110 : i32 to vector<16xi32>
      %gather3A = tpu.vector_load_idx %arg14[%broadcast_in_dim3A] : memref<80xf32, #tpu.memory_space<vmem>>[vector<16xi32>], vector<16xf32>,
      %get3A = arith.index_cast %add3A_110 : i32 to index
      %get3A_111 = arith.constant 0 : index
      %get3A_112 = tpu.vector_load %arg17[%get3A, %get3A_111] {strides = array<i32>} : memref<80x128xf32, #tpu.memory_space<vmem>>, vector<16xf32>,
      %mul3A_113 = arith.mulf %get3A_112, %gather3A : vector<16xf32>
      %swap3A = arith.index_cast %add3A_110 : i32 to index
      %swap3A_114 = arith.constant 0 : index
      %swap3A_115 = tpu.vector_load %arg17[%swap3A, %swap3A_114] {strides = array<i32>} : memref<80x128xf32, #tpu.memory_space<vmem>>, vector<16xf32>,
      tpu.vector_store %arg17[%swap3A, %swap3A_114], %mul3A_113 {strides = array<i32>} : memref<80x128xf32, #tpu.memory_space<vmem>>, vector<16xf32>,
      %get3A_116 = arith.index_cast %add3A_110 : i32 to index
      %get3A_117 = arith.constant 16 : index
      %get3A_118 = tpu.vector_load %arg17[%get3A_116, %get3A_117] {strides = array<i32>} : memref<80x128xf32, #tpu.memory_space<vmem>>, vector<16xf32>,
      %mul3A_119 = arith.mulf %get3A_118, %gather3A : vector<16xf32>
      %swap3A_120 = arith.index_cast %add3A_110 : i32 to index
      %swap3A_121 = arith.constant 16 : index
      %swap3A_122 = tpu.vector_load %arg17[%swap3A_120, %swap3A_121] {strides = array<i32>} : memref<80x128xf32, #tpu.memory_space<vmem>>, vector<16xf32>,
      tpu.vector_store %arg17[%swap3A_120, %swap3A_121], %mul3A_119 {strides = array<i32>} : memref<80x128xf32, #tpu.memory_space<vmem>>, vector<16xf32>,
      %get3A_123 = arith.index_cast %add3A_110 : i32 to index
      %get3A_124 = arith.constant 32 : index
      %get3A_125 = tpu.vector_load %arg17[%get3A_123, %get3A_124] {strides = array<i32>} : memref<80x128xf32, #tpu.memory_space<vmem>>, vector<16xf32>,
      %mul3A_126 = arith.mulf %get3A_125, %gather3A : vector<16xf32>
      %swap3A_127 = arith.index_cast %add3A_110 : i32 to index
      %swap3A_128 = arith.constant 32 : index
      %swap3A_129 = tpu.vector_load %arg17[%swap3A_127, %swap3A_128] {strides = array<i32>} : memref<80x128xf32, #tpu.memory_space<vmem>>, vector<16xf32>,
      tpu.vector_store %arg17[%swap3A_127, %swap3A_128], %mul3A_126 {strides = array<i32>} : memref<80x128xf32, #tpu.memory_space<vmem>>, vector<16xf32>,
      %get3A_130 = arith.index_cast %add3A_110 : i32 to index
      %get3A_131 = arith.constant 48 : index
      %get3A_132 = tpu.vector_load %arg17[%get3A_130, %get3A_131] {strides = array<i32>} : memref<80x128xf32, #tpu.memory_space<vmem>>, vector<16xf32>,
      %mul3A_133 = arith.mulf %get3A_132, %gather3A : vector<16xf32>
      %swap3A_134 = arith.index_cast %add3A_110 : i32 to index
      %swap3A_135 = arith.constant 48 : index
      %swap3A_136 = tpu.vector_load %arg17[%swap3A_134, %swap3A_135] {strides = array<i32>} : memref<80x128xf32, #tpu.memory_space<vmem>>, vector<16xf32>,
      tpu.vector_store %arg17[%swap3A_134, %swap3A_135], %mul3A_133 {strides = array<i32>} : memref<80x128xf32, #tpu.memory_space<vmem>>, vector<16xf32>,
      %get3A_137 = arith.index_cast %add3A_110 : i32 to index
      %get3A_138 = arith.constant 64 : index
      %get3A_139 = tpu.vector_load %arg17[%get3A_137, %get3A_138] {strides = array<i32>} : memref<80x128xf32, #tpu.memory_space<vmem>>, vector<16xf32>,
      %mul3A_140 = arith.mulf %get3A_139, %gather3A : vector<16xf32>
      %swap3A_141 = arith.index_cast %add3A_110 : i32 to index
      %swap3A_142 = arith.constant 64 : index
      %swap3A_143 = tpu.vector_load %arg17[%swap3A_141, %swap3A_142] {strides = array<i32>} : memref<80x128xf32, #tpu.memory_space<vmem>>, vector<16xf32>,
      tpu.vector_store %arg17[%swap3A_141, %swap3A_142], %mul3A_140 {strides = array<i32>} : memref<80x128xf32, #tpu.memory_space<vmem>>, vector<16xf32>,
      %get3A_144 = arith.index_cast %add3A_110 : i32 to index
      %get3A_145 = arith.constant 80 : index
      %get3A_146 = tpu.vector_load %arg17[%get3A_144, %get3A_145] {strides = array<i32>} : memref<80x128xf32, #tpu.memory_space<vmem>>, vector<16xf32>,
      %mul3A_147 = arith.mulf %get3A_146, %gather3A : vector<16xf32>
      %swap3A_148 = arith.index_cast %add3A_110 : i32 to index
      %swap3A_149 = arith.constant 80 : index
      %swap3A_150 = tpu.vector_load %arg17[%swap3A_148, %swap3A_149] {strides = array<i32>} : memref<80x128xf32, #tpu.memory_space<vmem>>, vector<16xf32>,
      tpu.vector_store %arg17[%swap3A_148, %swap3A_149], %mul3A_147 {strides = array<i32>} : memref<80x128xf32, #tpu.memory_space<vmem>>, vector<16xf32>,
      %get3A_151 = arith.index_cast %add3A_110 : i32 to index
      %get3A_152 = arith.constant 96 : index
      %get3A_153 = tpu.vector_load %arg17[%get3A_151, %get3A_152] {strides = array<i32>} : memref<80x128xf32, #tpu.memory_space<vmem>>, vector<16xf32>,
      %mul3A_154 = arith.mulf %get3A_153, %gather3A : vector<16xf32>
      %swap3A_155 = arith.index_cast %add3A_110 : i32 to index
      %swap3A_156 = arith.constant 96 : index
      %swap3A_157 = tpu.vector_load %arg17[%swap3A_155, %swap3A_156] {strides = array<i32>} : memref<80x128xf32, #tpu.memory_space<vmem>>, vector<16xf32>,
      tpu.vector_store %arg17[%swap3A_155, %swap3A_156], %mul3A_154 {strides = array<i32>} : memref<80x128xf32, #tpu.memory_space<vmem>>, vector<16xf32>,
      %get3A_158 = arith.index_cast %add3A_110 : i32 to index
      %get3A_159 = arith.constant 112 : index
      %get3A_160 = tpu.vector_load %arg17[%get3A_158, %get3A_159] {strides = array<i32>} : memref<80x128xf32, #tpu.memory_space<vmem>>, vector<16xf32>,
      %mul3A_161 = arith.mulf %get3A_160, %gather3A : vector<16xf32>
      %swap3A_162 = arith.index_cast %add3A_110 : i32 to index
      %swap3A_163 = arith.constant 112 : index
      %swap3A_164 = tpu.vector_load %arg17[%swap3A_162, %swap3A_163] {strides = array<i32>} : memref<80x128xf32, #tpu.memory_space<vmem>>, vector<16xf32>,
      tpu.vector_store %arg17[%swap3A_162, %swap3A_163], %mul3A_161 {strides = array<i32>} : memref<80x128xf32, #tpu.memory_space<vmem>>, vector<16xf32>,
    }
    %scan3A_86 = arith.constant 80 : i32
    %dma_wait3A_87 = arith.constant 0 : i32
    %dma_wait3A_88 = arith.constant 0 : i32
    %dma_wait3A_89 = tpu.memref_slice %arg16[%dma_wait3A_87, %dma_wait3A_88] : memref<80x128xf32, #tpu.memory_space<vmem>> -> memref<80x128xf32, #tpu.memory_space<vmem>>
    %dma_wait3A_90 = arith.constant 0 : i32
    %dma_wait3A_91 = arith.constant 0 : i32
    %dma_wait3A_92 = tpu.memref_slice %arg19[%dma_wait3A_90, %dma_wait3A_91] : memref<10000x128xf32, #tpu.memory_space<vmem_shared>> -> memref<10000x128xf32, #tpu.memory_space<vmem_shared>>
    tpu.wait_indirect_dma semaphore(%arg32 : memref<!tpu.dma_semaphore, #tpu.memory_space<semaphore_mem>>) src(%dma_wait3A_89 : memref<80x128xf32, #tpu.memory_space<vmem>>) dst(%dma_wait3A_92 : memref<10000x128xf32, #tpu.memory_space<vmem_shared>>)
    %dma_start3A_93 = arith.constant 0 : i32
    %dma_start3A_94 = arith.constant 0 : i32
    %dma_start3A_95 = tpu.memref_slice %arg17[%dma_start3A_93, %dma_start3A_94] : memref<80x128xf32, #tpu.memory_space<vmem>> -> memref<80x128xf32, #tpu.memory_space<vmem>>
    %dma_start3A_96 = arith.constant 0 : i32
    %dma_start3A_97 = arith.constant 0 : i32
    %dma_start3A_98 = tpu.memref_slice %arg19[%dma_start3A_96, %dma_start3A_97] : memref<10000x128xf32, #tpu.memory_space<vmem_shared>> -> memref<10000x128xf32, #tpu.memory_space<vmem_shared>>
    tpu.enqueue_indirect_dma source(%dma_start3A_95 : memref<80x128xf32, #tpu.memory_space<vmem>>) target(%dma_start3A_98 : memref<10000x128xf32, #tpu.memory_space<vmem_shared>>) offsets(%arg11 : memref<80xi32, #tpu.memory_space<vmem>>) semaphore(%arg33 : memref<!tpu.dma_semaphore, #tpu.memory_space<semaphore_mem>>) {add = true}
    %dma_wait3A_99 = arith.constant 0 : i32
    %dma_wait3A_100 = arith.constant 0 : i32
    %dma_wait3A_101 = tpu.memref_slice %arg17[%dma_wait3A_99, %dma_wait3A_100] : memref<80x128xf32, #tpu.memory_space<vmem>> -> memref<80x128xf32, #tpu.memory_space<vmem>>
    %dma_wait3A_102 = arith.constant 0 : i32
    %dma_wait3A_103 = arith.constant 0 : i32
    %dma_wait3A_104 = tpu.memref_slice %arg19[%dma_wait3A_102, %dma_wait3A_103] : memref<10000x128xf32, #tpu.memory_space<vmem_shared>> -> memref<10000x128xf32, #tpu.memory_space<vmem_shared>>
    tpu.wait_indirect_dma semaphore(%arg33 : memref<!tpu.dma_semaphore, #tpu.memory_space<semaphore_mem>>) src(%dma_wait3A_101 : memref<80x128xf32, #tpu.memory_space<vmem>>) dst(%dma_wait3A_104 : memref<10000x128xf32, #tpu.memory_space<vmem_shared>>)
    %barrier3A_105 = arith.constant 0 : index
    tpu.barrier barrier_id(%barrier3A_105)
    "tpu.region"() ({
      %run_scoped3A = tpu.sem_alloc : memref<!tpu.dma_semaphore, #tpu.memory_space<semaphore_mem>>
      %dma_start3A_106 = arith.constant 0 : i32
      %dma_start3A_107 = tpu.memref_slice %arg6[%arg0, %mul3A_2, %dma_start3A_106] : memref<2x10000x128xf32, #tpu.memory_space<hbm>> -> memref<1x640x128xf32, #tpu.memory_space<hbm>>
      %dma_start3A_108 = tpu.memref_squeeze %dma_start3A_107 : memref<1x640x128xf32, #tpu.memory_space<hbm>> -> memref<640x128xf32, #tpu.memory_space<hbm>>
      %dma_start3A_109 = arith.constant 0 : i32
      %dma_start3A_110 = tpu.memref_slice %arg19[%mul3A_2, %dma_start3A_109] : memref<10000x128xf32, #tpu.memory_space<vmem_shared>> -> memref<640x128xf32, #tpu.memory_space<vmem_shared>>
      tpu.enqueue_dma source(%dma_start3A_110 : memref<640x128xf32, #tpu.memory_space<vmem_shared>>) target(%dma_start3A_108 : memref<640x128xf32, #tpu.memory_space<hbm>>) target_semaphore(%run_scoped3A : memref<!tpu.dma_semaphore, #tpu.memory_space<semaphore_mem>>)
      %dma_wait3A_111 = arith.constant 0 : i32
      %dma_wait3A_112 = tpu.memref_slice %arg6[%arg0, %mul3A_2, %dma_wait3A_111] : memref<2x10000x128xf32, #tpu.memory_space<hbm>> -> memref<1x640x128xf32, #tpu.memory_space<hbm>>
      %dma_wait3A_113 = tpu.memref_squeeze %dma_wait3A_112 : memref<1x640x128xf32, #tpu.memory_space<hbm>> -> memref<640x128xf32, #tpu.memory_space<hbm>>
      %dma_wait3A_114 = arith.constant 0 : i32
      %dma_wait3A_115 = tpu.memref_slice %arg19[%mul3A_2, %dma_wait3A_114] : memref<10000x128xf32, #tpu.memory_space<vmem_shared>> -> memref<640x128xf32, #tpu.memory_space<vmem_shared>>
      tpu.wait_dma2 semaphore(%run_scoped3A : memref<!tpu.dma_semaphore, #tpu.memory_space<semaphore_mem>>) src(%dma_wait3A_115 : memref<640x128xf32, #tpu.memory_space<vmem_shared>>) dst(%dma_wait3A_113 : memref<640x128xf32, #tpu.memory_space<hbm>>)
      tpu.yield
    }) : () -> ()
    return
  }
}

#map = affine_map<(d0, d1) -> (0, 0)>
#map1 = affine_map<(d0, d1) -> (0)>
#map2 = affine_map<(d0, d1) -> (0, 0, 0)>
module attributes {stable_mosaic.version = 14 : i64} {
  func.func @k(%arg0: i32, %arg1: i32, %arg2: memref<10000x128xf32, #tpu.memory_space<hbm>>, %arg3: memref<320000xi32, #tpu.memory_space<hbm>>, %arg4: memref<320000xi32, #tpu.memory_space<hbm>>, %arg5: memref<320000xf32, #tpu.memory_space<hbm>>, %arg6: memref<2x10000x128xf32, #tpu.memory_space<hbm>>, %arg7: memref<80xi32, #tpu.memory_space<vmem>>, %arg8: memref<80xi32, #tpu.memory_space<vmem>>, %arg9: memref<80xi32, #tpu.memory_space<vmem>>, %arg10: memref<80xi32, #tpu.memory_space<vmem>>, %arg11: memref<80xi32, #tpu.memory_space<vmem>>, %arg12: memref<80xi32, #tpu.memory_space<vmem>>, %arg13: memref<80xf32, #tpu.memory_space<vmem>>, %arg14: memref<80xf32, #tpu.memory_space<vmem>>, %arg15: memref<80xf32, #tpu.memory_space<vmem>>, %arg16: memref<80x128xf32, #tpu.memory_space<vmem>>, %arg17: memref<80x128xf32, #tpu.memory_space<vmem>>, %arg18: memref<80x128xf32, #tpu.memory_space<vmem>>, %arg19: memref<10000x128xf32, #tpu.memory_space<vmem_shared>>, %arg20: memref<!tpu.dma_semaphore, #tpu.memory_space<semaphore_mem>>, %arg21: memref<!tpu.dma_semaphore, #tpu.memory_space<semaphore_mem>>, %arg22: memref<!tpu.dma_semaphore, #tpu.memory_space<semaphore_mem>>, %arg23: memref<!tpu.dma_semaphore, #tpu.memory_space<semaphore_mem>>, %arg24: memref<!tpu.dma_semaphore, #tpu.memory_space<semaphore_mem>>, %arg25: memref<!tpu.dma_semaphore, #tpu.memory_space<semaphore_mem>>, %arg26: memref<!tpu.dma_semaphore, #tpu.memory_space<semaphore_mem>>, %arg27: memref<!tpu.dma_semaphore, #tpu.memory_space<semaphore_mem>>, %arg28: memref<!tpu.dma_semaphore, #tpu.memory_space<semaphore_mem>>, %arg29: memref<!tpu.dma_semaphore, #tpu.memory_space<semaphore_mem>>, %arg30: memref<!tpu.dma_semaphore, #tpu.memory_space<semaphore_mem>>, %arg31: memref<!tpu.dma_semaphore, #tpu.memory_space<semaphore_mem>>, %arg32: memref<!tpu.dma_semaphore, #tpu.memory_space<semaphore_mem>>, %arg33: memref<!tpu.dma_semaphore, #tpu.memory_space<semaphore_mem>>, %arg34: memref<!tpu.dma_semaphore, #tpu.memory_space<semaphore_mem>>) attributes {dimension_semantics = [#tpu.dimension_semantics<core_parallel>, #tpu.dimension_semantics<subcore_parallel>], iteration_bounds = array<i64: 2, 16>, scalar_prefetch = 0 : i64, scratch_operands = 28 : i64, tpu.core_type = #tpu.core_type<sc_vector_subcore>, window_params = [{transform_indices = #map}, {transform_indices = #map1}, {transform_indices = #map1}, {transform_indices = #map1}, {transform_indices = #map2}]} {
    %mul3A = arith.constant 2 : i32
    %mul3A_0 = arith.muli %arg1, %mul3A : i32
    %add3A = arith.addi %mul3A_0, %arg0 : i32
    %mul3A_1 = arith.constant 624 : i32
    %mul3A_2 = arith.muli %arg1, %mul3A_1 : i32
    %mul3A_3 = arith.constant 10000 : i32
    %mul3A_4 = arith.muli %add3A, %mul3A_3 : i32
    %scan3A = arith.constant 0 : i32
    %scan3A_5 = arith.constant 80 : i32
    %scan3A_6 = arith.addi %scan3A, %scan3A_5 : i32
    %scan3A_7 = arith.constant 1 : i32
    scf.for %scan3A_106 = %scan3A to %scan3A_6 step %scan3A_7  : i32 {
      %mul3A_107 = arith.constant 1 : i32
      %mul3A_108 = arith.muli %scan3A_106, %mul3A_107 : i32
      %add3A_109 = arith.constant 0 : i32
      %add3A_110 = arith.addi %add3A_109, %mul3A_108 : i32
      %broadcast_in_dim3A = arith.constant 0.000000e+00 : f32
      %broadcast_in_dim3A_111 = vector.broadcast %broadcast_in_dim3A : f32 to vector<16xf32>
      %swap3A = arith.index_cast %add3A_110 : i32 to index
      %swap3A_112 = arith.constant 0 : index
      %swap3A_113 = tpu.vector_load %arg16[%swap3A, %swap3A_112] {strides = array<i32>} : memref<80x128xf32, #tpu.memory_space<vmem>>, vector<16xf32>,
      tpu.vector_store %arg16[%swap3A, %swap3A_112], %broadcast_in_dim3A_111 {strides = array<i32>} : memref<80x128xf32, #tpu.memory_space<vmem>>, vector<16xf32>,
      %broadcast_in_dim3A_114 = arith.constant 0.000000e+00 : f32
      %broadcast_in_dim3A_115 = vector.broadcast %broadcast_in_dim3A_114 : f32 to vector<16xf32>
      %swap3A_116 = arith.index_cast %add3A_110 : i32 to index
      %swap3A_117 = arith.constant 16 : index
      %swap3A_118 = tpu.vector_load %arg16[%swap3A_116, %swap3A_117] {strides = array<i32>} : memref<80x128xf32, #tpu.memory_space<vmem>>, vector<16xf32>,
      tpu.vector_store %arg16[%swap3A_116, %swap3A_117], %broadcast_in_dim3A_115 {strides = array<i32>} : memref<80x128xf32, #tpu.memory_space<vmem>>, vector<16xf32>,
      %broadcast_in_dim3A_119 = arith.constant 0.000000e+00 : f32
      %broadcast_in_dim3A_120 = vector.broadcast %broadcast_in_dim3A_119 : f32 to vector<16xf32>
      %swap3A_121 = arith.index_cast %add3A_110 : i32 to index
      %swap3A_122 = arith.constant 32 : index
      %swap3A_123 = tpu.vector_load %arg16[%swap3A_121, %swap3A_122] {strides = array<i32>} : memref<80x128xf32, #tpu.memory_space<vmem>>, vector<16xf32>,
      tpu.vector_store %arg16[%swap3A_121, %swap3A_122], %broadcast_in_dim3A_120 {strides = array<i32>} : memref<80x128xf32, #tpu.memory_space<vmem>>, vector<16xf32>,
      %broadcast_in_dim3A_124 = arith.constant 0.000000e+00 : f32
      %broadcast_in_dim3A_125 = vector.broadcast %broadcast_in_dim3A_124 : f32 to vector<16xf32>
      %swap3A_126 = arith.index_cast %add3A_110 : i32 to index
      %swap3A_127 = arith.constant 48 : index
      %swap3A_128 = tpu.vector_load %arg16[%swap3A_126, %swap3A_127] {strides = array<i32>} : memref<80x128xf32, #tpu.memory_space<vmem>>, vector<16xf32>,
      tpu.vector_store %arg16[%swap3A_126, %swap3A_127], %broadcast_in_dim3A_125 {strides = array<i32>} : memref<80x128xf32, #tpu.memory_space<vmem>>, vector<16xf32>,
      %broadcast_in_dim3A_129 = arith.constant 0.000000e+00 : f32
      %broadcast_in_dim3A_130 = vector.broadcast %broadcast_in_dim3A_129 : f32 to vector<16xf32>
      %swap3A_131 = arith.index_cast %add3A_110 : i32 to index
      %swap3A_132 = arith.constant 64 : index
      %swap3A_133 = tpu.vector_load %arg16[%swap3A_131, %swap3A_132] {strides = array<i32>} : memref<80x128xf32, #tpu.memory_space<vmem>>, vector<16xf32>,
      tpu.vector_store %arg16[%swap3A_131, %swap3A_132], %broadcast_in_dim3A_130 {strides = array<i32>} : memref<80x128xf32, #tpu.memory_space<vmem>>, vector<16xf32>,
      %broadcast_in_dim3A_134 = arith.constant 0.000000e+00 : f32
      %broadcast_in_dim3A_135 = vector.broadcast %broadcast_in_dim3A_134 : f32 to vector<16xf32>
      %swap3A_136 = arith.index_cast %add3A_110 : i32 to index
      %swap3A_137 = arith.constant 80 : index
      %swap3A_138 = tpu.vector_load %arg16[%swap3A_136, %swap3A_137] {strides = array<i32>} : memref<80x128xf32, #tpu.memory_space<vmem>>, vector<16xf32>,
      tpu.vector_store %arg16[%swap3A_136, %swap3A_137], %broadcast_in_dim3A_135 {strides = array<i32>} : memref<80x128xf32, #tpu.memory_space<vmem>>, vector<16xf32>,
      %broadcast_in_dim3A_139 = arith.constant 0.000000e+00 : f32
      %broadcast_in_dim3A_140 = vector.broadcast %broadcast_in_dim3A_139 : f32 to vector<16xf32>
      %swap3A_141 = arith.index_cast %add3A_110 : i32 to index
      %swap3A_142 = arith.constant 96 : index
      %swap3A_143 = tpu.vector_load %arg16[%swap3A_141, %swap3A_142] {strides = array<i32>} : memref<80x128xf32, #tpu.memory_space<vmem>>, vector<16xf32>,
      tpu.vector_store %arg16[%swap3A_141, %swap3A_142], %broadcast_in_dim3A_140 {strides = array<i32>} : memref<80x128xf32, #tpu.memory_space<vmem>>, vector<16xf32>,
      %broadcast_in_dim3A_144 = arith.constant 0.000000e+00 : f32
      %broadcast_in_dim3A_145 = vector.broadcast %broadcast_in_dim3A_144 : f32 to vector<16xf32>
      %swap3A_146 = arith.index_cast %add3A_110 : i32 to index
      %swap3A_147 = arith.constant 112 : index
      %swap3A_148 = tpu.vector_load %arg16[%swap3A_146, %swap3A_147] {strides = array<i32>} : memref<80x128xf32, #tpu.memory_space<vmem>>, vector<16xf32>,
      tpu.vector_store %arg16[%swap3A_146, %swap3A_147], %broadcast_in_dim3A_145 {strides = array<i32>} : memref<80x128xf32, #tpu.memory_space<vmem>>, vector<16xf32>,
    }
    %scan3A_8 = arith.constant 80 : i32
    %scan3A_9 = arith.constant 0 : i32
    %scan3A_10 = arith.constant 8 : i32
    %scan3A_11 = arith.addi %scan3A_9, %scan3A_10 : i32
    %scan3A_12 = arith.constant 1 : i32
    scf.for %scan3A_106 = %scan3A_9 to %scan3A_11 step %scan3A_12  : i32 {
      %mul3A_107 = arith.constant 1 : i32
      %mul3A_108 = arith.muli %scan3A_106, %mul3A_107 : i32
      %add3A_109 = arith.constant 0 : i32
      %add3A_110 = arith.addi %add3A_109, %mul3A_108 : i32
      %mul3A_111 = arith.constant 80 : i32
      %mul3A_112 = arith.muli %add3A_110, %mul3A_111 : i32
      %add3A_113 = arith.addi %mul3A_2, %mul3A_112 : i32
      "tpu.region"() ({
        %run_scoped3A = tpu.sem_alloc : memref<!tpu.dma_semaphore, #tpu.memory_space<semaphore_mem>>
        %dma_start3A_114 = arith.constant 0 : i32
        %dma_start3A_115 = arith.constant 0 : i32
        %dma_start3A_116 = tpu.memref_slice %arg16[%dma_start3A_114, %dma_start3A_115] : memref<80x128xf32, #tpu.memory_space<vmem>> -> memref<80x128xf32, #tpu.memory_space<vmem>>
        %dma_start3A_117 = arith.constant 0 : i32
        %dma_start3A_118 = tpu.memref_slice %arg19[%add3A_113, %dma_start3A_117] : memref<10000x128xf32, #tpu.memory_space<vmem_shared>> -> memref<80x128xf32, #tpu.memory_space<vmem_shared>>
        %dma_start3A_119 = arith.constant 0 : i32
        %dma_start3A_120 = tpu.memref_slice %arg19[%add3A_113, %dma_start3A_119] : memref<10000x128xf32, #tpu.memory_space<vmem_shared>> -> memref<80x128xf32, #tpu.memory_space<vmem_shared>>
        %dma_start3A_121 = arith.constant 0 : i32
        %dma_start3A_122 = arith.constant 0 : i32
        %dma_start3A_123 = tpu.memref_slice %arg16[%dma_start3A_121, %dma_start3A_122] : memref<80x128xf32, #tpu.memory_space<vmem>> -> memref<80x128xf32, #tpu.memory_space<vmem>>
        tpu.enqueue_dma source(%dma_start3A_123 : memref<80x128xf32, #tpu.memory_space<vmem>>) target(%dma_start3A_120 : memref<80x128xf32, #tpu.memory_space<vmem_shared>>) target_semaphore(%run_scoped3A : memref<!tpu.dma_semaphore, #tpu.memory_space<semaphore_mem>>)
        %dma_wait3A_124 = arith.constant 0 : i32
        %dma_wait3A_125 = arith.constant 0 : i32
        %dma_wait3A_126 = tpu.memref_slice %arg16[%dma_wait3A_124, %dma_wait3A_125] : memref<80x128xf32, #tpu.memory_space<vmem>> -> memref<80x128xf32, #tpu.memory_space<vmem>>
        %dma_wait3A_127 = arith.constant 0 : i32
        %dma_wait3A_128 = tpu.memref_slice %arg19[%add3A_113, %dma_wait3A_127] : memref<10000x128xf32, #tpu.memory_space<vmem_shared>> -> memref<80x128xf32, #tpu.memory_space<vmem_shared>>
        %dma_wait3A_129 = arith.constant 0 : i32
        %dma_wait3A_130 = tpu.memref_slice %arg19[%add3A_113, %dma_wait3A_129] : memref<10000x128xf32, #tpu.memory_space<vmem_shared>> -> memref<80x128xf32, #tpu.memory_space<vmem_shared>>
        %dma_wait3A_131 = arith.constant 0 : i32
        %dma_wait3A_132 = arith.constant 0 : i32
        %dma_wait3A_133 = tpu.memref_slice %arg16[%dma_wait3A_131, %dma_wait3A_132] : memref<80x128xf32, #tpu.memory_space<vmem>> -> memref<80x128xf32, #tpu.memory_space<vmem>>
        tpu.wait_dma2 semaphore(%run_scoped3A : memref<!tpu.dma_semaphore, #tpu.memory_space<semaphore_mem>>) src(%dma_wait3A_133 : memref<80x128xf32, #tpu.memory_space<vmem>>) dst(%dma_wait3A_130 : memref<80x128xf32, #tpu.memory_space<vmem_shared>>)
        tpu.yield
      }) : () -> ()
    }
    %scan3A_13 = arith.constant 8 : i32
    %barrier3A = arith.constant 0 : index
    tpu.barrier barrier_id(%barrier3A)
    %add3A_14 = arith.constant 0 : i32
    %add3A_15 = arith.addi %mul3A_4, %add3A_14 : i32
    %dma_start3A = tpu.memref_slice %arg3[%add3A_15] : memref<320000xi32, #tpu.memory_space<hbm>> -> memref<80xi32, #tpu.memory_space<hbm>>
    %dma_start3A_16 = tpu.memref_slice %arg3[%add3A_15] : memref<320000xi32, #tpu.memory_space<hbm>> -> memref<80xi32, #tpu.memory_space<hbm>>
    tpu.enqueue_dma source(%dma_start3A_16 : memref<80xi32, #tpu.memory_space<hbm>>) target(%arg7 : memref<80xi32, #tpu.memory_space<vmem>>) target_semaphore(%arg20 : memref<!tpu.dma_semaphore, #tpu.memory_space<semaphore_mem>>)
    %add3A_17 = arith.constant 0 : i32
    %add3A_18 = arith.addi %mul3A_4, %add3A_17 : i32
    %dma_start3A_19 = tpu.memref_slice %arg4[%add3A_18] : memref<320000xi32, #tpu.memory_space<hbm>> -> memref<80xi32, #tpu.memory_space<hbm>>
    %dma_start3A_20 = tpu.memref_slice %arg4[%add3A_18] : memref<320000xi32, #tpu.memory_space<hbm>> -> memref<80xi32, #tpu.memory_space<hbm>>
    tpu.enqueue_dma source(%dma_start3A_20 : memref<80xi32, #tpu.memory_space<hbm>>) target(%arg10 : memref<80xi32, #tpu.memory_space<vmem>>) target_semaphore(%arg23 : memref<!tpu.dma_semaphore, #tpu.memory_space<semaphore_mem>>)
    %add3A_21 = arith.constant 0 : i32
    %add3A_22 = arith.addi %mul3A_4, %add3A_21 : i32
    %dma_start3A_23 = tpu.memref_slice %arg5[%add3A_22] : memref<320000xf32, #tpu.memory_space<hbm>> -> memref<80xf32, #tpu.memory_space<hbm>>
    %dma_start3A_24 = tpu.memref_slice %arg5[%add3A_22] : memref<320000xf32, #tpu.memory_space<hbm>> -> memref<80xf32, #tpu.memory_space<hbm>>
    tpu.enqueue_dma source(%dma_start3A_24 : memref<80xf32, #tpu.memory_space<hbm>>) target(%arg13 : memref<80xf32, #tpu.memory_space<vmem>>) target_semaphore(%arg26 : memref<!tpu.dma_semaphore, #tpu.memory_space<semaphore_mem>>)
    %add3A_25 = arith.constant 80 : i32
    %add3A_26 = arith.addi %mul3A_4, %add3A_25 : i32
    %dma_start3A_27 = tpu.memref_slice %arg3[%add3A_26] : memref<320000xi32, #tpu.memory_space<hbm>> -> memref<80xi32, #tpu.memory_space<hbm>>
    %dma_start3A_28 = tpu.memref_slice %arg3[%add3A_26] : memref<320000xi32, #tpu.memory_space<hbm>> -> memref<80xi32, #tpu.memory_space<hbm>>
    tpu.enqueue_dma source(%dma_start3A_28 : memref<80xi32, #tpu.memory_space<hbm>>) target(%arg8 : memref<80xi32, #tpu.memory_space<vmem>>) target_semaphore(%arg21 : memref<!tpu.dma_semaphore, #tpu.memory_space<semaphore_mem>>)
    %add3A_29 = arith.constant 80 : i32
    %add3A_30 = arith.addi %mul3A_4, %add3A_29 : i32
    %dma_start3A_31 = tpu.memref_slice %arg4[%add3A_30] : memref<320000xi32, #tpu.memory_space<hbm>> -> memref<80xi32, #tpu.memory_space<hbm>>
    %dma_start3A_32 = tpu.memref_slice %arg4[%add3A_30] : memref<320000xi32, #tpu.memory_space<hbm>> -> memref<80xi32, #tpu.memory_space<hbm>>
    tpu.enqueue_dma source(%dma_start3A_32 : memref<80xi32, #tpu.memory_space<hbm>>) target(%arg11 : memref<80xi32, #tpu.memory_space<vmem>>) target_semaphore(%arg24 : memref<!tpu.dma_semaphore, #tpu.memory_space<semaphore_mem>>)
    %add3A_33 = arith.constant 80 : i32
    %add3A_34 = arith.addi %mul3A_4, %add3A_33 : i32
    %dma_start3A_35 = tpu.memref_slice %arg5[%add3A_34] : memref<320000xf32, #tpu.memory_space<hbm>> -> memref<80xf32, #tpu.memory_space<hbm>>
    %dma_start3A_36 = tpu.memref_slice %arg5[%add3A_34] : memref<320000xf32, #tpu.memory_space<hbm>> -> memref<80xf32, #tpu.memory_space<hbm>>
    tpu.enqueue_dma source(%dma_start3A_36 : memref<80xf32, #tpu.memory_space<hbm>>) target(%arg14 : memref<80xf32, #tpu.memory_space<vmem>>) target_semaphore(%arg27 : memref<!tpu.dma_semaphore, #tpu.memory_space<semaphore_mem>>)
    %dma_wait3A = tpu.memref_slice %arg3[%mul3A_4] : memref<320000xi32, #tpu.memory_space<hbm>> -> memref<80xi32, #tpu.memory_space<hbm>>
    %dma_wait3A_37 = tpu.memref_slice %arg3[%mul3A_4] : memref<320000xi32, #tpu.memory_space<hbm>> -> memref<80xi32, #tpu.memory_space<hbm>>
    tpu.wait_dma2 semaphore(%arg20 : memref<!tpu.dma_semaphore, #tpu.memory_space<semaphore_mem>>) src(%dma_wait3A_37 : memref<80xi32, #tpu.memory_space<hbm>>) dst(%arg7 : memref<80xi32, #tpu.memory_space<vmem>>)
    %dma_start3A_38 = arith.constant 0 : i32
    %dma_start3A_39 = arith.constant 0 : i32
    %dma_start3A_40 = tpu.memref_slice %arg2[%dma_start3A_38, %dma_start3A_39] : memref<10000x128xf32, #tpu.memory_space<hbm>> -> memref<10000x128xf32, #tpu.memory_space<hbm>>
    tpu.enqueue_indirect_dma source(%dma_start3A_40 : memref<10000x128xf32, #tpu.memory_space<hbm>>) target(%arg16 : memref<80x128xf32, #tpu.memory_space<vmem>>) offsets(%arg7 : memref<80xi32, #tpu.memory_space<vmem>>) semaphore(%arg29 : memref<!tpu.dma_semaphore, #tpu.memory_space<semaphore_mem>>)
    %dma_wait3A_41 = tpu.memref_slice %arg3[%mul3A_4] : memref<320000xi32, #tpu.memory_space<hbm>> -> memref<80xi32, #tpu.memory_space<hbm>>
    %dma_wait3A_42 = tpu.memref_slice %arg3[%mul3A_4] : memref<320000xi32, #tpu.memory_space<hbm>> -> memref<80xi32, #tpu.memory_space<hbm>>
    tpu.wait_dma2 semaphore(%arg21 : memref<!tpu.dma_semaphore, #tpu.memory_space<semaphore_mem>>) src(%dma_wait3A_42 : memref<80xi32, #tpu.memory_space<hbm>>) dst(%arg8 : memref<80xi32, #tpu.memory_space<vmem>>)
    %dma_start3A_43 = arith.constant 0 : i32
    %dma_start3A_44 = arith.constant 0 : i32
    %dma_start3A_45 = tpu.memref_slice %arg2[%dma_start3A_43, %dma_start3A_44] : memref<10000x128xf32, #tpu.memory_space<hbm>> -> memref<10000x128xf32, #tpu.memory_space<hbm>>
    tpu.enqueue_indirect_dma source(%dma_start3A_45 : memref<10000x128xf32, #tpu.memory_space<hbm>>) target(%arg17 : memref<80x128xf32, #tpu.memory_space<vmem>>) offsets(%arg8 : memref<80xi32, #tpu.memory_space<vmem>>) semaphore(%arg30 : memref<!tpu.dma_semaphore, #tpu.memory_space<semaphore_mem>>)
    %scan3A_46 = arith.constant 0 : i32
    %scan3A_47 = arith.constant 41 : i32
    %scan3A_48 = arith.addi %scan3A_46, %scan3A_47 : i32
    %scan3A_49 = arith.constant 1 : i32
    scf.for %scan3A_106 = %scan3A_46 to %scan3A_48 step %scan3A_49  : i32 {
      %mul3A_107 = arith.constant 1 : i32
      %mul3A_108 = arith.muli %scan3A_106, %mul3A_107 : i32
      %add3A_109 = arith.constant 0 : i32
      %add3A_110 = arith.addi %add3A_109, %mul3A_108 : i32
      %mul3A_111 = arith.constant 3 : i32
      %mul3A_112 = arith.muli %add3A_110, %mul3A_111 : i32
      %add3A_113 = arith.constant 0 : i32
      %add3A_114 = arith.addi %mul3A_112, %add3A_113 : i32
      %dma_wait3A_115 = arith.constant 0 : i32
      %dma_wait3A_116 = arith.constant 0 : i32
      %dma_wait3A_117 = tpu.memref_slice %arg2[%dma_wait3A_115, %dma_wait3A_116] : memref<10000x128xf32, #tpu.memory_space<hbm>> -> memref<10000x128xf32, #tpu.memory_space<hbm>>
      tpu.wait_indirect_dma semaphore(%arg29 : memref<!tpu.dma_semaphore, #tpu.memory_space<semaphore_mem>>) src(%dma_wait3A_117 : memref<10000x128xf32, #tpu.memory_space<hbm>>) dst(%arg16 : memref<80x128xf32, #tpu.memory_space<vmem>>)
      %dma_wait3A_118 = tpu.memref_slice %arg4[%mul3A_4] : memref<320000xi32, #tpu.memory_space<hbm>> -> memref<80xi32, #tpu.memory_space<hbm>>
      %dma_wait3A_119 = tpu.memref_slice %arg4[%mul3A_4] : memref<320000xi32, #tpu.memory_space<hbm>> -> memref<80xi32, #tpu.memory_space<hbm>>
      tpu.wait_dma2 semaphore(%arg23 : memref<!tpu.dma_semaphore, #tpu.memory_space<semaphore_mem>>) src(%dma_wait3A_119 : memref<80xi32, #tpu.memory_space<hbm>>) dst(%arg10 : memref<80xi32, #tpu.memory_space<vmem>>)
      %dma_wait3A_120 = tpu.memref_slice %arg5[%mul3A_4] : memref<320000xf32, #tpu.memory_space<hbm>> -> memref<80xf32, #tpu.memory_space<hbm>>
      %dma_wait3A_121 = tpu.memref_slice %arg5[%mul3A_4] : memref<320000xf32, #tpu.memory_space<hbm>> -> memref<80xf32, #tpu.memory_space<hbm>>
      tpu.wait_dma2 semaphore(%arg26 : memref<!tpu.dma_semaphore, #tpu.memory_space<semaphore_mem>>) src(%dma_wait3A_121 : memref<80xf32, #tpu.memory_space<hbm>>) dst(%arg13 : memref<80xf32, #tpu.memory_space<vmem>>)
      %scan3A_122 = arith.constant 0 : i32
      %scan3A_123 = arith.constant 80 : i32
      %scan3A_124 = arith.addi %scan3A_122, %scan3A_123 : i32
      %scan3A_125 = arith.constant 1 : i32
      scf.for %scan3A_203 = %scan3A_122 to %scan3A_124 step %scan3A_125  : i32 {
        %mul3A_204 = arith.constant 1 : i32
        %mul3A_205 = arith.muli %scan3A_203, %mul3A_204 : i32
        %add3A_206 = arith.constant 0 : i32
        %add3A_207 = arith.addi %add3A_206, %mul3A_205 : i32
        %broadcast_in_dim3A = vector.broadcast %add3A_207 : i32 to vector<16xi32>
        %gather3A = tpu.vector_load_idx %arg13[%broadcast_in_dim3A] : memref<80xf32, #tpu.memory_space<vmem>>[vector<16xi32>], vector<16xf32>,
        %get3A = arith.index_cast %add3A_207 : i32 to index
        %get3A_208 = arith.constant 0 : index
        %get3A_209 = tpu.vector_load %arg16[%get3A, %get3A_208] {strides = array<i32>} : memref<80x128xf32, #tpu.memory_space<vmem>>, vector<16xf32>,
        %mul3A_210 = arith.mulf %get3A_209, %gather3A : vector<16xf32>
        %swap3A = arith.index_cast %add3A_207 : i32 to index
        %swap3A_211 = arith.constant 0 : index
        %swap3A_212 = tpu.vector_load %arg16[%swap3A, %swap3A_211] {strides = array<i32>} : memref<80x128xf32, #tpu.memory_space<vmem>>, vector<16xf32>,
        tpu.vector_store %arg16[%swap3A, %swap3A_211], %mul3A_210 {strides = array<i32>} : memref<80x128xf32, #tpu.memory_space<vmem>>, vector<16xf32>,
        %get3A_213 = arith.index_cast %add3A_207 : i32 to index
        %get3A_214 = arith.constant 16 : index
        %get3A_215 = tpu.vector_load %arg16[%get3A_213, %get3A_214] {strides = array<i32>} : memref<80x128xf32, #tpu.memory_space<vmem>>, vector<16xf32>,
        %mul3A_216 = arith.mulf %get3A_215, %gather3A : vector<16xf32>
        %swap3A_217 = arith.index_cast %add3A_207 : i32 to index
        %swap3A_218 = arith.constant 16 : index
        %swap3A_219 = tpu.vector_load %arg16[%swap3A_217, %swap3A_218] {strides = array<i32>} : memref<80x128xf32, #tpu.memory_space<vmem>>, vector<16xf32>,
        tpu.vector_store %arg16[%swap3A_217, %swap3A_218], %mul3A_216 {strides = array<i32>} : memref<80x128xf32, #tpu.memory_space<vmem>>, vector<16xf32>,
        %get3A_220 = arith.index_cast %add3A_207 : i32 to index
        %get3A_221 = arith.constant 32 : index
        %get3A_222 = tpu.vector_load %arg16[%get3A_220, %get3A_221] {strides = array<i32>} : memref<80x128xf32, #tpu.memory_space<vmem>>, vector<16xf32>,
        %mul3A_223 = arith.mulf %get3A_222, %gather3A : vector<16xf32>
        %swap3A_224 = arith.index_cast %add3A_207 : i32 to index
        %swap3A_225 = arith.constant 32 : index
        %swap3A_226 = tpu.vector_load %arg16[%swap3A_224, %swap3A_225] {strides = array<i32>} : memref<80x128xf32, #tpu.memory_space<vmem>>, vector<16xf32>,
        tpu.vector_store %arg16[%swap3A_224, %swap3A_225], %mul3A_223 {strides = array<i32>} : memref<80x128xf32, #tpu.memory_space<vmem>>, vector<16xf32>,
        %get3A_227 = arith.index_cast %add3A_207 : i32 to index
        %get3A_228 = arith.constant 48 : index
        %get3A_229 = tpu.vector_load %arg16[%get3A_227, %get3A_228] {strides = array<i32>} : memref<80x128xf32, #tpu.memory_space<vmem>>, vector<16xf32>,
        %mul3A_230 = arith.mulf %get3A_229, %gather3A : vector<16xf32>
        %swap3A_231 = arith.index_cast %add3A_207 : i32 to index
        %swap3A_232 = arith.constant 48 : index
        %swap3A_233 = tpu.vector_load %arg16[%swap3A_231, %swap3A_232] {strides = array<i32>} : memref<80x128xf32, #tpu.memory_space<vmem>>, vector<16xf32>,
        tpu.vector_store %arg16[%swap3A_231, %swap3A_232], %mul3A_230 {strides = array<i32>} : memref<80x128xf32, #tpu.memory_space<vmem>>, vector<16xf32>,
        %get3A_234 = arith.index_cast %add3A_207 : i32 to index
        %get3A_235 = arith.constant 64 : index
        %get3A_236 = tpu.vector_load %arg16[%get3A_234, %get3A_235] {strides = array<i32>} : memref<80x128xf32, #tpu.memory_space<vmem>>, vector<16xf32>,
        %mul3A_237 = arith.mulf %get3A_236, %gather3A : vector<16xf32>
        %swap3A_238 = arith.index_cast %add3A_207 : i32 to index
        %swap3A_239 = arith.constant 64 : index
        %swap3A_240 = tpu.vector_load %arg16[%swap3A_238, %swap3A_239] {strides = array<i32>} : memref<80x128xf32, #tpu.memory_space<vmem>>, vector<16xf32>,
        tpu.vector_store %arg16[%swap3A_238, %swap3A_239], %mul3A_237 {strides = array<i32>} : memref<80x128xf32, #tpu.memory_space<vmem>>, vector<16xf32>,
        %get3A_241 = arith.index_cast %add3A_207 : i32 to index
        %get3A_242 = arith.constant 80 : index
        %get3A_243 = tpu.vector_load %arg16[%get3A_241, %get3A_242] {strides = array<i32>} : memref<80x128xf32, #tpu.memory_space<vmem>>, vector<16xf32>,
        %mul3A_244 = arith.mulf %get3A_243, %gather3A : vector<16xf32>
        %swap3A_245 = arith.index_cast %add3A_207 : i32 to index
        %swap3A_246 = arith.constant 80 : index
        %swap3A_247 = tpu.vector_load %arg16[%swap3A_245, %swap3A_246] {strides = array<i32>} : memref<80x128xf32, #tpu.memory_space<vmem>>, vector<16xf32>,
        tpu.vector_store %arg16[%swap3A_245, %swap3A_246], %mul3A_244 {strides = array<i32>} : memref<80x128xf32, #tpu.memory_space<vmem>>, vector<16xf32>,
        %get3A_248 = arith.index_cast %add3A_207 : i32 to index
        %get3A_249 = arith.constant 96 : index
        %get3A_250 = tpu.vector_load %arg16[%get3A_248, %get3A_249] {strides = array<i32>} : memref<80x128xf32, #tpu.memory_space<vmem>>, vector<16xf32>,
        %mul3A_251 = arith.mulf %get3A_250, %gather3A : vector<16xf32>
        %swap3A_252 = arith.index_cast %add3A_207 : i32 to index
        %swap3A_253 = arith.constant 96 : index
        %swap3A_254 = tpu.vector_load %arg16[%swap3A_252, %swap3A_253] {strides = array<i32>} : memref<80x128xf32, #tpu.memory_space<vmem>>, vector<16xf32>,
        tpu.vector_store %arg16[%swap3A_252, %swap3A_253], %mul3A_251 {strides = array<i32>} : memref<80x128xf32, #tpu.memory_space<vmem>>, vector<16xf32>,
        %get3A_255 = arith.index_cast %add3A_207 : i32 to index
        %get3A_256 = arith.constant 112 : index
        %get3A_257 = tpu.vector_load %arg16[%get3A_255, %get3A_256] {strides = array<i32>} : memref<80x128xf32, #tpu.memory_space<vmem>>, vector<16xf32>,
        %mul3A_258 = arith.mulf %get3A_257, %gather3A : vector<16xf32>
        %swap3A_259 = arith.index_cast %add3A_207 : i32 to index
        %swap3A_260 = arith.constant 112 : index
        %swap3A_261 = tpu.vector_load %arg16[%swap3A_259, %swap3A_260] {strides = array<i32>} : memref<80x128xf32, #tpu.memory_space<vmem>>, vector<16xf32>,
        tpu.vector_store %arg16[%swap3A_259, %swap3A_260], %mul3A_258 {strides = array<i32>} : memref<80x128xf32, #tpu.memory_space<vmem>>, vector<16xf32>,
      }
      %scan3A_126 = arith.constant 80 : i32
      %ge3A = arith.constant 1 : i32
      %ge3A_127 = arith.cmpi sge, %add3A_114, %ge3A : i32
      %convert_element_type3A = arith.extui %ge3A_127 : i1 to i32
      %cond3A = arith.constant 0 : i32
      %cond3A_128 = arith.cmpi ne, %convert_element_type3A, %cond3A : i32
      scf.if %cond3A_128 {
        %dma_wait3A_203 = arith.constant 0 : i32
        %dma_wait3A_204 = arith.constant 0 : i32
        %dma_wait3A_205 = tpu.memref_slice %arg18[%dma_wait3A_203, %dma_wait3A_204] : memref<80x128xf32, #tpu.memory_space<vmem>> -> memref<80x128xf32, #tpu.memory_space<vmem>>
        %dma_wait3A_206 = arith.constant 0 : i32
        %dma_wait3A_207 = arith.constant 0 : i32
        %dma_wait3A_208 = tpu.memref_slice %arg19[%dma_wait3A_206, %dma_wait3A_207] : memref<10000x128xf32, #tpu.memory_space<vmem_shared>> -> memref<10000x128xf32, #tpu.memory_space<vmem_shared>>
        tpu.wait_indirect_dma semaphore(%arg34 : memref<!tpu.dma_semaphore, #tpu.memory_space<semaphore_mem>>) src(%dma_wait3A_205 : memref<80x128xf32, #tpu.memory_space<vmem>>) dst(%dma_wait3A_208 : memref<10000x128xf32, #tpu.memory_space<vmem_shared>>)
      } else {
      }
      %lt3A = arith.constant 123 : i32
      %lt3A_129 = arith.cmpi slt, %add3A_114, %lt3A : i32
      %convert_element_type3A_130 = arith.extui %lt3A_129 : i1 to i32
      %cond3A_131 = arith.constant 0 : i32
      %cond3A_132 = arith.cmpi ne, %convert_element_type3A_130, %cond3A_131 : i32
      scf.if %cond3A_132 {
        %add3A_203 = arith.constant 2 : i32
        %add3A_204 = arith.addi %add3A_114, %add3A_203 : i32
        %mul3A_205 = arith.constant 80 : i32
        %mul3A_206 = arith.muli %add3A_204, %mul3A_205 : i32
        %add3A_207 = arith.addi %mul3A_4, %mul3A_206 : i32
        %dma_start3A_208 = tpu.memref_slice %arg3[%add3A_207] : memref<320000xi32, #tpu.memory_space<hbm>> -> memref<80xi32, #tpu.memory_space<hbm>>
        %dma_start3A_209 = tpu.memref_slice %arg3[%add3A_207] : memref<320000xi32, #tpu.memory_space<hbm>> -> memref<80xi32, #tpu.memory_space<hbm>>
        tpu.enqueue_dma source(%dma_start3A_209 : memref<80xi32, #tpu.memory_space<hbm>>) target(%arg9 : memref<80xi32, #tpu.memory_space<vmem>>) target_semaphore(%arg22 : memref<!tpu.dma_semaphore, #tpu.memory_space<semaphore_mem>>)
        %mul3A_210 = arith.constant 80 : i32
        %mul3A_211 = arith.muli %add3A_204, %mul3A_210 : i32
        %add3A_212 = arith.addi %mul3A_4, %mul3A_211 : i32
        %dma_start3A_213 = tpu.memref_slice %arg4[%add3A_212] : memref<320000xi32, #tpu.memory_space<hbm>> -> memref<80xi32, #tpu.memory_space<hbm>>
        %dma_start3A_214 = tpu.memref_slice %arg4[%add3A_212] : memref<320000xi32, #tpu.memory_space<hbm>> -> memref<80xi32, #tpu.memory_space<hbm>>
        tpu.enqueue_dma source(%dma_start3A_214 : memref<80xi32, #tpu.memory_space<hbm>>) target(%arg12 : memref<80xi32, #tpu.memory_space<vmem>>) target_semaphore(%arg25 : memref<!tpu.dma_semaphore, #tpu.memory_space<semaphore_mem>>)
        %mul3A_215 = arith.constant 80 : i32
        %mul3A_216 = arith.muli %add3A_204, %mul3A_215 : i32
        %add3A_217 = arith.addi %mul3A_4, %mul3A_216 : i32
        %dma_start3A_218 = tpu.memref_slice %arg5[%add3A_217] : memref<320000xf32, #tpu.memory_space<hbm>> -> memref<80xf32, #tpu.memory_space<hbm>>
        %dma_start3A_219 = tpu.memref_slice %arg5[%add3A_217] : memref<320000xf32, #tpu.memory_space<hbm>> -> memref<80xf32, #tpu.memory_space<hbm>>
        tpu.enqueue_dma source(%dma_start3A_219 : memref<80xf32, #tpu.memory_space<hbm>>) target(%arg15 : memref<80xf32, #tpu.memory_space<vmem>>) target_semaphore(%arg28 : memref<!tpu.dma_semaphore, #tpu.memory_space<semaphore_mem>>)
        %dma_wait3A_220 = tpu.memref_slice %arg3[%mul3A_4] : memref<320000xi32, #tpu.memory_space<hbm>> -> memref<80xi32, #tpu.memory_space<hbm>>
        %dma_wait3A_221 = tpu.memref_slice %arg3[%mul3A_4] : memref<320000xi32, #tpu.memory_space<hbm>> -> memref<80xi32, #tpu.memory_space<hbm>>
        tpu.wait_dma2 semaphore(%arg22 : memref<!tpu.dma_semaphore, #tpu.memory_space<semaphore_mem>>) src(%dma_wait3A_221 : memref<80xi32, #tpu.memory_space<hbm>>) dst(%arg9 : memref<80xi32, #tpu.memory_space<vmem>>)
        %dma_start3A_222 = arith.constant 0 : i32
        %dma_start3A_223 = arith.constant 0 : i32
        %dma_start3A_224 = tpu.memref_slice %arg2[%dma_start3A_222, %dma_start3A_223] : memref<10000x128xf32, #tpu.memory_space<hbm>> -> memref<10000x128xf32, #tpu.memory_space<hbm>>
        tpu.enqueue_indirect_dma source(%dma_start3A_224 : memref<10000x128xf32, #tpu.memory_space<hbm>>) target(%arg18 : memref<80x128xf32, #tpu.memory_space<vmem>>) offsets(%arg9 : memref<80xi32, #tpu.memory_space<vmem>>) semaphore(%arg31 : memref<!tpu.dma_semaphore, #tpu.memory_space<semaphore_mem>>)
      } else {
      }
      %dma_start3A_133 = arith.constant 0 : i32
      %dma_start3A_134 = arith.constant 0 : i32
      %dma_start3A_135 = tpu.memref_slice %arg16[%dma_start3A_133, %dma_start3A_134] : memref<80x128xf32, #tpu.memory_space<vmem>> -> memref<80x128xf32, #tpu.memory_space<vmem>>
      %dma_start3A_136 = arith.constant 0 : i32
      %dma_start3A_137 = arith.constant 0 : i32
      %dma_start3A_138 = tpu.memref_slice %arg19[%dma_start3A_136, %dma_start3A_137] : memref<10000x128xf32, #tpu.memory_space<vmem_shared>> -> memref<10000x128xf32, #tpu.memory_space<vmem_shared>>
      tpu.enqueue_indirect_dma source(%dma_start3A_135 : memref<80x128xf32, #tpu.memory_space<vmem>>) target(%dma_start3A_138 : memref<10000x128xf32, #tpu.memory_space<vmem_shared>>) offsets(%arg10 : memref<80xi32, #tpu.memory_space<vmem>>) semaphore(%arg32 : memref<!tpu.dma_semaphore, #tpu.memory_space<semaphore_mem>>) {add = true}
      %mul3A_139 = arith.constant 3 : i32
      %mul3A_140 = arith.muli %add3A_110, %mul3A_139 : i32
      %add3A_141 = arith.constant 1 : i32
      %add3A_142 = arith.addi %mul3A_140, %add3A_141 : i32
      %dma_wait3A_143 = arith.constant 0 : i32
      %dma_wait3A_144 = arith.constant 0 : i32
      %dma_wait3A_145 = tpu.memref_slice %arg2[%dma_wait3A_143, %dma_wait3A_144] : memref<10000x128xf32, #tpu.memory_space<hbm>> -> memref<10000x128xf32, #tpu.memory_space<hbm>>
      tpu.wait_indirect_dma semaphore(%arg30 : memref<!tpu.dma_semaphore, #tpu.memory_space<semaphore_mem>>) src(%dma_wait3A_145 : memref<10000x128xf32, #tpu.memory_space<hbm>>) dst(%arg17 : memref<80x128xf32, #tpu.memory_space<vmem>>)
      %dma_wait3A_146 = tpu.memref_slice %arg4[%mul3A_4] : memref<320000xi32, #tpu.memory_space<hbm>> -> memref<80xi32, #tpu.memory_space<hbm>>
      %dma_wait3A_147 = tpu.memref_slice %arg4[%mul3A_4] : memref<320000xi32, #tpu.memory_space<hbm>> -> memref<80xi32, #tpu.memory_space<hbm>>
      tpu.wait_dma2 semaphore(%arg24 : memref<!tpu.dma_semaphore, #tpu.memory_space<semaphore_mem>>) src(%dma_wait3A_147 : memref<80xi32, #tpu.memory_space<hbm>>) dst(%arg11 : memref<80xi32, #tpu.memory_space<vmem>>)
      %dma_wait3A_148 = tpu.memref_slice %arg5[%mul3A_4] : memref<320000xf32, #tpu.memory_space<hbm>> -> memref<80xf32, #tpu.memory_space<hbm>>
      %dma_wait3A_149 = tpu.memref_slice %arg5[%mul3A_4] : memref<320000xf32, #tpu.memory_space<hbm>> -> memref<80xf32, #tpu.memory_space<hbm>>
      tpu.wait_dma2 semaphore(%arg27 : memref<!tpu.dma_semaphore, #tpu.memory_space<semaphore_mem>>) src(%dma_wait3A_149 : memref<80xf32, #tpu.memory_space<hbm>>) dst(%arg14 : memref<80xf32, #tpu.memory_space<vmem>>)
      %scan3A_150 = arith.constant 0 : i32
      %scan3A_151 = arith.constant 80 : i32
      %scan3A_152 = arith.addi %scan3A_150, %scan3A_151 : i32
      %scan3A_153 = arith.constant 1 : i32
      scf.for %scan3A_203 = %scan3A_150 to %scan3A_152 step %scan3A_153  : i32 {
        %mul3A_204 = arith.constant 1 : i32
        %mul3A_205 = arith.muli %scan3A_203, %mul3A_204 : i32
        %add3A_206 = arith.constant 0 : i32
        %add3A_207 = arith.addi %add3A_206, %mul3A_205 : i32
        %broadcast_in_dim3A = vector.broadcast %add3A_207 : i32 to vector<16xi32>
        %gather3A = tpu.vector_load_idx %arg14[%broadcast_in_dim3A] : memref<80xf32, #tpu.memory_space<vmem>>[vector<16xi32>], vector<16xf32>,
        %get3A = arith.index_cast %add3A_207 : i32 to index
        %get3A_208 = arith.constant 0 : index
        %get3A_209 = tpu.vector_load %arg17[%get3A, %get3A_208] {strides = array<i32>} : memref<80x128xf32, #tpu.memory_space<vmem>>, vector<16xf32>,
        %mul3A_210 = arith.mulf %get3A_209, %gather3A : vector<16xf32>
        %swap3A = arith.index_cast %add3A_207 : i32 to index
        %swap3A_211 = arith.constant 0 : index
        %swap3A_212 = tpu.vector_load %arg17[%swap3A, %swap3A_211] {strides = array<i32>} : memref<80x128xf32, #tpu.memory_space<vmem>>, vector<16xf32>,
        tpu.vector_store %arg17[%swap3A, %swap3A_211], %mul3A_210 {strides = array<i32>} : memref<80x128xf32, #tpu.memory_space<vmem>>, vector<16xf32>,
        %get3A_213 = arith.index_cast %add3A_207 : i32 to index
        %get3A_214 = arith.constant 16 : index
        %get3A_215 = tpu.vector_load %arg17[%get3A_213, %get3A_214] {strides = array<i32>} : memref<80x128xf32, #tpu.memory_space<vmem>>, vector<16xf32>,
        %mul3A_216 = arith.mulf %get3A_215, %gather3A : vector<16xf32>
        %swap3A_217 = arith.index_cast %add3A_207 : i32 to index
        %swap3A_218 = arith.constant 16 : index
        %swap3A_219 = tpu.vector_load %arg17[%swap3A_217, %swap3A_218] {strides = array<i32>} : memref<80x128xf32, #tpu.memory_space<vmem>>, vector<16xf32>,
        tpu.vector_store %arg17[%swap3A_217, %swap3A_218], %mul3A_216 {strides = array<i32>} : memref<80x128xf32, #tpu.memory_space<vmem>>, vector<16xf32>,
        %get3A_220 = arith.index_cast %add3A_207 : i32 to index
        %get3A_221 = arith.constant 32 : index
        %get3A_222 = tpu.vector_load %arg17[%get3A_220, %get3A_221] {strides = array<i32>} : memref<80x128xf32, #tpu.memory_space<vmem>>, vector<16xf32>,
        %mul3A_223 = arith.mulf %get3A_222, %gather3A : vector<16xf32>
        %swap3A_224 = arith.index_cast %add3A_207 : i32 to index
        %swap3A_225 = arith.constant 32 : index
        %swap3A_226 = tpu.vector_load %arg17[%swap3A_224, %swap3A_225] {strides = array<i32>} : memref<80x128xf32, #tpu.memory_space<vmem>>, vector<16xf32>,
        tpu.vector_store %arg17[%swap3A_224, %swap3A_225], %mul3A_223 {strides = array<i32>} : memref<80x128xf32, #tpu.memory_space<vmem>>, vector<16xf32>,
        %get3A_227 = arith.index_cast %add3A_207 : i32 to index
        %get3A_228 = arith.constant 48 : index
        %get3A_229 = tpu.vector_load %arg17[%get3A_227, %get3A_228] {strides = array<i32>} : memref<80x128xf32, #tpu.memory_space<vmem>>, vector<16xf32>,
        %mul3A_230 = arith.mulf %get3A_229, %gather3A : vector<16xf32>
        %swap3A_231 = arith.index_cast %add3A_207 : i32 to index
        %swap3A_232 = arith.constant 48 : index
        %swap3A_233 = tpu.vector_load %arg17[%swap3A_231, %swap3A_232] {strides = array<i32>} : memref<80x128xf32, #tpu.memory_space<vmem>>, vector<16xf32>,
        tpu.vector_store %arg17[%swap3A_231, %swap3A_232], %mul3A_230 {strides = array<i32>} : memref<80x128xf32, #tpu.memory_space<vmem>>, vector<16xf32>,
        %get3A_234 = arith.index_cast %add3A_207 : i32 to index
        %get3A_235 = arith.constant 64 : index
        %get3A_236 = tpu.vector_load %arg17[%get3A_234, %get3A_235] {strides = array<i32>} : memref<80x128xf32, #tpu.memory_space<vmem>>, vector<16xf32>,
        %mul3A_237 = arith.mulf %get3A_236, %gather3A : vector<16xf32>
        %swap3A_238 = arith.index_cast %add3A_207 : i32 to index
        %swap3A_239 = arith.constant 64 : index
        %swap3A_240 = tpu.vector_load %arg17[%swap3A_238, %swap3A_239] {strides = array<i32>} : memref<80x128xf32, #tpu.memory_space<vmem>>, vector<16xf32>,
        tpu.vector_store %arg17[%swap3A_238, %swap3A_239], %mul3A_237 {strides = array<i32>} : memref<80x128xf32, #tpu.memory_space<vmem>>, vector<16xf32>,
        %get3A_241 = arith.index_cast %add3A_207 : i32 to index
        %get3A_242 = arith.constant 80 : index
        %get3A_243 = tpu.vector_load %arg17[%get3A_241, %get3A_242] {strides = array<i32>} : memref<80x128xf32, #tpu.memory_space<vmem>>, vector<16xf32>,
        %mul3A_244 = arith.mulf %get3A_243, %gather3A : vector<16xf32>
        %swap3A_245 = arith.index_cast %add3A_207 : i32 to index
        %swap3A_246 = arith.constant 80 : index
        %swap3A_247 = tpu.vector_load %arg17[%swap3A_245, %swap3A_246] {strides = array<i32>} : memref<80x128xf32, #tpu.memory_space<vmem>>, vector<16xf32>,
        tpu.vector_store %arg17[%swap3A_245, %swap3A_246], %mul3A_244 {strides = array<i32>} : memref<80x128xf32, #tpu.memory_space<vmem>>, vector<16xf32>,
        %get3A_248 = arith.index_cast %add3A_207 : i32 to index
        %get3A_249 = arith.constant 96 : index
        %get3A_250 = tpu.vector_load %arg17[%get3A_248, %get3A_249] {strides = array<i32>} : memref<80x128xf32, #tpu.memory_space<vmem>>, vector<16xf32>,
        %mul3A_251 = arith.mulf %get3A_250, %gather3A : vector<16xf32>
        %swap3A_252 = arith.index_cast %add3A_207 : i32 to index
        %swap3A_253 = arith.constant 96 : index
        %swap3A_254 = tpu.vector_load %arg17[%swap3A_252, %swap3A_253] {strides = array<i32>} : memref<80x128xf32, #tpu.memory_space<vmem>>, vector<16xf32>,
        tpu.vector_store %arg17[%swap3A_252, %swap3A_253], %mul3A_251 {strides = array<i32>} : memref<80x128xf32, #tpu.memory_space<vmem>>, vector<16xf32>,
        %get3A_255 = arith.index_cast %add3A_207 : i32 to index
        %get3A_256 = arith.constant 112 : index
        %get3A_257 = tpu.vector_load %arg17[%get3A_255, %get3A_256] {strides = array<i32>} : memref<80x128xf32, #tpu.memory_space<vmem>>, vector<16xf32>,
        %mul3A_258 = arith.mulf %get3A_257, %gather3A : vector<16xf32>
        %swap3A_259 = arith.index_cast %add3A_207 : i32 to index
        %swap3A_260 = arith.constant 112 : index
        %swap3A_261 = tpu.vector_load %arg17[%swap3A_259, %swap3A_260] {strides = array<i32>} : memref<80x128xf32, #tpu.memory_space<vmem>>, vector<16xf32>,
        tpu.vector_store %arg17[%swap3A_259, %swap3A_260], %mul3A_258 {strides = array<i32>} : memref<80x128xf32, #tpu.memory_space<vmem>>, vector<16xf32>,
      }
      %scan3A_154 = arith.constant 80 : i32
      %ge3A_155 = arith.constant 1 : i32
      %ge3A_156 = arith.cmpi sge, %add3A_142, %ge3A_155 : i32
      %convert_element_type3A_157 = arith.extui %ge3A_156 : i1 to i32
      %cond3A_158 = arith.constant 0 : i32
      %cond3A_159 = arith.cmpi ne, %convert_element_type3A_157, %cond3A_158 : i32
      scf.if %cond3A_159 {
        %dma_wait3A_203 = arith.constant 0 : i32
        %dma_wait3A_204 = arith.constant 0 : i32
        %dma_wait3A_205 = tpu.memref_slice %arg16[%dma_wait3A_203, %dma_wait3A_204] : memref<80x128xf32, #tpu.memory_space<vmem>> -> memref<80x128xf32, #tpu.memory_space<vmem>>
        %dma_wait3A_206 = arith.constant 0 : i32
        %dma_wait3A_207 = arith.constant 0 : i32
        %dma_wait3A_208 = tpu.memref_slice %arg19[%dma_wait3A_206, %dma_wait3A_207] : memref<10000x128xf32, #tpu.memory_space<vmem_shared>> -> memref<10000x128xf32, #tpu.memory_space<vmem_shared>>
        tpu.wait_indirect_dma semaphore(%arg32 : memref<!tpu.dma_semaphore, #tpu.memory_space<semaphore_mem>>) src(%dma_wait3A_205 : memref<80x128xf32, #tpu.memory_space<vmem>>) dst(%dma_wait3A_208 : memref<10000x128xf32, #tpu.memory_space<vmem_shared>>)
      } else {
      }
      %lt3A_160 = arith.constant 123 : i32
      %lt3A_161 = arith.cmpi slt, %add3A_142, %lt3A_160 : i32
      %convert_element_type3A_162 = arith.extui %lt3A_161 : i1 to i32
      %cond3A_163 = arith.constant 0 : i32
      %cond3A_164 = arith.cmpi ne, %convert_element_type3A_162, %cond3A_163 : i32
      scf.if %cond3A_164 {
        %add3A_203 = arith.constant 2 : i32
        %add3A_204 = arith.addi %add3A_142, %add3A_203 : i32
        %mul3A_205 = arith.constant 80 : i32
        %mul3A_206 = arith.muli %add3A_204, %mul3A_205 : i32
        %add3A_207 = arith.addi %mul3A_4, %mul3A_206 : i32
        %dma_start3A_208 = tpu.memref_slice %arg3[%add3A_207] : memref<320000xi32, #tpu.memory_space<hbm>> -> memref<80xi32, #tpu.memory_space<hbm>>
        %dma_start3A_209 = tpu.memref_slice %arg3[%add3A_207] : memref<320000xi32, #tpu.memory_space<hbm>> -> memref<80xi32, #tpu.memory_space<hbm>>
        tpu.enqueue_dma source(%dma_start3A_209 : memref<80xi32, #tpu.memory_space<hbm>>) target(%arg7 : memref<80xi32, #tpu.memory_space<vmem>>) target_semaphore(%arg20 : memref<!tpu.dma_semaphore, #tpu.memory_space<semaphore_mem>>)
        %mul3A_210 = arith.constant 80 : i32
        %mul3A_211 = arith.muli %add3A_204, %mul3A_210 : i32
        %add3A_212 = arith.addi %mul3A_4, %mul3A_211 : i32
        %dma_start3A_213 = tpu.memref_slice %arg4[%add3A_212] : memref<320000xi32, #tpu.memory_space<hbm>> -> memref<80xi32, #tpu.memory_space<hbm>>
        %dma_start3A_214 = tpu.memref_slice %arg4[%add3A_212] : memref<320000xi32, #tpu.memory_space<hbm>> -> memref<80xi32, #tpu.memory_space<hbm>>
        tpu.enqueue_dma source(%dma_start3A_214 : memref<80xi32, #tpu.memory_space<hbm>>) target(%arg10 : memref<80xi32, #tpu.memory_space<vmem>>) target_semaphore(%arg23 : memref<!tpu.dma_semaphore, #tpu.memory_space<semaphore_mem>>)
        %mul3A_215 = arith.constant 80 : i32
        %mul3A_216 = arith.muli %add3A_204, %mul3A_215 : i32
        %add3A_217 = arith.addi %mul3A_4, %mul3A_216 : i32
        %dma_start3A_218 = tpu.memref_slice %arg5[%add3A_217] : memref<320000xf32, #tpu.memory_space<hbm>> -> memref<80xf32, #tpu.memory_space<hbm>>
        %dma_start3A_219 = tpu.memref_slice %arg5[%add3A_217] : memref<320000xf32, #tpu.memory_space<hbm>> -> memref<80xf32, #tpu.memory_space<hbm>>
        tpu.enqueue_dma source(%dma_start3A_219 : memref<80xf32, #tpu.memory_space<hbm>>) target(%arg13 : memref<80xf32, #tpu.memory_space<vmem>>) target_semaphore(%arg26 : memref<!tpu.dma_semaphore, #tpu.memory_space<semaphore_mem>>)
        %dma_wait3A_220 = tpu.memref_slice %arg3[%mul3A_4] : memref<320000xi32, #tpu.memory_space<hbm>> -> memref<80xi32, #tpu.memory_space<hbm>>
        %dma_wait3A_221 = tpu.memref_slice %arg3[%mul3A_4] : memref<320000xi32, #tpu.memory_space<hbm>> -> memref<80xi32, #tpu.memory_space<hbm>>
        tpu.wait_dma2 semaphore(%arg20 : memref<!tpu.dma_semaphore, #tpu.memory_space<semaphore_mem>>) src(%dma_wait3A_221 : memref<80xi32, #tpu.memory_space<hbm>>) dst(%arg7 : memref<80xi32, #tpu.memory_space<vmem>>)
        %dma_start3A_222 = arith.constant 0 : i32
        %dma_start3A_223 = arith.constant 0 : i32
        %dma_start3A_224 = tpu.memref_slice %arg2[%dma_start3A_222, %dma_start3A_223] : memref<10000x128xf32, #tpu.memory_space<hbm>> -> memref<10000x128xf32, #tpu.memory_space<hbm>>
        tpu.enqueue_indirect_dma source(%dma_start3A_224 : memref<10000x128xf32, #tpu.memory_space<hbm>>) target(%arg16 : memref<80x128xf32, #tpu.memory_space<vmem>>) offsets(%arg7 : memref<80xi32, #tpu.memory_space<vmem>>) semaphore(%arg29 : memref<!tpu.dma_semaphore, #tpu.memory_space<semaphore_mem>>)
      } else {
      }
      %dma_start3A_165 = arith.constant 0 : i32
      %dma_start3A_166 = arith.constant 0 : i32
      %dma_start3A_167 = tpu.memref_slice %arg17[%dma_start3A_165, %dma_start3A_166] : memref<80x128xf32, #tpu.memory_space<vmem>> -> memref<80x128xf32, #tpu.memory_space<vmem>>
      %dma_start3A_168 = arith.constant 0 : i32
      %dma_start3A_169 = arith.constant 0 : i32
      %dma_start3A_170 = tpu.memref_slice %arg19[%dma_start3A_168, %dma_start3A_169] : memref<10000x128xf32, #tpu.memory_space<vmem_shared>> -> memref<10000x128xf32, #tpu.memory_space<vmem_shared>>
      tpu.enqueue_indirect_dma source(%dma_start3A_167 : memref<80x128xf32, #tpu.memory_space<vmem>>) target(%dma_start3A_170 : memref<10000x128xf32, #tpu.memory_space<vmem_shared>>) offsets(%arg11 : memref<80xi32, #tpu.memory_space<vmem>>) semaphore(%arg33 : memref<!tpu.dma_semaphore, #tpu.memory_space<semaphore_mem>>) {add = true}
      %mul3A_171 = arith.constant 3 : i32
      %mul3A_172 = arith.muli %add3A_110, %mul3A_171 : i32
      %add3A_173 = arith.constant 2 : i32
      %add3A_174 = arith.addi %mul3A_172, %add3A_173 : i32
      %dma_wait3A_175 = arith.constant 0 : i32
      %dma_wait3A_176 = arith.constant 0 : i32
      %dma_wait3A_177 = tpu.memref_slice %arg2[%dma_wait3A_175, %dma_wait3A_176] : memref<10000x128xf32, #tpu.memory_space<hbm>> -> memref<10000x128xf32, #tpu.memory_space<hbm>>
      tpu.wait_indirect_dma semaphore(%arg31 : memref<!tpu.dma_semaphore, #tpu.memory_space<semaphore_mem>>) src(%dma_wait3A_177 : memref<10000x128xf32, #tpu.memory_space<hbm>>) dst(%arg18 : memref<80x128xf32, #tpu.memory_space<vmem>>)
      %dma_wait3A_178 = tpu.memref_slice %arg4[%mul3A_4] : memref<320000xi32, #tpu.memory_space<hbm>> -> memref<80xi32, #tpu.memory_space<hbm>>
      %dma_wait3A_179 = tpu.memref_slice %arg4[%mul3A_4] : memref<320000xi32, #tpu.memory_space<hbm>> -> memref<80xi32, #tpu.memory_space<hbm>>
      tpu.wait_dma2 semaphore(%arg25 : memref<!tpu.dma_semaphore, #tpu.memory_space<semaphore_mem>>) src(%dma_wait3A_179 : memref<80xi32, #tpu.memory_space<hbm>>) dst(%arg12 : memref<80xi32, #tpu.memory_space<vmem>>)
      %dma_wait3A_180 = tpu.memref_slice %arg5[%mul3A_4] : memref<320000xf32, #tpu.memory_space<hbm>> -> memref<80xf32, #tpu.memory_space<hbm>>
      %dma_wait3A_181 = tpu.memref_slice %arg5[%mul3A_4] : memref<320000xf32, #tpu.memory_space<hbm>> -> memref<80xf32, #tpu.memory_space<hbm>>
      tpu.wait_dma2 semaphore(%arg28 : memref<!tpu.dma_semaphore, #tpu.memory_space<semaphore_mem>>) src(%dma_wait3A_181 : memref<80xf32, #tpu.memory_space<hbm>>) dst(%arg15 : memref<80xf32, #tpu.memory_space<vmem>>)
      %scan3A_182 = arith.constant 0 : i32
      %scan3A_183 = arith.constant 80 : i32
      %scan3A_184 = arith.addi %scan3A_182, %scan3A_183 : i32
      %scan3A_185 = arith.constant 1 : i32
      scf.for %scan3A_203 = %scan3A_182 to %scan3A_184 step %scan3A_185  : i32 {
        %mul3A_204 = arith.constant 1 : i32
        %mul3A_205 = arith.muli %scan3A_203, %mul3A_204 : i32
        %add3A_206 = arith.constant 0 : i32
        %add3A_207 = arith.addi %add3A_206, %mul3A_205 : i32
        %broadcast_in_dim3A = vector.broadcast %add3A_207 : i32 to vector<16xi32>
        %gather3A = tpu.vector_load_idx %arg15[%broadcast_in_dim3A] : memref<80xf32, #tpu.memory_space<vmem>>[vector<16xi32>], vector<16xf32>,
        %get3A = arith.index_cast %add3A_207 : i32 to index
        %get3A_208 = arith.constant 0 : index
        %get3A_209 = tpu.vector_load %arg18[%get3A, %get3A_208] {strides = array<i32>} : memref<80x128xf32, #tpu.memory_space<vmem>>, vector<16xf32>,
        %mul3A_210 = arith.mulf %get3A_209, %gather3A : vector<16xf32>
        %swap3A = arith.index_cast %add3A_207 : i32 to index
        %swap3A_211 = arith.constant 0 : index
        %swap3A_212 = tpu.vector_load %arg18[%swap3A, %swap3A_211] {strides = array<i32>} : memref<80x128xf32, #tpu.memory_space<vmem>>, vector<16xf32>,
        tpu.vector_store %arg18[%swap3A, %swap3A_211], %mul3A_210 {strides = array<i32>} : memref<80x128xf32, #tpu.memory_space<vmem>>, vector<16xf32>,
        %get3A_213 = arith.index_cast %add3A_207 : i32 to index
        %get3A_214 = arith.constant 16 : index
        %get3A_215 = tpu.vector_load %arg18[%get3A_213, %get3A_214] {strides = array<i32>} : memref<80x128xf32, #tpu.memory_space<vmem>>, vector<16xf32>,
        %mul3A_216 = arith.mulf %get3A_215, %gather3A : vector<16xf32>
        %swap3A_217 = arith.index_cast %add3A_207 : i32 to index
        %swap3A_218 = arith.constant 16 : index
        %swap3A_219 = tpu.vector_load %arg18[%swap3A_217, %swap3A_218] {strides = array<i32>} : memref<80x128xf32, #tpu.memory_space<vmem>>, vector<16xf32>,
        tpu.vector_store %arg18[%swap3A_217, %swap3A_218], %mul3A_216 {strides = array<i32>} : memref<80x128xf32, #tpu.memory_space<vmem>>, vector<16xf32>,
        %get3A_220 = arith.index_cast %add3A_207 : i32 to index
        %get3A_221 = arith.constant 32 : index
        %get3A_222 = tpu.vector_load %arg18[%get3A_220, %get3A_221] {strides = array<i32>} : memref<80x128xf32, #tpu.memory_space<vmem>>, vector<16xf32>,
        %mul3A_223 = arith.mulf %get3A_222, %gather3A : vector<16xf32>
        %swap3A_224 = arith.index_cast %add3A_207 : i32 to index
        %swap3A_225 = arith.constant 32 : index
        %swap3A_226 = tpu.vector_load %arg18[%swap3A_224, %swap3A_225] {strides = array<i32>} : memref<80x128xf32, #tpu.memory_space<vmem>>, vector<16xf32>,
        tpu.vector_store %arg18[%swap3A_224, %swap3A_225], %mul3A_223 {strides = array<i32>} : memref<80x128xf32, #tpu.memory_space<vmem>>, vector<16xf32>,
        %get3A_227 = arith.index_cast %add3A_207 : i32 to index
        %get3A_228 = arith.constant 48 : index
        %get3A_229 = tpu.vector_load %arg18[%get3A_227, %get3A_228] {strides = array<i32>} : memref<80x128xf32, #tpu.memory_space<vmem>>, vector<16xf32>,
        %mul3A_230 = arith.mulf %get3A_229, %gather3A : vector<16xf32>
        %swap3A_231 = arith.index_cast %add3A_207 : i32 to index
        %swap3A_232 = arith.constant 48 : index
        %swap3A_233 = tpu.vector_load %arg18[%swap3A_231, %swap3A_232] {strides = array<i32>} : memref<80x128xf32, #tpu.memory_space<vmem>>, vector<16xf32>,
        tpu.vector_store %arg18[%swap3A_231, %swap3A_232], %mul3A_230 {strides = array<i32>} : memref<80x128xf32, #tpu.memory_space<vmem>>, vector<16xf32>,
        %get3A_234 = arith.index_cast %add3A_207 : i32 to index
        %get3A_235 = arith.constant 64 : index
        %get3A_236 = tpu.vector_load %arg18[%get3A_234, %get3A_235] {strides = array<i32>} : memref<80x128xf32, #tpu.memory_space<vmem>>, vector<16xf32>,
        %mul3A_237 = arith.mulf %get3A_236, %gather3A : vector<16xf32>
        %swap3A_238 = arith.index_cast %add3A_207 : i32 to index
        %swap3A_239 = arith.constant 64 : index
        %swap3A_240 = tpu.vector_load %arg18[%swap3A_238, %swap3A_239] {strides = array<i32>} : memref<80x128xf32, #tpu.memory_space<vmem>>, vector<16xf32>,
        tpu.vector_store %arg18[%swap3A_238, %swap3A_239], %mul3A_237 {strides = array<i32>} : memref<80x128xf32, #tpu.memory_space<vmem>>, vector<16xf32>,
        %get3A_241 = arith.index_cast %add3A_207 : i32 to index
        %get3A_242 = arith.constant 80 : index
        %get3A_243 = tpu.vector_load %arg18[%get3A_241, %get3A_242] {strides = array<i32>} : memref<80x128xf32, #tpu.memory_space<vmem>>, vector<16xf32>,
        %mul3A_244 = arith.mulf %get3A_243, %gather3A : vector<16xf32>
        %swap3A_245 = arith.index_cast %add3A_207 : i32 to index
        %swap3A_246 = arith.constant 80 : index
        %swap3A_247 = tpu.vector_load %arg18[%swap3A_245, %swap3A_246] {strides = array<i32>} : memref<80x128xf32, #tpu.memory_space<vmem>>, vector<16xf32>,
        tpu.vector_store %arg18[%swap3A_245, %swap3A_246], %mul3A_244 {strides = array<i32>} : memref<80x128xf32, #tpu.memory_space<vmem>>, vector<16xf32>,
        %get3A_248 = arith.index_cast %add3A_207 : i32 to index
        %get3A_249 = arith.constant 96 : index
        %get3A_250 = tpu.vector_load %arg18[%get3A_248, %get3A_249] {strides = array<i32>} : memref<80x128xf32, #tpu.memory_space<vmem>>, vector<16xf32>,
        %mul3A_251 = arith.mulf %get3A_250, %gather3A : vector<16xf32>
        %swap3A_252 = arith.index_cast %add3A_207 : i32 to index
        %swap3A_253 = arith.constant 96 : index
        %swap3A_254 = tpu.vector_load %arg18[%swap3A_252, %swap3A_253] {strides = array<i32>} : memref<80x128xf32, #tpu.memory_space<vmem>>, vector<16xf32>,
        tpu.vector_store %arg18[%swap3A_252, %swap3A_253], %mul3A_251 {strides = array<i32>} : memref<80x128xf32, #tpu.memory_space<vmem>>, vector<16xf32>,
        %get3A_255 = arith.index_cast %add3A_207 : i32 to index
        %get3A_256 = arith.constant 112 : index
        %get3A_257 = tpu.vector_load %arg18[%get3A_255, %get3A_256] {strides = array<i32>} : memref<80x128xf32, #tpu.memory_space<vmem>>, vector<16xf32>,
        %mul3A_258 = arith.mulf %get3A_257, %gather3A : vector<16xf32>
        %swap3A_259 = arith.index_cast %add3A_207 : i32 to index
        %swap3A_260 = arith.constant 112 : index
        %swap3A_261 = tpu.vector_load %arg18[%swap3A_259, %swap3A_260] {strides = array<i32>} : memref<80x128xf32, #tpu.memory_space<vmem>>, vector<16xf32>,
        tpu.vector_store %arg18[%swap3A_259, %swap3A_260], %mul3A_258 {strides = array<i32>} : memref<80x128xf32, #tpu.memory_space<vmem>>, vector<16xf32>,
      }
      %scan3A_186 = arith.constant 80 : i32
      %ge3A_187 = arith.constant 1 : i32
      %ge3A_188 = arith.cmpi sge, %add3A_174, %ge3A_187 : i32
      %convert_element_type3A_189 = arith.extui %ge3A_188 : i1 to i32
      %cond3A_190 = arith.constant 0 : i32
      %cond3A_191 = arith.cmpi ne, %convert_element_type3A_189, %cond3A_190 : i32
      scf.if %cond3A_191 {
        %dma_wait3A_203 = arith.constant 0 : i32
        %dma_wait3A_204 = arith.constant 0 : i32
        %dma_wait3A_205 = tpu.memref_slice %arg17[%dma_wait3A_203, %dma_wait3A_204] : memref<80x128xf32, #tpu.memory_space<vmem>> -> memref<80x128xf32, #tpu.memory_space<vmem>>
        %dma_wait3A_206 = arith.constant 0 : i32
        %dma_wait3A_207 = arith.constant 0 : i32
        %dma_wait3A_208 = tpu.memref_slice %arg19[%dma_wait3A_206, %dma_wait3A_207] : memref<10000x128xf32, #tpu.memory_space<vmem_shared>> -> memref<10000x128xf32, #tpu.memory_space<vmem_shared>>
        tpu.wait_indirect_dma semaphore(%arg33 : memref<!tpu.dma_semaphore, #tpu.memory_space<semaphore_mem>>) src(%dma_wait3A_205 : memref<80x128xf32, #tpu.memory_space<vmem>>) dst(%dma_wait3A_208 : memref<10000x128xf32, #tpu.memory_space<vmem_shared>>)
      } else {
      }
      %lt3A_192 = arith.constant 123 : i32
      %lt3A_193 = arith.cmpi slt, %add3A_174, %lt3A_192 : i32
      %convert_element_type3A_194 = arith.extui %lt3A_193 : i1 to i32
      %cond3A_195 = arith.constant 0 : i32
      %cond3A_196 = arith.cmpi ne, %convert_element_type3A_194, %cond3A_195 : i32
      scf.if %cond3A_196 {
        %add3A_203 = arith.constant 2 : i32
        %add3A_204 = arith.addi %add3A_174, %add3A_203 : i32
        %mul3A_205 = arith.constant 80 : i32
        %mul3A_206 = arith.muli %add3A_204, %mul3A_205 : i32
        %add3A_207 = arith.addi %mul3A_4, %mul3A_206 : i32
        %dma_start3A_208 = tpu.memref_slice %arg3[%add3A_207] : memref<320000xi32, #tpu.memory_space<hbm>> -> memref<80xi32, #tpu.memory_space<hbm>>
        %dma_start3A_209 = tpu.memref_slice %arg3[%add3A_207] : memref<320000xi32, #tpu.memory_space<hbm>> -> memref<80xi32, #tpu.memory_space<hbm>>
        tpu.enqueue_dma source(%dma_start3A_209 : memref<80xi32, #tpu.memory_space<hbm>>) target(%arg8 : memref<80xi32, #tpu.memory_space<vmem>>) target_semaphore(%arg21 : memref<!tpu.dma_semaphore, #tpu.memory_space<semaphore_mem>>)
        %mul3A_210 = arith.constant 80 : i32
        %mul3A_211 = arith.muli %add3A_204, %mul3A_210 : i32
        %add3A_212 = arith.addi %mul3A_4, %mul3A_211 : i32
        %dma_start3A_213 = tpu.memref_slice %arg4[%add3A_212] : memref<320000xi32, #tpu.memory_space<hbm>> -> memref<80xi32, #tpu.memory_space<hbm>>
        %dma_start3A_214 = tpu.memref_slice %arg4[%add3A_212] : memref<320000xi32, #tpu.memory_space<hbm>> -> memref<80xi32, #tpu.memory_space<hbm>>
        tpu.enqueue_dma source(%dma_start3A_214 : memref<80xi32, #tpu.memory_space<hbm>>) target(%arg11 : memref<80xi32, #tpu.memory_space<vmem>>) target_semaphore(%arg24 : memref<!tpu.dma_semaphore, #tpu.memory_space<semaphore_mem>>)
        %mul3A_215 = arith.constant 80 : i32
        %mul3A_216 = arith.muli %add3A_204, %mul3A_215 : i32
        %add3A_217 = arith.addi %mul3A_4, %mul3A_216 : i32
        %dma_start3A_218 = tpu.memref_slice %arg5[%add3A_217] : memref<320000xf32, #tpu.memory_space<hbm>> -> memref<80xf32, #tpu.memory_space<hbm>>
        %dma_start3A_219 = tpu.memref_slice %arg5[%add3A_217] : memref<320000xf32, #tpu.memory_space<hbm>> -> memref<80xf32, #tpu.memory_space<hbm>>
        tpu.enqueue_dma source(%dma_start3A_219 : memref<80xf32, #tpu.memory_space<hbm>>) target(%arg14 : memref<80xf32, #tpu.memory_space<vmem>>) target_semaphore(%arg27 : memref<!tpu.dma_semaphore, #tpu.memory_space<semaphore_mem>>)
        %dma_wait3A_220 = tpu.memref_slice %arg3[%mul3A_4] : memref<320000xi32, #tpu.memory_space<hbm>> -> memref<80xi32, #tpu.memory_space<hbm>>
        %dma_wait3A_221 = tpu.memref_slice %arg3[%mul3A_4] : memref<320000xi32, #tpu.memory_space<hbm>> -> memref<80xi32, #tpu.memory_space<hbm>>
        tpu.wait_dma2 semaphore(%arg21 : memref<!tpu.dma_semaphore, #tpu.memory_space<semaphore_mem>>) src(%dma_wait3A_221 : memref<80xi32, #tpu.memory_space<hbm>>) dst(%arg8 : memref<80xi32, #tpu.memory_space<vmem>>)
        %dma_start3A_222 = arith.constant 0 : i32
        %dma_start3A_223 = arith.constant 0 : i32
        %dma_start3A_224 = tpu.memref_slice %arg2[%dma_start3A_222, %dma_start3A_223] : memref<10000x128xf32, #tpu.memory_space<hbm>> -> memref<10000x128xf32, #tpu.memory_space<hbm>>
        tpu.enqueue_indirect_dma source(%dma_start3A_224 : memref<10000x128xf32, #tpu.memory_space<hbm>>) target(%arg17 : memref<80x128xf32, #tpu.memory_space<vmem>>) offsets(%arg8 : memref<80xi32, #tpu.memory_space<vmem>>) semaphore(%arg30 : memref<!tpu.dma_semaphore, #tpu.memory_space<semaphore_mem>>)
      } else {
      }
      %dma_start3A_197 = arith.constant 0 : i32
      %dma_start3A_198 = arith.constant 0 : i32
      %dma_start3A_199 = tpu.memref_slice %arg18[%dma_start3A_197, %dma_start3A_198] : memref<80x128xf32, #tpu.memory_space<vmem>> -> memref<80x128xf32, #tpu.memory_space<vmem>>
      %dma_start3A_200 = arith.constant 0 : i32
      %dma_start3A_201 = arith.constant 0 : i32
      %dma_start3A_202 = tpu.memref_slice %arg19[%dma_start3A_200, %dma_start3A_201] : memref<10000x128xf32, #tpu.memory_space<vmem_shared>> -> memref<10000x128xf32, #tpu.memory_space<vmem_shared>>
      tpu.enqueue_indirect_dma source(%dma_start3A_199 : memref<80x128xf32, #tpu.memory_space<vmem>>) target(%dma_start3A_202 : memref<10000x128xf32, #tpu.memory_space<vmem_shared>>) offsets(%arg12 : memref<80xi32, #tpu.memory_space<vmem>>) semaphore(%arg34 : memref<!tpu.dma_semaphore, #tpu.memory_space<semaphore_mem>>) {add = true}
    }
    %scan3A_50 = arith.constant 41 : i32
    %dma_wait3A_51 = arith.constant 0 : i32
    %dma_wait3A_52 = arith.constant 0 : i32
    %dma_wait3A_53 = tpu.memref_slice %arg2[%dma_wait3A_51, %dma_wait3A_52] : memref<10000x128xf32, #tpu.memory_space<hbm>> -> memref<10000x128xf32, #tpu.memory_space<hbm>>
    tpu.wait_indirect_dma semaphore(%arg29 : memref<!tpu.dma_semaphore, #tpu.memory_space<semaphore_mem>>) src(%dma_wait3A_53 : memref<10000x128xf32, #tpu.memory_space<hbm>>) dst(%arg16 : memref<80x128xf32, #tpu.memory_space<vmem>>)
    %dma_wait3A_54 = tpu.memref_slice %arg4[%mul3A_4] : memref<320000xi32, #tpu.memory_space<hbm>> -> memref<80xi32, #tpu.memory_space<hbm>>
    %dma_wait3A_55 = tpu.memref_slice %arg4[%mul3A_4] : memref<320000xi32, #tpu.memory_space<hbm>> -> memref<80xi32, #tpu.memory_space<hbm>>
    tpu.wait_dma2 semaphore(%arg23 : memref<!tpu.dma_semaphore, #tpu.memory_space<semaphore_mem>>) src(%dma_wait3A_55 : memref<80xi32, #tpu.memory_space<hbm>>) dst(%arg10 : memref<80xi32, #tpu.memory_space<vmem>>)
    %dma_wait3A_56 = tpu.memref_slice %arg5[%mul3A_4] : memref<320000xf32, #tpu.memory_space<hbm>> -> memref<80xf32, #tpu.memory_space<hbm>>
    %dma_wait3A_57 = tpu.memref_slice %arg5[%mul3A_4] : memref<320000xf32, #tpu.memory_space<hbm>> -> memref<80xf32, #tpu.memory_space<hbm>>
    tpu.wait_dma2 semaphore(%arg26 : memref<!tpu.dma_semaphore, #tpu.memory_space<semaphore_mem>>) src(%dma_wait3A_57 : memref<80xf32, #tpu.memory_space<hbm>>) dst(%arg13 : memref<80xf32, #tpu.memory_space<vmem>>)
    %scan3A_58 = arith.constant 0 : i32
    %scan3A_59 = arith.constant 80 : i32
    %scan3A_60 = arith.addi %scan3A_58, %scan3A_59 : i32
    %scan3A_61 = arith.constant 1 : i32
    scf.for %scan3A_106 = %scan3A_58 to %scan3A_60 step %scan3A_61  : i32 {
      %mul3A_107 = arith.constant 1 : i32
      %mul3A_108 = arith.muli %scan3A_106, %mul3A_107 : i32
      %add3A_109 = arith.constant 0 : i32
      %add3A_110 = arith.addi %add3A_109, %mul3A_108 : i32
      %broadcast_in_dim3A = vector.broadcast %add3A_110 : i32 to vector<16xi32>
      %gather3A = tpu.vector_load_idx %arg13[%broadcast_in_dim3A] : memref<80xf32, #tpu.memory_space<vmem>>[vector<16xi32>], vector<16xf32>,
      %get3A = arith.index_cast %add3A_110 : i32 to index
      %get3A_111 = arith.constant 0 : index
      %get3A_112 = tpu.vector_load %arg16[%get3A, %get3A_111] {strides = array<i32>} : memref<80x128xf32, #tpu.memory_space<vmem>>, vector<16xf32>,
      %mul3A_113 = arith.mulf %get3A_112, %gather3A : vector<16xf32>
      %swap3A = arith.index_cast %add3A_110 : i32 to index
      %swap3A_114 = arith.constant 0 : index
      %swap3A_115 = tpu.vector_load %arg16[%swap3A, %swap3A_114] {strides = array<i32>} : memref<80x128xf32, #tpu.memory_space<vmem>>, vector<16xf32>,
      tpu.vector_store %arg16[%swap3A, %swap3A_114], %mul3A_113 {strides = array<i32>} : memref<80x128xf32, #tpu.memory_space<vmem>>, vector<16xf32>,
      %get3A_116 = arith.index_cast %add3A_110 : i32 to index
      %get3A_117 = arith.constant 16 : index
      %get3A_118 = tpu.vector_load %arg16[%get3A_116, %get3A_117] {strides = array<i32>} : memref<80x128xf32, #tpu.memory_space<vmem>>, vector<16xf32>,
      %mul3A_119 = arith.mulf %get3A_118, %gather3A : vector<16xf32>
      %swap3A_120 = arith.index_cast %add3A_110 : i32 to index
      %swap3A_121 = arith.constant 16 : index
      %swap3A_122 = tpu.vector_load %arg16[%swap3A_120, %swap3A_121] {strides = array<i32>} : memref<80x128xf32, #tpu.memory_space<vmem>>, vector<16xf32>,
      tpu.vector_store %arg16[%swap3A_120, %swap3A_121], %mul3A_119 {strides = array<i32>} : memref<80x128xf32, #tpu.memory_space<vmem>>, vector<16xf32>,
      %get3A_123 = arith.index_cast %add3A_110 : i32 to index
      %get3A_124 = arith.constant 32 : index
      %get3A_125 = tpu.vector_load %arg16[%get3A_123, %get3A_124] {strides = array<i32>} : memref<80x128xf32, #tpu.memory_space<vmem>>, vector<16xf32>,
      %mul3A_126 = arith.mulf %get3A_125, %gather3A : vector<16xf32>
      %swap3A_127 = arith.index_cast %add3A_110 : i32 to index
      %swap3A_128 = arith.constant 32 : index
      %swap3A_129 = tpu.vector_load %arg16[%swap3A_127, %swap3A_128] {strides = array<i32>} : memref<80x128xf32, #tpu.memory_space<vmem>>, vector<16xf32>,
      tpu.vector_store %arg16[%swap3A_127, %swap3A_128], %mul3A_126 {strides = array<i32>} : memref<80x128xf32, #tpu.memory_space<vmem>>, vector<16xf32>,
      %get3A_130 = arith.index_cast %add3A_110 : i32 to index
      %get3A_131 = arith.constant 48 : index
      %get3A_132 = tpu.vector_load %arg16[%get3A_130, %get3A_131] {strides = array<i32>} : memref<80x128xf32, #tpu.memory_space<vmem>>, vector<16xf32>,
      %mul3A_133 = arith.mulf %get3A_132, %gather3A : vector<16xf32>
      %swap3A_134 = arith.index_cast %add3A_110 : i32 to index
      %swap3A_135 = arith.constant 48 : index
      %swap3A_136 = tpu.vector_load %arg16[%swap3A_134, %swap3A_135] {strides = array<i32>} : memref<80x128xf32, #tpu.memory_space<vmem>>, vector<16xf32>,
      tpu.vector_store %arg16[%swap3A_134, %swap3A_135], %mul3A_133 {strides = array<i32>} : memref<80x128xf32, #tpu.memory_space<vmem>>, vector<16xf32>,
      %get3A_137 = arith.index_cast %add3A_110 : i32 to index
      %get3A_138 = arith.constant 64 : index
      %get3A_139 = tpu.vector_load %arg16[%get3A_137, %get3A_138] {strides = array<i32>} : memref<80x128xf32, #tpu.memory_space<vmem>>, vector<16xf32>,
      %mul3A_140 = arith.mulf %get3A_139, %gather3A : vector<16xf32>
      %swap3A_141 = arith.index_cast %add3A_110 : i32 to index
      %swap3A_142 = arith.constant 64 : index
      %swap3A_143 = tpu.vector_load %arg16[%swap3A_141, %swap3A_142] {strides = array<i32>} : memref<80x128xf32, #tpu.memory_space<vmem>>, vector<16xf32>,
      tpu.vector_store %arg16[%swap3A_141, %swap3A_142], %mul3A_140 {strides = array<i32>} : memref<80x128xf32, #tpu.memory_space<vmem>>, vector<16xf32>,
      %get3A_144 = arith.index_cast %add3A_110 : i32 to index
      %get3A_145 = arith.constant 80 : index
      %get3A_146 = tpu.vector_load %arg16[%get3A_144, %get3A_145] {strides = array<i32>} : memref<80x128xf32, #tpu.memory_space<vmem>>, vector<16xf32>,
      %mul3A_147 = arith.mulf %get3A_146, %gather3A : vector<16xf32>
      %swap3A_148 = arith.index_cast %add3A_110 : i32 to index
      %swap3A_149 = arith.constant 80 : index
      %swap3A_150 = tpu.vector_load %arg16[%swap3A_148, %swap3A_149] {strides = array<i32>} : memref<80x128xf32, #tpu.memory_space<vmem>>, vector<16xf32>,
      tpu.vector_store %arg16[%swap3A_148, %swap3A_149], %mul3A_147 {strides = array<i32>} : memref<80x128xf32, #tpu.memory_space<vmem>>, vector<16xf32>,
      %get3A_151 = arith.index_cast %add3A_110 : i32 to index
      %get3A_152 = arith.constant 96 : index
      %get3A_153 = tpu.vector_load %arg16[%get3A_151, %get3A_152] {strides = array<i32>} : memref<80x128xf32, #tpu.memory_space<vmem>>, vector<16xf32>,
      %mul3A_154 = arith.mulf %get3A_153, %gather3A : vector<16xf32>
      %swap3A_155 = arith.index_cast %add3A_110 : i32 to index
      %swap3A_156 = arith.constant 96 : index
      %swap3A_157 = tpu.vector_load %arg16[%swap3A_155, %swap3A_156] {strides = array<i32>} : memref<80x128xf32, #tpu.memory_space<vmem>>, vector<16xf32>,
      tpu.vector_store %arg16[%swap3A_155, %swap3A_156], %mul3A_154 {strides = array<i32>} : memref<80x128xf32, #tpu.memory_space<vmem>>, vector<16xf32>,
      %get3A_158 = arith.index_cast %add3A_110 : i32 to index
      %get3A_159 = arith.constant 112 : index
      %get3A_160 = tpu.vector_load %arg16[%get3A_158, %get3A_159] {strides = array<i32>} : memref<80x128xf32, #tpu.memory_space<vmem>>, vector<16xf32>,
      %mul3A_161 = arith.mulf %get3A_160, %gather3A : vector<16xf32>
      %swap3A_162 = arith.index_cast %add3A_110 : i32 to index
      %swap3A_163 = arith.constant 112 : index
      %swap3A_164 = tpu.vector_load %arg16[%swap3A_162, %swap3A_163] {strides = array<i32>} : memref<80x128xf32, #tpu.memory_space<vmem>>, vector<16xf32>,
      tpu.vector_store %arg16[%swap3A_162, %swap3A_163], %mul3A_161 {strides = array<i32>} : memref<80x128xf32, #tpu.memory_space<vmem>>, vector<16xf32>,
    }
    %scan3A_62 = arith.constant 80 : i32
    %dma_wait3A_63 = arith.constant 0 : i32
    %dma_wait3A_64 = arith.constant 0 : i32
    %dma_wait3A_65 = tpu.memref_slice %arg18[%dma_wait3A_63, %dma_wait3A_64] : memref<80x128xf32, #tpu.memory_space<vmem>> -> memref<80x128xf32, #tpu.memory_space<vmem>>
    %dma_wait3A_66 = arith.constant 0 : i32
    %dma_wait3A_67 = arith.constant 0 : i32
    %dma_wait3A_68 = tpu.memref_slice %arg19[%dma_wait3A_66, %dma_wait3A_67] : memref<10000x128xf32, #tpu.memory_space<vmem_shared>> -> memref<10000x128xf32, #tpu.memory_space<vmem_shared>>
    tpu.wait_indirect_dma semaphore(%arg34 : memref<!tpu.dma_semaphore, #tpu.memory_space<semaphore_mem>>) src(%dma_wait3A_65 : memref<80x128xf32, #tpu.memory_space<vmem>>) dst(%dma_wait3A_68 : memref<10000x128xf32, #tpu.memory_space<vmem_shared>>)
    %dma_start3A_69 = arith.constant 0 : i32
    %dma_start3A_70 = arith.constant 0 : i32
    %dma_start3A_71 = tpu.memref_slice %arg16[%dma_start3A_69, %dma_start3A_70] : memref<80x128xf32, #tpu.memory_space<vmem>> -> memref<80x128xf32, #tpu.memory_space<vmem>>
    %dma_start3A_72 = arith.constant 0 : i32
    %dma_start3A_73 = arith.constant 0 : i32
    %dma_start3A_74 = tpu.memref_slice %arg19[%dma_start3A_72, %dma_start3A_73] : memref<10000x128xf32, #tpu.memory_space<vmem_shared>> -> memref<10000x128xf32, #tpu.memory_space<vmem_shared>>
    tpu.enqueue_indirect_dma source(%dma_start3A_71 : memref<80x128xf32, #tpu.memory_space<vmem>>) target(%dma_start3A_74 : memref<10000x128xf32, #tpu.memory_space<vmem_shared>>) offsets(%arg10 : memref<80xi32, #tpu.memory_space<vmem>>) semaphore(%arg32 : memref<!tpu.dma_semaphore, #tpu.memory_space<semaphore_mem>>) {add = true}
    %dma_wait3A_75 = arith.constant 0 : i32
    %dma_wait3A_76 = arith.constant 0 : i32
    %dma_wait3A_77 = tpu.memref_slice %arg2[%dma_wait3A_75, %dma_wait3A_76] : memref<10000x128xf32, #tpu.memory_space<hbm>> -> memref<10000x128xf32, #tpu.memory_space<hbm>>
    tpu.wait_indirect_dma semaphore(%arg30 : memref<!tpu.dma_semaphore, #tpu.memory_space<semaphore_mem>>) src(%dma_wait3A_77 : memref<10000x128xf32, #tpu.memory_space<hbm>>) dst(%arg17 : memref<80x128xf32, #tpu.memory_space<vmem>>)
    %dma_wait3A_78 = tpu.memref_slice %arg4[%mul3A_4] : memref<320000xi32, #tpu.memory_space<hbm>> -> memref<80xi32, #tpu.memory_space<hbm>>
    %dma_wait3A_79 = tpu.memref_slice %arg4[%mul3A_4] : memref<320000xi32, #tpu.memory_space<hbm>> -> memref<80xi32, #tpu.memory_space<hbm>>
    tpu.wait_dma2 semaphore(%arg24 : memref<!tpu.dma_semaphore, #tpu.memory_space<semaphore_mem>>) src(%dma_wait3A_79 : memref<80xi32, #tpu.memory_space<hbm>>) dst(%arg11 : memref<80xi32, #tpu.memory_space<vmem>>)
    %dma_wait3A_80 = tpu.memref_slice %arg5[%mul3A_4] : memref<320000xf32, #tpu.memory_space<hbm>> -> memref<80xf32, #tpu.memory_space<hbm>>
    %dma_wait3A_81 = tpu.memref_slice %arg5[%mul3A_4] : memref<320000xf32, #tpu.memory_space<hbm>> -> memref<80xf32, #tpu.memory_space<hbm>>
    tpu.wait_dma2 semaphore(%arg27 : memref<!tpu.dma_semaphore, #tpu.memory_space<semaphore_mem>>) src(%dma_wait3A_81 : memref<80xf32, #tpu.memory_space<hbm>>) dst(%arg14 : memref<80xf32, #tpu.memory_space<vmem>>)
    %scan3A_82 = arith.constant 0 : i32
    %scan3A_83 = arith.constant 80 : i32
    %scan3A_84 = arith.addi %scan3A_82, %scan3A_83 : i32
    %scan3A_85 = arith.constant 1 : i32
    scf.for %scan3A_106 = %scan3A_82 to %scan3A_84 step %scan3A_85  : i32 {
      %mul3A_107 = arith.constant 1 : i32
      %mul3A_108 = arith.muli %scan3A_106, %mul3A_107 : i32
      %add3A_109 = arith.constant 0 : i32
      %add3A_110 = arith.addi %add3A_109, %mul3A_108 : i32
      %broadcast_in_dim3A = vector.broadcast %add3A_110 : i32 to vector<16xi32>
      %gather3A = tpu.vector_load_idx %arg14[%broadcast_in_dim3A] : memref<80xf32, #tpu.memory_space<vmem>>[vector<16xi32>], vector<16xf32>,
      %get3A = arith.index_cast %add3A_110 : i32 to index
      %get3A_111 = arith.constant 0 : index
      %get3A_112 = tpu.vector_load %arg17[%get3A, %get3A_111] {strides = array<i32>} : memref<80x128xf32, #tpu.memory_space<vmem>>, vector<16xf32>,
      %mul3A_113 = arith.mulf %get3A_112, %gather3A : vector<16xf32>
      %swap3A = arith.index_cast %add3A_110 : i32 to index
      %swap3A_114 = arith.constant 0 : index
      %swap3A_115 = tpu.vector_load %arg17[%swap3A, %swap3A_114] {strides = array<i32>} : memref<80x128xf32, #tpu.memory_space<vmem>>, vector<16xf32>,
      tpu.vector_store %arg17[%swap3A, %swap3A_114], %mul3A_113 {strides = array<i32>} : memref<80x128xf32, #tpu.memory_space<vmem>>, vector<16xf32>,
      %get3A_116 = arith.index_cast %add3A_110 : i32 to index
      %get3A_117 = arith.constant 16 : index
      %get3A_118 = tpu.vector_load %arg17[%get3A_116, %get3A_117] {strides = array<i32>} : memref<80x128xf32, #tpu.memory_space<vmem>>, vector<16xf32>,
      %mul3A_119 = arith.mulf %get3A_118, %gather3A : vector<16xf32>
      %swap3A_120 = arith.index_cast %add3A_110 : i32 to index
      %swap3A_121 = arith.constant 16 : index
      %swap3A_122 = tpu.vector_load %arg17[%swap3A_120, %swap3A_121] {strides = array<i32>} : memref<80x128xf32, #tpu.memory_space<vmem>>, vector<16xf32>,
      tpu.vector_store %arg17[%swap3A_120, %swap3A_121], %mul3A_119 {strides = array<i32>} : memref<80x128xf32, #tpu.memory_space<vmem>>, vector<16xf32>,
      %get3A_123 = arith.index_cast %add3A_110 : i32 to index
      %get3A_124 = arith.constant 32 : index
      %get3A_125 = tpu.vector_load %arg17[%get3A_123, %get3A_124] {strides = array<i32>} : memref<80x128xf32, #tpu.memory_space<vmem>>, vector<16xf32>,
      %mul3A_126 = arith.mulf %get3A_125, %gather3A : vector<16xf32>
      %swap3A_127 = arith.index_cast %add3A_110 : i32 to index
      %swap3A_128 = arith.constant 32 : index
      %swap3A_129 = tpu.vector_load %arg17[%swap3A_127, %swap3A_128] {strides = array<i32>} : memref<80x128xf32, #tpu.memory_space<vmem>>, vector<16xf32>,
      tpu.vector_store %arg17[%swap3A_127, %swap3A_128], %mul3A_126 {strides = array<i32>} : memref<80x128xf32, #tpu.memory_space<vmem>>, vector<16xf32>,
      %get3A_130 = arith.index_cast %add3A_110 : i32 to index
      %get3A_131 = arith.constant 48 : index
      %get3A_132 = tpu.vector_load %arg17[%get3A_130, %get3A_131] {strides = array<i32>} : memref<80x128xf32, #tpu.memory_space<vmem>>, vector<16xf32>,
      %mul3A_133 = arith.mulf %get3A_132, %gather3A : vector<16xf32>
      %swap3A_134 = arith.index_cast %add3A_110 : i32 to index
      %swap3A_135 = arith.constant 48 : index
      %swap3A_136 = tpu.vector_load %arg17[%swap3A_134, %swap3A_135] {strides = array<i32>} : memref<80x128xf32, #tpu.memory_space<vmem>>, vector<16xf32>,
      tpu.vector_store %arg17[%swap3A_134, %swap3A_135], %mul3A_133 {strides = array<i32>} : memref<80x128xf32, #tpu.memory_space<vmem>>, vector<16xf32>,
      %get3A_137 = arith.index_cast %add3A_110 : i32 to index
      %get3A_138 = arith.constant 64 : index
      %get3A_139 = tpu.vector_load %arg17[%get3A_137, %get3A_138] {strides = array<i32>} : memref<80x128xf32, #tpu.memory_space<vmem>>, vector<16xf32>,
      %mul3A_140 = arith.mulf %get3A_139, %gather3A : vector<16xf32>
      %swap3A_141 = arith.index_cast %add3A_110 : i32 to index
      %swap3A_142 = arith.constant 64 : index
      %swap3A_143 = tpu.vector_load %arg17[%swap3A_141, %swap3A_142] {strides = array<i32>} : memref<80x128xf32, #tpu.memory_space<vmem>>, vector<16xf32>,
      tpu.vector_store %arg17[%swap3A_141, %swap3A_142], %mul3A_140 {strides = array<i32>} : memref<80x128xf32, #tpu.memory_space<vmem>>, vector<16xf32>,
      %get3A_144 = arith.index_cast %add3A_110 : i32 to index
      %get3A_145 = arith.constant 80 : index
      %get3A_146 = tpu.vector_load %arg17[%get3A_144, %get3A_145] {strides = array<i32>} : memref<80x128xf32, #tpu.memory_space<vmem>>, vector<16xf32>,
      %mul3A_147 = arith.mulf %get3A_146, %gather3A : vector<16xf32>
      %swap3A_148 = arith.index_cast %add3A_110 : i32 to index
      %swap3A_149 = arith.constant 80 : index
      %swap3A_150 = tpu.vector_load %arg17[%swap3A_148, %swap3A_149] {strides = array<i32>} : memref<80x128xf32, #tpu.memory_space<vmem>>, vector<16xf32>,
      tpu.vector_store %arg17[%swap3A_148, %swap3A_149], %mul3A_147 {strides = array<i32>} : memref<80x128xf32, #tpu.memory_space<vmem>>, vector<16xf32>,
      %get3A_151 = arith.index_cast %add3A_110 : i32 to index
      %get3A_152 = arith.constant 96 : index
      %get3A_153 = tpu.vector_load %arg17[%get3A_151, %get3A_152] {strides = array<i32>} : memref<80x128xf32, #tpu.memory_space<vmem>>, vector<16xf32>,
      %mul3A_154 = arith.mulf %get3A_153, %gather3A : vector<16xf32>
      %swap3A_155 = arith.index_cast %add3A_110 : i32 to index
      %swap3A_156 = arith.constant 96 : index
      %swap3A_157 = tpu.vector_load %arg17[%swap3A_155, %swap3A_156] {strides = array<i32>} : memref<80x128xf32, #tpu.memory_space<vmem>>, vector<16xf32>,
      tpu.vector_store %arg17[%swap3A_155, %swap3A_156], %mul3A_154 {strides = array<i32>} : memref<80x128xf32, #tpu.memory_space<vmem>>, vector<16xf32>,
      %get3A_158 = arith.index_cast %add3A_110 : i32 to index
      %get3A_159 = arith.constant 112 : index
      %get3A_160 = tpu.vector_load %arg17[%get3A_158, %get3A_159] {strides = array<i32>} : memref<80x128xf32, #tpu.memory_space<vmem>>, vector<16xf32>,
      %mul3A_161 = arith.mulf %get3A_160, %gather3A : vector<16xf32>
      %swap3A_162 = arith.index_cast %add3A_110 : i32 to index
      %swap3A_163 = arith.constant 112 : index
      %swap3A_164 = tpu.vector_load %arg17[%swap3A_162, %swap3A_163] {strides = array<i32>} : memref<80x128xf32, #tpu.memory_space<vmem>>, vector<16xf32>,
      tpu.vector_store %arg17[%swap3A_162, %swap3A_163], %mul3A_161 {strides = array<i32>} : memref<80x128xf32, #tpu.memory_space<vmem>>, vector<16xf32>,
    }
    %scan3A_86 = arith.constant 80 : i32
    %dma_wait3A_87 = arith.constant 0 : i32
    %dma_wait3A_88 = arith.constant 0 : i32
    %dma_wait3A_89 = tpu.memref_slice %arg16[%dma_wait3A_87, %dma_wait3A_88] : memref<80x128xf32, #tpu.memory_space<vmem>> -> memref<80x128xf32, #tpu.memory_space<vmem>>
    %dma_wait3A_90 = arith.constant 0 : i32
    %dma_wait3A_91 = arith.constant 0 : i32
    %dma_wait3A_92 = tpu.memref_slice %arg19[%dma_wait3A_90, %dma_wait3A_91] : memref<10000x128xf32, #tpu.memory_space<vmem_shared>> -> memref<10000x128xf32, #tpu.memory_space<vmem_shared>>
    tpu.wait_indirect_dma semaphore(%arg32 : memref<!tpu.dma_semaphore, #tpu.memory_space<semaphore_mem>>) src(%dma_wait3A_89 : memref<80x128xf32, #tpu.memory_space<vmem>>) dst(%dma_wait3A_92 : memref<10000x128xf32, #tpu.memory_space<vmem_shared>>)
    %dma_start3A_93 = arith.constant 0 : i32
    %dma_start3A_94 = arith.constant 0 : i32
    %dma_start3A_95 = tpu.memref_slice %arg17[%dma_start3A_93, %dma_start3A_94] : memref<80x128xf32, #tpu.memory_space<vmem>> -> memref<80x128xf32, #tpu.memory_space<vmem>>
    %dma_start3A_96 = arith.constant 0 : i32
    %dma_start3A_97 = arith.constant 0 : i32
    %dma_start3A_98 = tpu.memref_slice %arg19[%dma_start3A_96, %dma_start3A_97] : memref<10000x128xf32, #tpu.memory_space<vmem_shared>> -> memref<10000x128xf32, #tpu.memory_space<vmem_shared>>
    tpu.enqueue_indirect_dma source(%dma_start3A_95 : memref<80x128xf32, #tpu.memory_space<vmem>>) target(%dma_start3A_98 : memref<10000x128xf32, #tpu.memory_space<vmem_shared>>) offsets(%arg11 : memref<80xi32, #tpu.memory_space<vmem>>) semaphore(%arg33 : memref<!tpu.dma_semaphore, #tpu.memory_space<semaphore_mem>>) {add = true}
    %dma_wait3A_99 = arith.constant 0 : i32
    %dma_wait3A_100 = arith.constant 0 : i32
    %dma_wait3A_101 = tpu.memref_slice %arg17[%dma_wait3A_99, %dma_wait3A_100] : memref<80x128xf32, #tpu.memory_space<vmem>> -> memref<80x128xf32, #tpu.memory_space<vmem>>
    %dma_wait3A_102 = arith.constant 0 : i32
    %dma_wait3A_103 = arith.constant 0 : i32
    %dma_wait3A_104 = tpu.memref_slice %arg19[%dma_wait3A_102, %dma_wait3A_103] : memref<10000x128xf32, #tpu.memory_space<vmem_shared>> -> memref<10000x128xf32, #tpu.memory_space<vmem_shared>>
    tpu.wait_indirect_dma semaphore(%arg33 : memref<!tpu.dma_semaphore, #tpu.memory_space<semaphore_mem>>) src(%dma_wait3A_101 : memref<80x128xf32, #tpu.memory_space<vmem>>) dst(%dma_wait3A_104 : memref<10000x128xf32, #tpu.memory_space<vmem_shared>>)
    %barrier3A_105 = arith.constant 0 : index
    tpu.barrier barrier_id(%barrier3A_105)
    "tpu.region"() ({
      %run_scoped3A = tpu.sem_alloc : memref<!tpu.dma_semaphore, #tpu.memory_space<semaphore_mem>>
      %dma_start3A_106 = arith.constant 0 : i32
      %dma_start3A_107 = tpu.memref_slice %arg6[%arg0, %mul3A_2, %dma_start3A_106] : memref<2x10000x128xf32, #tpu.memory_space<hbm>> -> memref<1x640x128xf32, #tpu.memory_space<hbm>>
      %dma_start3A_108 = tpu.memref_squeeze %dma_start3A_107 : memref<1x640x128xf32, #tpu.memory_space<hbm>> -> memref<640x128xf32, #tpu.memory_space<hbm>>
      %dma_start3A_109 = arith.constant 0 : i32
      %dma_start3A_110 = tpu.memref_slice %arg19[%mul3A_2, %dma_start3A_109] : memref<10000x128xf32, #tpu.memory_space<vmem_shared>> -> memref<640x128xf32, #tpu.memory_space<vmem_shared>>
      tpu.enqueue_dma source(%dma_start3A_110 : memref<640x128xf32, #tpu.memory_space<vmem_shared>>) target(%dma_start3A_108 : memref<640x128xf32, #tpu.memory_space<hbm>>) target_semaphore(%run_scoped3A : memref<!tpu.dma_semaphore, #tpu.memory_space<semaphore_mem>>)
      %dma_wait3A_111 = arith.constant 0 : i32
      %dma_wait3A_112 = tpu.memref_slice %arg6[%arg0, %mul3A_2, %dma_wait3A_111] : memref<2x10000x128xf32, #tpu.memory_space<hbm>> -> memref<1x640x128xf32, #tpu.memory_space<hbm>>
      %dma_wait3A_113 = tpu.memref_squeeze %dma_wait3A_112 : memref<1x640x128xf32, #tpu.memory_space<hbm>> -> memref<640x128xf32, #tpu.memory_space<hbm>>
      %dma_wait3A_114 = arith.constant 0 : i32
      %dma_wait3A_115 = tpu.memref_slice %arg19[%mul3A_2, %dma_wait3A_114] : memref<10000x128xf32, #tpu.memory_space<vmem_shared>> -> memref<640x128xf32, #tpu.memory_space<vmem_shared>>
      tpu.wait_dma2 semaphore(%run_scoped3A : memref<!tpu.dma_semaphore, #tpu.memory_space<semaphore_mem>>) src(%dma_wait3A_115 : memref<640x128xf32, #tpu.memory_space<vmem_shared>>) dst(%dma_wait3A_113 : memref<640x128xf32, #tpu.memory_space<hbm>>)
      tpu.yield
    }) : () -> ()
    return
  }
}

#map = affine_map<(d0, d1) -> (0)>
#map1 = affine_map<(d0, d1) -> (0, 0, 0)>
module attributes {stable_mosaic.version = 14 : i64} {
  func.func @k(%arg0: i32, %arg1: i32, %arg2: memref<320000xi32, #tpu.memory_space<hbm>>, %arg3: memref<320000xi32, #tpu.memory_space<hbm>>, %arg4: memref<320000xf32, #tpu.memory_space<hbm>>, %arg5: memref<2x10000x128xf32, #tpu.memory_space<hbm>>, %arg6: memref<80xi32, #tpu.memory_space<vmem>>, %arg7: memref<80xi32, #tpu.memory_space<vmem>>, %arg8: memref<80xi32, #tpu.memory_space<vmem>>, %arg9: memref<80xi32, #tpu.memory_space<vmem>>, %arg10: memref<80xi32, #tpu.memory_space<vmem>>, %arg11: memref<80xi32, #tpu.memory_space<vmem>>, %arg12: memref<80xf32, #tpu.memory_space<vmem>>, %arg13: memref<80xf32, #tpu.memory_space<vmem>>, %arg14: memref<80xf32, #tpu.memory_space<vmem>>, %arg15: memref<80x128xf32, #tpu.memory_space<vmem>>, %arg16: memref<80x128xf32, #tpu.memory_space<vmem>>, %arg17: memref<80x128xf32, #tpu.memory_space<vmem>>, %arg18: memref<10000x128xf32, #tpu.memory_space<vmem_shared>>, %arg19: memref<!tpu.dma_semaphore, #tpu.memory_space<semaphore_mem>>, %arg20: memref<!tpu.dma_semaphore, #tpu.memory_space<semaphore_mem>>, %arg21: memref<!tpu.dma_semaphore, #tpu.memory_space<semaphore_mem>>, %arg22: memref<!tpu.dma_semaphore, #tpu.memory_space<semaphore_mem>>, %arg23: memref<!tpu.dma_semaphore, #tpu.memory_space<semaphore_mem>>, %arg24: memref<!tpu.dma_semaphore, #tpu.memory_space<semaphore_mem>>, %arg25: memref<!tpu.dma_semaphore, #tpu.memory_space<semaphore_mem>>, %arg26: memref<!tpu.dma_semaphore, #tpu.memory_space<semaphore_mem>>, %arg27: memref<!tpu.dma_semaphore, #tpu.memory_space<semaphore_mem>>, %arg28: memref<!tpu.dma_semaphore, #tpu.memory_space<semaphore_mem>>, %arg29: memref<!tpu.dma_semaphore, #tpu.memory_space<semaphore_mem>>, %arg30: memref<!tpu.dma_semaphore, #tpu.memory_space<semaphore_mem>>, %arg31: memref<!tpu.dma_semaphore, #tpu.memory_space<semaphore_mem>>, %arg32: memref<!tpu.dma_semaphore, #tpu.memory_space<semaphore_mem>>, %arg33: memref<!tpu.dma_semaphore, #tpu.memory_space<semaphore_mem>>) attributes {dimension_semantics = [#tpu.dimension_semantics<core_parallel>, #tpu.dimension_semantics<subcore_parallel>], iteration_bounds = array<i64: 2, 16>, scalar_prefetch = 0 : i64, scratch_operands = 28 : i64, tpu.core_type = #tpu.core_type<sc_vector_subcore>, window_params = [{transform_indices = #map}, {transform_indices = #map}, {transform_indices = #map}, {transform_indices = #map1}]} {
    %mul3A = arith.constant 2 : i32
    %mul3A_0 = arith.muli %arg1, %mul3A : i32
    %add3A = arith.addi %mul3A_0, %arg0 : i32
    %mul3A_1 = arith.constant 624 : i32
    %mul3A_2 = arith.muli %arg1, %mul3A_1 : i32
    %mul3A_3 = arith.constant 10000 : i32
    %mul3A_4 = arith.muli %add3A, %mul3A_3 : i32
    %scan3A = arith.constant 0 : i32
    %scan3A_5 = arith.constant 80 : i32
    %scan3A_6 = arith.addi %scan3A, %scan3A_5 : i32
    %scan3A_7 = arith.constant 1 : i32
    scf.for %scan3A_82 = %scan3A to %scan3A_6 step %scan3A_7  : i32 {
      %mul3A_83 = arith.constant 1 : i32
      %mul3A_84 = arith.muli %scan3A_82, %mul3A_83 : i32
      %add3A_85 = arith.constant 0 : i32
      %add3A_86 = arith.addi %add3A_85, %mul3A_84 : i32
      %broadcast_in_dim3A = arith.constant 0.000000e+00 : f32
      %broadcast_in_dim3A_87 = vector.broadcast %broadcast_in_dim3A : f32 to vector<16xf32>
      %swap3A = arith.index_cast %add3A_86 : i32 to index
      %swap3A_88 = arith.constant 0 : index
      %swap3A_89 = tpu.vector_load %arg15[%swap3A, %swap3A_88] {strides = array<i32>} : memref<80x128xf32, #tpu.memory_space<vmem>>, vector<16xf32>,
      tpu.vector_store %arg15[%swap3A, %swap3A_88], %broadcast_in_dim3A_87 {strides = array<i32>} : memref<80x128xf32, #tpu.memory_space<vmem>>, vector<16xf32>,
      %broadcast_in_dim3A_90 = arith.constant 0.000000e+00 : f32
      %broadcast_in_dim3A_91 = vector.broadcast %broadcast_in_dim3A_90 : f32 to vector<16xf32>
      %swap3A_92 = arith.index_cast %add3A_86 : i32 to index
      %swap3A_93 = arith.constant 16 : index
      %swap3A_94 = tpu.vector_load %arg15[%swap3A_92, %swap3A_93] {strides = array<i32>} : memref<80x128xf32, #tpu.memory_space<vmem>>, vector<16xf32>,
      tpu.vector_store %arg15[%swap3A_92, %swap3A_93], %broadcast_in_dim3A_91 {strides = array<i32>} : memref<80x128xf32, #tpu.memory_space<vmem>>, vector<16xf32>,
      %broadcast_in_dim3A_95 = arith.constant 0.000000e+00 : f32
      %broadcast_in_dim3A_96 = vector.broadcast %broadcast_in_dim3A_95 : f32 to vector<16xf32>
      %swap3A_97 = arith.index_cast %add3A_86 : i32 to index
      %swap3A_98 = arith.constant 32 : index
      %swap3A_99 = tpu.vector_load %arg15[%swap3A_97, %swap3A_98] {strides = array<i32>} : memref<80x128xf32, #tpu.memory_space<vmem>>, vector<16xf32>,
      tpu.vector_store %arg15[%swap3A_97, %swap3A_98], %broadcast_in_dim3A_96 {strides = array<i32>} : memref<80x128xf32, #tpu.memory_space<vmem>>, vector<16xf32>,
      %broadcast_in_dim3A_100 = arith.constant 0.000000e+00 : f32
      %broadcast_in_dim3A_101 = vector.broadcast %broadcast_in_dim3A_100 : f32 to vector<16xf32>
      %swap3A_102 = arith.index_cast %add3A_86 : i32 to index
      %swap3A_103 = arith.constant 48 : index
      %swap3A_104 = tpu.vector_load %arg15[%swap3A_102, %swap3A_103] {strides = array<i32>} : memref<80x128xf32, #tpu.memory_space<vmem>>, vector<16xf32>,
      tpu.vector_store %arg15[%swap3A_102, %swap3A_103], %broadcast_in_dim3A_101 {strides = array<i32>} : memref<80x128xf32, #tpu.memory_space<vmem>>, vector<16xf32>,
      %broadcast_in_dim3A_105 = arith.constant 0.000000e+00 : f32
      %broadcast_in_dim3A_106 = vector.broadcast %broadcast_in_dim3A_105 : f32 to vector<16xf32>
      %swap3A_107 = arith.index_cast %add3A_86 : i32 to index
      %swap3A_108 = arith.constant 64 : index
      %swap3A_109 = tpu.vector_load %arg15[%swap3A_107, %swap3A_108] {strides = array<i32>} : memref<80x128xf32, #tpu.memory_space<vmem>>, vector<16xf32>,
      tpu.vector_store %arg15[%swap3A_107, %swap3A_108], %broadcast_in_dim3A_106 {strides = array<i32>} : memref<80x128xf32, #tpu.memory_space<vmem>>, vector<16xf32>,
      %broadcast_in_dim3A_110 = arith.constant 0.000000e+00 : f32
      %broadcast_in_dim3A_111 = vector.broadcast %broadcast_in_dim3A_110 : f32 to vector<16xf32>
      %swap3A_112 = arith.index_cast %add3A_86 : i32 to index
      %swap3A_113 = arith.constant 80 : index
      %swap3A_114 = tpu.vector_load %arg15[%swap3A_112, %swap3A_113] {strides = array<i32>} : memref<80x128xf32, #tpu.memory_space<vmem>>, vector<16xf32>,
      tpu.vector_store %arg15[%swap3A_112, %swap3A_113], %broadcast_in_dim3A_111 {strides = array<i32>} : memref<80x128xf32, #tpu.memory_space<vmem>>, vector<16xf32>,
      %broadcast_in_dim3A_115 = arith.constant 0.000000e+00 : f32
      %broadcast_in_dim3A_116 = vector.broadcast %broadcast_in_dim3A_115 : f32 to vector<16xf32>
      %swap3A_117 = arith.index_cast %add3A_86 : i32 to index
      %swap3A_118 = arith.constant 96 : index
      %swap3A_119 = tpu.vector_load %arg15[%swap3A_117, %swap3A_118] {strides = array<i32>} : memref<80x128xf32, #tpu.memory_space<vmem>>, vector<16xf32>,
      tpu.vector_store %arg15[%swap3A_117, %swap3A_118], %broadcast_in_dim3A_116 {strides = array<i32>} : memref<80x128xf32, #tpu.memory_space<vmem>>, vector<16xf32>,
      %broadcast_in_dim3A_120 = arith.constant 0.000000e+00 : f32
      %broadcast_in_dim3A_121 = vector.broadcast %broadcast_in_dim3A_120 : f32 to vector<16xf32>
      %swap3A_122 = arith.index_cast %add3A_86 : i32 to index
      %swap3A_123 = arith.constant 112 : index
      %swap3A_124 = tpu.vector_load %arg15[%swap3A_122, %swap3A_123] {strides = array<i32>} : memref<80x128xf32, #tpu.memory_space<vmem>>, vector<16xf32>,
      tpu.vector_store %arg15[%swap3A_122, %swap3A_123], %broadcast_in_dim3A_121 {strides = array<i32>} : memref<80x128xf32, #tpu.memory_space<vmem>>, vector<16xf32>,
    }
    %scan3A_8 = arith.constant 80 : i32
    %scan3A_9 = arith.constant 0 : i32
    %scan3A_10 = arith.constant 8 : i32
    %scan3A_11 = arith.addi %scan3A_9, %scan3A_10 : i32
    %scan3A_12 = arith.constant 1 : i32
    scf.for %scan3A_82 = %scan3A_9 to %scan3A_11 step %scan3A_12  : i32 {
      %mul3A_83 = arith.constant 1 : i32
      %mul3A_84 = arith.muli %scan3A_82, %mul3A_83 : i32
      %add3A_85 = arith.constant 0 : i32
      %add3A_86 = arith.addi %add3A_85, %mul3A_84 : i32
      %mul3A_87 = arith.constant 80 : i32
      %mul3A_88 = arith.muli %add3A_86, %mul3A_87 : i32
      %add3A_89 = arith.addi %mul3A_2, %mul3A_88 : i32
      "tpu.region"() ({
        %run_scoped3A = tpu.sem_alloc : memref<!tpu.dma_semaphore, #tpu.memory_space<semaphore_mem>>
        %dma_start3A_90 = arith.constant 0 : i32
        %dma_start3A_91 = arith.constant 0 : i32
        %dma_start3A_92 = tpu.memref_slice %arg15[%dma_start3A_90, %dma_start3A_91] : memref<80x128xf32, #tpu.memory_space<vmem>> -> memref<80x128xf32, #tpu.memory_space<vmem>>
        %dma_start3A_93 = arith.constant 0 : i32
        %dma_start3A_94 = tpu.memref_slice %arg18[%add3A_89, %dma_start3A_93] : memref<10000x128xf32, #tpu.memory_space<vmem_shared>> -> memref<80x128xf32, #tpu.memory_space<vmem_shared>>
        %dma_start3A_95 = arith.constant 0 : i32
        %dma_start3A_96 = tpu.memref_slice %arg18[%add3A_89, %dma_start3A_95] : memref<10000x128xf32, #tpu.memory_space<vmem_shared>> -> memref<80x128xf32, #tpu.memory_space<vmem_shared>>
        %dma_start3A_97 = arith.constant 0 : i32
        %dma_start3A_98 = arith.constant 0 : i32
        %dma_start3A_99 = tpu.memref_slice %arg15[%dma_start3A_97, %dma_start3A_98] : memref<80x128xf32, #tpu.memory_space<vmem>> -> memref<80x128xf32, #tpu.memory_space<vmem>>
        tpu.enqueue_dma source(%dma_start3A_99 : memref<80x128xf32, #tpu.memory_space<vmem>>) target(%dma_start3A_96 : memref<80x128xf32, #tpu.memory_space<vmem_shared>>) target_semaphore(%run_scoped3A : memref<!tpu.dma_semaphore, #tpu.memory_space<semaphore_mem>>)
        %dma_wait3A_100 = arith.constant 0 : i32
        %dma_wait3A_101 = arith.constant 0 : i32
        %dma_wait3A_102 = tpu.memref_slice %arg15[%dma_wait3A_100, %dma_wait3A_101] : memref<80x128xf32, #tpu.memory_space<vmem>> -> memref<80x128xf32, #tpu.memory_space<vmem>>
        %dma_wait3A_103 = arith.constant 0 : i32
        %dma_wait3A_104 = tpu.memref_slice %arg18[%add3A_89, %dma_wait3A_103] : memref<10000x128xf32, #tpu.memory_space<vmem_shared>> -> memref<80x128xf32, #tpu.memory_space<vmem_shared>>
        %dma_wait3A_105 = arith.constant 0 : i32
        %dma_wait3A_106 = tpu.memref_slice %arg18[%add3A_89, %dma_wait3A_105] : memref<10000x128xf32, #tpu.memory_space<vmem_shared>> -> memref<80x128xf32, #tpu.memory_space<vmem_shared>>
        %dma_wait3A_107 = arith.constant 0 : i32
        %dma_wait3A_108 = arith.constant 0 : i32
        %dma_wait3A_109 = tpu.memref_slice %arg15[%dma_wait3A_107, %dma_wait3A_108] : memref<80x128xf32, #tpu.memory_space<vmem>> -> memref<80x128xf32, #tpu.memory_space<vmem>>
        tpu.wait_dma2 semaphore(%run_scoped3A : memref<!tpu.dma_semaphore, #tpu.memory_space<semaphore_mem>>) src(%dma_wait3A_109 : memref<80x128xf32, #tpu.memory_space<vmem>>) dst(%dma_wait3A_106 : memref<80x128xf32, #tpu.memory_space<vmem_shared>>)
        tpu.yield
      }) : () -> ()
    }
    %scan3A_13 = arith.constant 8 : i32
    %barrier3A = arith.constant 0 : index
    tpu.barrier barrier_id(%barrier3A)
    %add3A_14 = arith.constant 0 : i32
    %add3A_15 = arith.addi %mul3A_4, %add3A_14 : i32
    %dma_start3A = tpu.memref_slice %arg3[%add3A_15] : memref<320000xi32, #tpu.memory_space<hbm>> -> memref<80xi32, #tpu.memory_space<hbm>>
    %dma_start3A_16 = tpu.memref_slice %arg3[%add3A_15] : memref<320000xi32, #tpu.memory_space<hbm>> -> memref<80xi32, #tpu.memory_space<hbm>>
    tpu.enqueue_dma source(%dma_start3A_16 : memref<80xi32, #tpu.memory_space<hbm>>) target(%arg9 : memref<80xi32, #tpu.memory_space<vmem>>) target_semaphore(%arg22 : memref<!tpu.dma_semaphore, #tpu.memory_space<semaphore_mem>>)
    %add3A_17 = arith.constant 0 : i32
    %add3A_18 = arith.addi %mul3A_4, %add3A_17 : i32
    %dma_start3A_19 = tpu.memref_slice %arg4[%add3A_18] : memref<320000xf32, #tpu.memory_space<hbm>> -> memref<80xf32, #tpu.memory_space<hbm>>
    %dma_start3A_20 = tpu.memref_slice %arg4[%add3A_18] : memref<320000xf32, #tpu.memory_space<hbm>> -> memref<80xf32, #tpu.memory_space<hbm>>
    tpu.enqueue_dma source(%dma_start3A_20 : memref<80xf32, #tpu.memory_space<hbm>>) target(%arg12 : memref<80xf32, #tpu.memory_space<vmem>>) target_semaphore(%arg25 : memref<!tpu.dma_semaphore, #tpu.memory_space<semaphore_mem>>)
    %add3A_21 = arith.constant 80 : i32
    %add3A_22 = arith.addi %mul3A_4, %add3A_21 : i32
    %dma_start3A_23 = tpu.memref_slice %arg3[%add3A_22] : memref<320000xi32, #tpu.memory_space<hbm>> -> memref<80xi32, #tpu.memory_space<hbm>>
    %dma_start3A_24 = tpu.memref_slice %arg3[%add3A_22] : memref<320000xi32, #tpu.memory_space<hbm>> -> memref<80xi32, #tpu.memory_space<hbm>>
    tpu.enqueue_dma source(%dma_start3A_24 : memref<80xi32, #tpu.memory_space<hbm>>) target(%arg10 : memref<80xi32, #tpu.memory_space<vmem>>) target_semaphore(%arg23 : memref<!tpu.dma_semaphore, #tpu.memory_space<semaphore_mem>>)
    %add3A_25 = arith.constant 80 : i32
    %add3A_26 = arith.addi %mul3A_4, %add3A_25 : i32
    %dma_start3A_27 = tpu.memref_slice %arg4[%add3A_26] : memref<320000xf32, #tpu.memory_space<hbm>> -> memref<80xf32, #tpu.memory_space<hbm>>
    %dma_start3A_28 = tpu.memref_slice %arg4[%add3A_26] : memref<320000xf32, #tpu.memory_space<hbm>> -> memref<80xf32, #tpu.memory_space<hbm>>
    tpu.enqueue_dma source(%dma_start3A_28 : memref<80xf32, #tpu.memory_space<hbm>>) target(%arg13 : memref<80xf32, #tpu.memory_space<vmem>>) target_semaphore(%arg26 : memref<!tpu.dma_semaphore, #tpu.memory_space<semaphore_mem>>)
    %scan3A_29 = arith.constant 0 : i32
    %scan3A_30 = arith.constant 41 : i32
    %scan3A_31 = arith.addi %scan3A_29, %scan3A_30 : i32
    %scan3A_32 = arith.constant 1 : i32
    scf.for %scan3A_82 = %scan3A_29 to %scan3A_31 step %scan3A_32  : i32 {
      %mul3A_83 = arith.constant 1 : i32
      %mul3A_84 = arith.muli %scan3A_82, %mul3A_83 : i32
      %add3A_85 = arith.constant 0 : i32
      %add3A_86 = arith.addi %add3A_85, %mul3A_84 : i32
      %mul3A_87 = arith.constant 3 : i32
      %mul3A_88 = arith.muli %add3A_86, %mul3A_87 : i32
      %add3A_89 = arith.constant 0 : i32
      %add3A_90 = arith.addi %mul3A_88, %add3A_89 : i32
      %dma_wait3A_91 = tpu.memref_slice %arg3[%mul3A_4] : memref<320000xi32, #tpu.memory_space<hbm>> -> memref<80xi32, #tpu.memory_space<hbm>>
      %dma_wait3A_92 = tpu.memref_slice %arg3[%mul3A_4] : memref<320000xi32, #tpu.memory_space<hbm>> -> memref<80xi32, #tpu.memory_space<hbm>>
      tpu.wait_dma2 semaphore(%arg22 : memref<!tpu.dma_semaphore, #tpu.memory_space<semaphore_mem>>) src(%dma_wait3A_92 : memref<80xi32, #tpu.memory_space<hbm>>) dst(%arg9 : memref<80xi32, #tpu.memory_space<vmem>>)
      %dma_wait3A_93 = tpu.memref_slice %arg4[%mul3A_4] : memref<320000xf32, #tpu.memory_space<hbm>> -> memref<80xf32, #tpu.memory_space<hbm>>
      %dma_wait3A_94 = tpu.memref_slice %arg4[%mul3A_4] : memref<320000xf32, #tpu.memory_space<hbm>> -> memref<80xf32, #tpu.memory_space<hbm>>
      tpu.wait_dma2 semaphore(%arg25 : memref<!tpu.dma_semaphore, #tpu.memory_space<semaphore_mem>>) src(%dma_wait3A_94 : memref<80xf32, #tpu.memory_space<hbm>>) dst(%arg12 : memref<80xf32, #tpu.memory_space<vmem>>)
      %scan3A_95 = arith.constant 0 : i32
      %scan3A_96 = arith.constant 80 : i32
      %scan3A_97 = arith.addi %scan3A_95, %scan3A_96 : i32
      %scan3A_98 = arith.constant 1 : i32
      scf.for %scan3A_170 = %scan3A_95 to %scan3A_97 step %scan3A_98  : i32 {
        %mul3A_171 = arith.constant 1 : i32
        %mul3A_172 = arith.muli %scan3A_170, %mul3A_171 : i32
        %add3A_173 = arith.constant 0 : i32
        %add3A_174 = arith.addi %add3A_173, %mul3A_172 : i32
        %broadcast_in_dim3A = vector.broadcast %add3A_174 : i32 to vector<16xi32>
        %gather3A = tpu.vector_load_idx %arg12[%broadcast_in_dim3A] : memref<80xf32, #tpu.memory_space<vmem>>[vector<16xi32>], vector<16xf32>,
        %swap3A = arith.index_cast %add3A_174 : i32 to index
        %swap3A_175 = arith.constant 0 : index
        %swap3A_176 = tpu.vector_load %arg15[%swap3A, %swap3A_175] {strides = array<i32>} : memref<80x128xf32, #tpu.memory_space<vmem>>, vector<16xf32>,
        tpu.vector_store %arg15[%swap3A, %swap3A_175], %gather3A {strides = array<i32>} : memref<80x128xf32, #tpu.memory_space<vmem>>, vector<16xf32>,
        %swap3A_177 = arith.index_cast %add3A_174 : i32 to index
        %swap3A_178 = arith.constant 16 : index
        %swap3A_179 = tpu.vector_load %arg15[%swap3A_177, %swap3A_178] {strides = array<i32>} : memref<80x128xf32, #tpu.memory_space<vmem>>, vector<16xf32>,
        tpu.vector_store %arg15[%swap3A_177, %swap3A_178], %gather3A {strides = array<i32>} : memref<80x128xf32, #tpu.memory_space<vmem>>, vector<16xf32>,
        %swap3A_180 = arith.index_cast %add3A_174 : i32 to index
        %swap3A_181 = arith.constant 32 : index
        %swap3A_182 = tpu.vector_load %arg15[%swap3A_180, %swap3A_181] {strides = array<i32>} : memref<80x128xf32, #tpu.memory_space<vmem>>, vector<16xf32>,
        tpu.vector_store %arg15[%swap3A_180, %swap3A_181], %gather3A {strides = array<i32>} : memref<80x128xf32, #tpu.memory_space<vmem>>, vector<16xf32>,
        %swap3A_183 = arith.index_cast %add3A_174 : i32 to index
        %swap3A_184 = arith.constant 48 : index
        %swap3A_185 = tpu.vector_load %arg15[%swap3A_183, %swap3A_184] {strides = array<i32>} : memref<80x128xf32, #tpu.memory_space<vmem>>, vector<16xf32>,
        tpu.vector_store %arg15[%swap3A_183, %swap3A_184], %gather3A {strides = array<i32>} : memref<80x128xf32, #tpu.memory_space<vmem>>, vector<16xf32>,
        %swap3A_186 = arith.index_cast %add3A_174 : i32 to index
        %swap3A_187 = arith.constant 64 : index
        %swap3A_188 = tpu.vector_load %arg15[%swap3A_186, %swap3A_187] {strides = array<i32>} : memref<80x128xf32, #tpu.memory_space<vmem>>, vector<16xf32>,
        tpu.vector_store %arg15[%swap3A_186, %swap3A_187], %gather3A {strides = array<i32>} : memref<80x128xf32, #tpu.memory_space<vmem>>, vector<16xf32>,
        %swap3A_189 = arith.index_cast %add3A_174 : i32 to index
        %swap3A_190 = arith.constant 80 : index
        %swap3A_191 = tpu.vector_load %arg15[%swap3A_189, %swap3A_190] {strides = array<i32>} : memref<80x128xf32, #tpu.memory_space<vmem>>, vector<16xf32>,
        tpu.vector_store %arg15[%swap3A_189, %swap3A_190], %gather3A {strides = array<i32>} : memref<80x128xf32, #tpu.memory_space<vmem>>, vector<16xf32>,
        %swap3A_192 = arith.index_cast %add3A_174 : i32 to index
        %swap3A_193 = arith.constant 96 : index
        %swap3A_194 = tpu.vector_load %arg15[%swap3A_192, %swap3A_193] {strides = array<i32>} : memref<80x128xf32, #tpu.memory_space<vmem>>, vector<16xf32>,
        tpu.vector_store %arg15[%swap3A_192, %swap3A_193], %gather3A {strides = array<i32>} : memref<80x128xf32, #tpu.memory_space<vmem>>, vector<16xf32>,
        %swap3A_195 = arith.index_cast %add3A_174 : i32 to index
        %swap3A_196 = arith.constant 112 : index
        %swap3A_197 = tpu.vector_load %arg15[%swap3A_195, %swap3A_196] {strides = array<i32>} : memref<80x128xf32, #tpu.memory_space<vmem>>, vector<16xf32>,
        tpu.vector_store %arg15[%swap3A_195, %swap3A_196], %gather3A {strides = array<i32>} : memref<80x128xf32, #tpu.memory_space<vmem>>, vector<16xf32>,
      }
      %scan3A_99 = arith.constant 80 : i32
      %ge3A = arith.constant 1 : i32
      %ge3A_100 = arith.cmpi sge, %add3A_90, %ge3A : i32
      %convert_element_type3A = arith.extui %ge3A_100 : i1 to i32
      %cond3A = arith.constant 0 : i32
      %cond3A_101 = arith.cmpi ne, %convert_element_type3A, %cond3A : i32
      scf.if %cond3A_101 {
        %dma_wait3A_170 = arith.constant 0 : i32
        %dma_wait3A_171 = arith.constant 0 : i32
        %dma_wait3A_172 = tpu.memref_slice %arg17[%dma_wait3A_170, %dma_wait3A_171] : memref<80x128xf32, #tpu.memory_space<vmem>> -> memref<80x128xf32, #tpu.memory_space<vmem>>
        %dma_wait3A_173 = arith.constant 0 : i32
        %dma_wait3A_174 = arith.constant 0 : i32
        %dma_wait3A_175 = tpu.memref_slice %arg18[%dma_wait3A_173, %dma_wait3A_174] : memref<10000x128xf32, #tpu.memory_space<vmem_shared>> -> memref<10000x128xf32, #tpu.memory_space<vmem_shared>>
        tpu.wait_indirect_dma semaphore(%arg33 : memref<!tpu.dma_semaphore, #tpu.memory_space<semaphore_mem>>) src(%dma_wait3A_172 : memref<80x128xf32, #tpu.memory_space<vmem>>) dst(%dma_wait3A_175 : memref<10000x128xf32, #tpu.memory_space<vmem_shared>>)
      } else {
      }
      %lt3A = arith.constant 123 : i32
      %lt3A_102 = arith.cmpi slt, %add3A_90, %lt3A : i32
      %convert_element_type3A_103 = arith.extui %lt3A_102 : i1 to i32
      %cond3A_104 = arith.constant 0 : i32
      %cond3A_105 = arith.cmpi ne, %convert_element_type3A_103, %cond3A_104 : i32
      scf.if %cond3A_105 {
        %add3A_170 = arith.constant 2 : i32
        %add3A_171 = arith.addi %add3A_90, %add3A_170 : i32
        %mul3A_172 = arith.constant 80 : i32
        %mul3A_173 = arith.muli %add3A_171, %mul3A_172 : i32
        %add3A_174 = arith.addi %mul3A_4, %mul3A_173 : i32
        %dma_start3A_175 = tpu.memref_slice %arg3[%add3A_174] : memref<320000xi32, #tpu.memory_space<hbm>> -> memref<80xi32, #tpu.memory_space<hbm>>
        %dma_start3A_176 = tpu.memref_slice %arg3[%add3A_174] : memref<320000xi32, #tpu.memory_space<hbm>> -> memref<80xi32, #tpu.memory_space<hbm>>
        tpu.enqueue_dma source(%dma_start3A_176 : memref<80xi32, #tpu.memory_space<hbm>>) target(%arg11 : memref<80xi32, #tpu.memory_space<vmem>>) target_semaphore(%arg24 : memref<!tpu.dma_semaphore, #tpu.memory_space<semaphore_mem>>)
        %mul3A_177 = arith.constant 80 : i32
        %mul3A_178 = arith.muli %add3A_171, %mul3A_177 : i32
        %add3A_179 = arith.addi %mul3A_4, %mul3A_178 : i32
        %dma_start3A_180 = tpu.memref_slice %arg4[%add3A_179] : memref<320000xf32, #tpu.memory_space<hbm>> -> memref<80xf32, #tpu.memory_space<hbm>>
        %dma_start3A_181 = tpu.memref_slice %arg4[%add3A_179] : memref<320000xf32, #tpu.memory_space<hbm>> -> memref<80xf32, #tpu.memory_space<hbm>>
        tpu.enqueue_dma source(%dma_start3A_181 : memref<80xf32, #tpu.memory_space<hbm>>) target(%arg14 : memref<80xf32, #tpu.memory_space<vmem>>) target_semaphore(%arg27 : memref<!tpu.dma_semaphore, #tpu.memory_space<semaphore_mem>>)
      } else {
      }
      %dma_start3A_106 = arith.constant 0 : i32
      %dma_start3A_107 = arith.constant 0 : i32
      %dma_start3A_108 = tpu.memref_slice %arg15[%dma_start3A_106, %dma_start3A_107] : memref<80x128xf32, #tpu.memory_space<vmem>> -> memref<80x128xf32, #tpu.memory_space<vmem>>
      %dma_start3A_109 = arith.constant 0 : i32
      %dma_start3A_110 = arith.constant 0 : i32
      %dma_start3A_111 = tpu.memref_slice %arg18[%dma_start3A_109, %dma_start3A_110] : memref<10000x128xf32, #tpu.memory_space<vmem_shared>> -> memref<10000x128xf32, #tpu.memory_space<vmem_shared>>
      tpu.enqueue_indirect_dma source(%dma_start3A_108 : memref<80x128xf32, #tpu.memory_space<vmem>>) target(%dma_start3A_111 : memref<10000x128xf32, #tpu.memory_space<vmem_shared>>) offsets(%arg9 : memref<80xi32, #tpu.memory_space<vmem>>) semaphore(%arg31 : memref<!tpu.dma_semaphore, #tpu.memory_space<semaphore_mem>>) {add = true}
      %mul3A_112 = arith.constant 3 : i32
      %mul3A_113 = arith.muli %add3A_86, %mul3A_112 : i32
      %add3A_114 = arith.constant 1 : i32
      %add3A_115 = arith.addi %mul3A_113, %add3A_114 : i32
      %dma_wait3A_116 = tpu.memref_slice %arg3[%mul3A_4] : memref<320000xi32, #tpu.memory_space<hbm>> -> memref<80xi32, #tpu.memory_space<hbm>>
      %dma_wait3A_117 = tpu.memref_slice %arg3[%mul3A_4] : memref<320000xi32, #tpu.memory_space<hbm>> -> memref<80xi32, #tpu.memory_space<hbm>>
      tpu.wait_dma2 semaphore(%arg23 : memref<!tpu.dma_semaphore, #tpu.memory_space<semaphore_mem>>) src(%dma_wait3A_117 : memref<80xi32, #tpu.memory_space<hbm>>) dst(%arg10 : memref<80xi32, #tpu.memory_space<vmem>>)
      %dma_wait3A_118 = tpu.memref_slice %arg4[%mul3A_4] : memref<320000xf32, #tpu.memory_space<hbm>> -> memref<80xf32, #tpu.memory_space<hbm>>
      %dma_wait3A_119 = tpu.memref_slice %arg4[%mul3A_4] : memref<320000xf32, #tpu.memory_space<hbm>> -> memref<80xf32, #tpu.memory_space<hbm>>
      tpu.wait_dma2 semaphore(%arg26 : memref<!tpu.dma_semaphore, #tpu.memory_space<semaphore_mem>>) src(%dma_wait3A_119 : memref<80xf32, #tpu.memory_space<hbm>>) dst(%arg13 : memref<80xf32, #tpu.memory_space<vmem>>)
      %scan3A_120 = arith.constant 0 : i32
      %scan3A_121 = arith.constant 80 : i32
      %scan3A_122 = arith.addi %scan3A_120, %scan3A_121 : i32
      %scan3A_123 = arith.constant 1 : i32
      scf.for %scan3A_170 = %scan3A_120 to %scan3A_122 step %scan3A_123  : i32 {
        %mul3A_171 = arith.constant 1 : i32
        %mul3A_172 = arith.muli %scan3A_170, %mul3A_171 : i32
        %add3A_173 = arith.constant 0 : i32
        %add3A_174 = arith.addi %add3A_173, %mul3A_172 : i32
        %broadcast_in_dim3A = vector.broadcast %add3A_174 : i32 to vector<16xi32>
        %gather3A = tpu.vector_load_idx %arg13[%broadcast_in_dim3A] : memref<80xf32, #tpu.memory_space<vmem>>[vector<16xi32>], vector<16xf32>,
        %swap3A = arith.index_cast %add3A_174 : i32 to index
        %swap3A_175 = arith.constant 0 : index
        %swap3A_176 = tpu.vector_load %arg16[%swap3A, %swap3A_175] {strides = array<i32>} : memref<80x128xf32, #tpu.memory_space<vmem>>, vector<16xf32>,
        tpu.vector_store %arg16[%swap3A, %swap3A_175], %gather3A {strides = array<i32>} : memref<80x128xf32, #tpu.memory_space<vmem>>, vector<16xf32>,
        %swap3A_177 = arith.index_cast %add3A_174 : i32 to index
        %swap3A_178 = arith.constant 16 : index
        %swap3A_179 = tpu.vector_load %arg16[%swap3A_177, %swap3A_178] {strides = array<i32>} : memref<80x128xf32, #tpu.memory_space<vmem>>, vector<16xf32>,
        tpu.vector_store %arg16[%swap3A_177, %swap3A_178], %gather3A {strides = array<i32>} : memref<80x128xf32, #tpu.memory_space<vmem>>, vector<16xf32>,
        %swap3A_180 = arith.index_cast %add3A_174 : i32 to index
        %swap3A_181 = arith.constant 32 : index
        %swap3A_182 = tpu.vector_load %arg16[%swap3A_180, %swap3A_181] {strides = array<i32>} : memref<80x128xf32, #tpu.memory_space<vmem>>, vector<16xf32>,
        tpu.vector_store %arg16[%swap3A_180, %swap3A_181], %gather3A {strides = array<i32>} : memref<80x128xf32, #tpu.memory_space<vmem>>, vector<16xf32>,
        %swap3A_183 = arith.index_cast %add3A_174 : i32 to index
        %swap3A_184 = arith.constant 48 : index
        %swap3A_185 = tpu.vector_load %arg16[%swap3A_183, %swap3A_184] {strides = array<i32>} : memref<80x128xf32, #tpu.memory_space<vmem>>, vector<16xf32>,
        tpu.vector_store %arg16[%swap3A_183, %swap3A_184], %gather3A {strides = array<i32>} : memref<80x128xf32, #tpu.memory_space<vmem>>, vector<16xf32>,
        %swap3A_186 = arith.index_cast %add3A_174 : i32 to index
        %swap3A_187 = arith.constant 64 : index
        %swap3A_188 = tpu.vector_load %arg16[%swap3A_186, %swap3A_187] {strides = array<i32>} : memref<80x128xf32, #tpu.memory_space<vmem>>, vector<16xf32>,
        tpu.vector_store %arg16[%swap3A_186, %swap3A_187], %gather3A {strides = array<i32>} : memref<80x128xf32, #tpu.memory_space<vmem>>, vector<16xf32>,
        %swap3A_189 = arith.index_cast %add3A_174 : i32 to index
        %swap3A_190 = arith.constant 80 : index
        %swap3A_191 = tpu.vector_load %arg16[%swap3A_189, %swap3A_190] {strides = array<i32>} : memref<80x128xf32, #tpu.memory_space<vmem>>, vector<16xf32>,
        tpu.vector_store %arg16[%swap3A_189, %swap3A_190], %gather3A {strides = array<i32>} : memref<80x128xf32, #tpu.memory_space<vmem>>, vector<16xf32>,
        %swap3A_192 = arith.index_cast %add3A_174 : i32 to index
        %swap3A_193 = arith.constant 96 : index
        %swap3A_194 = tpu.vector_load %arg16[%swap3A_192, %swap3A_193] {strides = array<i32>} : memref<80x128xf32, #tpu.memory_space<vmem>>, vector<16xf32>,
        tpu.vector_store %arg16[%swap3A_192, %swap3A_193], %gather3A {strides = array<i32>} : memref<80x128xf32, #tpu.memory_space<vmem>>, vector<16xf32>,
        %swap3A_195 = arith.index_cast %add3A_174 : i32 to index
        %swap3A_196 = arith.constant 112 : index
        %swap3A_197 = tpu.vector_load %arg16[%swap3A_195, %swap3A_196] {strides = array<i32>} : memref<80x128xf32, #tpu.memory_space<vmem>>, vector<16xf32>,
        tpu.vector_store %arg16[%swap3A_195, %swap3A_196], %gather3A {strides = array<i32>} : memref<80x128xf32, #tpu.memory_space<vmem>>, vector<16xf32>,
      }
      %scan3A_124 = arith.constant 80 : i32
      %ge3A_125 = arith.constant 1 : i32
      %ge3A_126 = arith.cmpi sge, %add3A_115, %ge3A_125 : i32
      %convert_element_type3A_127 = arith.extui %ge3A_126 : i1 to i32
      %cond3A_128 = arith.constant 0 : i32
      %cond3A_129 = arith.cmpi ne, %convert_element_type3A_127, %cond3A_128 : i32
      scf.if %cond3A_129 {
        %dma_wait3A_170 = arith.constant 0 : i32
        %dma_wait3A_171 = arith.constant 0 : i32
        %dma_wait3A_172 = tpu.memref_slice %arg15[%dma_wait3A_170, %dma_wait3A_171] : memref<80x128xf32, #tpu.memory_space<vmem>> -> memref<80x128xf32, #tpu.memory_space<vmem>>
        %dma_wait3A_173 = arith.constant 0 : i32
        %dma_wait3A_174 = arith.constant 0 : i32
        %dma_wait3A_175 = tpu.memref_slice %arg18[%dma_wait3A_173, %dma_wait3A_174] : memref<10000x128xf32, #tpu.memory_space<vmem_shared>> -> memref<10000x128xf32, #tpu.memory_space<vmem_shared>>
        tpu.wait_indirect_dma semaphore(%arg31 : memref<!tpu.dma_semaphore, #tpu.memory_space<semaphore_mem>>) src(%dma_wait3A_172 : memref<80x128xf32, #tpu.memory_space<vmem>>) dst(%dma_wait3A_175 : memref<10000x128xf32, #tpu.memory_space<vmem_shared>>)
      } else {
      }
      %lt3A_130 = arith.constant 123 : i32
      %lt3A_131 = arith.cmpi slt, %add3A_115, %lt3A_130 : i32
      %convert_element_type3A_132 = arith.extui %lt3A_131 : i1 to i32
      %cond3A_133 = arith.constant 0 : i32
      %cond3A_134 = arith.cmpi ne, %convert_element_type3A_132, %cond3A_133 : i32
      scf.if %cond3A_134 {
        %add3A_170 = arith.constant 2 : i32
        %add3A_171 = arith.addi %add3A_115, %add3A_170 : i32
        %mul3A_172 = arith.constant 80 : i32
        %mul3A_173 = arith.muli %add3A_171, %mul3A_172 : i32
        %add3A_174 = arith.addi %mul3A_4, %mul3A_173 : i32
        %dma_start3A_175 = tpu.memref_slice %arg3[%add3A_174] : memref<320000xi32, #tpu.memory_space<hbm>> -> memref<80xi32, #tpu.memory_space<hbm>>
        %dma_start3A_176 = tpu.memref_slice %arg3[%add3A_174] : memref<320000xi32, #tpu.memory_space<hbm>> -> memref<80xi32, #tpu.memory_space<hbm>>
        tpu.enqueue_dma source(%dma_start3A_176 : memref<80xi32, #tpu.memory_space<hbm>>) target(%arg9 : memref<80xi32, #tpu.memory_space<vmem>>) target_semaphore(%arg22 : memref<!tpu.dma_semaphore, #tpu.memory_space<semaphore_mem>>)
        %mul3A_177 = arith.constant 80 : i32
        %mul3A_178 = arith.muli %add3A_171, %mul3A_177 : i32
        %add3A_179 = arith.addi %mul3A_4, %mul3A_178 : i32
        %dma_start3A_180 = tpu.memref_slice %arg4[%add3A_179] : memref<320000xf32, #tpu.memory_space<hbm>> -> memref<80xf32, #tpu.memory_space<hbm>>
        %dma_start3A_181 = tpu.memref_slice %arg4[%add3A_179] : memref<320000xf32, #tpu.memory_space<hbm>> -> memref<80xf32, #tpu.memory_space<hbm>>
        tpu.enqueue_dma source(%dma_start3A_181 : memref<80xf32, #tpu.memory_space<hbm>>) target(%arg12 : memref<80xf32, #tpu.memory_space<vmem>>) target_semaphore(%arg25 : memref<!tpu.dma_semaphore, #tpu.memory_space<semaphore_mem>>)
      } else {
      }
      %dma_start3A_135 = arith.constant 0 : i32
      %dma_start3A_136 = arith.constant 0 : i32
      %dma_start3A_137 = tpu.memref_slice %arg16[%dma_start3A_135, %dma_start3A_136] : memref<80x128xf32, #tpu.memory_space<vmem>> -> memref<80x128xf32, #tpu.memory_space<vmem>>
      %dma_start3A_138 = arith.constant 0 : i32
      %dma_start3A_139 = arith.constant 0 : i32
      %dma_start3A_140 = tpu.memref_slice %arg18[%dma_start3A_138, %dma_start3A_139] : memref<10000x128xf32, #tpu.memory_space<vmem_shared>> -> memref<10000x128xf32, #tpu.memory_space<vmem_shared>>
      tpu.enqueue_indirect_dma source(%dma_start3A_137 : memref<80x128xf32, #tpu.memory_space<vmem>>) target(%dma_start3A_140 : memref<10000x128xf32, #tpu.memory_space<vmem_shared>>) offsets(%arg10 : memref<80xi32, #tpu.memory_space<vmem>>) semaphore(%arg32 : memref<!tpu.dma_semaphore, #tpu.memory_space<semaphore_mem>>) {add = true}
      %mul3A_141 = arith.constant 3 : i32
      %mul3A_142 = arith.muli %add3A_86, %mul3A_141 : i32
      %add3A_143 = arith.constant 2 : i32
      %add3A_144 = arith.addi %mul3A_142, %add3A_143 : i32
      %dma_wait3A_145 = tpu.memref_slice %arg3[%mul3A_4] : memref<320000xi32, #tpu.memory_space<hbm>> -> memref<80xi32, #tpu.memory_space<hbm>>
      %dma_wait3A_146 = tpu.memref_slice %arg3[%mul3A_4] : memref<320000xi32, #tpu.memory_space<hbm>> -> memref<80xi32, #tpu.memory_space<hbm>>
      tpu.wait_dma2 semaphore(%arg24 : memref<!tpu.dma_semaphore, #tpu.memory_space<semaphore_mem>>) src(%dma_wait3A_146 : memref<80xi32, #tpu.memory_space<hbm>>) dst(%arg11 : memref<80xi32, #tpu.memory_space<vmem>>)
      %dma_wait3A_147 = tpu.memref_slice %arg4[%mul3A_4] : memref<320000xf32, #tpu.memory_space<hbm>> -> memref<80xf32, #tpu.memory_space<hbm>>
      %dma_wait3A_148 = tpu.memref_slice %arg4[%mul3A_4] : memref<320000xf32, #tpu.memory_space<hbm>> -> memref<80xf32, #tpu.memory_space<hbm>>
      tpu.wait_dma2 semaphore(%arg27 : memref<!tpu.dma_semaphore, #tpu.memory_space<semaphore_mem>>) src(%dma_wait3A_148 : memref<80xf32, #tpu.memory_space<hbm>>) dst(%arg14 : memref<80xf32, #tpu.memory_space<vmem>>)
      %scan3A_149 = arith.constant 0 : i32
      %scan3A_150 = arith.constant 80 : i32
      %scan3A_151 = arith.addi %scan3A_149, %scan3A_150 : i32
      %scan3A_152 = arith.constant 1 : i32
      scf.for %scan3A_170 = %scan3A_149 to %scan3A_151 step %scan3A_152  : i32 {
        %mul3A_171 = arith.constant 1 : i32
        %mul3A_172 = arith.muli %scan3A_170, %mul3A_171 : i32
        %add3A_173 = arith.constant 0 : i32
        %add3A_174 = arith.addi %add3A_173, %mul3A_172 : i32
        %broadcast_in_dim3A = vector.broadcast %add3A_174 : i32 to vector<16xi32>
        %gather3A = tpu.vector_load_idx %arg14[%broadcast_in_dim3A] : memref<80xf32, #tpu.memory_space<vmem>>[vector<16xi32>], vector<16xf32>,
        %swap3A = arith.index_cast %add3A_174 : i32 to index
        %swap3A_175 = arith.constant 0 : index
        %swap3A_176 = tpu.vector_load %arg17[%swap3A, %swap3A_175] {strides = array<i32>} : memref<80x128xf32, #tpu.memory_space<vmem>>, vector<16xf32>,
        tpu.vector_store %arg17[%swap3A, %swap3A_175], %gather3A {strides = array<i32>} : memref<80x128xf32, #tpu.memory_space<vmem>>, vector<16xf32>,
        %swap3A_177 = arith.index_cast %add3A_174 : i32 to index
        %swap3A_178 = arith.constant 16 : index
        %swap3A_179 = tpu.vector_load %arg17[%swap3A_177, %swap3A_178] {strides = array<i32>} : memref<80x128xf32, #tpu.memory_space<vmem>>, vector<16xf32>,
        tpu.vector_store %arg17[%swap3A_177, %swap3A_178], %gather3A {strides = array<i32>} : memref<80x128xf32, #tpu.memory_space<vmem>>, vector<16xf32>,
        %swap3A_180 = arith.index_cast %add3A_174 : i32 to index
        %swap3A_181 = arith.constant 32 : index
        %swap3A_182 = tpu.vector_load %arg17[%swap3A_180, %swap3A_181] {strides = array<i32>} : memref<80x128xf32, #tpu.memory_space<vmem>>, vector<16xf32>,
        tpu.vector_store %arg17[%swap3A_180, %swap3A_181], %gather3A {strides = array<i32>} : memref<80x128xf32, #tpu.memory_space<vmem>>, vector<16xf32>,
        %swap3A_183 = arith.index_cast %add3A_174 : i32 to index
        %swap3A_184 = arith.constant 48 : index
        %swap3A_185 = tpu.vector_load %arg17[%swap3A_183, %swap3A_184] {strides = array<i32>} : memref<80x128xf32, #tpu.memory_space<vmem>>, vector<16xf32>,
        tpu.vector_store %arg17[%swap3A_183, %swap3A_184], %gather3A {strides = array<i32>} : memref<80x128xf32, #tpu.memory_space<vmem>>, vector<16xf32>,
        %swap3A_186 = arith.index_cast %add3A_174 : i32 to index
        %swap3A_187 = arith.constant 64 : index
        %swap3A_188 = tpu.vector_load %arg17[%swap3A_186, %swap3A_187] {strides = array<i32>} : memref<80x128xf32, #tpu.memory_space<vmem>>, vector<16xf32>,
        tpu.vector_store %arg17[%swap3A_186, %swap3A_187], %gather3A {strides = array<i32>} : memref<80x128xf32, #tpu.memory_space<vmem>>, vector<16xf32>,
        %swap3A_189 = arith.index_cast %add3A_174 : i32 to index
        %swap3A_190 = arith.constant 80 : index
        %swap3A_191 = tpu.vector_load %arg17[%swap3A_189, %swap3A_190] {strides = array<i32>} : memref<80x128xf32, #tpu.memory_space<vmem>>, vector<16xf32>,
        tpu.vector_store %arg17[%swap3A_189, %swap3A_190], %gather3A {strides = array<i32>} : memref<80x128xf32, #tpu.memory_space<vmem>>, vector<16xf32>,
        %swap3A_192 = arith.index_cast %add3A_174 : i32 to index
        %swap3A_193 = arith.constant 96 : index
        %swap3A_194 = tpu.vector_load %arg17[%swap3A_192, %swap3A_193] {strides = array<i32>} : memref<80x128xf32, #tpu.memory_space<vmem>>, vector<16xf32>,
        tpu.vector_store %arg17[%swap3A_192, %swap3A_193], %gather3A {strides = array<i32>} : memref<80x128xf32, #tpu.memory_space<vmem>>, vector<16xf32>,
        %swap3A_195 = arith.index_cast %add3A_174 : i32 to index
        %swap3A_196 = arith.constant 112 : index
        %swap3A_197 = tpu.vector_load %arg17[%swap3A_195, %swap3A_196] {strides = array<i32>} : memref<80x128xf32, #tpu.memory_space<vmem>>, vector<16xf32>,
        tpu.vector_store %arg17[%swap3A_195, %swap3A_196], %gather3A {strides = array<i32>} : memref<80x128xf32, #tpu.memory_space<vmem>>, vector<16xf32>,
      }
      %scan3A_153 = arith.constant 80 : i32
      %ge3A_154 = arith.constant 1 : i32
      %ge3A_155 = arith.cmpi sge, %add3A_144, %ge3A_154 : i32
      %convert_element_type3A_156 = arith.extui %ge3A_155 : i1 to i32
      %cond3A_157 = arith.constant 0 : i32
      %cond3A_158 = arith.cmpi ne, %convert_element_type3A_156, %cond3A_157 : i32
      scf.if %cond3A_158 {
        %dma_wait3A_170 = arith.constant 0 : i32
        %dma_wait3A_171 = arith.constant 0 : i32
        %dma_wait3A_172 = tpu.memref_slice %arg16[%dma_wait3A_170, %dma_wait3A_171] : memref<80x128xf32, #tpu.memory_space<vmem>> -> memref<80x128xf32, #tpu.memory_space<vmem>>
        %dma_wait3A_173 = arith.constant 0 : i32
        %dma_wait3A_174 = arith.constant 0 : i32
        %dma_wait3A_175 = tpu.memref_slice %arg18[%dma_wait3A_173, %dma_wait3A_174] : memref<10000x128xf32, #tpu.memory_space<vmem_shared>> -> memref<10000x128xf32, #tpu.memory_space<vmem_shared>>
        tpu.wait_indirect_dma semaphore(%arg32 : memref<!tpu.dma_semaphore, #tpu.memory_space<semaphore_mem>>) src(%dma_wait3A_172 : memref<80x128xf32, #tpu.memory_space<vmem>>) dst(%dma_wait3A_175 : memref<10000x128xf32, #tpu.memory_space<vmem_shared>>)
      } else {
      }
      %lt3A_159 = arith.constant 123 : i32
      %lt3A_160 = arith.cmpi slt, %add3A_144, %lt3A_159 : i32
      %convert_element_type3A_161 = arith.extui %lt3A_160 : i1 to i32
      %cond3A_162 = arith.constant 0 : i32
      %cond3A_163 = arith.cmpi ne, %convert_element_type3A_161, %cond3A_162 : i32
      scf.if %cond3A_163 {
        %add3A_170 = arith.constant 2 : i32
        %add3A_171 = arith.addi %add3A_144, %add3A_170 : i32
        %mul3A_172 = arith.constant 80 : i32
        %mul3A_173 = arith.muli %add3A_171, %mul3A_172 : i32
        %add3A_174 = arith.addi %mul3A_4, %mul3A_173 : i32
        %dma_start3A_175 = tpu.memref_slice %arg3[%add3A_174] : memref<320000xi32, #tpu.memory_space<hbm>> -> memref<80xi32, #tpu.memory_space<hbm>>
        %dma_start3A_176 = tpu.memref_slice %arg3[%add3A_174] : memref<320000xi32, #tpu.memory_space<hbm>> -> memref<80xi32, #tpu.memory_space<hbm>>
        tpu.enqueue_dma source(%dma_start3A_176 : memref<80xi32, #tpu.memory_space<hbm>>) target(%arg10 : memref<80xi32, #tpu.memory_space<vmem>>) target_semaphore(%arg23 : memref<!tpu.dma_semaphore, #tpu.memory_space<semaphore_mem>>)
        %mul3A_177 = arith.constant 80 : i32
        %mul3A_178 = arith.muli %add3A_171, %mul3A_177 : i32
        %add3A_179 = arith.addi %mul3A_4, %mul3A_178 : i32
        %dma_start3A_180 = tpu.memref_slice %arg4[%add3A_179] : memref<320000xf32, #tpu.memory_space<hbm>> -> memref<80xf32, #tpu.memory_space<hbm>>
        %dma_start3A_181 = tpu.memref_slice %arg4[%add3A_179] : memref<320000xf32, #tpu.memory_space<hbm>> -> memref<80xf32, #tpu.memory_space<hbm>>
        tpu.enqueue_dma source(%dma_start3A_181 : memref<80xf32, #tpu.memory_space<hbm>>) target(%arg13 : memref<80xf32, #tpu.memory_space<vmem>>) target_semaphore(%arg26 : memref<!tpu.dma_semaphore, #tpu.memory_space<semaphore_mem>>)
      } else {
      }
      %dma_start3A_164 = arith.constant 0 : i32
      %dma_start3A_165 = arith.constant 0 : i32
      %dma_start3A_166 = tpu.memref_slice %arg17[%dma_start3A_164, %dma_start3A_165] : memref<80x128xf32, #tpu.memory_space<vmem>> -> memref<80x128xf32, #tpu.memory_space<vmem>>
      %dma_start3A_167 = arith.constant 0 : i32
      %dma_start3A_168 = arith.constant 0 : i32
      %dma_start3A_169 = tpu.memref_slice %arg18[%dma_start3A_167, %dma_start3A_168] : memref<10000x128xf32, #tpu.memory_space<vmem_shared>> -> memref<10000x128xf32, #tpu.memory_space<vmem_shared>>
      tpu.enqueue_indirect_dma source(%dma_start3A_166 : memref<80x128xf32, #tpu.memory_space<vmem>>) target(%dma_start3A_169 : memref<10000x128xf32, #tpu.memory_space<vmem_shared>>) offsets(%arg11 : memref<80xi32, #tpu.memory_space<vmem>>) semaphore(%arg33 : memref<!tpu.dma_semaphore, #tpu.memory_space<semaphore_mem>>) {add = true}
    }
    %scan3A_33 = arith.constant 41 : i32
    %dma_wait3A = tpu.memref_slice %arg3[%mul3A_4] : memref<320000xi32, #tpu.memory_space<hbm>> -> memref<80xi32, #tpu.memory_space<hbm>>
    %dma_wait3A_34 = tpu.memref_slice %arg3[%mul3A_4] : memref<320000xi32, #tpu.memory_space<hbm>> -> memref<80xi32, #tpu.memory_space<hbm>>
    tpu.wait_dma2 semaphore(%arg22 : memref<!tpu.dma_semaphore, #tpu.memory_space<semaphore_mem>>) src(%dma_wait3A_34 : memref<80xi32, #tpu.memory_space<hbm>>) dst(%arg9 : memref<80xi32, #tpu.memory_space<vmem>>)
    %dma_wait3A_35 = tpu.memref_slice %arg4[%mul3A_4] : memref<320000xf32, #tpu.memory_space<hbm>> -> memref<80xf32, #tpu.memory_space<hbm>>
    %dma_wait3A_36 = tpu.memref_slice %arg4[%mul3A_4] : memref<320000xf32, #tpu.memory_space<hbm>> -> memref<80xf32, #tpu.memory_space<hbm>>
    tpu.wait_dma2 semaphore(%arg25 : memref<!tpu.dma_semaphore, #tpu.memory_space<semaphore_mem>>) src(%dma_wait3A_36 : memref<80xf32, #tpu.memory_space<hbm>>) dst(%arg12 : memref<80xf32, #tpu.memory_space<vmem>>)
    %scan3A_37 = arith.constant 0 : i32
    %scan3A_38 = arith.constant 80 : i32
    %scan3A_39 = arith.addi %scan3A_37, %scan3A_38 : i32
    %scan3A_40 = arith.constant 1 : i32
    scf.for %scan3A_82 = %scan3A_37 to %scan3A_39 step %scan3A_40  : i32 {
      %mul3A_83 = arith.constant 1 : i32
      %mul3A_84 = arith.muli %scan3A_82, %mul3A_83 : i32
      %add3A_85 = arith.constant 0 : i32
      %add3A_86 = arith.addi %add3A_85, %mul3A_84 : i32
      %broadcast_in_dim3A = vector.broadcast %add3A_86 : i32 to vector<16xi32>
      %gather3A = tpu.vector_load_idx %arg12[%broadcast_in_dim3A] : memref<80xf32, #tpu.memory_space<vmem>>[vector<16xi32>], vector<16xf32>,
      %swap3A = arith.index_cast %add3A_86 : i32 to index
      %swap3A_87 = arith.constant 0 : index
      %swap3A_88 = tpu.vector_load %arg15[%swap3A, %swap3A_87] {strides = array<i32>} : memref<80x128xf32, #tpu.memory_space<vmem>>, vector<16xf32>,
      tpu.vector_store %arg15[%swap3A, %swap3A_87], %gather3A {strides = array<i32>} : memref<80x128xf32, #tpu.memory_space<vmem>>, vector<16xf32>,
      %swap3A_89 = arith.index_cast %add3A_86 : i32 to index
      %swap3A_90 = arith.constant 16 : index
      %swap3A_91 = tpu.vector_load %arg15[%swap3A_89, %swap3A_90] {strides = array<i32>} : memref<80x128xf32, #tpu.memory_space<vmem>>, vector<16xf32>,
      tpu.vector_store %arg15[%swap3A_89, %swap3A_90], %gather3A {strides = array<i32>} : memref<80x128xf32, #tpu.memory_space<vmem>>, vector<16xf32>,
      %swap3A_92 = arith.index_cast %add3A_86 : i32 to index
      %swap3A_93 = arith.constant 32 : index
      %swap3A_94 = tpu.vector_load %arg15[%swap3A_92, %swap3A_93] {strides = array<i32>} : memref<80x128xf32, #tpu.memory_space<vmem>>, vector<16xf32>,
      tpu.vector_store %arg15[%swap3A_92, %swap3A_93], %gather3A {strides = array<i32>} : memref<80x128xf32, #tpu.memory_space<vmem>>, vector<16xf32>,
      %swap3A_95 = arith.index_cast %add3A_86 : i32 to index
      %swap3A_96 = arith.constant 48 : index
      %swap3A_97 = tpu.vector_load %arg15[%swap3A_95, %swap3A_96] {strides = array<i32>} : memref<80x128xf32, #tpu.memory_space<vmem>>, vector<16xf32>,
      tpu.vector_store %arg15[%swap3A_95, %swap3A_96], %gather3A {strides = array<i32>} : memref<80x128xf32, #tpu.memory_space<vmem>>, vector<16xf32>,
      %swap3A_98 = arith.index_cast %add3A_86 : i32 to index
      %swap3A_99 = arith.constant 64 : index
      %swap3A_100 = tpu.vector_load %arg15[%swap3A_98, %swap3A_99] {strides = array<i32>} : memref<80x128xf32, #tpu.memory_space<vmem>>, vector<16xf32>,
      tpu.vector_store %arg15[%swap3A_98, %swap3A_99], %gather3A {strides = array<i32>} : memref<80x128xf32, #tpu.memory_space<vmem>>, vector<16xf32>,
      %swap3A_101 = arith.index_cast %add3A_86 : i32 to index
      %swap3A_102 = arith.constant 80 : index
      %swap3A_103 = tpu.vector_load %arg15[%swap3A_101, %swap3A_102] {strides = array<i32>} : memref<80x128xf32, #tpu.memory_space<vmem>>, vector<16xf32>,
      tpu.vector_store %arg15[%swap3A_101, %swap3A_102], %gather3A {strides = array<i32>} : memref<80x128xf32, #tpu.memory_space<vmem>>, vector<16xf32>,
      %swap3A_104 = arith.index_cast %add3A_86 : i32 to index
      %swap3A_105 = arith.constant 96 : index
      %swap3A_106 = tpu.vector_load %arg15[%swap3A_104, %swap3A_105] {strides = array<i32>} : memref<80x128xf32, #tpu.memory_space<vmem>>, vector<16xf32>,
      tpu.vector_store %arg15[%swap3A_104, %swap3A_105], %gather3A {strides = array<i32>} : memref<80x128xf32, #tpu.memory_space<vmem>>, vector<16xf32>,
      %swap3A_107 = arith.index_cast %add3A_86 : i32 to index
      %swap3A_108 = arith.constant 112 : index
      %swap3A_109 = tpu.vector_load %arg15[%swap3A_107, %swap3A_108] {strides = array<i32>} : memref<80x128xf32, #tpu.memory_space<vmem>>, vector<16xf32>,
      tpu.vector_store %arg15[%swap3A_107, %swap3A_108], %gather3A {strides = array<i32>} : memref<80x128xf32, #tpu.memory_space<vmem>>, vector<16xf32>,
    }
    %scan3A_41 = arith.constant 80 : i32
    %dma_wait3A_42 = arith.constant 0 : i32
    %dma_wait3A_43 = arith.constant 0 : i32
    %dma_wait3A_44 = tpu.memref_slice %arg17[%dma_wait3A_42, %dma_wait3A_43] : memref<80x128xf32, #tpu.memory_space<vmem>> -> memref<80x128xf32, #tpu.memory_space<vmem>>
    %dma_wait3A_45 = arith.constant 0 : i32
    %dma_wait3A_46 = arith.constant 0 : i32
    %dma_wait3A_47 = tpu.memref_slice %arg18[%dma_wait3A_45, %dma_wait3A_46] : memref<10000x128xf32, #tpu.memory_space<vmem_shared>> -> memref<10000x128xf32, #tpu.memory_space<vmem_shared>>
    tpu.wait_indirect_dma semaphore(%arg33 : memref<!tpu.dma_semaphore, #tpu.memory_space<semaphore_mem>>) src(%dma_wait3A_44 : memref<80x128xf32, #tpu.memory_space<vmem>>) dst(%dma_wait3A_47 : memref<10000x128xf32, #tpu.memory_space<vmem_shared>>)
    %dma_start3A_48 = arith.constant 0 : i32
    %dma_start3A_49 = arith.constant 0 : i32
    %dma_start3A_50 = tpu.memref_slice %arg15[%dma_start3A_48, %dma_start3A_49] : memref<80x128xf32, #tpu.memory_space<vmem>> -> memref<80x128xf32, #tpu.memory_space<vmem>>
    %dma_start3A_51 = arith.constant 0 : i32
    %dma_start3A_52 = arith.constant 0 : i32
    %dma_start3A_53 = tpu.memref_slice %arg18[%dma_start3A_51, %dma_start3A_52] : memref<10000x128xf32, #tpu.memory_space<vmem_shared>> -> memref<10000x128xf32, #tpu.memory_space<vmem_shared>>
    tpu.enqueue_indirect_dma source(%dma_start3A_50 : memref<80x128xf32, #tpu.memory_space<vmem>>) target(%dma_start3A_53 : memref<10000x128xf32, #tpu.memory_space<vmem_shared>>) offsets(%arg9 : memref<80xi32, #tpu.memory_space<vmem>>) semaphore(%arg31 : memref<!tpu.dma_semaphore, #tpu.memory_space<semaphore_mem>>) {add = true}
    %dma_wait3A_54 = tpu.memref_slice %arg3[%mul3A_4] : memref<320000xi32, #tpu.memory_space<hbm>> -> memref<80xi32, #tpu.memory_space<hbm>>
    %dma_wait3A_55 = tpu.memref_slice %arg3[%mul3A_4] : memref<320000xi32, #tpu.memory_space<hbm>> -> memref<80xi32, #tpu.memory_space<hbm>>
    tpu.wait_dma2 semaphore(%arg23 : memref<!tpu.dma_semaphore, #tpu.memory_space<semaphore_mem>>) src(%dma_wait3A_55 : memref<80xi32, #tpu.memory_space<hbm>>) dst(%arg10 : memref<80xi32, #tpu.memory_space<vmem>>)
    %dma_wait3A_56 = tpu.memref_slice %arg4[%mul3A_4] : memref<320000xf32, #tpu.memory_space<hbm>> -> memref<80xf32, #tpu.memory_space<hbm>>
    %dma_wait3A_57 = tpu.memref_slice %arg4[%mul3A_4] : memref<320000xf32, #tpu.memory_space<hbm>> -> memref<80xf32, #tpu.memory_space<hbm>>
    tpu.wait_dma2 semaphore(%arg26 : memref<!tpu.dma_semaphore, #tpu.memory_space<semaphore_mem>>) src(%dma_wait3A_57 : memref<80xf32, #tpu.memory_space<hbm>>) dst(%arg13 : memref<80xf32, #tpu.memory_space<vmem>>)
    %scan3A_58 = arith.constant 0 : i32
    %scan3A_59 = arith.constant 80 : i32
    %scan3A_60 = arith.addi %scan3A_58, %scan3A_59 : i32
    %scan3A_61 = arith.constant 1 : i32
    scf.for %scan3A_82 = %scan3A_58 to %scan3A_60 step %scan3A_61  : i32 {
      %mul3A_83 = arith.constant 1 : i32
      %mul3A_84 = arith.muli %scan3A_82, %mul3A_83 : i32
      %add3A_85 = arith.constant 0 : i32
      %add3A_86 = arith.addi %add3A_85, %mul3A_84 : i32
      %broadcast_in_dim3A = vector.broadcast %add3A_86 : i32 to vector<16xi32>
      %gather3A = tpu.vector_load_idx %arg13[%broadcast_in_dim3A] : memref<80xf32, #tpu.memory_space<vmem>>[vector<16xi32>], vector<16xf32>,
      %swap3A = arith.index_cast %add3A_86 : i32 to index
      %swap3A_87 = arith.constant 0 : index
      %swap3A_88 = tpu.vector_load %arg16[%swap3A, %swap3A_87] {strides = array<i32>} : memref<80x128xf32, #tpu.memory_space<vmem>>, vector<16xf32>,
      tpu.vector_store %arg16[%swap3A, %swap3A_87], %gather3A {strides = array<i32>} : memref<80x128xf32, #tpu.memory_space<vmem>>, vector<16xf32>,
      %swap3A_89 = arith.index_cast %add3A_86 : i32 to index
      %swap3A_90 = arith.constant 16 : index
      %swap3A_91 = tpu.vector_load %arg16[%swap3A_89, %swap3A_90] {strides = array<i32>} : memref<80x128xf32, #tpu.memory_space<vmem>>, vector<16xf32>,
      tpu.vector_store %arg16[%swap3A_89, %swap3A_90], %gather3A {strides = array<i32>} : memref<80x128xf32, #tpu.memory_space<vmem>>, vector<16xf32>,
      %swap3A_92 = arith.index_cast %add3A_86 : i32 to index
      %swap3A_93 = arith.constant 32 : index
      %swap3A_94 = tpu.vector_load %arg16[%swap3A_92, %swap3A_93] {strides = array<i32>} : memref<80x128xf32, #tpu.memory_space<vmem>>, vector<16xf32>,
      tpu.vector_store %arg16[%swap3A_92, %swap3A_93], %gather3A {strides = array<i32>} : memref<80x128xf32, #tpu.memory_space<vmem>>, vector<16xf32>,
      %swap3A_95 = arith.index_cast %add3A_86 : i32 to index
      %swap3A_96 = arith.constant 48 : index
      %swap3A_97 = tpu.vector_load %arg16[%swap3A_95, %swap3A_96] {strides = array<i32>} : memref<80x128xf32, #tpu.memory_space<vmem>>, vector<16xf32>,
      tpu.vector_store %arg16[%swap3A_95, %swap3A_96], %gather3A {strides = array<i32>} : memref<80x128xf32, #tpu.memory_space<vmem>>, vector<16xf32>,
      %swap3A_98 = arith.index_cast %add3A_86 : i32 to index
      %swap3A_99 = arith.constant 64 : index
      %swap3A_100 = tpu.vector_load %arg16[%swap3A_98, %swap3A_99] {strides = array<i32>} : memref<80x128xf32, #tpu.memory_space<vmem>>, vector<16xf32>,
      tpu.vector_store %arg16[%swap3A_98, %swap3A_99], %gather3A {strides = array<i32>} : memref<80x128xf32, #tpu.memory_space<vmem>>, vector<16xf32>,
      %swap3A_101 = arith.index_cast %add3A_86 : i32 to index
      %swap3A_102 = arith.constant 80 : index
      %swap3A_103 = tpu.vector_load %arg16[%swap3A_101, %swap3A_102] {strides = array<i32>} : memref<80x128xf32, #tpu.memory_space<vmem>>, vector<16xf32>,
      tpu.vector_store %arg16[%swap3A_101, %swap3A_102], %gather3A {strides = array<i32>} : memref<80x128xf32, #tpu.memory_space<vmem>>, vector<16xf32>,
      %swap3A_104 = arith.index_cast %add3A_86 : i32 to index
      %swap3A_105 = arith.constant 96 : index
      %swap3A_106 = tpu.vector_load %arg16[%swap3A_104, %swap3A_105] {strides = array<i32>} : memref<80x128xf32, #tpu.memory_space<vmem>>, vector<16xf32>,
      tpu.vector_store %arg16[%swap3A_104, %swap3A_105], %gather3A {strides = array<i32>} : memref<80x128xf32, #tpu.memory_space<vmem>>, vector<16xf32>,
      %swap3A_107 = arith.index_cast %add3A_86 : i32 to index
      %swap3A_108 = arith.constant 112 : index
      %swap3A_109 = tpu.vector_load %arg16[%swap3A_107, %swap3A_108] {strides = array<i32>} : memref<80x128xf32, #tpu.memory_space<vmem>>, vector<16xf32>,
      tpu.vector_store %arg16[%swap3A_107, %swap3A_108], %gather3A {strides = array<i32>} : memref<80x128xf32, #tpu.memory_space<vmem>>, vector<16xf32>,
    }
    %scan3A_62 = arith.constant 80 : i32
    %dma_wait3A_63 = arith.constant 0 : i32
    %dma_wait3A_64 = arith.constant 0 : i32
    %dma_wait3A_65 = tpu.memref_slice %arg15[%dma_wait3A_63, %dma_wait3A_64] : memref<80x128xf32, #tpu.memory_space<vmem>> -> memref<80x128xf32, #tpu.memory_space<vmem>>
    %dma_wait3A_66 = arith.constant 0 : i32
    %dma_wait3A_67 = arith.constant 0 : i32
    %dma_wait3A_68 = tpu.memref_slice %arg18[%dma_wait3A_66, %dma_wait3A_67] : memref<10000x128xf32, #tpu.memory_space<vmem_shared>> -> memref<10000x128xf32, #tpu.memory_space<vmem_shared>>
    tpu.wait_indirect_dma semaphore(%arg31 : memref<!tpu.dma_semaphore, #tpu.memory_space<semaphore_mem>>) src(%dma_wait3A_65 : memref<80x128xf32, #tpu.memory_space<vmem>>) dst(%dma_wait3A_68 : memref<10000x128xf32, #tpu.memory_space<vmem_shared>>)
    %dma_start3A_69 = arith.constant 0 : i32
    %dma_start3A_70 = arith.constant 0 : i32
    %dma_start3A_71 = tpu.memref_slice %arg16[%dma_start3A_69, %dma_start3A_70] : memref<80x128xf32, #tpu.memory_space<vmem>> -> memref<80x128xf32, #tpu.memory_space<vmem>>
    %dma_start3A_72 = arith.constant 0 : i32
    %dma_start3A_73 = arith.constant 0 : i32
    %dma_start3A_74 = tpu.memref_slice %arg18[%dma_start3A_72, %dma_start3A_73] : memref<10000x128xf32, #tpu.memory_space<vmem_shared>> -> memref<10000x128xf32, #tpu.memory_space<vmem_shared>>
    tpu.enqueue_indirect_dma source(%dma_start3A_71 : memref<80x128xf32, #tpu.memory_space<vmem>>) target(%dma_start3A_74 : memref<10000x128xf32, #tpu.memory_space<vmem_shared>>) offsets(%arg10 : memref<80xi32, #tpu.memory_space<vmem>>) semaphore(%arg32 : memref<!tpu.dma_semaphore, #tpu.memory_space<semaphore_mem>>) {add = true}
    %dma_wait3A_75 = arith.constant 0 : i32
    %dma_wait3A_76 = arith.constant 0 : i32
    %dma_wait3A_77 = tpu.memref_slice %arg16[%dma_wait3A_75, %dma_wait3A_76] : memref<80x128xf32, #tpu.memory_space<vmem>> -> memref<80x128xf32, #tpu.memory_space<vmem>>
    %dma_wait3A_78 = arith.constant 0 : i32
    %dma_wait3A_79 = arith.constant 0 : i32
    %dma_wait3A_80 = tpu.memref_slice %arg18[%dma_wait3A_78, %dma_wait3A_79] : memref<10000x128xf32, #tpu.memory_space<vmem_shared>> -> memref<10000x128xf32, #tpu.memory_space<vmem_shared>>
    tpu.wait_indirect_dma semaphore(%arg32 : memref<!tpu.dma_semaphore, #tpu.memory_space<semaphore_mem>>) src(%dma_wait3A_77 : memref<80x128xf32, #tpu.memory_space<vmem>>) dst(%dma_wait3A_80 : memref<10000x128xf32, #tpu.memory_space<vmem_shared>>)
    %barrier3A_81 = arith.constant 0 : index
    tpu.barrier barrier_id(%barrier3A_81)
    "tpu.region"() ({
      %run_scoped3A = tpu.sem_alloc : memref<!tpu.dma_semaphore, #tpu.memory_space<semaphore_mem>>
      %dma_start3A_82 = arith.constant 0 : i32
      %dma_start3A_83 = tpu.memref_slice %arg5[%arg0, %mul3A_2, %dma_start3A_82] : memref<2x10000x128xf32, #tpu.memory_space<hbm>> -> memref<1x640x128xf32, #tpu.memory_space<hbm>>
      %dma_start3A_84 = tpu.memref_squeeze %dma_start3A_83 : memref<1x640x128xf32, #tpu.memory_space<hbm>> -> memref<640x128xf32, #tpu.memory_space<hbm>>
      %dma_start3A_85 = arith.constant 0 : i32
      %dma_start3A_86 = tpu.memref_slice %arg18[%mul3A_2, %dma_start3A_85] : memref<10000x128xf32, #tpu.memory_space<vmem_shared>> -> memref<640x128xf32, #tpu.memory_space<vmem_shared>>
      tpu.enqueue_dma source(%dma_start3A_86 : memref<640x128xf32, #tpu.memory_space<vmem_shared>>) target(%dma_start3A_84 : memref<640x128xf32, #tpu.memory_space<hbm>>) target_semaphore(%run_scoped3A : memref<!tpu.dma_semaphore, #tpu.memory_space<semaphore_mem>>)
      %dma_wait3A_87 = arith.constant 0 : i32
      %dma_wait3A_88 = tpu.memref_slice %arg5[%arg0, %mul3A_2, %dma_wait3A_87] : memref<2x10000x128xf32, #tpu.memory_space<hbm>> -> memref<1x640x128xf32, #tpu.memory_space<hbm>>
      %dma_wait3A_89 = tpu.memref_squeeze %dma_wait3A_88 : memref<1x640x128xf32, #tpu.memory_space<hbm>> -> memref<640x128xf32, #tpu.memory_space<hbm>>
      %dma_wait3A_90 = arith.constant 0 : i32
      %dma_wait3A_91 = tpu.memref_slice %arg18[%mul3A_2, %dma_wait3A_90] : memref<10000x128xf32, #tpu.memory_space<vmem_shared>> -> memref<640x128xf32, #tpu.memory_space<vmem_shared>>
      tpu.wait_dma2 semaphore(%run_scoped3A : memref<!tpu.dma_semaphore, #tpu.memory_space<semaphore_mem>>) src(%dma_wait3A_91 : memref<640x128xf32, #tpu.memory_space<vmem_shared>>) dst(%dma_wait3A_89 : memref<640x128xf32, #tpu.memory_space<hbm>>)
      tpu.yield
    }) : () -> ()
    return
  }
}

#map = affine_map<(d0, d1) -> (0, 0)>
#map1 = affine_map<(d0, d1) -> (0)>
#map2 = affine_map<(d0, d1) -> (0, 0, 0)>
module attributes {stable_mosaic.version = 14 : i64} {
  func.func @k(%arg0: i32, %arg1: i32, %arg2: memref<10000x128xf32, #tpu.memory_space<hbm>>, %arg3: memref<320000xi32, #tpu.memory_space<hbm>>, %arg4: memref<320000xi32, #tpu.memory_space<hbm>>, %arg5: memref<320000xf32, #tpu.memory_space<hbm>>, %arg6: memref<2x10000x128xf32, #tpu.memory_space<hbm>>, %arg7: memref<80xi32, #tpu.memory_space<vmem>>, %arg8: memref<80xi32, #tpu.memory_space<vmem>>, %arg9: memref<80xi32, #tpu.memory_space<vmem>>, %arg10: memref<80xi32, #tpu.memory_space<vmem>>, %arg11: memref<80xi32, #tpu.memory_space<vmem>>, %arg12: memref<80xi32, #tpu.memory_space<vmem>>, %arg13: memref<80xf32, #tpu.memory_space<vmem>>, %arg14: memref<80xf32, #tpu.memory_space<vmem>>, %arg15: memref<80xf32, #tpu.memory_space<vmem>>, %arg16: memref<80x128xf32, #tpu.memory_space<vmem>>, %arg17: memref<80x128xf32, #tpu.memory_space<vmem>>, %arg18: memref<80x128xf32, #tpu.memory_space<vmem>>, %arg19: memref<10000x128xf32, #tpu.memory_space<vmem_shared>>, %arg20: memref<!tpu.dma_semaphore, #tpu.memory_space<semaphore_mem>>, %arg21: memref<!tpu.dma_semaphore, #tpu.memory_space<semaphore_mem>>, %arg22: memref<!tpu.dma_semaphore, #tpu.memory_space<semaphore_mem>>, %arg23: memref<!tpu.dma_semaphore, #tpu.memory_space<semaphore_mem>>, %arg24: memref<!tpu.dma_semaphore, #tpu.memory_space<semaphore_mem>>, %arg25: memref<!tpu.dma_semaphore, #tpu.memory_space<semaphore_mem>>, %arg26: memref<!tpu.dma_semaphore, #tpu.memory_space<semaphore_mem>>, %arg27: memref<!tpu.dma_semaphore, #tpu.memory_space<semaphore_mem>>, %arg28: memref<!tpu.dma_semaphore, #tpu.memory_space<semaphore_mem>>, %arg29: memref<!tpu.dma_semaphore, #tpu.memory_space<semaphore_mem>>, %arg30: memref<!tpu.dma_semaphore, #tpu.memory_space<semaphore_mem>>, %arg31: memref<!tpu.dma_semaphore, #tpu.memory_space<semaphore_mem>>, %arg32: memref<!tpu.dma_semaphore, #tpu.memory_space<semaphore_mem>>, %arg33: memref<!tpu.dma_semaphore, #tpu.memory_space<semaphore_mem>>, %arg34: memref<!tpu.dma_semaphore, #tpu.memory_space<semaphore_mem>>) attributes {dimension_semantics = [#tpu.dimension_semantics<core_parallel>, #tpu.dimension_semantics<subcore_parallel>], iteration_bounds = array<i64: 2, 16>, scalar_prefetch = 0 : i64, scratch_operands = 28 : i64, tpu.core_type = #tpu.core_type<sc_vector_subcore>, window_params = [{transform_indices = #map}, {transform_indices = #map1}, {transform_indices = #map1}, {transform_indices = #map1}, {transform_indices = #map2}]} {
    %mul3A = arith.constant 2 : i32
    %mul3A_0 = arith.muli %arg1, %mul3A : i32
    %add3A = arith.addi %mul3A_0, %arg0 : i32
    %mul3A_1 = arith.constant 624 : i32
    %mul3A_2 = arith.muli %arg1, %mul3A_1 : i32
    %mul3A_3 = arith.constant 10000 : i32
    %mul3A_4 = arith.muli %add3A, %mul3A_3 : i32
    %scan3A = arith.constant 0 : i32
    %scan3A_5 = arith.constant 80 : i32
    %scan3A_6 = arith.addi %scan3A, %scan3A_5 : i32
    %scan3A_7 = arith.constant 1 : i32
    scf.for %scan3A_106 = %scan3A to %scan3A_6 step %scan3A_7  : i32 {
      %mul3A_107 = arith.constant 1 : i32
      %mul3A_108 = arith.muli %scan3A_106, %mul3A_107 : i32
      %add3A_109 = arith.constant 0 : i32
      %add3A_110 = arith.addi %add3A_109, %mul3A_108 : i32
      %broadcast_in_dim3A = arith.constant 0.000000e+00 : f32
      %broadcast_in_dim3A_111 = vector.broadcast %broadcast_in_dim3A : f32 to vector<16xf32>
      %swap3A = arith.index_cast %add3A_110 : i32 to index
      %swap3A_112 = arith.constant 0 : index
      %swap3A_113 = tpu.vector_load %arg16[%swap3A, %swap3A_112] {strides = array<i32>} : memref<80x128xf32, #tpu.memory_space<vmem>>, vector<16xf32>,
      tpu.vector_store %arg16[%swap3A, %swap3A_112], %broadcast_in_dim3A_111 {strides = array<i32>} : memref<80x128xf32, #tpu.memory_space<vmem>>, vector<16xf32>,
      %broadcast_in_dim3A_114 = arith.constant 0.000000e+00 : f32
      %broadcast_in_dim3A_115 = vector.broadcast %broadcast_in_dim3A_114 : f32 to vector<16xf32>
      %swap3A_116 = arith.index_cast %add3A_110 : i32 to index
      %swap3A_117 = arith.constant 16 : index
      %swap3A_118 = tpu.vector_load %arg16[%swap3A_116, %swap3A_117] {strides = array<i32>} : memref<80x128xf32, #tpu.memory_space<vmem>>, vector<16xf32>,
      tpu.vector_store %arg16[%swap3A_116, %swap3A_117], %broadcast_in_dim3A_115 {strides = array<i32>} : memref<80x128xf32, #tpu.memory_space<vmem>>, vector<16xf32>,
      %broadcast_in_dim3A_119 = arith.constant 0.000000e+00 : f32
      %broadcast_in_dim3A_120 = vector.broadcast %broadcast_in_dim3A_119 : f32 to vector<16xf32>
      %swap3A_121 = arith.index_cast %add3A_110 : i32 to index
      %swap3A_122 = arith.constant 32 : index
      %swap3A_123 = tpu.vector_load %arg16[%swap3A_121, %swap3A_122] {strides = array<i32>} : memref<80x128xf32, #tpu.memory_space<vmem>>, vector<16xf32>,
      tpu.vector_store %arg16[%swap3A_121, %swap3A_122], %broadcast_in_dim3A_120 {strides = array<i32>} : memref<80x128xf32, #tpu.memory_space<vmem>>, vector<16xf32>,
      %broadcast_in_dim3A_124 = arith.constant 0.000000e+00 : f32
      %broadcast_in_dim3A_125 = vector.broadcast %broadcast_in_dim3A_124 : f32 to vector<16xf32>
      %swap3A_126 = arith.index_cast %add3A_110 : i32 to index
      %swap3A_127 = arith.constant 48 : index
      %swap3A_128 = tpu.vector_load %arg16[%swap3A_126, %swap3A_127] {strides = array<i32>} : memref<80x128xf32, #tpu.memory_space<vmem>>, vector<16xf32>,
      tpu.vector_store %arg16[%swap3A_126, %swap3A_127], %broadcast_in_dim3A_125 {strides = array<i32>} : memref<80x128xf32, #tpu.memory_space<vmem>>, vector<16xf32>,
      %broadcast_in_dim3A_129 = arith.constant 0.000000e+00 : f32
      %broadcast_in_dim3A_130 = vector.broadcast %broadcast_in_dim3A_129 : f32 to vector<16xf32>
      %swap3A_131 = arith.index_cast %add3A_110 : i32 to index
      %swap3A_132 = arith.constant 64 : index
      %swap3A_133 = tpu.vector_load %arg16[%swap3A_131, %swap3A_132] {strides = array<i32>} : memref<80x128xf32, #tpu.memory_space<vmem>>, vector<16xf32>,
      tpu.vector_store %arg16[%swap3A_131, %swap3A_132], %broadcast_in_dim3A_130 {strides = array<i32>} : memref<80x128xf32, #tpu.memory_space<vmem>>, vector<16xf32>,
      %broadcast_in_dim3A_134 = arith.constant 0.000000e+00 : f32
      %broadcast_in_dim3A_135 = vector.broadcast %broadcast_in_dim3A_134 : f32 to vector<16xf32>
      %swap3A_136 = arith.index_cast %add3A_110 : i32 to index
      %swap3A_137 = arith.constant 80 : index
      %swap3A_138 = tpu.vector_load %arg16[%swap3A_136, %swap3A_137] {strides = array<i32>} : memref<80x128xf32, #tpu.memory_space<vmem>>, vector<16xf32>,
      tpu.vector_store %arg16[%swap3A_136, %swap3A_137], %broadcast_in_dim3A_135 {strides = array<i32>} : memref<80x128xf32, #tpu.memory_space<vmem>>, vector<16xf32>,
      %broadcast_in_dim3A_139 = arith.constant 0.000000e+00 : f32
      %broadcast_in_dim3A_140 = vector.broadcast %broadcast_in_dim3A_139 : f32 to vector<16xf32>
      %swap3A_141 = arith.index_cast %add3A_110 : i32 to index
      %swap3A_142 = arith.constant 96 : index
      %swap3A_143 = tpu.vector_load %arg16[%swap3A_141, %swap3A_142] {strides = array<i32>} : memref<80x128xf32, #tpu.memory_space<vmem>>, vector<16xf32>,
      tpu.vector_store %arg16[%swap3A_141, %swap3A_142], %broadcast_in_dim3A_140 {strides = array<i32>} : memref<80x128xf32, #tpu.memory_space<vmem>>, vector<16xf32>,
      %broadcast_in_dim3A_144 = arith.constant 0.000000e+00 : f32
      %broadcast_in_dim3A_145 = vector.broadcast %broadcast_in_dim3A_144 : f32 to vector<16xf32>
      %swap3A_146 = arith.index_cast %add3A_110 : i32 to index
      %swap3A_147 = arith.constant 112 : index
      %swap3A_148 = tpu.vector_load %arg16[%swap3A_146, %swap3A_147] {strides = array<i32>} : memref<80x128xf32, #tpu.memory_space<vmem>>, vector<16xf32>,
      tpu.vector_store %arg16[%swap3A_146, %swap3A_147], %broadcast_in_dim3A_145 {strides = array<i32>} : memref<80x128xf32, #tpu.memory_space<vmem>>, vector<16xf32>,
    }
    %scan3A_8 = arith.constant 80 : i32
    %scan3A_9 = arith.constant 0 : i32
    %scan3A_10 = arith.constant 8 : i32
    %scan3A_11 = arith.addi %scan3A_9, %scan3A_10 : i32
    %scan3A_12 = arith.constant 1 : i32
    scf.for %scan3A_106 = %scan3A_9 to %scan3A_11 step %scan3A_12  : i32 {
      %mul3A_107 = arith.constant 1 : i32
      %mul3A_108 = arith.muli %scan3A_106, %mul3A_107 : i32
      %add3A_109 = arith.constant 0 : i32
      %add3A_110 = arith.addi %add3A_109, %mul3A_108 : i32
      %mul3A_111 = arith.constant 80 : i32
      %mul3A_112 = arith.muli %add3A_110, %mul3A_111 : i32
      %add3A_113 = arith.addi %mul3A_2, %mul3A_112 : i32
      "tpu.region"() ({
        %run_scoped3A = tpu.sem_alloc : memref<!tpu.dma_semaphore, #tpu.memory_space<semaphore_mem>>
        %dma_start3A_114 = arith.constant 0 : i32
        %dma_start3A_115 = arith.constant 0 : i32
        %dma_start3A_116 = tpu.memref_slice %arg16[%dma_start3A_114, %dma_start3A_115] : memref<80x128xf32, #tpu.memory_space<vmem>> -> memref<80x128xf32, #tpu.memory_space<vmem>>
        %dma_start3A_117 = arith.constant 0 : i32
        %dma_start3A_118 = tpu.memref_slice %arg19[%add3A_113, %dma_start3A_117] : memref<10000x128xf32, #tpu.memory_space<vmem_shared>> -> memref<80x128xf32, #tpu.memory_space<vmem_shared>>
        %dma_start3A_119 = arith.constant 0 : i32
        %dma_start3A_120 = tpu.memref_slice %arg19[%add3A_113, %dma_start3A_119] : memref<10000x128xf32, #tpu.memory_space<vmem_shared>> -> memref<80x128xf32, #tpu.memory_space<vmem_shared>>
        %dma_start3A_121 = arith.constant 0 : i32
        %dma_start3A_122 = arith.constant 0 : i32
        %dma_start3A_123 = tpu.memref_slice %arg16[%dma_start3A_121, %dma_start3A_122] : memref<80x128xf32, #tpu.memory_space<vmem>> -> memref<80x128xf32, #tpu.memory_space<vmem>>
        tpu.enqueue_dma source(%dma_start3A_123 : memref<80x128xf32, #tpu.memory_space<vmem>>) target(%dma_start3A_120 : memref<80x128xf32, #tpu.memory_space<vmem_shared>>) target_semaphore(%run_scoped3A : memref<!tpu.dma_semaphore, #tpu.memory_space<semaphore_mem>>)
        %dma_wait3A_124 = arith.constant 0 : i32
        %dma_wait3A_125 = arith.constant 0 : i32
        %dma_wait3A_126 = tpu.memref_slice %arg16[%dma_wait3A_124, %dma_wait3A_125] : memref<80x128xf32, #tpu.memory_space<vmem>> -> memref<80x128xf32, #tpu.memory_space<vmem>>
        %dma_wait3A_127 = arith.constant 0 : i32
        %dma_wait3A_128 = tpu.memref_slice %arg19[%add3A_113, %dma_wait3A_127] : memref<10000x128xf32, #tpu.memory_space<vmem_shared>> -> memref<80x128xf32, #tpu.memory_space<vmem_shared>>
        %dma_wait3A_129 = arith.constant 0 : i32
        %dma_wait3A_130 = tpu.memref_slice %arg19[%add3A_113, %dma_wait3A_129] : memref<10000x128xf32, #tpu.memory_space<vmem_shared>> -> memref<80x128xf32, #tpu.memory_space<vmem_shared>>
        %dma_wait3A_131 = arith.constant 0 : i32
        %dma_wait3A_132 = arith.constant 0 : i32
        %dma_wait3A_133 = tpu.memref_slice %arg16[%dma_wait3A_131, %dma_wait3A_132] : memref<80x128xf32, #tpu.memory_space<vmem>> -> memref<80x128xf32, #tpu.memory_space<vmem>>
        tpu.wait_dma2 semaphore(%run_scoped3A : memref<!tpu.dma_semaphore, #tpu.memory_space<semaphore_mem>>) src(%dma_wait3A_133 : memref<80x128xf32, #tpu.memory_space<vmem>>) dst(%dma_wait3A_130 : memref<80x128xf32, #tpu.memory_space<vmem_shared>>)
        tpu.yield
      }) : () -> ()
    }
    %scan3A_13 = arith.constant 8 : i32
    %barrier3A = arith.constant 0 : index
    tpu.barrier barrier_id(%barrier3A)
    %add3A_14 = arith.constant 0 : i32
    %add3A_15 = arith.addi %mul3A_4, %add3A_14 : i32
    %dma_start3A = tpu.memref_slice %arg3[%add3A_15] : memref<320000xi32, #tpu.memory_space<hbm>> -> memref<80xi32, #tpu.memory_space<hbm>>
    %dma_start3A_16 = tpu.memref_slice %arg3[%add3A_15] : memref<320000xi32, #tpu.memory_space<hbm>> -> memref<80xi32, #tpu.memory_space<hbm>>
    tpu.enqueue_dma source(%dma_start3A_16 : memref<80xi32, #tpu.memory_space<hbm>>) target(%arg7 : memref<80xi32, #tpu.memory_space<vmem>>) target_semaphore(%arg20 : memref<!tpu.dma_semaphore, #tpu.memory_space<semaphore_mem>>)
    %add3A_17 = arith.constant 0 : i32
    %add3A_18 = arith.addi %mul3A_4, %add3A_17 : i32
    %dma_start3A_19 = tpu.memref_slice %arg4[%add3A_18] : memref<320000xi32, #tpu.memory_space<hbm>> -> memref<80xi32, #tpu.memory_space<hbm>>
    %dma_start3A_20 = tpu.memref_slice %arg4[%add3A_18] : memref<320000xi32, #tpu.memory_space<hbm>> -> memref<80xi32, #tpu.memory_space<hbm>>
    tpu.enqueue_dma source(%dma_start3A_20 : memref<80xi32, #tpu.memory_space<hbm>>) target(%arg10 : memref<80xi32, #tpu.memory_space<vmem>>) target_semaphore(%arg23 : memref<!tpu.dma_semaphore, #tpu.memory_space<semaphore_mem>>)
    %add3A_21 = arith.constant 0 : i32
    %add3A_22 = arith.addi %mul3A_4, %add3A_21 : i32
    %dma_start3A_23 = tpu.memref_slice %arg5[%add3A_22] : memref<320000xf32, #tpu.memory_space<hbm>> -> memref<80xf32, #tpu.memory_space<hbm>>
    %dma_start3A_24 = tpu.memref_slice %arg5[%add3A_22] : memref<320000xf32, #tpu.memory_space<hbm>> -> memref<80xf32, #tpu.memory_space<hbm>>
    tpu.enqueue_dma source(%dma_start3A_24 : memref<80xf32, #tpu.memory_space<hbm>>) target(%arg13 : memref<80xf32, #tpu.memory_space<vmem>>) target_semaphore(%arg26 : memref<!tpu.dma_semaphore, #tpu.memory_space<semaphore_mem>>)
    %add3A_25 = arith.constant 80 : i32
    %add3A_26 = arith.addi %mul3A_4, %add3A_25 : i32
    %dma_start3A_27 = tpu.memref_slice %arg3[%add3A_26] : memref<320000xi32, #tpu.memory_space<hbm>> -> memref<80xi32, #tpu.memory_space<hbm>>
    %dma_start3A_28 = tpu.memref_slice %arg3[%add3A_26] : memref<320000xi32, #tpu.memory_space<hbm>> -> memref<80xi32, #tpu.memory_space<hbm>>
    tpu.enqueue_dma source(%dma_start3A_28 : memref<80xi32, #tpu.memory_space<hbm>>) target(%arg8 : memref<80xi32, #tpu.memory_space<vmem>>) target_semaphore(%arg21 : memref<!tpu.dma_semaphore, #tpu.memory_space<semaphore_mem>>)
    %add3A_29 = arith.constant 80 : i32
    %add3A_30 = arith.addi %mul3A_4, %add3A_29 : i32
    %dma_start3A_31 = tpu.memref_slice %arg4[%add3A_30] : memref<320000xi32, #tpu.memory_space<hbm>> -> memref<80xi32, #tpu.memory_space<hbm>>
    %dma_start3A_32 = tpu.memref_slice %arg4[%add3A_30] : memref<320000xi32, #tpu.memory_space<hbm>> -> memref<80xi32, #tpu.memory_space<hbm>>
    tpu.enqueue_dma source(%dma_start3A_32 : memref<80xi32, #tpu.memory_space<hbm>>) target(%arg11 : memref<80xi32, #tpu.memory_space<vmem>>) target_semaphore(%arg24 : memref<!tpu.dma_semaphore, #tpu.memory_space<semaphore_mem>>)
    %add3A_33 = arith.constant 80 : i32
    %add3A_34 = arith.addi %mul3A_4, %add3A_33 : i32
    %dma_start3A_35 = tpu.memref_slice %arg5[%add3A_34] : memref<320000xf32, #tpu.memory_space<hbm>> -> memref<80xf32, #tpu.memory_space<hbm>>
    %dma_start3A_36 = tpu.memref_slice %arg5[%add3A_34] : memref<320000xf32, #tpu.memory_space<hbm>> -> memref<80xf32, #tpu.memory_space<hbm>>
    tpu.enqueue_dma source(%dma_start3A_36 : memref<80xf32, #tpu.memory_space<hbm>>) target(%arg14 : memref<80xf32, #tpu.memory_space<vmem>>) target_semaphore(%arg27 : memref<!tpu.dma_semaphore, #tpu.memory_space<semaphore_mem>>)
    %dma_wait3A = tpu.memref_slice %arg3[%mul3A_4] : memref<320000xi32, #tpu.memory_space<hbm>> -> memref<80xi32, #tpu.memory_space<hbm>>
    %dma_wait3A_37 = tpu.memref_slice %arg3[%mul3A_4] : memref<320000xi32, #tpu.memory_space<hbm>> -> memref<80xi32, #tpu.memory_space<hbm>>
    tpu.wait_dma2 semaphore(%arg20 : memref<!tpu.dma_semaphore, #tpu.memory_space<semaphore_mem>>) src(%dma_wait3A_37 : memref<80xi32, #tpu.memory_space<hbm>>) dst(%arg7 : memref<80xi32, #tpu.memory_space<vmem>>)
    %dma_start3A_38 = arith.constant 0 : i32
    %dma_start3A_39 = arith.constant 0 : i32
    %dma_start3A_40 = tpu.memref_slice %arg2[%dma_start3A_38, %dma_start3A_39] : memref<10000x128xf32, #tpu.memory_space<hbm>> -> memref<10000x128xf32, #tpu.memory_space<hbm>>
    tpu.enqueue_indirect_dma source(%dma_start3A_40 : memref<10000x128xf32, #tpu.memory_space<hbm>>) target(%arg16 : memref<80x128xf32, #tpu.memory_space<vmem>>) offsets(%arg7 : memref<80xi32, #tpu.memory_space<vmem>>) semaphore(%arg29 : memref<!tpu.dma_semaphore, #tpu.memory_space<semaphore_mem>>)
    %dma_wait3A_41 = tpu.memref_slice %arg3[%mul3A_4] : memref<320000xi32, #tpu.memory_space<hbm>> -> memref<80xi32, #tpu.memory_space<hbm>>
    %dma_wait3A_42 = tpu.memref_slice %arg3[%mul3A_4] : memref<320000xi32, #tpu.memory_space<hbm>> -> memref<80xi32, #tpu.memory_space<hbm>>
    tpu.wait_dma2 semaphore(%arg21 : memref<!tpu.dma_semaphore, #tpu.memory_space<semaphore_mem>>) src(%dma_wait3A_42 : memref<80xi32, #tpu.memory_space<hbm>>) dst(%arg8 : memref<80xi32, #tpu.memory_space<vmem>>)
    %dma_start3A_43 = arith.constant 0 : i32
    %dma_start3A_44 = arith.constant 0 : i32
    %dma_start3A_45 = tpu.memref_slice %arg2[%dma_start3A_43, %dma_start3A_44] : memref<10000x128xf32, #tpu.memory_space<hbm>> -> memref<10000x128xf32, #tpu.memory_space<hbm>>
    tpu.enqueue_indirect_dma source(%dma_start3A_45 : memref<10000x128xf32, #tpu.memory_space<hbm>>) target(%arg17 : memref<80x128xf32, #tpu.memory_space<vmem>>) offsets(%arg8 : memref<80xi32, #tpu.memory_space<vmem>>) semaphore(%arg30 : memref<!tpu.dma_semaphore, #tpu.memory_space<semaphore_mem>>)
    %scan3A_46 = arith.constant 0 : i32
    %scan3A_47 = arith.constant 41 : i32
    %scan3A_48 = arith.addi %scan3A_46, %scan3A_47 : i32
    %scan3A_49 = arith.constant 1 : i32
    scf.for %scan3A_106 = %scan3A_46 to %scan3A_48 step %scan3A_49  : i32 {
      %mul3A_107 = arith.constant 1 : i32
      %mul3A_108 = arith.muli %scan3A_106, %mul3A_107 : i32
      %add3A_109 = arith.constant 0 : i32
      %add3A_110 = arith.addi %add3A_109, %mul3A_108 : i32
      %mul3A_111 = arith.constant 3 : i32
      %mul3A_112 = arith.muli %add3A_110, %mul3A_111 : i32
      %add3A_113 = arith.constant 0 : i32
      %add3A_114 = arith.addi %mul3A_112, %add3A_113 : i32
      %dma_wait3A_115 = arith.constant 0 : i32
      %dma_wait3A_116 = arith.constant 0 : i32
      %dma_wait3A_117 = tpu.memref_slice %arg2[%dma_wait3A_115, %dma_wait3A_116] : memref<10000x128xf32, #tpu.memory_space<hbm>> -> memref<10000x128xf32, #tpu.memory_space<hbm>>
      tpu.wait_indirect_dma semaphore(%arg29 : memref<!tpu.dma_semaphore, #tpu.memory_space<semaphore_mem>>) src(%dma_wait3A_117 : memref<10000x128xf32, #tpu.memory_space<hbm>>) dst(%arg16 : memref<80x128xf32, #tpu.memory_space<vmem>>)
      %dma_wait3A_118 = tpu.memref_slice %arg4[%mul3A_4] : memref<320000xi32, #tpu.memory_space<hbm>> -> memref<80xi32, #tpu.memory_space<hbm>>
      %dma_wait3A_119 = tpu.memref_slice %arg4[%mul3A_4] : memref<320000xi32, #tpu.memory_space<hbm>> -> memref<80xi32, #tpu.memory_space<hbm>>
      tpu.wait_dma2 semaphore(%arg23 : memref<!tpu.dma_semaphore, #tpu.memory_space<semaphore_mem>>) src(%dma_wait3A_119 : memref<80xi32, #tpu.memory_space<hbm>>) dst(%arg10 : memref<80xi32, #tpu.memory_space<vmem>>)
      %dma_wait3A_120 = tpu.memref_slice %arg5[%mul3A_4] : memref<320000xf32, #tpu.memory_space<hbm>> -> memref<80xf32, #tpu.memory_space<hbm>>
      %dma_wait3A_121 = tpu.memref_slice %arg5[%mul3A_4] : memref<320000xf32, #tpu.memory_space<hbm>> -> memref<80xf32, #tpu.memory_space<hbm>>
      tpu.wait_dma2 semaphore(%arg26 : memref<!tpu.dma_semaphore, #tpu.memory_space<semaphore_mem>>) src(%dma_wait3A_121 : memref<80xf32, #tpu.memory_space<hbm>>) dst(%arg13 : memref<80xf32, #tpu.memory_space<vmem>>)
      %scan3A_122 = arith.constant 0 : i32
      %scan3A_123 = arith.constant 80 : i32
      %scan3A_124 = arith.addi %scan3A_122, %scan3A_123 : i32
      %scan3A_125 = arith.constant 1 : i32
      scf.for %scan3A_203 = %scan3A_122 to %scan3A_124 step %scan3A_125  : i32 {
        %mul3A_204 = arith.constant 1 : i32
        %mul3A_205 = arith.muli %scan3A_203, %mul3A_204 : i32
        %add3A_206 = arith.constant 0 : i32
        %add3A_207 = arith.addi %add3A_206, %mul3A_205 : i32
        %broadcast_in_dim3A = vector.broadcast %add3A_207 : i32 to vector<16xi32>
        %gather3A = tpu.vector_load_idx %arg13[%broadcast_in_dim3A] : memref<80xf32, #tpu.memory_space<vmem>>[vector<16xi32>], vector<16xf32>,
        %get3A = arith.index_cast %add3A_207 : i32 to index
        %get3A_208 = arith.constant 0 : index
        %get3A_209 = tpu.vector_load %arg16[%get3A, %get3A_208] {strides = array<i32>} : memref<80x128xf32, #tpu.memory_space<vmem>>, vector<16xf32>,
        %mul3A_210 = arith.mulf %get3A_209, %gather3A : vector<16xf32>
        %swap3A = arith.index_cast %add3A_207 : i32 to index
        %swap3A_211 = arith.constant 0 : index
        %swap3A_212 = tpu.vector_load %arg16[%swap3A, %swap3A_211] {strides = array<i32>} : memref<80x128xf32, #tpu.memory_space<vmem>>, vector<16xf32>,
        tpu.vector_store %arg16[%swap3A, %swap3A_211], %mul3A_210 {strides = array<i32>} : memref<80x128xf32, #tpu.memory_space<vmem>>, vector<16xf32>,
        %get3A_213 = arith.index_cast %add3A_207 : i32 to index
        %get3A_214 = arith.constant 16 : index
        %get3A_215 = tpu.vector_load %arg16[%get3A_213, %get3A_214] {strides = array<i32>} : memref<80x128xf32, #tpu.memory_space<vmem>>, vector<16xf32>,
        %mul3A_216 = arith.mulf %get3A_215, %gather3A : vector<16xf32>
        %swap3A_217 = arith.index_cast %add3A_207 : i32 to index
        %swap3A_218 = arith.constant 16 : index
        %swap3A_219 = tpu.vector_load %arg16[%swap3A_217, %swap3A_218] {strides = array<i32>} : memref<80x128xf32, #tpu.memory_space<vmem>>, vector<16xf32>,
        tpu.vector_store %arg16[%swap3A_217, %swap3A_218], %mul3A_216 {strides = array<i32>} : memref<80x128xf32, #tpu.memory_space<vmem>>, vector<16xf32>,
        %get3A_220 = arith.index_cast %add3A_207 : i32 to index
        %get3A_221 = arith.constant 32 : index
        %get3A_222 = tpu.vector_load %arg16[%get3A_220, %get3A_221] {strides = array<i32>} : memref<80x128xf32, #tpu.memory_space<vmem>>, vector<16xf32>,
        %mul3A_223 = arith.mulf %get3A_222, %gather3A : vector<16xf32>
        %swap3A_224 = arith.index_cast %add3A_207 : i32 to index
        %swap3A_225 = arith.constant 32 : index
        %swap3A_226 = tpu.vector_load %arg16[%swap3A_224, %swap3A_225] {strides = array<i32>} : memref<80x128xf32, #tpu.memory_space<vmem>>, vector<16xf32>,
        tpu.vector_store %arg16[%swap3A_224, %swap3A_225], %mul3A_223 {strides = array<i32>} : memref<80x128xf32, #tpu.memory_space<vmem>>, vector<16xf32>,
        %get3A_227 = arith.index_cast %add3A_207 : i32 to index
        %get3A_228 = arith.constant 48 : index
        %get3A_229 = tpu.vector_load %arg16[%get3A_227, %get3A_228] {strides = array<i32>} : memref<80x128xf32, #tpu.memory_space<vmem>>, vector<16xf32>,
        %mul3A_230 = arith.mulf %get3A_229, %gather3A : vector<16xf32>
        %swap3A_231 = arith.index_cast %add3A_207 : i32 to index
        %swap3A_232 = arith.constant 48 : index
        %swap3A_233 = tpu.vector_load %arg16[%swap3A_231, %swap3A_232] {strides = array<i32>} : memref<80x128xf32, #tpu.memory_space<vmem>>, vector<16xf32>,
        tpu.vector_store %arg16[%swap3A_231, %swap3A_232], %mul3A_230 {strides = array<i32>} : memref<80x128xf32, #tpu.memory_space<vmem>>, vector<16xf32>,
        %get3A_234 = arith.index_cast %add3A_207 : i32 to index
        %get3A_235 = arith.constant 64 : index
        %get3A_236 = tpu.vector_load %arg16[%get3A_234, %get3A_235] {strides = array<i32>} : memref<80x128xf32, #tpu.memory_space<vmem>>, vector<16xf32>,
        %mul3A_237 = arith.mulf %get3A_236, %gather3A : vector<16xf32>
        %swap3A_238 = arith.index_cast %add3A_207 : i32 to index
        %swap3A_239 = arith.constant 64 : index
        %swap3A_240 = tpu.vector_load %arg16[%swap3A_238, %swap3A_239] {strides = array<i32>} : memref<80x128xf32, #tpu.memory_space<vmem>>, vector<16xf32>,
        tpu.vector_store %arg16[%swap3A_238, %swap3A_239], %mul3A_237 {strides = array<i32>} : memref<80x128xf32, #tpu.memory_space<vmem>>, vector<16xf32>,
        %get3A_241 = arith.index_cast %add3A_207 : i32 to index
        %get3A_242 = arith.constant 80 : index
        %get3A_243 = tpu.vector_load %arg16[%get3A_241, %get3A_242] {strides = array<i32>} : memref<80x128xf32, #tpu.memory_space<vmem>>, vector<16xf32>,
        %mul3A_244 = arith.mulf %get3A_243, %gather3A : vector<16xf32>
        %swap3A_245 = arith.index_cast %add3A_207 : i32 to index
        %swap3A_246 = arith.constant 80 : index
        %swap3A_247 = tpu.vector_load %arg16[%swap3A_245, %swap3A_246] {strides = array<i32>} : memref<80x128xf32, #tpu.memory_space<vmem>>, vector<16xf32>,
        tpu.vector_store %arg16[%swap3A_245, %swap3A_246], %mul3A_244 {strides = array<i32>} : memref<80x128xf32, #tpu.memory_space<vmem>>, vector<16xf32>,
        %get3A_248 = arith.index_cast %add3A_207 : i32 to index
        %get3A_249 = arith.constant 96 : index
        %get3A_250 = tpu.vector_load %arg16[%get3A_248, %get3A_249] {strides = array<i32>} : memref<80x128xf32, #tpu.memory_space<vmem>>, vector<16xf32>,
        %mul3A_251 = arith.mulf %get3A_250, %gather3A : vector<16xf32>
        %swap3A_252 = arith.index_cast %add3A_207 : i32 to index
        %swap3A_253 = arith.constant 96 : index
        %swap3A_254 = tpu.vector_load %arg16[%swap3A_252, %swap3A_253] {strides = array<i32>} : memref<80x128xf32, #tpu.memory_space<vmem>>, vector<16xf32>,
        tpu.vector_store %arg16[%swap3A_252, %swap3A_253], %mul3A_251 {strides = array<i32>} : memref<80x128xf32, #tpu.memory_space<vmem>>, vector<16xf32>,
        %get3A_255 = arith.index_cast %add3A_207 : i32 to index
        %get3A_256 = arith.constant 112 : index
        %get3A_257 = tpu.vector_load %arg16[%get3A_255, %get3A_256] {strides = array<i32>} : memref<80x128xf32, #tpu.memory_space<vmem>>, vector<16xf32>,
        %mul3A_258 = arith.mulf %get3A_257, %gather3A : vector<16xf32>
        %swap3A_259 = arith.index_cast %add3A_207 : i32 to index
        %swap3A_260 = arith.constant 112 : index
        %swap3A_261 = tpu.vector_load %arg16[%swap3A_259, %swap3A_260] {strides = array<i32>} : memref<80x128xf32, #tpu.memory_space<vmem>>, vector<16xf32>,
        tpu.vector_store %arg16[%swap3A_259, %swap3A_260], %mul3A_258 {strides = array<i32>} : memref<80x128xf32, #tpu.memory_space<vmem>>, vector<16xf32>,
      }
      %scan3A_126 = arith.constant 80 : i32
      %ge3A = arith.constant 1 : i32
      %ge3A_127 = arith.cmpi sge, %add3A_114, %ge3A : i32
      %convert_element_type3A = arith.extui %ge3A_127 : i1 to i32
      %cond3A = arith.constant 0 : i32
      %cond3A_128 = arith.cmpi ne, %convert_element_type3A, %cond3A : i32
      scf.if %cond3A_128 {
        %dma_wait3A_203 = arith.constant 0 : i32
        %dma_wait3A_204 = arith.constant 0 : i32
        %dma_wait3A_205 = tpu.memref_slice %arg18[%dma_wait3A_203, %dma_wait3A_204] : memref<80x128xf32, #tpu.memory_space<vmem>> -> memref<80x128xf32, #tpu.memory_space<vmem>>
        %dma_wait3A_206 = arith.constant 0 : i32
        %dma_wait3A_207 = arith.constant 0 : i32
        %dma_wait3A_208 = tpu.memref_slice %arg19[%dma_wait3A_206, %dma_wait3A_207] : memref<10000x128xf32, #tpu.memory_space<vmem_shared>> -> memref<10000x128xf32, #tpu.memory_space<vmem_shared>>
        tpu.wait_indirect_dma semaphore(%arg34 : memref<!tpu.dma_semaphore, #tpu.memory_space<semaphore_mem>>) src(%dma_wait3A_205 : memref<80x128xf32, #tpu.memory_space<vmem>>) dst(%dma_wait3A_208 : memref<10000x128xf32, #tpu.memory_space<vmem_shared>>)
      } else {
      }
      %lt3A = arith.constant 123 : i32
      %lt3A_129 = arith.cmpi slt, %add3A_114, %lt3A : i32
      %convert_element_type3A_130 = arith.extui %lt3A_129 : i1 to i32
      %cond3A_131 = arith.constant 0 : i32
      %cond3A_132 = arith.cmpi ne, %convert_element_type3A_130, %cond3A_131 : i32
      scf.if %cond3A_132 {
        %add3A_203 = arith.constant 2 : i32
        %add3A_204 = arith.addi %add3A_114, %add3A_203 : i32
        %mul3A_205 = arith.constant 80 : i32
        %mul3A_206 = arith.muli %add3A_204, %mul3A_205 : i32
        %add3A_207 = arith.addi %mul3A_4, %mul3A_206 : i32
        %dma_start3A_208 = tpu.memref_slice %arg3[%add3A_207] : memref<320000xi32, #tpu.memory_space<hbm>> -> memref<80xi32, #tpu.memory_space<hbm>>
        %dma_start3A_209 = tpu.memref_slice %arg3[%add3A_207] : memref<320000xi32, #tpu.memory_space<hbm>> -> memref<80xi32, #tpu.memory_space<hbm>>
        tpu.enqueue_dma source(%dma_start3A_209 : memref<80xi32, #tpu.memory_space<hbm>>) target(%arg9 : memref<80xi32, #tpu.memory_space<vmem>>) target_semaphore(%arg22 : memref<!tpu.dma_semaphore, #tpu.memory_space<semaphore_mem>>)
        %mul3A_210 = arith.constant 80 : i32
        %mul3A_211 = arith.muli %add3A_204, %mul3A_210 : i32
        %add3A_212 = arith.addi %mul3A_4, %mul3A_211 : i32
        %dma_start3A_213 = tpu.memref_slice %arg4[%add3A_212] : memref<320000xi32, #tpu.memory_space<hbm>> -> memref<80xi32, #tpu.memory_space<hbm>>
        %dma_start3A_214 = tpu.memref_slice %arg4[%add3A_212] : memref<320000xi32, #tpu.memory_space<hbm>> -> memref<80xi32, #tpu.memory_space<hbm>>
        tpu.enqueue_dma source(%dma_start3A_214 : memref<80xi32, #tpu.memory_space<hbm>>) target(%arg12 : memref<80xi32, #tpu.memory_space<vmem>>) target_semaphore(%arg25 : memref<!tpu.dma_semaphore, #tpu.memory_space<semaphore_mem>>)
        %mul3A_215 = arith.constant 80 : i32
        %mul3A_216 = arith.muli %add3A_204, %mul3A_215 : i32
        %add3A_217 = arith.addi %mul3A_4, %mul3A_216 : i32
        %dma_start3A_218 = tpu.memref_slice %arg5[%add3A_217] : memref<320000xf32, #tpu.memory_space<hbm>> -> memref<80xf32, #tpu.memory_space<hbm>>
        %dma_start3A_219 = tpu.memref_slice %arg5[%add3A_217] : memref<320000xf32, #tpu.memory_space<hbm>> -> memref<80xf32, #tpu.memory_space<hbm>>
        tpu.enqueue_dma source(%dma_start3A_219 : memref<80xf32, #tpu.memory_space<hbm>>) target(%arg15 : memref<80xf32, #tpu.memory_space<vmem>>) target_semaphore(%arg28 : memref<!tpu.dma_semaphore, #tpu.memory_space<semaphore_mem>>)
        %dma_wait3A_220 = tpu.memref_slice %arg3[%mul3A_4] : memref<320000xi32, #tpu.memory_space<hbm>> -> memref<80xi32, #tpu.memory_space<hbm>>
        %dma_wait3A_221 = tpu.memref_slice %arg3[%mul3A_4] : memref<320000xi32, #tpu.memory_space<hbm>> -> memref<80xi32, #tpu.memory_space<hbm>>
        tpu.wait_dma2 semaphore(%arg22 : memref<!tpu.dma_semaphore, #tpu.memory_space<semaphore_mem>>) src(%dma_wait3A_221 : memref<80xi32, #tpu.memory_space<hbm>>) dst(%arg9 : memref<80xi32, #tpu.memory_space<vmem>>)
        %dma_start3A_222 = arith.constant 0 : i32
        %dma_start3A_223 = arith.constant 0 : i32
        %dma_start3A_224 = tpu.memref_slice %arg2[%dma_start3A_222, %dma_start3A_223] : memref<10000x128xf32, #tpu.memory_space<hbm>> -> memref<10000x128xf32, #tpu.memory_space<hbm>>
        tpu.enqueue_indirect_dma source(%dma_start3A_224 : memref<10000x128xf32, #tpu.memory_space<hbm>>) target(%arg18 : memref<80x128xf32, #tpu.memory_space<vmem>>) offsets(%arg9 : memref<80xi32, #tpu.memory_space<vmem>>) semaphore(%arg31 : memref<!tpu.dma_semaphore, #tpu.memory_space<semaphore_mem>>)
      } else {
      }
      %dma_start3A_133 = arith.constant 0 : i32
      %dma_start3A_134 = arith.constant 0 : i32
      %dma_start3A_135 = tpu.memref_slice %arg16[%dma_start3A_133, %dma_start3A_134] : memref<80x128xf32, #tpu.memory_space<vmem>> -> memref<80x128xf32, #tpu.memory_space<vmem>>
      %dma_start3A_136 = arith.constant 0 : i32
      %dma_start3A_137 = arith.constant 0 : i32
      %dma_start3A_138 = tpu.memref_slice %arg19[%dma_start3A_136, %dma_start3A_137] : memref<10000x128xf32, #tpu.memory_space<vmem_shared>> -> memref<10000x128xf32, #tpu.memory_space<vmem_shared>>
      tpu.enqueue_indirect_dma source(%dma_start3A_135 : memref<80x128xf32, #tpu.memory_space<vmem>>) target(%dma_start3A_138 : memref<10000x128xf32, #tpu.memory_space<vmem_shared>>) offsets(%arg10 : memref<80xi32, #tpu.memory_space<vmem>>) semaphore(%arg32 : memref<!tpu.dma_semaphore, #tpu.memory_space<semaphore_mem>>) {add = true}
      %mul3A_139 = arith.constant 3 : i32
      %mul3A_140 = arith.muli %add3A_110, %mul3A_139 : i32
      %add3A_141 = arith.constant 1 : i32
      %add3A_142 = arith.addi %mul3A_140, %add3A_141 : i32
      %dma_wait3A_143 = arith.constant 0 : i32
      %dma_wait3A_144 = arith.constant 0 : i32
      %dma_wait3A_145 = tpu.memref_slice %arg2[%dma_wait3A_143, %dma_wait3A_144] : memref<10000x128xf32, #tpu.memory_space<hbm>> -> memref<10000x128xf32, #tpu.memory_space<hbm>>
      tpu.wait_indirect_dma semaphore(%arg30 : memref<!tpu.dma_semaphore, #tpu.memory_space<semaphore_mem>>) src(%dma_wait3A_145 : memref<10000x128xf32, #tpu.memory_space<hbm>>) dst(%arg17 : memref<80x128xf32, #tpu.memory_space<vmem>>)
      %dma_wait3A_146 = tpu.memref_slice %arg4[%mul3A_4] : memref<320000xi32, #tpu.memory_space<hbm>> -> memref<80xi32, #tpu.memory_space<hbm>>
      %dma_wait3A_147 = tpu.memref_slice %arg4[%mul3A_4] : memref<320000xi32, #tpu.memory_space<hbm>> -> memref<80xi32, #tpu.memory_space<hbm>>
      tpu.wait_dma2 semaphore(%arg24 : memref<!tpu.dma_semaphore, #tpu.memory_space<semaphore_mem>>) src(%dma_wait3A_147 : memref<80xi32, #tpu.memory_space<hbm>>) dst(%arg11 : memref<80xi32, #tpu.memory_space<vmem>>)
      %dma_wait3A_148 = tpu.memref_slice %arg5[%mul3A_4] : memref<320000xf32, #tpu.memory_space<hbm>> -> memref<80xf32, #tpu.memory_space<hbm>>
      %dma_wait3A_149 = tpu.memref_slice %arg5[%mul3A_4] : memref<320000xf32, #tpu.memory_space<hbm>> -> memref<80xf32, #tpu.memory_space<hbm>>
      tpu.wait_dma2 semaphore(%arg27 : memref<!tpu.dma_semaphore, #tpu.memory_space<semaphore_mem>>) src(%dma_wait3A_149 : memref<80xf32, #tpu.memory_space<hbm>>) dst(%arg14 : memref<80xf32, #tpu.memory_space<vmem>>)
      %scan3A_150 = arith.constant 0 : i32
      %scan3A_151 = arith.constant 80 : i32
      %scan3A_152 = arith.addi %scan3A_150, %scan3A_151 : i32
      %scan3A_153 = arith.constant 1 : i32
      scf.for %scan3A_203 = %scan3A_150 to %scan3A_152 step %scan3A_153  : i32 {
        %mul3A_204 = arith.constant 1 : i32
        %mul3A_205 = arith.muli %scan3A_203, %mul3A_204 : i32
        %add3A_206 = arith.constant 0 : i32
        %add3A_207 = arith.addi %add3A_206, %mul3A_205 : i32
        %broadcast_in_dim3A = vector.broadcast %add3A_207 : i32 to vector<16xi32>
        %gather3A = tpu.vector_load_idx %arg14[%broadcast_in_dim3A] : memref<80xf32, #tpu.memory_space<vmem>>[vector<16xi32>], vector<16xf32>,
        %get3A = arith.index_cast %add3A_207 : i32 to index
        %get3A_208 = arith.constant 0 : index
        %get3A_209 = tpu.vector_load %arg17[%get3A, %get3A_208] {strides = array<i32>} : memref<80x128xf32, #tpu.memory_space<vmem>>, vector<16xf32>,
        %mul3A_210 = arith.mulf %get3A_209, %gather3A : vector<16xf32>
        %swap3A = arith.index_cast %add3A_207 : i32 to index
        %swap3A_211 = arith.constant 0 : index
        %swap3A_212 = tpu.vector_load %arg17[%swap3A, %swap3A_211] {strides = array<i32>} : memref<80x128xf32, #tpu.memory_space<vmem>>, vector<16xf32>,
        tpu.vector_store %arg17[%swap3A, %swap3A_211], %mul3A_210 {strides = array<i32>} : memref<80x128xf32, #tpu.memory_space<vmem>>, vector<16xf32>,
        %get3A_213 = arith.index_cast %add3A_207 : i32 to index
        %get3A_214 = arith.constant 16 : index
        %get3A_215 = tpu.vector_load %arg17[%get3A_213, %get3A_214] {strides = array<i32>} : memref<80x128xf32, #tpu.memory_space<vmem>>, vector<16xf32>,
        %mul3A_216 = arith.mulf %get3A_215, %gather3A : vector<16xf32>
        %swap3A_217 = arith.index_cast %add3A_207 : i32 to index
        %swap3A_218 = arith.constant 16 : index
        %swap3A_219 = tpu.vector_load %arg17[%swap3A_217, %swap3A_218] {strides = array<i32>} : memref<80x128xf32, #tpu.memory_space<vmem>>, vector<16xf32>,
        tpu.vector_store %arg17[%swap3A_217, %swap3A_218], %mul3A_216 {strides = array<i32>} : memref<80x128xf32, #tpu.memory_space<vmem>>, vector<16xf32>,
        %get3A_220 = arith.index_cast %add3A_207 : i32 to index
        %get3A_221 = arith.constant 32 : index
        %get3A_222 = tpu.vector_load %arg17[%get3A_220, %get3A_221] {strides = array<i32>} : memref<80x128xf32, #tpu.memory_space<vmem>>, vector<16xf32>,
        %mul3A_223 = arith.mulf %get3A_222, %gather3A : vector<16xf32>
        %swap3A_224 = arith.index_cast %add3A_207 : i32 to index
        %swap3A_225 = arith.constant 32 : index
        %swap3A_226 = tpu.vector_load %arg17[%swap3A_224, %swap3A_225] {strides = array<i32>} : memref<80x128xf32, #tpu.memory_space<vmem>>, vector<16xf32>,
        tpu.vector_store %arg17[%swap3A_224, %swap3A_225], %mul3A_223 {strides = array<i32>} : memref<80x128xf32, #tpu.memory_space<vmem>>, vector<16xf32>,
        %get3A_227 = arith.index_cast %add3A_207 : i32 to index
        %get3A_228 = arith.constant 48 : index
        %get3A_229 = tpu.vector_load %arg17[%get3A_227, %get3A_228] {strides = array<i32>} : memref<80x128xf32, #tpu.memory_space<vmem>>, vector<16xf32>,
        %mul3A_230 = arith.mulf %get3A_229, %gather3A : vector<16xf32>
        %swap3A_231 = arith.index_cast %add3A_207 : i32 to index
        %swap3A_232 = arith.constant 48 : index
        %swap3A_233 = tpu.vector_load %arg17[%swap3A_231, %swap3A_232] {strides = array<i32>} : memref<80x128xf32, #tpu.memory_space<vmem>>, vector<16xf32>,
        tpu.vector_store %arg17[%swap3A_231, %swap3A_232], %mul3A_230 {strides = array<i32>} : memref<80x128xf32, #tpu.memory_space<vmem>>, vector<16xf32>,
        %get3A_234 = arith.index_cast %add3A_207 : i32 to index
        %get3A_235 = arith.constant 64 : index
        %get3A_236 = tpu.vector_load %arg17[%get3A_234, %get3A_235] {strides = array<i32>} : memref<80x128xf32, #tpu.memory_space<vmem>>, vector<16xf32>,
        %mul3A_237 = arith.mulf %get3A_236, %gather3A : vector<16xf32>
        %swap3A_238 = arith.index_cast %add3A_207 : i32 to index
        %swap3A_239 = arith.constant 64 : index
        %swap3A_240 = tpu.vector_load %arg17[%swap3A_238, %swap3A_239] {strides = array<i32>} : memref<80x128xf32, #tpu.memory_space<vmem>>, vector<16xf32>,
        tpu.vector_store %arg17[%swap3A_238, %swap3A_239], %mul3A_237 {strides = array<i32>} : memref<80x128xf32, #tpu.memory_space<vmem>>, vector<16xf32>,
        %get3A_241 = arith.index_cast %add3A_207 : i32 to index
        %get3A_242 = arith.constant 80 : index
        %get3A_243 = tpu.vector_load %arg17[%get3A_241, %get3A_242] {strides = array<i32>} : memref<80x128xf32, #tpu.memory_space<vmem>>, vector<16xf32>,
        %mul3A_244 = arith.mulf %get3A_243, %gather3A : vector<16xf32>
        %swap3A_245 = arith.index_cast %add3A_207 : i32 to index
        %swap3A_246 = arith.constant 80 : index
        %swap3A_247 = tpu.vector_load %arg17[%swap3A_245, %swap3A_246] {strides = array<i32>} : memref<80x128xf32, #tpu.memory_space<vmem>>, vector<16xf32>,
        tpu.vector_store %arg17[%swap3A_245, %swap3A_246], %mul3A_244 {strides = array<i32>} : memref<80x128xf32, #tpu.memory_space<vmem>>, vector<16xf32>,
        %get3A_248 = arith.index_cast %add3A_207 : i32 to index
        %get3A_249 = arith.constant 96 : index
        %get3A_250 = tpu.vector_load %arg17[%get3A_248, %get3A_249] {strides = array<i32>} : memref<80x128xf32, #tpu.memory_space<vmem>>, vector<16xf32>,
        %mul3A_251 = arith.mulf %get3A_250, %gather3A : vector<16xf32>
        %swap3A_252 = arith.index_cast %add3A_207 : i32 to index
        %swap3A_253 = arith.constant 96 : index
        %swap3A_254 = tpu.vector_load %arg17[%swap3A_252, %swap3A_253] {strides = array<i32>} : memref<80x128xf32, #tpu.memory_space<vmem>>, vector<16xf32>,
        tpu.vector_store %arg17[%swap3A_252, %swap3A_253], %mul3A_251 {strides = array<i32>} : memref<80x128xf32, #tpu.memory_space<vmem>>, vector<16xf32>,
        %get3A_255 = arith.index_cast %add3A_207 : i32 to index
        %get3A_256 = arith.constant 112 : index
        %get3A_257 = tpu.vector_load %arg17[%get3A_255, %get3A_256] {strides = array<i32>} : memref<80x128xf32, #tpu.memory_space<vmem>>, vector<16xf32>,
        %mul3A_258 = arith.mulf %get3A_257, %gather3A : vector<16xf32>
        %swap3A_259 = arith.index_cast %add3A_207 : i32 to index
        %swap3A_260 = arith.constant 112 : index
        %swap3A_261 = tpu.vector_load %arg17[%swap3A_259, %swap3A_260] {strides = array<i32>} : memref<80x128xf32, #tpu.memory_space<vmem>>, vector<16xf32>,
        tpu.vector_store %arg17[%swap3A_259, %swap3A_260], %mul3A_258 {strides = array<i32>} : memref<80x128xf32, #tpu.memory_space<vmem>>, vector<16xf32>,
      }
      %scan3A_154 = arith.constant 80 : i32
      %ge3A_155 = arith.constant 1 : i32
      %ge3A_156 = arith.cmpi sge, %add3A_142, %ge3A_155 : i32
      %convert_element_type3A_157 = arith.extui %ge3A_156 : i1 to i32
      %cond3A_158 = arith.constant 0 : i32
      %cond3A_159 = arith.cmpi ne, %convert_element_type3A_157, %cond3A_158 : i32
      scf.if %cond3A_159 {
        %dma_wait3A_203 = arith.constant 0 : i32
        %dma_wait3A_204 = arith.constant 0 : i32
        %dma_wait3A_205 = tpu.memref_slice %arg16[%dma_wait3A_203, %dma_wait3A_204] : memref<80x128xf32, #tpu.memory_space<vmem>> -> memref<80x128xf32, #tpu.memory_space<vmem>>
        %dma_wait3A_206 = arith.constant 0 : i32
        %dma_wait3A_207 = arith.constant 0 : i32
        %dma_wait3A_208 = tpu.memref_slice %arg19[%dma_wait3A_206, %dma_wait3A_207] : memref<10000x128xf32, #tpu.memory_space<vmem_shared>> -> memref<10000x128xf32, #tpu.memory_space<vmem_shared>>
        tpu.wait_indirect_dma semaphore(%arg32 : memref<!tpu.dma_semaphore, #tpu.memory_space<semaphore_mem>>) src(%dma_wait3A_205 : memref<80x128xf32, #tpu.memory_space<vmem>>) dst(%dma_wait3A_208 : memref<10000x128xf32, #tpu.memory_space<vmem_shared>>)
      } else {
      }
      %lt3A_160 = arith.constant 123 : i32
      %lt3A_161 = arith.cmpi slt, %add3A_142, %lt3A_160 : i32
      %convert_element_type3A_162 = arith.extui %lt3A_161 : i1 to i32
      %cond3A_163 = arith.constant 0 : i32
      %cond3A_164 = arith.cmpi ne, %convert_element_type3A_162, %cond3A_163 : i32
      scf.if %cond3A_164 {
        %add3A_203 = arith.constant 2 : i32
        %add3A_204 = arith.addi %add3A_142, %add3A_203 : i32
        %mul3A_205 = arith.constant 80 : i32
        %mul3A_206 = arith.muli %add3A_204, %mul3A_205 : i32
        %add3A_207 = arith.addi %mul3A_4, %mul3A_206 : i32
        %dma_start3A_208 = tpu.memref_slice %arg3[%add3A_207] : memref<320000xi32, #tpu.memory_space<hbm>> -> memref<80xi32, #tpu.memory_space<hbm>>
        %dma_start3A_209 = tpu.memref_slice %arg3[%add3A_207] : memref<320000xi32, #tpu.memory_space<hbm>> -> memref<80xi32, #tpu.memory_space<hbm>>
        tpu.enqueue_dma source(%dma_start3A_209 : memref<80xi32, #tpu.memory_space<hbm>>) target(%arg7 : memref<80xi32, #tpu.memory_space<vmem>>) target_semaphore(%arg20 : memref<!tpu.dma_semaphore, #tpu.memory_space<semaphore_mem>>)
        %mul3A_210 = arith.constant 80 : i32
        %mul3A_211 = arith.muli %add3A_204, %mul3A_210 : i32
        %add3A_212 = arith.addi %mul3A_4, %mul3A_211 : i32
        %dma_start3A_213 = tpu.memref_slice %arg4[%add3A_212] : memref<320000xi32, #tpu.memory_space<hbm>> -> memref<80xi32, #tpu.memory_space<hbm>>
        %dma_start3A_214 = tpu.memref_slice %arg4[%add3A_212] : memref<320000xi32, #tpu.memory_space<hbm>> -> memref<80xi32, #tpu.memory_space<hbm>>
        tpu.enqueue_dma source(%dma_start3A_214 : memref<80xi32, #tpu.memory_space<hbm>>) target(%arg10 : memref<80xi32, #tpu.memory_space<vmem>>) target_semaphore(%arg23 : memref<!tpu.dma_semaphore, #tpu.memory_space<semaphore_mem>>)
        %mul3A_215 = arith.constant 80 : i32
        %mul3A_216 = arith.muli %add3A_204, %mul3A_215 : i32
        %add3A_217 = arith.addi %mul3A_4, %mul3A_216 : i32
        %dma_start3A_218 = tpu.memref_slice %arg5[%add3A_217] : memref<320000xf32, #tpu.memory_space<hbm>> -> memref<80xf32, #tpu.memory_space<hbm>>
        %dma_start3A_219 = tpu.memref_slice %arg5[%add3A_217] : memref<320000xf32, #tpu.memory_space<hbm>> -> memref<80xf32, #tpu.memory_space<hbm>>
        tpu.enqueue_dma source(%dma_start3A_219 : memref<80xf32, #tpu.memory_space<hbm>>) target(%arg13 : memref<80xf32, #tpu.memory_space<vmem>>) target_semaphore(%arg26 : memref<!tpu.dma_semaphore, #tpu.memory_space<semaphore_mem>>)
        %dma_wait3A_220 = tpu.memref_slice %arg3[%mul3A_4] : memref<320000xi32, #tpu.memory_space<hbm>> -> memref<80xi32, #tpu.memory_space<hbm>>
        %dma_wait3A_221 = tpu.memref_slice %arg3[%mul3A_4] : memref<320000xi32, #tpu.memory_space<hbm>> -> memref<80xi32, #tpu.memory_space<hbm>>
        tpu.wait_dma2 semaphore(%arg20 : memref<!tpu.dma_semaphore, #tpu.memory_space<semaphore_mem>>) src(%dma_wait3A_221 : memref<80xi32, #tpu.memory_space<hbm>>) dst(%arg7 : memref<80xi32, #tpu.memory_space<vmem>>)
        %dma_start3A_222 = arith.constant 0 : i32
        %dma_start3A_223 = arith.constant 0 : i32
        %dma_start3A_224 = tpu.memref_slice %arg2[%dma_start3A_222, %dma_start3A_223] : memref<10000x128xf32, #tpu.memory_space<hbm>> -> memref<10000x128xf32, #tpu.memory_space<hbm>>
        tpu.enqueue_indirect_dma source(%dma_start3A_224 : memref<10000x128xf32, #tpu.memory_space<hbm>>) target(%arg16 : memref<80x128xf32, #tpu.memory_space<vmem>>) offsets(%arg7 : memref<80xi32, #tpu.memory_space<vmem>>) semaphore(%arg29 : memref<!tpu.dma_semaphore, #tpu.memory_space<semaphore_mem>>)
      } else {
      }
      %dma_start3A_165 = arith.constant 0 : i32
      %dma_start3A_166 = arith.constant 0 : i32
      %dma_start3A_167 = tpu.memref_slice %arg17[%dma_start3A_165, %dma_start3A_166] : memref<80x128xf32, #tpu.memory_space<vmem>> -> memref<80x128xf32, #tpu.memory_space<vmem>>
      %dma_start3A_168 = arith.constant 0 : i32
      %dma_start3A_169 = arith.constant 0 : i32
      %dma_start3A_170 = tpu.memref_slice %arg19[%dma_start3A_168, %dma_start3A_169] : memref<10000x128xf32, #tpu.memory_space<vmem_shared>> -> memref<10000x128xf32, #tpu.memory_space<vmem_shared>>
      tpu.enqueue_indirect_dma source(%dma_start3A_167 : memref<80x128xf32, #tpu.memory_space<vmem>>) target(%dma_start3A_170 : memref<10000x128xf32, #tpu.memory_space<vmem_shared>>) offsets(%arg11 : memref<80xi32, #tpu.memory_space<vmem>>) semaphore(%arg33 : memref<!tpu.dma_semaphore, #tpu.memory_space<semaphore_mem>>) {add = true}
      %mul3A_171 = arith.constant 3 : i32
      %mul3A_172 = arith.muli %add3A_110, %mul3A_171 : i32
      %add3A_173 = arith.constant 2 : i32
      %add3A_174 = arith.addi %mul3A_172, %add3A_173 : i32
      %dma_wait3A_175 = arith.constant 0 : i32
      %dma_wait3A_176 = arith.constant 0 : i32
      %dma_wait3A_177 = tpu.memref_slice %arg2[%dma_wait3A_175, %dma_wait3A_176] : memref<10000x128xf32, #tpu.memory_space<hbm>> -> memref<10000x128xf32, #tpu.memory_space<hbm>>
      tpu.wait_indirect_dma semaphore(%arg31 : memref<!tpu.dma_semaphore, #tpu.memory_space<semaphore_mem>>) src(%dma_wait3A_177 : memref<10000x128xf32, #tpu.memory_space<hbm>>) dst(%arg18 : memref<80x128xf32, #tpu.memory_space<vmem>>)
      %dma_wait3A_178 = tpu.memref_slice %arg4[%mul3A_4] : memref<320000xi32, #tpu.memory_space<hbm>> -> memref<80xi32, #tpu.memory_space<hbm>>
      %dma_wait3A_179 = tpu.memref_slice %arg4[%mul3A_4] : memref<320000xi32, #tpu.memory_space<hbm>> -> memref<80xi32, #tpu.memory_space<hbm>>
      tpu.wait_dma2 semaphore(%arg25 : memref<!tpu.dma_semaphore, #tpu.memory_space<semaphore_mem>>) src(%dma_wait3A_179 : memref<80xi32, #tpu.memory_space<hbm>>) dst(%arg12 : memref<80xi32, #tpu.memory_space<vmem>>)
      %dma_wait3A_180 = tpu.memref_slice %arg5[%mul3A_4] : memref<320000xf32, #tpu.memory_space<hbm>> -> memref<80xf32, #tpu.memory_space<hbm>>
      %dma_wait3A_181 = tpu.memref_slice %arg5[%mul3A_4] : memref<320000xf32, #tpu.memory_space<hbm>> -> memref<80xf32, #tpu.memory_space<hbm>>
      tpu.wait_dma2 semaphore(%arg28 : memref<!tpu.dma_semaphore, #tpu.memory_space<semaphore_mem>>) src(%dma_wait3A_181 : memref<80xf32, #tpu.memory_space<hbm>>) dst(%arg15 : memref<80xf32, #tpu.memory_space<vmem>>)
      %scan3A_182 = arith.constant 0 : i32
      %scan3A_183 = arith.constant 80 : i32
      %scan3A_184 = arith.addi %scan3A_182, %scan3A_183 : i32
      %scan3A_185 = arith.constant 1 : i32
      scf.for %scan3A_203 = %scan3A_182 to %scan3A_184 step %scan3A_185  : i32 {
        %mul3A_204 = arith.constant 1 : i32
        %mul3A_205 = arith.muli %scan3A_203, %mul3A_204 : i32
        %add3A_206 = arith.constant 0 : i32
        %add3A_207 = arith.addi %add3A_206, %mul3A_205 : i32
        %broadcast_in_dim3A = vector.broadcast %add3A_207 : i32 to vector<16xi32>
        %gather3A = tpu.vector_load_idx %arg15[%broadcast_in_dim3A] : memref<80xf32, #tpu.memory_space<vmem>>[vector<16xi32>], vector<16xf32>,
        %get3A = arith.index_cast %add3A_207 : i32 to index
        %get3A_208 = arith.constant 0 : index
        %get3A_209 = tpu.vector_load %arg18[%get3A, %get3A_208] {strides = array<i32>} : memref<80x128xf32, #tpu.memory_space<vmem>>, vector<16xf32>,
        %mul3A_210 = arith.mulf %get3A_209, %gather3A : vector<16xf32>
        %swap3A = arith.index_cast %add3A_207 : i32 to index
        %swap3A_211 = arith.constant 0 : index
        %swap3A_212 = tpu.vector_load %arg18[%swap3A, %swap3A_211] {strides = array<i32>} : memref<80x128xf32, #tpu.memory_space<vmem>>, vector<16xf32>,
        tpu.vector_store %arg18[%swap3A, %swap3A_211], %mul3A_210 {strides = array<i32>} : memref<80x128xf32, #tpu.memory_space<vmem>>, vector<16xf32>,
        %get3A_213 = arith.index_cast %add3A_207 : i32 to index
        %get3A_214 = arith.constant 16 : index
        %get3A_215 = tpu.vector_load %arg18[%get3A_213, %get3A_214] {strides = array<i32>} : memref<80x128xf32, #tpu.memory_space<vmem>>, vector<16xf32>,
        %mul3A_216 = arith.mulf %get3A_215, %gather3A : vector<16xf32>
        %swap3A_217 = arith.index_cast %add3A_207 : i32 to index
        %swap3A_218 = arith.constant 16 : index
        %swap3A_219 = tpu.vector_load %arg18[%swap3A_217, %swap3A_218] {strides = array<i32>} : memref<80x128xf32, #tpu.memory_space<vmem>>, vector<16xf32>,
        tpu.vector_store %arg18[%swap3A_217, %swap3A_218], %mul3A_216 {strides = array<i32>} : memref<80x128xf32, #tpu.memory_space<vmem>>, vector<16xf32>,
        %get3A_220 = arith.index_cast %add3A_207 : i32 to index
        %get3A_221 = arith.constant 32 : index
        %get3A_222 = tpu.vector_load %arg18[%get3A_220, %get3A_221] {strides = array<i32>} : memref<80x128xf32, #tpu.memory_space<vmem>>, vector<16xf32>,
        %mul3A_223 = arith.mulf %get3A_222, %gather3A : vector<16xf32>
        %swap3A_224 = arith.index_cast %add3A_207 : i32 to index
        %swap3A_225 = arith.constant 32 : index
        %swap3A_226 = tpu.vector_load %arg18[%swap3A_224, %swap3A_225] {strides = array<i32>} : memref<80x128xf32, #tpu.memory_space<vmem>>, vector<16xf32>,
        tpu.vector_store %arg18[%swap3A_224, %swap3A_225], %mul3A_223 {strides = array<i32>} : memref<80x128xf32, #tpu.memory_space<vmem>>, vector<16xf32>,
        %get3A_227 = arith.index_cast %add3A_207 : i32 to index
        %get3A_228 = arith.constant 48 : index
        %get3A_229 = tpu.vector_load %arg18[%get3A_227, %get3A_228] {strides = array<i32>} : memref<80x128xf32, #tpu.memory_space<vmem>>, vector<16xf32>,
        %mul3A_230 = arith.mulf %get3A_229, %gather3A : vector<16xf32>
        %swap3A_231 = arith.index_cast %add3A_207 : i32 to index
        %swap3A_232 = arith.constant 48 : index
        %swap3A_233 = tpu.vector_load %arg18[%swap3A_231, %swap3A_232] {strides = array<i32>} : memref<80x128xf32, #tpu.memory_space<vmem>>, vector<16xf32>,
        tpu.vector_store %arg18[%swap3A_231, %swap3A_232], %mul3A_230 {strides = array<i32>} : memref<80x128xf32, #tpu.memory_space<vmem>>, vector<16xf32>,
        %get3A_234 = arith.index_cast %add3A_207 : i32 to index
        %get3A_235 = arith.constant 64 : index
        %get3A_236 = tpu.vector_load %arg18[%get3A_234, %get3A_235] {strides = array<i32>} : memref<80x128xf32, #tpu.memory_space<vmem>>, vector<16xf32>,
        %mul3A_237 = arith.mulf %get3A_236, %gather3A : vector<16xf32>
        %swap3A_238 = arith.index_cast %add3A_207 : i32 to index
        %swap3A_239 = arith.constant 64 : index
        %swap3A_240 = tpu.vector_load %arg18[%swap3A_238, %swap3A_239] {strides = array<i32>} : memref<80x128xf32, #tpu.memory_space<vmem>>, vector<16xf32>,
        tpu.vector_store %arg18[%swap3A_238, %swap3A_239], %mul3A_237 {strides = array<i32>} : memref<80x128xf32, #tpu.memory_space<vmem>>, vector<16xf32>,
        %get3A_241 = arith.index_cast %add3A_207 : i32 to index
        %get3A_242 = arith.constant 80 : index
        %get3A_243 = tpu.vector_load %arg18[%get3A_241, %get3A_242] {strides = array<i32>} : memref<80x128xf32, #tpu.memory_space<vmem>>, vector<16xf32>,
        %mul3A_244 = arith.mulf %get3A_243, %gather3A : vector<16xf32>
        %swap3A_245 = arith.index_cast %add3A_207 : i32 to index
        %swap3A_246 = arith.constant 80 : index
        %swap3A_247 = tpu.vector_load %arg18[%swap3A_245, %swap3A_246] {strides = array<i32>} : memref<80x128xf32, #tpu.memory_space<vmem>>, vector<16xf32>,
        tpu.vector_store %arg18[%swap3A_245, %swap3A_246], %mul3A_244 {strides = array<i32>} : memref<80x128xf32, #tpu.memory_space<vmem>>, vector<16xf32>,
        %get3A_248 = arith.index_cast %add3A_207 : i32 to index
        %get3A_249 = arith.constant 96 : index
        %get3A_250 = tpu.vector_load %arg18[%get3A_248, %get3A_249] {strides = array<i32>} : memref<80x128xf32, #tpu.memory_space<vmem>>, vector<16xf32>,
        %mul3A_251 = arith.mulf %get3A_250, %gather3A : vector<16xf32>
        %swap3A_252 = arith.index_cast %add3A_207 : i32 to index
        %swap3A_253 = arith.constant 96 : index
        %swap3A_254 = tpu.vector_load %arg18[%swap3A_252, %swap3A_253] {strides = array<i32>} : memref<80x128xf32, #tpu.memory_space<vmem>>, vector<16xf32>,
        tpu.vector_store %arg18[%swap3A_252, %swap3A_253], %mul3A_251 {strides = array<i32>} : memref<80x128xf32, #tpu.memory_space<vmem>>, vector<16xf32>,
        %get3A_255 = arith.index_cast %add3A_207 : i32 to index
        %get3A_256 = arith.constant 112 : index
        %get3A_257 = tpu.vector_load %arg18[%get3A_255, %get3A_256] {strides = array<i32>} : memref<80x128xf32, #tpu.memory_space<vmem>>, vector<16xf32>,
        %mul3A_258 = arith.mulf %get3A_257, %gather3A : vector<16xf32>
        %swap3A_259 = arith.index_cast %add3A_207 : i32 to index
        %swap3A_260 = arith.constant 112 : index
        %swap3A_261 = tpu.vector_load %arg18[%swap3A_259, %swap3A_260] {strides = array<i32>} : memref<80x128xf32, #tpu.memory_space<vmem>>, vector<16xf32>,
        tpu.vector_store %arg18[%swap3A_259, %swap3A_260], %mul3A_258 {strides = array<i32>} : memref<80x128xf32, #tpu.memory_space<vmem>>, vector<16xf32>,
      }
      %scan3A_186 = arith.constant 80 : i32
      %ge3A_187 = arith.constant 1 : i32
      %ge3A_188 = arith.cmpi sge, %add3A_174, %ge3A_187 : i32
      %convert_element_type3A_189 = arith.extui %ge3A_188 : i1 to i32
      %cond3A_190 = arith.constant 0 : i32
      %cond3A_191 = arith.cmpi ne, %convert_element_type3A_189, %cond3A_190 : i32
      scf.if %cond3A_191 {
        %dma_wait3A_203 = arith.constant 0 : i32
        %dma_wait3A_204 = arith.constant 0 : i32
        %dma_wait3A_205 = tpu.memref_slice %arg17[%dma_wait3A_203, %dma_wait3A_204] : memref<80x128xf32, #tpu.memory_space<vmem>> -> memref<80x128xf32, #tpu.memory_space<vmem>>
        %dma_wait3A_206 = arith.constant 0 : i32
        %dma_wait3A_207 = arith.constant 0 : i32
        %dma_wait3A_208 = tpu.memref_slice %arg19[%dma_wait3A_206, %dma_wait3A_207] : memref<10000x128xf32, #tpu.memory_space<vmem_shared>> -> memref<10000x128xf32, #tpu.memory_space<vmem_shared>>
        tpu.wait_indirect_dma semaphore(%arg33 : memref<!tpu.dma_semaphore, #tpu.memory_space<semaphore_mem>>) src(%dma_wait3A_205 : memref<80x128xf32, #tpu.memory_space<vmem>>) dst(%dma_wait3A_208 : memref<10000x128xf32, #tpu.memory_space<vmem_shared>>)
      } else {
      }
      %lt3A_192 = arith.constant 123 : i32
      %lt3A_193 = arith.cmpi slt, %add3A_174, %lt3A_192 : i32
      %convert_element_type3A_194 = arith.extui %lt3A_193 : i1 to i32
      %cond3A_195 = arith.constant 0 : i32
      %cond3A_196 = arith.cmpi ne, %convert_element_type3A_194, %cond3A_195 : i32
      scf.if %cond3A_196 {
        %add3A_203 = arith.constant 2 : i32
        %add3A_204 = arith.addi %add3A_174, %add3A_203 : i32
        %mul3A_205 = arith.constant 80 : i32
        %mul3A_206 = arith.muli %add3A_204, %mul3A_205 : i32
        %add3A_207 = arith.addi %mul3A_4, %mul3A_206 : i32
        %dma_start3A_208 = tpu.memref_slice %arg3[%add3A_207] : memref<320000xi32, #tpu.memory_space<hbm>> -> memref<80xi32, #tpu.memory_space<hbm>>
        %dma_start3A_209 = tpu.memref_slice %arg3[%add3A_207] : memref<320000xi32, #tpu.memory_space<hbm>> -> memref<80xi32, #tpu.memory_space<hbm>>
        tpu.enqueue_dma source(%dma_start3A_209 : memref<80xi32, #tpu.memory_space<hbm>>) target(%arg8 : memref<80xi32, #tpu.memory_space<vmem>>) target_semaphore(%arg21 : memref<!tpu.dma_semaphore, #tpu.memory_space<semaphore_mem>>)
        %mul3A_210 = arith.constant 80 : i32
        %mul3A_211 = arith.muli %add3A_204, %mul3A_210 : i32
        %add3A_212 = arith.addi %mul3A_4, %mul3A_211 : i32
        %dma_start3A_213 = tpu.memref_slice %arg4[%add3A_212] : memref<320000xi32, #tpu.memory_space<hbm>> -> memref<80xi32, #tpu.memory_space<hbm>>
        %dma_start3A_214 = tpu.memref_slice %arg4[%add3A_212] : memref<320000xi32, #tpu.memory_space<hbm>> -> memref<80xi32, #tpu.memory_space<hbm>>
        tpu.enqueue_dma source(%dma_start3A_214 : memref<80xi32, #tpu.memory_space<hbm>>) target(%arg11 : memref<80xi32, #tpu.memory_space<vmem>>) target_semaphore(%arg24 : memref<!tpu.dma_semaphore, #tpu.memory_space<semaphore_mem>>)
        %mul3A_215 = arith.constant 80 : i32
        %mul3A_216 = arith.muli %add3A_204, %mul3A_215 : i32
        %add3A_217 = arith.addi %mul3A_4, %mul3A_216 : i32
        %dma_start3A_218 = tpu.memref_slice %arg5[%add3A_217] : memref<320000xf32, #tpu.memory_space<hbm>> -> memref<80xf32, #tpu.memory_space<hbm>>
        %dma_start3A_219 = tpu.memref_slice %arg5[%add3A_217] : memref<320000xf32, #tpu.memory_space<hbm>> -> memref<80xf32, #tpu.memory_space<hbm>>
        tpu.enqueue_dma source(%dma_start3A_219 : memref<80xf32, #tpu.memory_space<hbm>>) target(%arg14 : memref<80xf32, #tpu.memory_space<vmem>>) target_semaphore(%arg27 : memref<!tpu.dma_semaphore, #tpu.memory_space<semaphore_mem>>)
        %dma_wait3A_220 = tpu.memref_slice %arg3[%mul3A_4] : memref<320000xi32, #tpu.memory_space<hbm>> -> memref<80xi32, #tpu.memory_space<hbm>>
        %dma_wait3A_221 = tpu.memref_slice %arg3[%mul3A_4] : memref<320000xi32, #tpu.memory_space<hbm>> -> memref<80xi32, #tpu.memory_space<hbm>>
        tpu.wait_dma2 semaphore(%arg21 : memref<!tpu.dma_semaphore, #tpu.memory_space<semaphore_mem>>) src(%dma_wait3A_221 : memref<80xi32, #tpu.memory_space<hbm>>) dst(%arg8 : memref<80xi32, #tpu.memory_space<vmem>>)
        %dma_start3A_222 = arith.constant 0 : i32
        %dma_start3A_223 = arith.constant 0 : i32
        %dma_start3A_224 = tpu.memref_slice %arg2[%dma_start3A_222, %dma_start3A_223] : memref<10000x128xf32, #tpu.memory_space<hbm>> -> memref<10000x128xf32, #tpu.memory_space<hbm>>
        tpu.enqueue_indirect_dma source(%dma_start3A_224 : memref<10000x128xf32, #tpu.memory_space<hbm>>) target(%arg17 : memref<80x128xf32, #tpu.memory_space<vmem>>) offsets(%arg8 : memref<80xi32, #tpu.memory_space<vmem>>) semaphore(%arg30 : memref<!tpu.dma_semaphore, #tpu.memory_space<semaphore_mem>>)
      } else {
      }
      %dma_start3A_197 = arith.constant 0 : i32
      %dma_start3A_198 = arith.constant 0 : i32
      %dma_start3A_199 = tpu.memref_slice %arg18[%dma_start3A_197, %dma_start3A_198] : memref<80x128xf32, #tpu.memory_space<vmem>> -> memref<80x128xf32, #tpu.memory_space<vmem>>
      %dma_start3A_200 = arith.constant 0 : i32
      %dma_start3A_201 = arith.constant 0 : i32
      %dma_start3A_202 = tpu.memref_slice %arg19[%dma_start3A_200, %dma_start3A_201] : memref<10000x128xf32, #tpu.memory_space<vmem_shared>> -> memref<10000x128xf32, #tpu.memory_space<vmem_shared>>
      tpu.enqueue_indirect_dma source(%dma_start3A_199 : memref<80x128xf32, #tpu.memory_space<vmem>>) target(%dma_start3A_202 : memref<10000x128xf32, #tpu.memory_space<vmem_shared>>) offsets(%arg12 : memref<80xi32, #tpu.memory_space<vmem>>) semaphore(%arg34 : memref<!tpu.dma_semaphore, #tpu.memory_space<semaphore_mem>>) {add = true}
    }
    %scan3A_50 = arith.constant 41 : i32
    %dma_wait3A_51 = arith.constant 0 : i32
    %dma_wait3A_52 = arith.constant 0 : i32
    %dma_wait3A_53 = tpu.memref_slice %arg2[%dma_wait3A_51, %dma_wait3A_52] : memref<10000x128xf32, #tpu.memory_space<hbm>> -> memref<10000x128xf32, #tpu.memory_space<hbm>>
    tpu.wait_indirect_dma semaphore(%arg29 : memref<!tpu.dma_semaphore, #tpu.memory_space<semaphore_mem>>) src(%dma_wait3A_53 : memref<10000x128xf32, #tpu.memory_space<hbm>>) dst(%arg16 : memref<80x128xf32, #tpu.memory_space<vmem>>)
    %dma_wait3A_54 = tpu.memref_slice %arg4[%mul3A_4] : memref<320000xi32, #tpu.memory_space<hbm>> -> memref<80xi32, #tpu.memory_space<hbm>>
    %dma_wait3A_55 = tpu.memref_slice %arg4[%mul3A_4] : memref<320000xi32, #tpu.memory_space<hbm>> -> memref<80xi32, #tpu.memory_space<hbm>>
    tpu.wait_dma2 semaphore(%arg23 : memref<!tpu.dma_semaphore, #tpu.memory_space<semaphore_mem>>) src(%dma_wait3A_55 : memref<80xi32, #tpu.memory_space<hbm>>) dst(%arg10 : memref<80xi32, #tpu.memory_space<vmem>>)
    %dma_wait3A_56 = tpu.memref_slice %arg5[%mul3A_4] : memref<320000xf32, #tpu.memory_space<hbm>> -> memref<80xf32, #tpu.memory_space<hbm>>
    %dma_wait3A_57 = tpu.memref_slice %arg5[%mul3A_4] : memref<320000xf32, #tpu.memory_space<hbm>> -> memref<80xf32, #tpu.memory_space<hbm>>
    tpu.wait_dma2 semaphore(%arg26 : memref<!tpu.dma_semaphore, #tpu.memory_space<semaphore_mem>>) src(%dma_wait3A_57 : memref<80xf32, #tpu.memory_space<hbm>>) dst(%arg13 : memref<80xf32, #tpu.memory_space<vmem>>)
    %scan3A_58 = arith.constant 0 : i32
    %scan3A_59 = arith.constant 80 : i32
    %scan3A_60 = arith.addi %scan3A_58, %scan3A_59 : i32
    %scan3A_61 = arith.constant 1 : i32
    scf.for %scan3A_106 = %scan3A_58 to %scan3A_60 step %scan3A_61  : i32 {
      %mul3A_107 = arith.constant 1 : i32
      %mul3A_108 = arith.muli %scan3A_106, %mul3A_107 : i32
      %add3A_109 = arith.constant 0 : i32
      %add3A_110 = arith.addi %add3A_109, %mul3A_108 : i32
      %broadcast_in_dim3A = vector.broadcast %add3A_110 : i32 to vector<16xi32>
      %gather3A = tpu.vector_load_idx %arg13[%broadcast_in_dim3A] : memref<80xf32, #tpu.memory_space<vmem>>[vector<16xi32>], vector<16xf32>,
      %get3A = arith.index_cast %add3A_110 : i32 to index
      %get3A_111 = arith.constant 0 : index
      %get3A_112 = tpu.vector_load %arg16[%get3A, %get3A_111] {strides = array<i32>} : memref<80x128xf32, #tpu.memory_space<vmem>>, vector<16xf32>,
      %mul3A_113 = arith.mulf %get3A_112, %gather3A : vector<16xf32>
      %swap3A = arith.index_cast %add3A_110 : i32 to index
      %swap3A_114 = arith.constant 0 : index
      %swap3A_115 = tpu.vector_load %arg16[%swap3A, %swap3A_114] {strides = array<i32>} : memref<80x128xf32, #tpu.memory_space<vmem>>, vector<16xf32>,
      tpu.vector_store %arg16[%swap3A, %swap3A_114], %mul3A_113 {strides = array<i32>} : memref<80x128xf32, #tpu.memory_space<vmem>>, vector<16xf32>,
      %get3A_116 = arith.index_cast %add3A_110 : i32 to index
      %get3A_117 = arith.constant 16 : index
      %get3A_118 = tpu.vector_load %arg16[%get3A_116, %get3A_117] {strides = array<i32>} : memref<80x128xf32, #tpu.memory_space<vmem>>, vector<16xf32>,
      %mul3A_119 = arith.mulf %get3A_118, %gather3A : vector<16xf32>
      %swap3A_120 = arith.index_cast %add3A_110 : i32 to index
      %swap3A_121 = arith.constant 16 : index
      %swap3A_122 = tpu.vector_load %arg16[%swap3A_120, %swap3A_121] {strides = array<i32>} : memref<80x128xf32, #tpu.memory_space<vmem>>, vector<16xf32>,
      tpu.vector_store %arg16[%swap3A_120, %swap3A_121], %mul3A_119 {strides = array<i32>} : memref<80x128xf32, #tpu.memory_space<vmem>>, vector<16xf32>,
      %get3A_123 = arith.index_cast %add3A_110 : i32 to index
      %get3A_124 = arith.constant 32 : index
      %get3A_125 = tpu.vector_load %arg16[%get3A_123, %get3A_124] {strides = array<i32>} : memref<80x128xf32, #tpu.memory_space<vmem>>, vector<16xf32>,
      %mul3A_126 = arith.mulf %get3A_125, %gather3A : vector<16xf32>
      %swap3A_127 = arith.index_cast %add3A_110 : i32 to index
      %swap3A_128 = arith.constant 32 : index
      %swap3A_129 = tpu.vector_load %arg16[%swap3A_127, %swap3A_128] {strides = array<i32>} : memref<80x128xf32, #tpu.memory_space<vmem>>, vector<16xf32>,
      tpu.vector_store %arg16[%swap3A_127, %swap3A_128], %mul3A_126 {strides = array<i32>} : memref<80x128xf32, #tpu.memory_space<vmem>>, vector<16xf32>,
      %get3A_130 = arith.index_cast %add3A_110 : i32 to index
      %get3A_131 = arith.constant 48 : index
      %get3A_132 = tpu.vector_load %arg16[%get3A_130, %get3A_131] {strides = array<i32>} : memref<80x128xf32, #tpu.memory_space<vmem>>, vector<16xf32>,
      %mul3A_133 = arith.mulf %get3A_132, %gather3A : vector<16xf32>
      %swap3A_134 = arith.index_cast %add3A_110 : i32 to index
      %swap3A_135 = arith.constant 48 : index
      %swap3A_136 = tpu.vector_load %arg16[%swap3A_134, %swap3A_135] {strides = array<i32>} : memref<80x128xf32, #tpu.memory_space<vmem>>, vector<16xf32>,
      tpu.vector_store %arg16[%swap3A_134, %swap3A_135], %mul3A_133 {strides = array<i32>} : memref<80x128xf32, #tpu.memory_space<vmem>>, vector<16xf32>,
      %get3A_137 = arith.index_cast %add3A_110 : i32 to index
      %get3A_138 = arith.constant 64 : index
      %get3A_139 = tpu.vector_load %arg16[%get3A_137, %get3A_138] {strides = array<i32>} : memref<80x128xf32, #tpu.memory_space<vmem>>, vector<16xf32>,
      %mul3A_140 = arith.mulf %get3A_139, %gather3A : vector<16xf32>
      %swap3A_141 = arith.index_cast %add3A_110 : i32 to index
      %swap3A_142 = arith.constant 64 : index
      %swap3A_143 = tpu.vector_load %arg16[%swap3A_141, %swap3A_142] {strides = array<i32>} : memref<80x128xf32, #tpu.memory_space<vmem>>, vector<16xf32>,
      tpu.vector_store %arg16[%swap3A_141, %swap3A_142], %mul3A_140 {strides = array<i32>} : memref<80x128xf32, #tpu.memory_space<vmem>>, vector<16xf32>,
      %get3A_144 = arith.index_cast %add3A_110 : i32 to index
      %get3A_145 = arith.constant 80 : index
      %get3A_146 = tpu.vector_load %arg16[%get3A_144, %get3A_145] {strides = array<i32>} : memref<80x128xf32, #tpu.memory_space<vmem>>, vector<16xf32>,
      %mul3A_147 = arith.mulf %get3A_146, %gather3A : vector<16xf32>
      %swap3A_148 = arith.index_cast %add3A_110 : i32 to index
      %swap3A_149 = arith.constant 80 : index
      %swap3A_150 = tpu.vector_load %arg16[%swap3A_148, %swap3A_149] {strides = array<i32>} : memref<80x128xf32, #tpu.memory_space<vmem>>, vector<16xf32>,
      tpu.vector_store %arg16[%swap3A_148, %swap3A_149], %mul3A_147 {strides = array<i32>} : memref<80x128xf32, #tpu.memory_space<vmem>>, vector<16xf32>,
      %get3A_151 = arith.index_cast %add3A_110 : i32 to index
      %get3A_152 = arith.constant 96 : index
      %get3A_153 = tpu.vector_load %arg16[%get3A_151, %get3A_152] {strides = array<i32>} : memref<80x128xf32, #tpu.memory_space<vmem>>, vector<16xf32>,
      %mul3A_154 = arith.mulf %get3A_153, %gather3A : vector<16xf32>
      %swap3A_155 = arith.index_cast %add3A_110 : i32 to index
      %swap3A_156 = arith.constant 96 : index
      %swap3A_157 = tpu.vector_load %arg16[%swap3A_155, %swap3A_156] {strides = array<i32>} : memref<80x128xf32, #tpu.memory_space<vmem>>, vector<16xf32>,
      tpu.vector_store %arg16[%swap3A_155, %swap3A_156], %mul3A_154 {strides = array<i32>} : memref<80x128xf32, #tpu.memory_space<vmem>>, vector<16xf32>,
      %get3A_158 = arith.index_cast %add3A_110 : i32 to index
      %get3A_159 = arith.constant 112 : index
      %get3A_160 = tpu.vector_load %arg16[%get3A_158, %get3A_159] {strides = array<i32>} : memref<80x128xf32, #tpu.memory_space<vmem>>, vector<16xf32>,
      %mul3A_161 = arith.mulf %get3A_160, %gather3A : vector<16xf32>
      %swap3A_162 = arith.index_cast %add3A_110 : i32 to index
      %swap3A_163 = arith.constant 112 : index
      %swap3A_164 = tpu.vector_load %arg16[%swap3A_162, %swap3A_163] {strides = array<i32>} : memref<80x128xf32, #tpu.memory_space<vmem>>, vector<16xf32>,
      tpu.vector_store %arg16[%swap3A_162, %swap3A_163], %mul3A_161 {strides = array<i32>} : memref<80x128xf32, #tpu.memory_space<vmem>>, vector<16xf32>,
    }
    %scan3A_62 = arith.constant 80 : i32
    %dma_wait3A_63 = arith.constant 0 : i32
    %dma_wait3A_64 = arith.constant 0 : i32
    %dma_wait3A_65 = tpu.memref_slice %arg18[%dma_wait3A_63, %dma_wait3A_64] : memref<80x128xf32, #tpu.memory_space<vmem>> -> memref<80x128xf32, #tpu.memory_space<vmem>>
    %dma_wait3A_66 = arith.constant 0 : i32
    %dma_wait3A_67 = arith.constant 0 : i32
    %dma_wait3A_68 = tpu.memref_slice %arg19[%dma_wait3A_66, %dma_wait3A_67] : memref<10000x128xf32, #tpu.memory_space<vmem_shared>> -> memref<10000x128xf32, #tpu.memory_space<vmem_shared>>
    tpu.wait_indirect_dma semaphore(%arg34 : memref<!tpu.dma_semaphore, #tpu.memory_space<semaphore_mem>>) src(%dma_wait3A_65 : memref<80x128xf32, #tpu.memory_space<vmem>>) dst(%dma_wait3A_68 : memref<10000x128xf32, #tpu.memory_space<vmem_shared>>)
    %dma_start3A_69 = arith.constant 0 : i32
    %dma_start3A_70 = arith.constant 0 : i32
    %dma_start3A_71 = tpu.memref_slice %arg16[%dma_start3A_69, %dma_start3A_70] : memref<80x128xf32, #tpu.memory_space<vmem>> -> memref<80x128xf32, #tpu.memory_space<vmem>>
    %dma_start3A_72 = arith.constant 0 : i32
    %dma_start3A_73 = arith.constant 0 : i32
    %dma_start3A_74 = tpu.memref_slice %arg19[%dma_start3A_72, %dma_start3A_73] : memref<10000x128xf32, #tpu.memory_space<vmem_shared>> -> memref<10000x128xf32, #tpu.memory_space<vmem_shared>>
    tpu.enqueue_indirect_dma source(%dma_start3A_71 : memref<80x128xf32, #tpu.memory_space<vmem>>) target(%dma_start3A_74 : memref<10000x128xf32, #tpu.memory_space<vmem_shared>>) offsets(%arg10 : memref<80xi32, #tpu.memory_space<vmem>>) semaphore(%arg32 : memref<!tpu.dma_semaphore, #tpu.memory_space<semaphore_mem>>) {add = true}
    %dma_wait3A_75 = arith.constant 0 : i32
    %dma_wait3A_76 = arith.constant 0 : i32
    %dma_wait3A_77 = tpu.memref_slice %arg2[%dma_wait3A_75, %dma_wait3A_76] : memref<10000x128xf32, #tpu.memory_space<hbm>> -> memref<10000x128xf32, #tpu.memory_space<hbm>>
    tpu.wait_indirect_dma semaphore(%arg30 : memref<!tpu.dma_semaphore, #tpu.memory_space<semaphore_mem>>) src(%dma_wait3A_77 : memref<10000x128xf32, #tpu.memory_space<hbm>>) dst(%arg17 : memref<80x128xf32, #tpu.memory_space<vmem>>)
    %dma_wait3A_78 = tpu.memref_slice %arg4[%mul3A_4] : memref<320000xi32, #tpu.memory_space<hbm>> -> memref<80xi32, #tpu.memory_space<hbm>>
    %dma_wait3A_79 = tpu.memref_slice %arg4[%mul3A_4] : memref<320000xi32, #tpu.memory_space<hbm>> -> memref<80xi32, #tpu.memory_space<hbm>>
    tpu.wait_dma2 semaphore(%arg24 : memref<!tpu.dma_semaphore, #tpu.memory_space<semaphore_mem>>) src(%dma_wait3A_79 : memref<80xi32, #tpu.memory_space<hbm>>) dst(%arg11 : memref<80xi32, #tpu.memory_space<vmem>>)
    %dma_wait3A_80 = tpu.memref_slice %arg5[%mul3A_4] : memref<320000xf32, #tpu.memory_space<hbm>> -> memref<80xf32, #tpu.memory_space<hbm>>
    %dma_wait3A_81 = tpu.memref_slice %arg5[%mul3A_4] : memref<320000xf32, #tpu.memory_space<hbm>> -> memref<80xf32, #tpu.memory_space<hbm>>
    tpu.wait_dma2 semaphore(%arg27 : memref<!tpu.dma_semaphore, #tpu.memory_space<semaphore_mem>>) src(%dma_wait3A_81 : memref<80xf32, #tpu.memory_space<hbm>>) dst(%arg14 : memref<80xf32, #tpu.memory_space<vmem>>)
    %scan3A_82 = arith.constant 0 : i32
    %scan3A_83 = arith.constant 80 : i32
    %scan3A_84 = arith.addi %scan3A_82, %scan3A_83 : i32
    %scan3A_85 = arith.constant 1 : i32
    scf.for %scan3A_106 = %scan3A_82 to %scan3A_84 step %scan3A_85  : i32 {
      %mul3A_107 = arith.constant 1 : i32
      %mul3A_108 = arith.muli %scan3A_106, %mul3A_107 : i32
      %add3A_109 = arith.constant 0 : i32
      %add3A_110 = arith.addi %add3A_109, %mul3A_108 : i32
      %broadcast_in_dim3A = vector.broadcast %add3A_110 : i32 to vector<16xi32>
      %gather3A = tpu.vector_load_idx %arg14[%broadcast_in_dim3A] : memref<80xf32, #tpu.memory_space<vmem>>[vector<16xi32>], vector<16xf32>,
      %get3A = arith.index_cast %add3A_110 : i32 to index
      %get3A_111 = arith.constant 0 : index
      %get3A_112 = tpu.vector_load %arg17[%get3A, %get3A_111] {strides = array<i32>} : memref<80x128xf32, #tpu.memory_space<vmem>>, vector<16xf32>,
      %mul3A_113 = arith.mulf %get3A_112, %gather3A : vector<16xf32>
      %swap3A = arith.index_cast %add3A_110 : i32 to index
      %swap3A_114 = arith.constant 0 : index
      %swap3A_115 = tpu.vector_load %arg17[%swap3A, %swap3A_114] {strides = array<i32>} : memref<80x128xf32, #tpu.memory_space<vmem>>, vector<16xf32>,
      tpu.vector_store %arg17[%swap3A, %swap3A_114], %mul3A_113 {strides = array<i32>} : memref<80x128xf32, #tpu.memory_space<vmem>>, vector<16xf32>,
      %get3A_116 = arith.index_cast %add3A_110 : i32 to index
      %get3A_117 = arith.constant 16 : index
      %get3A_118 = tpu.vector_load %arg17[%get3A_116, %get3A_117] {strides = array<i32>} : memref<80x128xf32, #tpu.memory_space<vmem>>, vector<16xf32>,
      %mul3A_119 = arith.mulf %get3A_118, %gather3A : vector<16xf32>
      %swap3A_120 = arith.index_cast %add3A_110 : i32 to index
      %swap3A_121 = arith.constant 16 : index
      %swap3A_122 = tpu.vector_load %arg17[%swap3A_120, %swap3A_121] {strides = array<i32>} : memref<80x128xf32, #tpu.memory_space<vmem>>, vector<16xf32>,
      tpu.vector_store %arg17[%swap3A_120, %swap3A_121], %mul3A_119 {strides = array<i32>} : memref<80x128xf32, #tpu.memory_space<vmem>>, vector<16xf32>,
      %get3A_123 = arith.index_cast %add3A_110 : i32 to index
      %get3A_124 = arith.constant 32 : index
      %get3A_125 = tpu.vector_load %arg17[%get3A_123, %get3A_124] {strides = array<i32>} : memref<80x128xf32, #tpu.memory_space<vmem>>, vector<16xf32>,
      %mul3A_126 = arith.mulf %get3A_125, %gather3A : vector<16xf32>
      %swap3A_127 = arith.index_cast %add3A_110 : i32 to index
      %swap3A_128 = arith.constant 32 : index
      %swap3A_129 = tpu.vector_load %arg17[%swap3A_127, %swap3A_128] {strides = array<i32>} : memref<80x128xf32, #tpu.memory_space<vmem>>, vector<16xf32>,
      tpu.vector_store %arg17[%swap3A_127, %swap3A_128], %mul3A_126 {strides = array<i32>} : memref<80x128xf32, #tpu.memory_space<vmem>>, vector<16xf32>,
      %get3A_130 = arith.index_cast %add3A_110 : i32 to index
      %get3A_131 = arith.constant 48 : index
      %get3A_132 = tpu.vector_load %arg17[%get3A_130, %get3A_131] {strides = array<i32>} : memref<80x128xf32, #tpu.memory_space<vmem>>, vector<16xf32>,
      %mul3A_133 = arith.mulf %get3A_132, %gather3A : vector<16xf32>
      %swap3A_134 = arith.index_cast %add3A_110 : i32 to index
      %swap3A_135 = arith.constant 48 : index
      %swap3A_136 = tpu.vector_load %arg17[%swap3A_134, %swap3A_135] {strides = array<i32>} : memref<80x128xf32, #tpu.memory_space<vmem>>, vector<16xf32>,
      tpu.vector_store %arg17[%swap3A_134, %swap3A_135], %mul3A_133 {strides = array<i32>} : memref<80x128xf32, #tpu.memory_space<vmem>>, vector<16xf32>,
      %get3A_137 = arith.index_cast %add3A_110 : i32 to index
      %get3A_138 = arith.constant 64 : index
      %get3A_139 = tpu.vector_load %arg17[%get3A_137, %get3A_138] {strides = array<i32>} : memref<80x128xf32, #tpu.memory_space<vmem>>, vector<16xf32>,
      %mul3A_140 = arith.mulf %get3A_139, %gather3A : vector<16xf32>
      %swap3A_141 = arith.index_cast %add3A_110 : i32 to index
      %swap3A_142 = arith.constant 64 : index
      %swap3A_143 = tpu.vector_load %arg17[%swap3A_141, %swap3A_142] {strides = array<i32>} : memref<80x128xf32, #tpu.memory_space<vmem>>, vector<16xf32>,
      tpu.vector_store %arg17[%swap3A_141, %swap3A_142], %mul3A_140 {strides = array<i32>} : memref<80x128xf32, #tpu.memory_space<vmem>>, vector<16xf32>,
      %get3A_144 = arith.index_cast %add3A_110 : i32 to index
      %get3A_145 = arith.constant 80 : index
      %get3A_146 = tpu.vector_load %arg17[%get3A_144, %get3A_145] {strides = array<i32>} : memref<80x128xf32, #tpu.memory_space<vmem>>, vector<16xf32>,
      %mul3A_147 = arith.mulf %get3A_146, %gather3A : vector<16xf32>
      %swap3A_148 = arith.index_cast %add3A_110 : i32 to index
      %swap3A_149 = arith.constant 80 : index
      %swap3A_150 = tpu.vector_load %arg17[%swap3A_148, %swap3A_149] {strides = array<i32>} : memref<80x128xf32, #tpu.memory_space<vmem>>, vector<16xf32>,
      tpu.vector_store %arg17[%swap3A_148, %swap3A_149], %mul3A_147 {strides = array<i32>} : memref<80x128xf32, #tpu.memory_space<vmem>>, vector<16xf32>,
      %get3A_151 = arith.index_cast %add3A_110 : i32 to index
      %get3A_152 = arith.constant 96 : index
      %get3A_153 = tpu.vector_load %arg17[%get3A_151, %get3A_152] {strides = array<i32>} : memref<80x128xf32, #tpu.memory_space<vmem>>, vector<16xf32>,
      %mul3A_154 = arith.mulf %get3A_153, %gather3A : vector<16xf32>
      %swap3A_155 = arith.index_cast %add3A_110 : i32 to index
      %swap3A_156 = arith.constant 96 : index
      %swap3A_157 = tpu.vector_load %arg17[%swap3A_155, %swap3A_156] {strides = array<i32>} : memref<80x128xf32, #tpu.memory_space<vmem>>, vector<16xf32>,
      tpu.vector_store %arg17[%swap3A_155, %swap3A_156], %mul3A_154 {strides = array<i32>} : memref<80x128xf32, #tpu.memory_space<vmem>>, vector<16xf32>,
      %get3A_158 = arith.index_cast %add3A_110 : i32 to index
      %get3A_159 = arith.constant 112 : index
      %get3A_160 = tpu.vector_load %arg17[%get3A_158, %get3A_159] {strides = array<i32>} : memref<80x128xf32, #tpu.memory_space<vmem>>, vector<16xf32>,
      %mul3A_161 = arith.mulf %get3A_160, %gather3A : vector<16xf32>
      %swap3A_162 = arith.index_cast %add3A_110 : i32 to index
      %swap3A_163 = arith.constant 112 : index
      %swap3A_164 = tpu.vector_load %arg17[%swap3A_162, %swap3A_163] {strides = array<i32>} : memref<80x128xf32, #tpu.memory_space<vmem>>, vector<16xf32>,
      tpu.vector_store %arg17[%swap3A_162, %swap3A_163], %mul3A_161 {strides = array<i32>} : memref<80x128xf32, #tpu.memory_space<vmem>>, vector<16xf32>,
    }
    %scan3A_86 = arith.constant 80 : i32
    %dma_wait3A_87 = arith.constant 0 : i32
    %dma_wait3A_88 = arith.constant 0 : i32
    %dma_wait3A_89 = tpu.memref_slice %arg16[%dma_wait3A_87, %dma_wait3A_88] : memref<80x128xf32, #tpu.memory_space<vmem>> -> memref<80x128xf32, #tpu.memory_space<vmem>>
    %dma_wait3A_90 = arith.constant 0 : i32
    %dma_wait3A_91 = arith.constant 0 : i32
    %dma_wait3A_92 = tpu.memref_slice %arg19[%dma_wait3A_90, %dma_wait3A_91] : memref<10000x128xf32, #tpu.memory_space<vmem_shared>> -> memref<10000x128xf32, #tpu.memory_space<vmem_shared>>
    tpu.wait_indirect_dma semaphore(%arg32 : memref<!tpu.dma_semaphore, #tpu.memory_space<semaphore_mem>>) src(%dma_wait3A_89 : memref<80x128xf32, #tpu.memory_space<vmem>>) dst(%dma_wait3A_92 : memref<10000x128xf32, #tpu.memory_space<vmem_shared>>)
    %dma_start3A_93 = arith.constant 0 : i32
    %dma_start3A_94 = arith.constant 0 : i32
    %dma_start3A_95 = tpu.memref_slice %arg17[%dma_start3A_93, %dma_start3A_94] : memref<80x128xf32, #tpu.memory_space<vmem>> -> memref<80x128xf32, #tpu.memory_space<vmem>>
    %dma_start3A_96 = arith.constant 0 : i32
    %dma_start3A_97 = arith.constant 0 : i32
    %dma_start3A_98 = tpu.memref_slice %arg19[%dma_start3A_96, %dma_start3A_97] : memref<10000x128xf32, #tpu.memory_space<vmem_shared>> -> memref<10000x128xf32, #tpu.memory_space<vmem_shared>>
    tpu.enqueue_indirect_dma source(%dma_start3A_95 : memref<80x128xf32, #tpu.memory_space<vmem>>) target(%dma_start3A_98 : memref<10000x128xf32, #tpu.memory_space<vmem_shared>>) offsets(%arg11 : memref<80xi32, #tpu.memory_space<vmem>>) semaphore(%arg33 : memref<!tpu.dma_semaphore, #tpu.memory_space<semaphore_mem>>) {add = true}
    %dma_wait3A_99 = arith.constant 0 : i32
    %dma_wait3A_100 = arith.constant 0 : i32
    %dma_wait3A_101 = tpu.memref_slice %arg17[%dma_wait3A_99, %dma_wait3A_100] : memref<80x128xf32, #tpu.memory_space<vmem>> -> memref<80x128xf32, #tpu.memory_space<vmem>>
    %dma_wait3A_102 = arith.constant 0 : i32
    %dma_wait3A_103 = arith.constant 0 : i32
    %dma_wait3A_104 = tpu.memref_slice %arg19[%dma_wait3A_102, %dma_wait3A_103] : memref<10000x128xf32, #tpu.memory_space<vmem_shared>> -> memref<10000x128xf32, #tpu.memory_space<vmem_shared>>
    tpu.wait_indirect_dma semaphore(%arg33 : memref<!tpu.dma_semaphore, #tpu.memory_space<semaphore_mem>>) src(%dma_wait3A_101 : memref<80x128xf32, #tpu.memory_space<vmem>>) dst(%dma_wait3A_104 : memref<10000x128xf32, #tpu.memory_space<vmem_shared>>)
    %barrier3A_105 = arith.constant 0 : index
    tpu.barrier barrier_id(%barrier3A_105)
    "tpu.region"() ({
      %run_scoped3A = tpu.sem_alloc : memref<!tpu.dma_semaphore, #tpu.memory_space<semaphore_mem>>
      %dma_start3A_106 = arith.constant 0 : i32
      %dma_start3A_107 = tpu.memref_slice %arg6[%arg0, %mul3A_2, %dma_start3A_106] : memref<2x10000x128xf32, #tpu.memory_space<hbm>> -> memref<1x640x128xf32, #tpu.memory_space<hbm>>
      %dma_start3A_108 = tpu.memref_squeeze %dma_start3A_107 : memref<1x640x128xf32, #tpu.memory_space<hbm>> -> memref<640x128xf32, #tpu.memory_space<hbm>>
      %dma_start3A_109 = arith.constant 0 : i32
      %dma_start3A_110 = tpu.memref_slice %arg19[%mul3A_2, %dma_start3A_109] : memref<10000x128xf32, #tpu.memory_space<vmem_shared>> -> memref<640x128xf32, #tpu.memory_space<vmem_shared>>
      tpu.enqueue_dma source(%dma_start3A_110 : memref<640x128xf32, #tpu.memory_space<vmem_shared>>) target(%dma_start3A_108 : memref<640x128xf32, #tpu.memory_space<hbm>>) target_semaphore(%run_scoped3A : memref<!tpu.dma_semaphore, #tpu.memory_space<semaphore_mem>>)
      %dma_wait3A_111 = arith.constant 0 : i32
      %dma_wait3A_112 = tpu.memref_slice %arg6[%arg0, %mul3A_2, %dma_wait3A_111] : memref<2x10000x128xf32, #tpu.memory_space<hbm>> -> memref<1x640x128xf32, #tpu.memory_space<hbm>>
      %dma_wait3A_113 = tpu.memref_squeeze %dma_wait3A_112 : memref<1x640x128xf32, #tpu.memory_space<hbm>> -> memref<640x128xf32, #tpu.memory_space<hbm>>
      %dma_wait3A_114 = arith.constant 0 : i32
      %dma_wait3A_115 = tpu.memref_slice %arg19[%mul3A_2, %dma_wait3A_114] : memref<10000x128xf32, #tpu.memory_space<vmem_shared>> -> memref<640x128xf32, #tpu.memory_space<vmem_shared>>
      tpu.wait_dma2 semaphore(%run_scoped3A : memref<!tpu.dma_semaphore, #tpu.memory_space<semaphore_mem>>) src(%dma_wait3A_115 : memref<640x128xf32, #tpu.memory_space<vmem_shared>>) dst(%dma_wait3A_113 : memref<640x128xf32, #tpu.memory_space<hbm>>)
      tpu.yield
    }) : () -> ()
    return
  }
}

module attributes {stable_mosaic.version = 14 : i64} {
  func.func @_stage_c_body(%arg0: memref<2x10000x128xf32, #tpu.memory_space<vmem>>, %arg1: memref<10000x128xf32, #tpu.memory_space<vmem>>, %arg2: memref<10000x1xf32, #tpu.memory_space<vmem>>, %arg3: memref<1x128xf32, #tpu.memory_space<vmem>>, %arg4: memref<128x128xf32, #tpu.memory_space<vmem>>, %arg5: memref<10000x128xf32, #tpu.memory_space<vmem>>) attributes {dimension_semantics = [], scalar_prefetch = 0 : i64, scratch_operands = 0 : i64, tpu.core_type = #tpu.core_type<tc>} {
    %get3A = arith.constant 0 : index
    %get3A_0 = arith.constant 0 : index
    %get3A_1 = vector.load %arg2[%get3A, %get3A_0] : memref<10000x1xf32, #tpu.memory_space<vmem>>, vector<10000x1xf32>
    %get3A_2 = arith.constant 0 : index
    %get3A_3 = arith.constant 0 : index
    %get3A_4 = arith.constant 0 : index
    %get3A_5 = vector.load %arg0[%get3A_2, %get3A_3, %get3A_4] : memref<2x10000x128xf32, #tpu.memory_space<vmem>>, vector<1x10000x128xf32>
    %get3A_6 = vector.shape_cast %get3A_5 : vector<1x10000x128xf32> to vector<10000x128xf32>
    %get3A_7 = arith.constant 1 : index
    %get3A_8 = arith.constant 0 : index
    %get3A_9 = arith.constant 0 : index
    %get3A_10 = vector.load %arg0[%get3A_7, %get3A_8, %get3A_9] : memref<2x10000x128xf32, #tpu.memory_space<vmem>>, vector<1x10000x128xf32>
    %get3A_11 = vector.shape_cast %get3A_10 : vector<1x10000x128xf32> to vector<10000x128xf32>
    %add3A = arith.addf %get3A_6, %get3A_11 : vector<10000x128xf32>
    %get3A_12 = arith.constant 0 : index
    %get3A_13 = arith.constant 0 : index
    %get3A_14 = vector.load %arg1[%get3A_12, %get3A_13] : memref<10000x128xf32, #tpu.memory_space<vmem>>, vector<10000x128xf32>
    %add3A_15 = arith.addf %add3A, %get3A_14 : vector<10000x128xf32>
    %mul3A = vector.broadcast %get3A_1 : vector<10000x1xf32> to vector<10000x128xf32>
    %mul3A_16 = arith.mulf %mul3A, %add3A_15 : vector<10000x128xf32>
    %get3A_17 = arith.constant 0 : index
    %get3A_18 = arith.constant 0 : index
    %get3A_19 = vector.load %arg3[%get3A_17, %get3A_18] : memref<1x128xf32, #tpu.memory_space<vmem>>, vector<1x128xf32>
    %add3A_20 = vector.broadcast %get3A_19 : vector<1x128xf32> to vector<10000x128xf32>
    %add3A_21 = arith.addf %mul3A_16, %add3A_20 : vector<10000x128xf32>
    %gt3A = arith.constant 0.000000e+00 : f32
    %gt3A_22 = vector.broadcast %gt3A : f32 to vector<10000x128xf32>
    %gt3A_23 = arith.cmpf ogt, %add3A_21, %gt3A_22 : vector<10000x128xf32>
    %exp3A = math.exp %add3A_21 : vector<10000x128xf32>
    %sub3A = arith.constant 1.000000e+00 : f32
    %sub3A_24 = vector.broadcast %sub3A : f32 to vector<10000x128xf32>
    %sub3A_25 = arith.subf %exp3A, %sub3A_24 : vector<10000x128xf32>
    %mul3A_26 = arith.constant 1.67326319 : f32
    %mul3A_27 = vector.broadcast %mul3A_26 : f32 to vector<10000x128xf32>
    %mul3A_28 = arith.mulf %mul3A_27, %sub3A_25 : vector<10000x128xf32>
    %select_n3A = arith.select %gt3A_23, %add3A_21, %mul3A_28 : vector<10000x128xi1>, vector<10000x128xf32>
    %mul3A_29 = arith.constant 1.05070102 : f32
    %mul3A_30 = vector.broadcast %mul3A_29 : f32 to vector<10000x128xf32>
    %mul3A_31 = arith.mulf %mul3A_30, %select_n3A : vector<10000x128xf32>
    %get3A_32 = arith.constant 0 : index
    %get3A_33 = arith.constant 0 : index
    %get3A_34 = vector.load %arg4[%get3A_32, %get3A_33] : memref<128x128xf32, #tpu.memory_space<vmem>>, vector<128x128xf32>
    %dot_general3A = arith.constant dense<0.000000e+00> : vector<10000x128xf32>
    %dot_general3A_35 = tpu.matmul %mul3A_31, %get3A_34, %dot_general3A {dimension_numbers = #tpu.dot_dimension_numbers<[1], [0], [0], [1], [0, 0, 1, 1], [], []>, transpose_lhs_hint = false} : vector<10000x128xf32>, vector<128x128xf32>, vector<10000x128xf32> -> vector<10000x128xf32>
    %mul3A_36 = vector.broadcast %get3A_1 : vector<10000x1xf32> to vector<10000x128xf32>
    %mul3A_37 = arith.mulf %dot_general3A_35, %mul3A_36 : vector<10000x128xf32>
    %swap3A = arith.constant 0 : index
    %swap3A_38 = arith.constant 0 : index
    %swap3A_39 = vector.load %arg5[%swap3A, %swap3A_38] : memref<10000x128xf32, #tpu.memory_space<vmem>>, vector<10000x128xf32>
    tpu.vector_store %arg5[%swap3A, %swap3A_38], %mul3A_37 {strides = array<i32>} : memref<10000x128xf32, #tpu.memory_space<vmem>>, vector<10000x128xf32>,
    return
  }
}

module attributes {stable_mosaic.version = 14 : i64} {
  func.func @_stage_b_body(%arg0: memref<10000x128xf32, #tpu.memory_space<vmem>>, %arg1: memref<2x10000x128xf32, #tpu.memory_space<vmem>>, %arg2: memref<10000x128xf32, #tpu.memory_space<vmem>>, %arg3: memref<10000x1xf32, #tpu.memory_space<vmem>>, %arg4: memref<10000x1xf32, #tpu.memory_space<vmem>>) attributes {dimension_semantics = [], scalar_prefetch = 0 : i64, scratch_operands = 0 : i64, tpu.core_type = #tpu.core_type<tc>} {
    %get3A = arith.constant 0 : index
    %get3A_0 = arith.constant 0 : index
    %get3A_1 = arith.constant 0 : index
    %get3A_2 = vector.load %arg1[%get3A, %get3A_0, %get3A_1] : memref<2x10000x128xf32, #tpu.memory_space<vmem>>, vector<1x10000x1xf32>
    %get3A_3 = vector.shape_cast %get3A_2 : vector<1x10000x1xf32> to vector<10000x1xf32>
    %get3A_4 = arith.constant 1 : index
    %get3A_5 = arith.constant 0 : index
    %get3A_6 = arith.constant 0 : index
    %get3A_7 = vector.load %arg1[%get3A_4, %get3A_5, %get3A_6] : memref<2x10000x128xf32, #tpu.memory_space<vmem>>, vector<1x10000x1xf32>
    %get3A_8 = vector.shape_cast %get3A_7 : vector<1x10000x1xf32> to vector<10000x1xf32>
    %add3A = arith.addf %get3A_3, %get3A_8 : vector<10000x1xf32>
    %swap3A = arith.constant 0 : index
    %swap3A_9 = arith.constant 0 : index
    %swap3A_10 = vector.load %arg4[%swap3A, %swap3A_9] : memref<10000x1xf32, #tpu.memory_space<vmem>>, vector<10000x1xf32>
    tpu.vector_store %arg4[%swap3A, %swap3A_9], %add3A {strides = array<i32>} : memref<10000x1xf32, #tpu.memory_space<vmem>>, vector<10000x1xf32>,
    %add3A_11 = arith.constant 1.000000e+00 : f32
    %add3A_12 = vector.broadcast %add3A_11 : f32 to vector<10000x1xf32>
    %add3A_13 = arith.addf %add3A, %add3A_12 : vector<10000x1xf32>
    %max3A = arith.constant 9.99999996E-13 : f32
    %max3A_14 = vector.broadcast %max3A : f32 to vector<10000x1xf32>
    %max3A_15 = arith.maximumf %add3A_13, %max3A_14 : vector<10000x1xf32>
    %rsqrt3A = math.rsqrt %max3A_15 : vector<10000x1xf32>
    %swap3A_16 = arith.constant 0 : index
    %swap3A_17 = arith.constant 0 : index
    %swap3A_18 = vector.load %arg3[%swap3A_16, %swap3A_17] : memref<10000x1xf32, #tpu.memory_space<vmem>>, vector<10000x1xf32>
    tpu.vector_store %arg3[%swap3A_16, %swap3A_17], %rsqrt3A {strides = array<i32>} : memref<10000x1xf32, #tpu.memory_space<vmem>>, vector<10000x1xf32>,
    %get3A_19 = arith.constant 0 : index
    %get3A_20 = arith.constant 0 : index
    %get3A_21 = vector.load %arg0[%get3A_19, %get3A_20] : memref<10000x128xf32, #tpu.memory_space<vmem>>, vector<10000x128xf32>
    %mul3A = vector.broadcast %rsqrt3A : vector<10000x1xf32> to vector<10000x128xf32>
    %mul3A_22 = arith.mulf %get3A_21, %mul3A : vector<10000x128xf32>
    %swap3A_23 = arith.constant 0 : index
    %swap3A_24 = arith.constant 0 : index
    %swap3A_25 = vector.load %arg2[%swap3A_23, %swap3A_24] : memref<10000x128xf32, #tpu.memory_space<vmem>>, vector<10000x128xf32>
    tpu.vector_store %arg2[%swap3A_23, %swap3A_24], %mul3A_22 {strides = array<i32>} : memref<10000x128xf32, #tpu.memory_space<vmem>>, vector<10000x128xf32>,
    return
  }
}

module attributes {stable_mosaic.version = 14 : i64} {
  func.func @_stage_a_body(%arg0: memref<10000x128xf32, #tpu.memory_space<vmem>>, %arg1: memref<128x128xf32, #tpu.memory_space<vmem>>, %arg2: memref<10000x128xf32, #tpu.memory_space<vmem>>) attributes {dimension_semantics = [], scalar_prefetch = 0 : i64, scratch_operands = 0 : i64, tpu.core_type = #tpu.core_type<tc>} {
    %get3A = arith.constant 0 : index
    %get3A_0 = arith.constant 0 : index
    %get3A_1 = vector.load %arg0[%get3A, %get3A_0] : memref<10000x128xf32, #tpu.memory_space<vmem>>, vector<10000x128xf32>
    %get3A_2 = arith.constant 0 : index
    %get3A_3 = arith.constant 0 : index
    %get3A_4 = vector.load %arg1[%get3A_2, %get3A_3] : memref<128x128xf32, #tpu.memory_space<vmem>>, vector<128x128xf32>
    %dot_general3A = arith.constant dense<0.000000e+00> : vector<10000x128xf32>
    %dot_general3A_5 = tpu.matmul %get3A_1, %get3A_4, %dot_general3A {dimension_numbers = #tpu.dot_dimension_numbers<[1], [0], [0], [1], [0, 0, 1, 1], [], []>, transpose_lhs_hint = false} : vector<10000x128xf32>, vector<128x128xf32>, vector<10000x128xf32> -> vector<10000x128xf32>
    %swap3A = arith.constant 0 : index
    %swap3A_6 = arith.constant 0 : index
    %swap3A_7 = vector.load %arg2[%swap3A, %swap3A_6] : memref<10000x128xf32, #tpu.memory_space<vmem>>, vector<10000x128xf32>
    tpu.vector_store %arg2[%swap3A, %swap3A_6], %dot_general3A_5 {strides = array<i32>} : memref<10000x128xf32, #tpu.memory_space<vmem>>, vector<10000x128xf32>,
    return
  }
}

module attributes {stable_mosaic.version = 14 : i64} {
  func.func @_stage_d_body(%arg0: memref<2x10000x128xf32, #tpu.memory_space<vmem>>, %arg1: memref<10000x128xf32, #tpu.memory_space<vmem>>, %arg2: memref<10000x1xf32, #tpu.memory_space<vmem>>, %arg3: memref<1x128xf32, #tpu.memory_space<vmem>>, %arg4: memref<128x64xf32, #tpu.memory_space<vmem>>, %arg5: memref<1x64xf32, #tpu.memory_space<vmem>>, %arg6: memref<10000x128xf32, #tpu.memory_space<vmem>>, %arg7: memref<10000x128xf32, #tpu.memory_space<vmem>>) attributes {dimension_semantics = [], scalar_prefetch = 0 : i64, scratch_operands = 0 : i64, tpu.core_type = #tpu.core_type<tc>} {
    %get3A = arith.constant 0 : index
    %get3A_0 = arith.constant 0 : index
    %get3A_1 = vector.load %arg2[%get3A, %get3A_0] : memref<10000x1xf32, #tpu.memory_space<vmem>>, vector<10000x1xf32>
    %get3A_2 = arith.constant 0 : index
    %get3A_3 = arith.constant 0 : index
    %get3A_4 = arith.constant 0 : index
    %get3A_5 = vector.load %arg0[%get3A_2, %get3A_3, %get3A_4] : memref<2x10000x128xf32, #tpu.memory_space<vmem>>, vector<1x10000x128xf32>
    %get3A_6 = vector.shape_cast %get3A_5 : vector<1x10000x128xf32> to vector<10000x128xf32>
    %get3A_7 = arith.constant 1 : index
    %get3A_8 = arith.constant 0 : index
    %get3A_9 = arith.constant 0 : index
    %get3A_10 = vector.load %arg0[%get3A_7, %get3A_8, %get3A_9] : memref<2x10000x128xf32, #tpu.memory_space<vmem>>, vector<1x10000x128xf32>
    %get3A_11 = vector.shape_cast %get3A_10 : vector<1x10000x128xf32> to vector<10000x128xf32>
    %add3A = arith.addf %get3A_6, %get3A_11 : vector<10000x128xf32>
    %get3A_12 = arith.constant 0 : index
    %get3A_13 = arith.constant 0 : index
    %get3A_14 = vector.load %arg1[%get3A_12, %get3A_13] : memref<10000x128xf32, #tpu.memory_space<vmem>>, vector<10000x128xf32>
    %add3A_15 = arith.addf %add3A, %get3A_14 : vector<10000x128xf32>
    %mul3A = vector.broadcast %get3A_1 : vector<10000x1xf32> to vector<10000x128xf32>
    %mul3A_16 = arith.mulf %mul3A, %add3A_15 : vector<10000x128xf32>
    %get3A_17 = arith.constant 0 : index
    %get3A_18 = arith.constant 0 : index
    %get3A_19 = vector.load %arg3[%get3A_17, %get3A_18] : memref<1x128xf32, #tpu.memory_space<vmem>>, vector<1x128xf32>
    %add3A_20 = vector.broadcast %get3A_19 : vector<1x128xf32> to vector<10000x128xf32>
    %add3A_21 = arith.addf %mul3A_16, %add3A_20 : vector<10000x128xf32>
    %gt3A = arith.constant 0.000000e+00 : f32
    %gt3A_22 = vector.broadcast %gt3A : f32 to vector<10000x128xf32>
    %gt3A_23 = arith.cmpf ogt, %add3A_21, %gt3A_22 : vector<10000x128xf32>
    %exp3A = math.exp %add3A_21 : vector<10000x128xf32>
    %sub3A = arith.constant 1.000000e+00 : f32
    %sub3A_24 = vector.broadcast %sub3A : f32 to vector<10000x128xf32>
    %sub3A_25 = arith.subf %exp3A, %sub3A_24 : vector<10000x128xf32>
    %mul3A_26 = arith.constant 1.67326319 : f32
    %mul3A_27 = vector.broadcast %mul3A_26 : f32 to vector<10000x128xf32>
    %mul3A_28 = arith.mulf %mul3A_27, %sub3A_25 : vector<10000x128xf32>
    %select_n3A = arith.select %gt3A_23, %add3A_21, %mul3A_28 : vector<10000x128xi1>, vector<10000x128xf32>
    %mul3A_29 = arith.constant 1.05070102 : f32
    %mul3A_30 = vector.broadcast %mul3A_29 : f32 to vector<10000x128xf32>
    %mul3A_31 = arith.mulf %mul3A_30, %select_n3A : vector<10000x128xf32>
    %swap3A = arith.constant 0 : index
    %swap3A_32 = arith.constant 0 : index
    %swap3A_33 = vector.load %arg7[%swap3A, %swap3A_32] : memref<10000x128xf32, #tpu.memory_space<vmem>>, vector<10000x128xf32>
    tpu.vector_store %arg7[%swap3A, %swap3A_32], %mul3A_31 {strides = array<i32>} : memref<10000x128xf32, #tpu.memory_space<vmem>>, vector<10000x128xf32>,
    %get3A_34 = arith.constant 0 : index
    %get3A_35 = arith.constant 0 : index
    %get3A_36 = vector.load %arg4[%get3A_34, %get3A_35] : memref<128x64xf32, #tpu.memory_space<vmem>>, vector<128x64xf32>
    %dot_general3A = arith.constant dense<0.000000e+00> : vector<10000x64xf32>
    %dot_general3A_37 = tpu.matmul %mul3A_31, %get3A_36, %dot_general3A {dimension_numbers = #tpu.dot_dimension_numbers<[1], [0], [0], [1], [0, 0, 1, 1], [], []>, transpose_lhs_hint = false} : vector<10000x128xf32>, vector<128x64xf32>, vector<10000x64xf32> -> vector<10000x64xf32>
    %get3A_38 = arith.constant 0 : index
    %get3A_39 = arith.constant 0 : index
    %get3A_40 = vector.load %arg5[%get3A_38, %get3A_39] : memref<1x64xf32, #tpu.memory_space<vmem>>, vector<1x64xf32>
    %add3A_41 = vector.broadcast %get3A_40 : vector<1x64xf32> to vector<10000x64xf32>
    %add3A_42 = arith.addf %dot_general3A_37, %add3A_41 : vector<10000x64xf32>
    %reduce_max3A = arith.constant dense<0xFF800000> : vector<10000xf32>
    %reduce_max3A_43 = vector.multi_reduction <maximumf>, %add3A_42, %reduce_max3A [1] : vector<10000x64xf32> to vector<10000xf32>
    %broadcast_in_dim3A = vector.shape_cast %reduce_max3A_43 : vector<10000xf32> to vector<10000x1xf32>
    %sub3A_44 = vector.broadcast %broadcast_in_dim3A : vector<10000x1xf32> to vector<10000x64xf32>
    %sub3A_45 = arith.subf %add3A_42, %sub3A_44 : vector<10000x64xf32>
    %exp3A_46 = math.exp %sub3A_45 : vector<10000x64xf32>
    %reduce_sum3A = arith.constant dense<0.000000e+00> : vector<10000xf32>
    %reduce_sum3A_47 = vector.multi_reduction <add>, %exp3A_46, %reduce_sum3A [1] : vector<10000x64xf32> to vector<10000xf32>
    %broadcast_in_dim3A_48 = vector.shape_cast %reduce_sum3A_47 : vector<10000xf32> to vector<10000x1xf32>
    %div3A = vector.broadcast %broadcast_in_dim3A_48 : vector<10000x1xf32> to vector<10000x64xf32>
    %div3A_49 = arith.divf %exp3A_46, %div3A : vector<10000x64xf32>
    %reduce_sum3A_50 = arith.constant dense<0.000000e+00> : vector<10000xf32>
    %reduce_sum3A_51 = vector.multi_reduction <add>, %div3A_49, %reduce_sum3A_50 [1] : vector<10000x64xf32> to vector<10000xf32>
    %broadcast_in_dim3A_52 = vector.shape_cast %reduce_sum3A_51 : vector<10000xf32> to vector<10000x1xf32>
    %max3A = arith.constant 1.000000e-15 : f32
    %max3A_53 = vector.broadcast %max3A : f32 to vector<10000x1xf32>
    %max3A_54 = arith.maximumf %broadcast_in_dim3A_52, %max3A_53 : vector<10000x1xf32>
    %div3A_55 = vector.broadcast %max3A_54 : vector<10000x1xf32> to vector<10000x64xf32>
    %div3A_56 = arith.divf %div3A_49, %div3A_55 : vector<10000x64xf32>
    %swap3A_57 = arith.constant 0 : index
    %swap3A_58 = arith.constant 0 : index
    %swap3A_59 = vector.load %arg6[%swap3A_57, %swap3A_58] : memref<10000x128xf32, #tpu.memory_space<vmem>>, vector<10000x64xf32>
    tpu.vector_store %arg6[%swap3A_57, %swap3A_58], %div3A_56 {strides = array<i32>} : memref<10000x128xf32, #tpu.memory_space<vmem>>, vector<10000x64xf32>,
    %broadcast_in_dim3A_60 = arith.constant 0.000000e+00 : f32
    %broadcast_in_dim3A_61 = vector.broadcast %broadcast_in_dim3A_60 : f32 to vector<10000x64xf32>
    %swap3A_62 = arith.constant 0 : index
    %swap3A_63 = arith.constant 64 : index
    %swap3A_64 = vector.load %arg6[%swap3A_62, %swap3A_63] : memref<10000x128xf32, #tpu.memory_space<vmem>>, vector<10000x64xf32>
    tpu.vector_store %arg6[%swap3A_62, %swap3A_63], %broadcast_in_dim3A_61 {strides = array<i32>} : memref<10000x128xf32, #tpu.memory_space<vmem>>, vector<10000x64xf32>,
    return
  }
}

module attributes {stable_mosaic.version = 14 : i64} {
  func.func @_stage_f_body(%arg0: memref<10000x128xf32, #tpu.memory_space<vmem>>, %arg1: memref<10000x128xf32, #tpu.memory_space<vmem>>, %arg2: memref<2x10000x128xf32, #tpu.memory_space<vmem>>, %arg3: memref<10000x1xf32, #tpu.memory_space<vmem>>, %arg4: memref<64x128xf32, #tpu.memory_space<vmem>>, %arg5: memref<64x64xf32, #tpu.memory_space<vmem>>, %arg6: memref<1x1xf32, #tpu.memory_space<vmem>>, %arg7: memref<1x1xf32, #tpu.memory_space<vmem>>, %arg8: memref<1x1xf32, #tpu.memory_space<vmem>>) attributes {dimension_semantics = [], scalar_prefetch = 0 : i64, scratch_operands = 0 : i64, tpu.core_type = #tpu.core_type<tc>} {
    %get3A = arith.constant 0 : index
    %get3A_0 = arith.constant 0 : index
    %get3A_1 = vector.load %arg0[%get3A, %get3A_0] : memref<10000x128xf32, #tpu.memory_space<vmem>>, vector<10000x64xf32>
    %get3A_2 = arith.constant 0 : index
    %get3A_3 = arith.constant 0 : index
    %get3A_4 = vector.load %arg1[%get3A_2, %get3A_3] : memref<10000x128xf32, #tpu.memory_space<vmem>>, vector<10000x128xf32>
    %get3A_5 = arith.constant 0 : index
    %get3A_6 = arith.constant 0 : index
    %get3A_7 = arith.constant 0 : index
    %get3A_8 = vector.load %arg2[%get3A_5, %get3A_6, %get3A_7] : memref<2x10000x128xf32, #tpu.memory_space<vmem>>, vector<1x10000x64xf32>
    %get3A_9 = vector.shape_cast %get3A_8 : vector<1x10000x64xf32> to vector<10000x64xf32>
    %get3A_10 = arith.constant 1 : index
    %get3A_11 = arith.constant 0 : index
    %get3A_12 = arith.constant 0 : index
    %get3A_13 = vector.load %arg2[%get3A_10, %get3A_11, %get3A_12] : memref<2x10000x128xf32, #tpu.memory_space<vmem>>, vector<1x10000x64xf32>
    %get3A_14 = vector.shape_cast %get3A_13 : vector<1x10000x64xf32> to vector<10000x64xf32>
    %add3A = arith.addf %get3A_9, %get3A_14 : vector<10000x64xf32>
    %get3A_15 = arith.constant 0 : index
    %get3A_16 = arith.constant 0 : index
    %get3A_17 = vector.load %arg3[%get3A_15, %get3A_16] : memref<10000x1xf32, #tpu.memory_space<vmem>>, vector<10000x1xf32>
    %dot_general3A = arith.constant dense<0.000000e+00> : vector<64x128xf32>
    %dot_general3A_18 = tpu.matmul %get3A_1, %get3A_4, %dot_general3A {dimension_numbers = #tpu.dot_dimension_numbers<[0], [0], [1], [1], [0, 1, 1, 1], [], []>, transpose_lhs_hint = false} : vector<10000x64xf32>, vector<10000x128xf32>, vector<64x128xf32> -> vector<64x128xf32>
    %gt3A = arith.constant 0.000000e+00 : f32
    %gt3A_19 = vector.broadcast %gt3A : f32 to vector<64x128xf32>
    %gt3A_20 = arith.cmpf ogt, %dot_general3A_18, %gt3A_19 : vector<64x128xf32>
    %exp3A = math.exp %dot_general3A_18 : vector<64x128xf32>
    %sub3A = arith.constant 1.000000e+00 : f32
    %sub3A_21 = vector.broadcast %sub3A : f32 to vector<64x128xf32>
    %sub3A_22 = arith.subf %exp3A, %sub3A_21 : vector<64x128xf32>
    %mul3A = arith.constant 1.67326319 : f32
    %mul3A_23 = vector.broadcast %mul3A : f32 to vector<64x128xf32>
    %mul3A_24 = arith.mulf %mul3A_23, %sub3A_22 : vector<64x128xf32>
    %select_n3A = arith.select %gt3A_20, %dot_general3A_18, %mul3A_24 : vector<64x128xi1>, vector<64x128xf32>
    %mul3A_25 = arith.constant 1.05070102 : f32
    %mul3A_26 = vector.broadcast %mul3A_25 : f32 to vector<64x128xf32>
    %mul3A_27 = arith.mulf %mul3A_26, %select_n3A : vector<64x128xf32>
    %swap3A = arith.constant 0 : index
    %swap3A_28 = arith.constant 0 : index
    %swap3A_29 = vector.load %arg4[%swap3A, %swap3A_28] : memref<64x128xf32, #tpu.memory_space<vmem>>, vector<64x128xf32>
    tpu.vector_store %arg4[%swap3A, %swap3A_28], %mul3A_27 {strides = array<i32>} : memref<64x128xf32, #tpu.memory_space<vmem>>, vector<64x128xf32>,
    %dot_general3A_30 = arith.constant dense<0.000000e+00> : vector<64x64xf32>
    %dot_general3A_31 = tpu.matmul %get3A_1, %add3A, %dot_general3A_30 {dimension_numbers = #tpu.dot_dimension_numbers<[0], [0], [1], [1], [0, 1, 1, 1], [], []>, transpose_lhs_hint = false} : vector<10000x64xf32>, vector<10000x64xf32>, vector<64x64xf32> -> vector<64x64xf32>
    %dot_general3A_32 = arith.constant dense<0.000000e+00> : vector<64x1xf32>
    %dot_general3A_33 = tpu.matmul %get3A_1, %get3A_17, %dot_general3A_32 {dimension_numbers = #tpu.dot_dimension_numbers<[0], [0], [1], [1], [0, 1, 1, 1], [], []>, transpose_lhs_hint = false} : vector<10000x64xf32>, vector<10000x1xf32>, vector<64x1xf32> -> vector<64x1xf32>
    %reduce_sum3A = vector.shape_cast %get3A_17 : vector<10000x1xf32> to vector<1x10000x1xf32>
    %reduce_sum3A_34 = arith.constant dense<0.000000e+00> : vector<1xf32>
    %reduce_sum3A_35 = vector.multi_reduction <add>, %reduce_sum3A, %reduce_sum3A_34 [1, 2] : vector<1x10000x1xf32> to vector<1xf32>
    %reduce_sum3A_36 = vector.shape_cast %reduce_sum3A_35 : vector<1xf32> to vector<1x1x1xf32>
    %reduce_sum3A_37 = vector.extract %reduce_sum3A_36[0, 0, 0] : f32 from vector<1x1x1xf32>
    %max3A = arith.constant 1.000000e-15 : f32
    %max3A_38 = arith.maximumf %reduce_sum3A_37, %max3A : f32
    %iota3A = tpu.iota {dimensions = array<i32: 0>} : vector<64x64xi32>
    %iota3A_39 = tpu.iota {dimensions = array<i32: 1>} : vector<64x64xi32>
    %eq3A = arith.cmpi eq, %iota3A, %iota3A_39 : vector<64x64xi32>
    %convert_element_type3A = arith.extui %eq3A : vector<64x64xi1> to vector<64x64xi32>
    %convert_element_type3A_40 = arith.sitofp %convert_element_type3A : vector<64x64xi32> to vector<64x64xf32>
    %mul3A_41 = arith.mulf %dot_general3A_31, %convert_element_type3A_40 : vector<64x64xf32>
    %reduce_sum3A_42 = vector.shape_cast %mul3A_41 : vector<64x64xf32> to vector<1x64x64xf32>
    %reduce_sum3A_43 = arith.constant dense<0.000000e+00> : vector<1xf32>
    %reduce_sum3A_44 = vector.multi_reduction <add>, %reduce_sum3A_42, %reduce_sum3A_43 [1, 2] : vector<1x64x64xf32> to vector<1xf32>
    %reduce_sum3A_45 = vector.shape_cast %reduce_sum3A_44 : vector<1xf32> to vector<1x1x1xf32>
    %reduce_sum3A_46 = vector.extract %reduce_sum3A_45[0, 0, 0] : f32 from vector<1x1x1xf32>
    %mul3A_47 = arith.mulf %dot_general3A_33, %dot_general3A_33 : vector<64x1xf32>
    %reduce_sum3A_48 = vector.shape_cast %mul3A_47 : vector<64x1xf32> to vector<1x64x1xf32>
    %reduce_sum3A_49 = arith.constant dense<0.000000e+00> : vector<1xf32>
    %reduce_sum3A_50 = vector.multi_reduction <add>, %reduce_sum3A_48, %reduce_sum3A_49 [1, 2] : vector<1x64x1xf32> to vector<1xf32>
    %reduce_sum3A_51 = vector.shape_cast %reduce_sum3A_50 : vector<1xf32> to vector<1x1x1xf32>
    %reduce_sum3A_52 = vector.extract %reduce_sum3A_51[0, 0, 0] : f32 from vector<1x1x1xf32>
    %div3A = arith.divf %reduce_sum3A_52, %max3A_38 : f32
    %sub3A_53 = arith.subf %reduce_sum3A_46, %div3A : f32
    %neg3A = arith.constant 0.000000e+00 : f32
    %neg3A_54 = arith.subf %neg3A, %sub3A_53 : f32
    %div3A_55 = arith.divf %neg3A_54, %max3A_38 : f32
    %broadcast_in_dim3A = vector.broadcast %div3A_55 : f32 to vector<1x1xf32>
    %swap3A_56 = arith.constant 0 : index
    %swap3A_57 = arith.constant 0 : index
    %swap3A_58 = vector.load %arg6[%swap3A_56, %swap3A_57] : memref<1x1xf32, #tpu.memory_space<vmem>>, vector<1x1xf32>
    tpu.vector_store %arg6[%swap3A_56, %swap3A_57], %broadcast_in_dim3A {strides = array<i32>} : memref<1x1xf32, #tpu.memory_space<vmem>>, vector<1x1xf32>,
    %dot_general3A_59 = arith.constant dense<0.000000e+00> : vector<64x64xf32>
    %dot_general3A_60 = tpu.matmul %get3A_1, %get3A_1, %dot_general3A_59 {dimension_numbers = #tpu.dot_dimension_numbers<[0], [0], [1], [1], [0, 1, 1, 1], [], []>, transpose_lhs_hint = false} : vector<10000x64xf32>, vector<10000x64xf32>, vector<64x64xf32> -> vector<64x64xf32>
    %mul3A_61 = arith.mulf %dot_general3A_60, %dot_general3A_60 : vector<64x64xf32>
    %reduce_sum3A_62 = vector.shape_cast %mul3A_61 : vector<64x64xf32> to vector<1x64x64xf32>
    %reduce_sum3A_63 = arith.constant dense<0.000000e+00> : vector<1xf32>
    %reduce_sum3A_64 = vector.multi_reduction <add>, %reduce_sum3A_62, %reduce_sum3A_63 [1, 2] : vector<1x64x64xf32> to vector<1xf32>
    %reduce_sum3A_65 = vector.shape_cast %reduce_sum3A_64 : vector<1xf32> to vector<1x1x1xf32>
    %reduce_sum3A_66 = vector.extract %reduce_sum3A_65[0, 0, 0] : f32 from vector<1x1x1xf32>
    %sqrt3A = math.sqrt %reduce_sum3A_66 : f32
    %sqrt3A_67 = arith.constant 6.400000e+01 : f32
    %sqrt3A_68 = math.sqrt %sqrt3A_67 : f32
    %div3A_69 = vector.broadcast %sqrt3A : f32 to vector<64x64xf32>
    %div3A_70 = arith.divf %dot_general3A_60, %div3A_69 : vector<64x64xf32>
    %div3A_71 = vector.broadcast %sqrt3A_68 : f32 to vector<64x64xf32>
    %div3A_72 = arith.divf %convert_element_type3A_40, %div3A_71 : vector<64x64xf32>
    %sub3A_73 = arith.subf %div3A_70, %div3A_72 : vector<64x64xf32>
    %mul3A_74 = arith.mulf %sub3A_73, %sub3A_73 : vector<64x64xf32>
    %reduce_sum3A_75 = vector.shape_cast %mul3A_74 : vector<64x64xf32> to vector<1x64x64xf32>
    %reduce_sum3A_76 = arith.constant dense<0.000000e+00> : vector<1xf32>
    %reduce_sum3A_77 = vector.multi_reduction <add>, %reduce_sum3A_75, %reduce_sum3A_76 [1, 2] : vector<1x64x64xf32> to vector<1xf32>
    %reduce_sum3A_78 = vector.shape_cast %reduce_sum3A_77 : vector<1xf32> to vector<1x1x1xf32>
    %reduce_sum3A_79 = vector.extract %reduce_sum3A_78[0, 0, 0] : f32 from vector<1x1x1xf32>
    %sqrt3A_80 = math.sqrt %reduce_sum3A_79 : f32
    %broadcast_in_dim3A_81 = vector.broadcast %sqrt3A_80 : f32 to vector<1x1xf32>
    %swap3A_82 = arith.constant 0 : index
    %swap3A_83 = arith.constant 0 : index
    %swap3A_84 = vector.load %arg7[%swap3A_82, %swap3A_83] : memref<1x1xf32, #tpu.memory_space<vmem>>, vector<1x1xf32>
    tpu.vector_store %arg7[%swap3A_82, %swap3A_83], %broadcast_in_dim3A_81 {strides = array<i32>} : memref<1x1xf32, #tpu.memory_space<vmem>>, vector<1x1xf32>,
    %reduce_sum3A_85 = arith.constant dense<0.000000e+00> : vector<64xf32>
    %reduce_sum3A_86 = vector.multi_reduction <add>, %get3A_1, %reduce_sum3A_85 [0] : vector<10000x64xf32> to vector<64xf32>
    %broadcast_in_dim3A_87 = vector.shape_cast %reduce_sum3A_86 : vector<64xf32> to vector<1x64xf32>
    %mul3A_88 = arith.mulf %broadcast_in_dim3A_87, %broadcast_in_dim3A_87 : vector<1x64xf32>
    %reduce_sum3A_89 = vector.shape_cast %mul3A_88 : vector<1x64xf32> to vector<1x1x64xf32>
    %reduce_sum3A_90 = arith.constant dense<0.000000e+00> : vector<1xf32>
    %reduce_sum3A_91 = vector.multi_reduction <add>, %reduce_sum3A_89, %reduce_sum3A_90 [1, 2] : vector<1x1x64xf32> to vector<1xf32>
    %reduce_sum3A_92 = vector.shape_cast %reduce_sum3A_91 : vector<1xf32> to vector<1x1x1xf32>
    %reduce_sum3A_93 = vector.extract %reduce_sum3A_92[0, 0, 0] : f32 from vector<1x1x1xf32>
    %sqrt3A_94 = math.sqrt %reduce_sum3A_93 : f32
    %div3A_95 = arith.constant 1.000000e+04 : f32
    %div3A_96 = arith.divf %sqrt3A_94, %div3A_95 : f32
    %sqrt3A_97 = arith.constant 6.400000e+01 : f32
    %sqrt3A_98 = math.sqrt %sqrt3A_97 : f32
    %mul3A_99 = arith.mulf %div3A_96, %sqrt3A_98 : f32
    %sub3A_100 = arith.constant 1.000000e+00 : f32
    %sub3A_101 = arith.subf %mul3A_99, %sub3A_100 : f32
    %broadcast_in_dim3A_102 = vector.broadcast %sub3A_101 : f32 to vector<1x1xf32>
    %swap3A_103 = arith.constant 0 : index
    %swap3A_104 = arith.constant 0 : index
    %swap3A_105 = vector.load %arg8[%swap3A_103, %swap3A_104] : memref<1x1xf32, #tpu.memory_space<vmem>>, vector<1x1xf32>
    tpu.vector_store %arg8[%swap3A_103, %swap3A_104], %broadcast_in_dim3A_102 {strides = array<i32>} : memref<1x1xf32, #tpu.memory_space<vmem>>, vector<1x1xf32>,
    %sub3A_106 = arith.constant 1.000000e+00 : f32
    %sub3A_107 = vector.broadcast %sub3A_106 : f32 to vector<64x64xf32>
    %sub3A_108 = arith.subf %sub3A_107, %convert_element_type3A_40 : vector<64x64xf32>
    %mul3A_109 = arith.mulf %dot_general3A_31, %sub3A_108 : vector<64x64xf32>
    %reduce_sum3A_110 = arith.constant dense<0.000000e+00> : vector<64xf32>
    %reduce_sum3A_111 = vector.multi_reduction <add>, %mul3A_109, %reduce_sum3A_110 [1] : vector<64x64xf32> to vector<64xf32>
    %broadcast_in_dim3A_112 = vector.shape_cast %reduce_sum3A_111 : vector<64xf32> to vector<64x1xf32>
    %max3A_113 = arith.constant 0.000000e+00 : f32
    %max3A_114 = vector.broadcast %max3A_113 : f32 to vector<64x1xf32>
    %max3A_115 = arith.maximumf %broadcast_in_dim3A_112, %max3A_114 : vector<64x1xf32>
    %sqrt3A_116 = math.sqrt %max3A_115 : vector<64x1xf32>
    %add3A_117 = arith.constant 1.000000e-15 : f32
    %add3A_118 = vector.broadcast %add3A_117 : f32 to vector<64x1xf32>
    %add3A_119 = arith.addf %sqrt3A_116, %add3A_118 : vector<64x1xf32>
    %div3A_120 = vector.broadcast %add3A_119 : vector<64x1xf32> to vector<64x64xf32>
    %div3A_121 = arith.divf %mul3A_109, %div3A_120 : vector<64x64xf32>
    %transpose3A = tpu.transpose %add3A_119, [1, 0] : vector<64x1xf32> -> vector<1x64xf32>
    %div3A_122 = vector.broadcast %transpose3A : vector<1x64xf32> to vector<64x64xf32>
    %div3A_123 = arith.divf %div3A_121, %div3A_122 : vector<64x64xf32>
    %swap3A_124 = arith.constant 0 : index
    %swap3A_125 = arith.constant 0 : index
    %swap3A_126 = vector.load %arg5[%swap3A_124, %swap3A_125] : memref<64x64xf32, #tpu.memory_space<vmem>>, vector<64x64xf32>
    tpu.vector_store %arg5[%swap3A_124, %swap3A_125], %div3A_123 {strides = array<i32>} : memref<64x64xf32, #tpu.memory_space<vmem>>, vector<64x64xf32>,
    return
  }
}

</mosaic_0001>

<sc_bundles>
// kernel: kernel.11.cloned.1.call-start
scs
__scs_entry_jumppad:
0x0: {  	(pc) =	sbr.rel $0x88, $3  }
0x1: {  	(tag) =	ssettag $0x0;
	lr =	simm.s32 $0x1  }
0x2: {  	[smem:$0x3F98] =	sst lr;
	_ =	strace $0xD0000000  }
0x3: {  	_ = 	snop  }
0x4: {  	_ = 	snop  }
0x5: {  	_ = 	snop  }
0x6: {  	_ = 	snop  }
0x7: {  	_ = 	snop  }
__scs_overlays_trampoline_lowered:
0x8: {  	[smem:$0x3FA7] =	sst s0  }
0x9: {  	[smem:$0x3FA8] =	sst s1  }
0xa: {  	[smem:$0x3FA9] =	sst s2  }
0xb: {  	[smem:$0x3FAA] =	sst s3  }
0xc: {  	[smem:$0x3FAB] =	sst s4  }
0xd: {  	[smem:$0x3FAC] =	sst s5  }
0xe: {  	[smem:$0x3FAD] =	sst s6  }
0xf: {  	[smem:$0x3FAE] =	sst s7  }
0x10: {  	[smem:$0x3FAF] =	sst s8  }
0x11: {  	[smem:$0x3FB0] =	sst s9;
	s0 =	simm.s32 @!p0 $0x0  }
0x12: {  	s1 =	sld [smem:$0x3F96];
	s0 =	simm.s32 @p0 $0x1  }
0x13: {  	[smem:$0x3FB1] =	sst s0;
	s0 =	simm.s32 @!p1 $0x0  }
0x14: {  	s2 =	sld [smem:$0x3F95];
	s0 =	simm.s32 @p1 $0x1  }
0x15: {  	[smem:$0x3FB2] =	sst s0;
	s0 =	simm.s32 @!p2 $0x0  }
0x16: {  	s3 =	sld [smem:$0x3FDB];
	s0 =	simm.s32 @p2 $0x1  }
0x17: {  	s4 =	simm.s32 $0x1BF5;
	[smem:$0x3FB4] =	sst s0  }
0x18: {  	s0 =	sld [smem:$0x3F97];
	_ =	swait.ge [sflag:s4], $0x0  }
0x19: {  	s7 =	sld [smem:$0x3F98]  }
0x1a: {  	s8 =	sadd.s32 $0xFFFFE003, lr  }
0x1b: {  	s9 =	sadd.s32 $0xFFFFFEF7, lr;
	s5 =	simm.s32 $0xFFFFFFFF;
	p2 =	slt.u32 s8, $0xFFFFF086  }
0x1c: {  	p1 =	slt.u32 s9, $0xF7A;
	s5 =	simm.s32 @!p2 $0x0  }
0x1d: {  	s5 =	simm.s32 @p1 $0x1;
	p0 =	seq.s32 s7, s2  }
0x1e: {  	s7 =	smul.u32 @!p0 $0xF7A, s2;
	p2 =	seq.s32 @!p0 s5, $0x0  }
0x1f: {  	s9 =	smul.u32 $0xF7A, s1;
	s8 =	simm.s32 @!p0 $0x1BF5;
	p2 =	por !p2, p0  }
0x20: {  	[sflag:s8] =	ssyncset.s32 @!p0 $0xFFFFF086;
	s6 =	sadd.s32 @!p0 s3, s7;
	s7 =	simm.s32 @!p0 $0x108  }
0x21: {  	s3 =	sadd.s32 s3, s9;
	s6 =	sadd.s32 @!p0 $0x88, s6;
	s7 =	simm.s32 @p2 $0x1082  }
0x22: {  	[simem:s7], [sflag:s8] =	dma.local @!p0 [hbm:s6], $0xF7A  }
0x23: {  	s9 =	sor.u32 $0xD0000000, s2;
	s6 =	simm.s32 $0x108;
	_ =	swait.ge @!p0 [sflag:s8], $0x0  }
0x24: {  	s3 =	sadd.s32 $0x88, s3;
	s6 =	simm.s32 @!p1 $0x1082;
	[sflag:s4] =	ssyncset.s32 $0xFFFFF086  }
0x25: {  	[simem:s6], [sflag:s4] =	dma.local [hbm:s3], $0xF7A  }
0x26: {  	[smem:$0x3F98] =	sst s1;
	(tag) =	ssettag s2;
	_ =	strace s9  }
0x27: {  	s1 =	sld [smem:$0x3FA8]  }
0x28: {  	s2 =	sld [smem:$0x3FA9]  }
0x29: {  	s4 =	sld [smem:$0x3FAB]  }
0x2a: {  	p0 =	seq.s32 s5, $0x0;
	s5 =	sld [smem:$0x3FAC]  }
0x2b: {  	s6 =	sld [smem:$0x3FAD]  }
0x2c: {  	s7 =	sld [smem:$0x3FAE]  }
0x2d: {  	s3 =	simm.s32 $0x108;
	s8 =	sld [smem:$0x3FAF]  }
0x2e: {  	s3 =	simm.s32 @!p0 $0x1082;
	s9 =	sld [smem:$0x3FB0]  }
0x2f: {  	lr =	sadd.s32 s0, s3;
	s0 =	sld [smem:$0x3FA7]  }
0x30: {  	s3 =	sld [smem:$0x3FAA]  }
0x31: {  	[smem:$0x3FB3] =	sst s10  }
0x32: {  	s10 =	sld [smem:$0x3FB1];
	_ =	sdelay $0x3  }
0x33: {  	p0 =	seq.s32 s10, $0x1;
	s10 =	sld [smem:$0x3FB3];
	_ =	sdelay $0x3  }
0x34: {  	[smem:$0x3FB3] =	sst s10  }
0x35: {  	s10 =	sld [smem:$0x3FB2];
	_ =	sdelay $0x3  }
0x36: {  	p1 =	seq.s32 s10, $0x1;
	s10 =	sld [smem:$0x3FB3];
	_ =	sdelay $0x3  }
0x37: {  	[smem:$0x3FB3] =	sst s10  }
0x38: {  	s10 =	sld [smem:$0x3FB4]  }
0x39: {  	_ = 	snop;
	(pc) =	sbr.ind lr, $3  }
0x3a: {  	_ = 	snop  }
0x3b: {  	_ = 	snop  }
0x3c: {  	p2 =	seq.s32 s10, $0x1;
	s10 =	sld [smem:$0x3FB3]  }
0x3d: {  	_ =	shalt  }
0x3e: {  	_ =	shalt  }
0x3f: {  	_ =	shalt  }
0x40: {  	_ =	shalt  }
0x41: {  	_ =	shalt  }
0x42: {  	_ =	shalt  }
0x43: {  	_ =	shalt  }
0x44: {  	_ =	shalt  }
0x45: {  	_ =	shalt  }
0x46: {  	_ =	shalt  }
0x47: {  	_ =	shalt  }
0x48: {  	_ =	shalt  }
0x49: {  	_ =	shalt  }
0x4a: {  	_ =	shalt  }
0x4b: {  	_ =	shalt  }
0x4c: {  	_ =	shalt  }
0x4d: {  	_ =	shalt  }
0x4e: {  	_ =	shalt  }
0x4f: {  	_ =	shalt  }
0x50: {  	_ =	shalt  }
0x51: {  	_ =	shalt  }
0x52: {  	_ =	shalt  }
0x53: {  	_ =	shalt  }
0x54: {  	_ =	shalt  }
0x55: {  	_ =	shalt  }
0x56: {  	_ =	shalt  }
0x57: {  	_ =	shalt  }
0x58: {  	_ =	shalt  }
0x59: {  	_ =	shalt  }
0x5a: {  	_ =	shalt  }
0x5b: {  	_ =	shalt  }
0x5c: {  	_ =	shalt  }
0x5d: {  	_ =	shalt  }
0x5e: {  	_ =	shalt  }
0x5f: {  	_ =	shalt  }
0x60: {  	_ =	shalt  }
0x61: {  	_ =	shalt  }
0x62: {  	_ =	shalt  }
0x63: {  	_ =	shalt  }
0x64: {  	_ =	shalt  }
0x65: {  	_ =	shalt  }
0x66: {  	_ =	shalt  }
0x67: {  	_ =	shalt  }
0x68: {  	_ =	shalt  }
0x69: {  	_ =	shalt  }
0x6a: {  	_ =	shalt  }
0x6b: {  	_ =	shalt  }
0x6c: {  	_ =	shalt  }
0x6d: {  	_ =	shalt  }
0x6e: {  	_ =	shalt  }
0x6f: {  	_ =	shalt  }
0x70: {  	_ =	shalt  }
0x71: {  	_ =	shalt  }
0x72: {  	_ =	shalt  }
0x73: {  	_ =	shalt  }
0x74: {  	_ =	shalt  }
0x75: {  	_ =	shalt  }
0x76: {  	_ =	shalt  }
0x77: {  	_ =	shalt  }
0x78: {  	_ =	shalt  }
0x79: {  	_ =	shalt  }
0x7a: {  	_ =	shalt  }
0x7b: {  	_ =	shalt  }
0x7c: {  	_ =	shalt  }
0x7d: {  	_ =	shalt  }
0x7e: {  	_ =	shalt  }
0x7f: {  	_ =	shalt  }
0x80: {  	_ =	shalt  }
0x81: {  	_ =	shalt  }
0x82: {  	_ =	shalt  }
0x83: {  	_ =	shalt  }
0x84: {  	_ =	shalt  }
0x85: {  	_ =	shalt  }
0x86: {  	_ =	shalt  }
0x87: {  	_ =	shalt  }
.Lfunc_end0:
.L_simem_size_0:
called_computation_lowered:
.L_overlay_start_0:
0x88: {  	s2 =	sld [smem:$0x3FD9]  }
0x89: {  	s3 =	sld [smem:$0x3FFE];
	_ =	sdelay $0x1  }
0x8a: {  	s1 =	srdreg.scid  }
0x8b: {  	s0 =	sand.u32 $0x1, s1  }
0x8c: {  	s17 =	sshll.u32 s0, $0xA;
	s2 =	sadd.s32 s3, s2  }
0x8d: {  	s2 =	sadd.s32 s2, s17  }
0x8e: {  	[smem:$0x3FBF] =	sst s2  }
0x8f: {  	_ = 	snop  }
0x90: {  	s2 =	sld [smem:$0x3FC7];
	(tm) =	ssettm $0x1  }
0x91: {  	s18 =	sld [smem:$0x3FFB];
	_ =	sdelay $0x3  }
0x92: {  	_ =	strace s18  }
0x93: {  	s3 =	sld [smem:$0x3FFC];
	_ =	sdelay $0x3  }
0x94: {  	_ =	strace s3  }
0x95: {  	s3 =	sld [smem:$0x3FFD];
	_ =	sdelay $0x3  }
0x96: {  	_ =	strace s3  }
0x97: {  	_ =	strace $0x8FFFFFFF  }
0x98: {  	s19 =	sld [smem:$0x3FDB];
	_ =	sdelay $0x1  }
0x99: {  	s4 =	simm.s32 $_scs_section_size  }
0x9a: {  	s5 =	simm.s32 $_size__tile_overlayer_lowered;
	s6 =	simm.s32 $_tile_overlayer_lowered  }
0x9b: {  	s22 =	simm.s32 $0x1BFF;
	s21 =	sshll.u32 s6, $0x1;
	s3 =	sadd.s32 s4, s19  }
0x9c: {  	s7 =	simm.s32 $0x0;
	s20 =	sshll.u32 s5, $0x1;
	s5 =	sadd.s32 s21, s3  }
0x9d: {  	[timem:s7], [sflag:s22] =	dma.local [hbm:s5], s20  }
0x9e: {  	_ =	swait.ge [sflag:s22], s20  }
0x9f: {  	s4 =	ssub.s32 $0x0, s20;
	[sflag:s22] =	ssyncset.done $0x0  }
0xa0: {  	[sflag:s22] =	ssyncadd.s32 s4;
	_ =	sdelay $0x1  }
0xa1: {  	s23 =	simm.s32 $0x1B8B  }
0xa2: {  	_ =	swait.ge [sflag:s23], $0x1  }
0xa3: {  	[sflag:s23] =	ssyncset.done $0x0  }
0xa4: {  	s25 =	simm.s32 $0x1B8E;
	s24 =	sld [smem:$0x3FFE];
	[sflag:s23] =	ssyncadd.s32 $0xFFFFFFFF  }
0xa5: {  	s26 =	simm.s32 $execute0_lowered;
	[smem:$0x3FD2] =	sst s25  }
0xa6: {  	s5 =	sshll.u32 s26, $0x1;
	_ =	strace $0x80000046;
	[dreg:$0x1] =	wrdreg $0xFFFFFFFF  }
0xa7: {  	s28 =	simm.s32 $_size_execute0_lowered;
	s3 =	sadd.s32 s3, s5;
	[dreg:$0x0] =	wrdreg $0x0  }
0xa8: {  	s5 =	sshll.u32 s28, $0x1;
	[dreg:$0x2] =	wrdreg s3  }
0xa9: {  	[dreg:$0x3] =	wrdreg s5  }
0xaa: {  	[dreg:$0x4] =	wrdreg $0xC0  }
0xab: {  	_ =	task [dreg:s7], $0x5FFFF  }
0xac: {  	[dreg:$0x1] =	wrdreg $0xFFFFFFFF  }
0xad: {  	[dreg:$0x0] =	wrdreg $0x60  }
0xae: {  	[dreg:$0x2] =	wrdreg s24  }
0xaf: {  	[dreg:$0x3] =	wrdreg s2  }
0xb0: {  	[dreg:$0x4] =	wrdreg $0x7B000  }
0xb1: {  	[dreg:$0x5] =	wrdreg $0x9  }
0xb2: {  	_ =	task.clear_ibuf [dreg:s7], $0x6FFFF;
	_ =	strace $0x90000046  }
0xb3: {  	s29 =	simm.s32 $0x9;
	_ =	strace $0x80000048  }
0xb4: {  	_ =	swait.ge [sflag:s29], $0x1  }
0xb5: {  	[sflag:s29] =	ssyncadd.s32 $0xFFFFFFFF  }
0xb6: {  	_ =	strace $0x90000048  }
0xb7: {  	_ =	sfence  }
0xb8: {  	s30 =	sld [smem:$0x0];
	_ =	sdelay $0x2  }
0xb9: {  	s31 =	sshll.u32 s1, $0xD;
	s1 =	sshrl.u32 s1, $0x2  }
0xba: {  	s3 =	sand.u32 $0x4000, s31;
	s1 =	sadd.s32 s1, s30  }
0xbb: {  	s0 =	sor.u32 s3, s0;
	s1 =	sshll.u32 s1, $0x11  }
0xbc: {  	s0 =	sor.u32 s1, s0  }
0xbd: {  	s0 =	sadd.s32 $0x8F2B, s0  }
0xbe: {  	[sflag:s0] =	ssyncadd.remote.s32 $0x1  }
0xbf: {  	_ =	sfence.sel $0xFFFF  }
0xc0: {  	[dreg:$0x0] =	wrdreg $0xFFFFFFFF;
	(pc) =	sbr.abs _section_cstart, $3  }
0xc1: {  	[dreg:$0x1] =	wrdreg $0xFFFFFFFF  }
0xc2: {  	_ =	task.clear_ibuf [dreg:s7], $0x2FFFF;
	_ =	strace $0x9FFFFFFF  }
0xc3: {  	(tm) =	ssettm $0x7FFFFFFF  }
tec
execute0_lowered:
.L_overlay_start_1:
0x0: {  	(tag) =	ssettag $0x1  }
0x1: {  	s0 =	rddreg [dreg:$0x0]  }
0x2: {  	s2 =	rddreg [dreg:$0x1]  }
0x3: {  	s3 =	rddreg [dreg:$0x2]  }
0x4: {  	s1 =	srdreg.scid;
	s10 =	stileid.u32;
	s4 =	simm.s32 $0x0  }
0x5: {  	s28 =	simm.s32 $0x200;
	s29 =	simm.s32 $0x1;
	s30 =	simm.s32 $0x4  }
0x6: {  	s31 =	simm.s32 $0x100;
	s1 =	sand.u32 $0x1, s1;
	s7 =	smul.u32 $0x13800, s10  }
0x7: {  	s5 =	sshll.u32 s10, $0x1;
	[smem:$0x7FF] =	sst s4;
	s16 =	smul.u32 $0x4E000, s10  }
0x8: {  	s6 =	smul.u32 $0x138800, s1;
	s5 =	sor.u32 s1, s5;
	_ =	strace $0x80000047  }
0x9: {  	s1 =	ssub.s32 $0x2, s1;
	s8 =	smul.u32 $0x2710, s5;
	s5 =	sadd.s32 $0x2E00, s0  }
0xa: {  	s12 =	sshrl.u32 s1, $0x1;
	s17 =	sshrl.u32 s16, $0x2;
	s16 =	simm.s32 $0x8  }
0xb: {  	s6 =	sadd.s32 s7, s6;
	s1 =	ssub.s32 s1, s12;
	s20 =	sadd.s32 s17, s3  }
0xc: {  	s7 =	simm.s32 $0x5;
	s17 =	simm.s32 $0x5300;
	s6 =	sshrl.u32 s6, $0x3  }
0xd: {  	s9 =	sshrl.u32 s8, $0x3;
	s18 =	smax.u32 s1, $0x1;
	[dreg:$0x9] =	wrdreg s20  }
0xe: {  	s10 =	sadd.s32 $0xA0, s8;
	s19 =	sadd.s32 $0x2800, s20;
	[dreg:$0xa] =	wrdreg s18  }
0xf: {  	s11 =	sadd.s32 $0xF0, s8;
	s21 =	sadd.s32 $0x5000, s20;
	[dreg:$0xb] =	wrdreg s19  }
0x10: {  	s12 =	sadd.s32 $0x140, s8;
	s22 =	sadd.s32 $0x7800, s20;
	[dreg:$0xc] =	wrdreg s21  }
0x11: {  	s23 =	sadd.s32 $0xA000, s20;
	s24 =	sadd.s32 $0xC800, s20;
	[dreg:$0xd] =	wrdreg s22  }
0x12: {  	s25 =	sadd.s32 $0xF000, s20;
	s26 =	sadd.s32 $0x11800, s20;
	[dreg:$0xe] =	wrdreg s23  }
0x13: {  	s1 =	simm.s32 $0x50;
	s8 =	simm.s32 $0x7;
	[dreg:$0xf] =	wrdreg s24  }
0x14: {  	s0 =	sadd.s32 s6, s0;
	s13 =	sadd.s32 s5, s9;
	[dreg:$0x10] =	wrdreg s25  }
0x15: {  	s14 =	sadd.s32 s2, s9;
	s15 =	sadd.s32 $0xA, s9;
	[dreg:$0x11] =	wrdreg s26  }
0x16: {  	s23 =	simm.s32 $0x300;
	s24 =	simm.s32 $0xA;
	[dreg:$0x4] =	wrdreg s13  }
0x17: {  	s25 =	simm.s32 $0x180;
	[dreg:$0x5] =	wrdreg s14;
	s9 =	sadd.s32 s5, s15  }
0x18: {  	s26 =	simm.s32 $0x80;
	s6 =	sadd.s32 s2, s15;
	[dreg:$0x6] =	wrdreg s9  }
0x19: {  	s18 =	simm.s32 $0x0;
	s0 =	sadd.s32 $0x16A00, s0;
	[dreg:$0x7] =	wrdreg s6  }
0x1a: {  	s13 =	simm.s32 $0x3;
	s15 =	simm.s32 $0x6;
	[dreg:$0x8] =	wrdreg s0  }
0x1b: {  	v0 =	vimm.f32 $0.0e+00;
	s0 =	simm.s32 $0x280;
	s6 =	simm.s32 $0x2;
	s9 =	simm.s32 $0x2B00  }
.LBB2_1:
0x1c: {  	[dreg:$0x12] =	wrdreg s18;
	s14 =	simm.s32 $0x0;
	s18 =	simm.s32 $0x200  }
.LBB2_2:
0x1d: {  	p0 =	sne.s32 s18, $0x9E00;
	[tilespmem:s14+$0x370] =	vst v0  }
0x1e: {  	[tilespmem:s14+$0x300] =	vst v0  }
0x1f: {  	[tilespmem:s14+$0x310] =	vst v0  }
.Ltmp0:
0x20: {  	[tilespmem:s14+$0x320] =	vst v0;
	(pc) =	sbr.rel @p0 .LBB2_2-.Ltmp0, $4  }
0x21: {  	[tilespmem:s14+$0x330] =	vst v0  }
0x22: {  	[tilespmem:s14+$0x340] =	vst v0  }
0x23: {  	[tilespmem:s14+$0x350] =	vst v0  }
0x24: {  	[tilespmem:s14+$0x360] =	vst v0;
	s14 =	sshra.s32 s18, $0x2;
	s18 =	sadd.s32 $0x200, s18  }
0x25: {  	[tilespmem:s14+$0x370] =	vst v0  }
0x26: {  	[tilespmem:s14+$0x300] =	vst v0  }
0x27: {  	[tilespmem:s14+$0x310] =	vst v0  }
0x28: {  	[tilespmem:s14+$0x320] =	vst v0  }
0x29: {  	[tilespmem:s14+$0x330] =	vst v0  }
0x2a: {  	[tilespmem:s14+$0x340] =	vst v0  }
0x2b: {  	[tilespmem:s14+$0x350] =	vst v0  }
0x2c: {  	[tilespmem:s14+$0x360] =	vst v0  }
0x2d: {  	[spmem:s20] =	stream.linear.scatter [tilespmem:s23], [sflag:$0xA], $0x2800, $0x38;
	[tilespmem:$0x1B380] =	vst v63  }
0x2e: {  	_ =	swait.ge [sflag:s24], $0x2800  }
0x2f: {  	[sflag:s24] =	ssyncset.done $0x0  }
0x30: {  	s21 =	rddreg [dreg:$0xb];
	[sflag:s24] =	ssyncadd.s32 $0xFFFFD800  }
0x31: {  	[spmem:s21] =	stream.linear.scatter [tilespmem:s23], [sflag:$0xA], $0x2800, $0x38;
	[tilespmem:$0x1B380] =	vst v63  }
0x32: {  	_ =	swait.ge [sflag:s24], $0x2800  }
0x33: {  	[sflag:s24] =	ssyncset.done $0x0  }
0x34: {  	s22 =	rddreg [dreg:$0xc];
	[sflag:s24] =	ssyncadd.s32 $0xFFFFD800  }
0x35: {  	[spmem:s22] =	stream.linear.scatter [tilespmem:s23], [sflag:$0xA], $0x2800, $0x38;
	[tilespmem:$0x1B380] =	vst v63  }
0x36: {  	_ =	swait.ge [sflag:s24], $0x2800  }
0x37: {  	[sflag:s24] =	ssyncset.done $0x0  }
0x38: {  	s18 =	rddreg [dreg:$0xd];
	[sflag:s24] =	ssyncadd.s32 $0xFFFFD800  }
0x39: {  	[spmem:s18] =	stream.linear.scatter [tilespmem:s23], [sflag:$0xA], $0x2800, $0x38;
	[tilespmem:$0x1B380] =	vst v63  }
0x3a: {  	_ =	swait.ge [sflag:s24], $0x2800  }
0x3b: {  	[sflag:s24] =	ssyncset.done $0x0  }
0x3c: {  	s19 =	rddreg [dreg:$0xe];
	[sflag:s24] =	ssyncadd.s32 $0xFFFFD800  }
0x3d: {  	[spmem:s19] =	stream.linear.scatter [tilespmem:s23], [sflag:$0xA], $0x2800, $0x38;
	[tilespmem:$0x1B380] =	vst v63  }
0x3e: {  	_ =	swait.ge [sflag:s24], $0x2800  }
0x3f: {  	[sflag:s24] =	ssyncset.done $0x0  }
0x40: {  	s20 =	rddreg [dreg:$0xf];
	[sflag:s24] =	ssyncadd.s32 $0xFFFFD800  }
0x41: {  	[spmem:s20] =	stream.linear.scatter [tilespmem:s23], [sflag:$0xA], $0x2800, $0x38;
	[tilespmem:$0x1B380] =	vst v63  }
0x42: {  	_ =	swait.ge [sflag:s24], $0x2800  }
0x43: {  	[sflag:s24] =	ssyncset.done $0x0  }
0x44: {  	s21 =	rddreg [dreg:$0x10];
	[sflag:s24] =	ssyncadd.s32 $0xFFFFD800  }
0x45: {  	[spmem:s21] =	stream.linear.scatter [tilespmem:s23], [sflag:$0xA], $0x2800, $0x38;
	[tilespmem:$0x1B380] =	vst v63  }
0x46: {  	_ =	swait.ge [sflag:s24], $0x2800  }
0x47: {  	[sflag:s24] =	ssyncset.done $0x0  }
0x48: {  	s22 =	rddreg [dreg:$0x11];
	[sflag:s24] =	ssyncadd.s32 $0xFFFFD800  }
0x49: {  	[spmem:s22] =	stream.linear.scatter [tilespmem:s23], [sflag:$0xA], $0x2800, $0x38;
	[tilespmem:$0x1B380] =	vst v63  }
0x4a: {  	_ =	swait.ge [sflag:s24], $0x2800  }
0x4b: {  	[sflag:s24] =	ssyncset.done $0x0  }
0x4c: {  	[sflag:s24] =	ssyncadd.s32 $0xFFFFD800  }
0x4d: {  	[bflag:$0x0] =	sbarrier.arrive $0xFFFF  }
0x4e: {  	s20 =	simm.s32 $0x0;
	s18 =	rddreg [dreg:$0x4]  }
0x4f: {  	[tilespmem:s20], [sflag:$0x1] =	stream.linear.gather [hbm4b:s18+s20], $0x50, $0x38;
	[tilespmem:$0x1B380] =	vst v63  }
0x50: {  	s19 =	rddreg [dreg:$0x5]  }
0x51: {  	[tilespmem:s25], [sflag:$0x4] =	stream.linear.gather [hbm4b:s19+s20], $0x50, $0x38;
	[tilespmem:$0x1B380] =	vst v63  }
0x52: {  	s21 =	rddreg [dreg:$0x6]  }
0x53: {  	[tilespmem:s26], [sflag:$0x2] =	stream.linear.gather [hbm4b:s21+s20], $0x50, $0x38;
	[tilespmem:$0x1B380] =	vst v63  }
0x54: {  	s22 =	rddreg [dreg:$0x7];
	s21 =	simm.s32 $0x0  }
0x55: {  	[tilespmem:s28], [sflag:$0x5] =	stream.linear.gather [hbm4b:s22+s20], $0x50, $0x38;
	[tilespmem:$0x1B380] =	vst v63  }
.LBB2_4:
0x56: {  	_ =	swait.ge [sflag:s29], $0x50  }
0x57: {  	v1 =	vmov s20;
	[sflag:s29] =	ssyncset.done $0x0  }
0x58: {  	[sflag:s29] =	ssyncadd.s32 $0xFFFFFFB0  }
0x59: {  	_ =	swait.ge [sflag:s30], $0x50  }
0x5a: {  	[sflag:s30] =	ssyncset.done $0x0  }
0x5b: {  	[sflag:s30] =	ssyncadd.s32 $0xFFFFFFB0  }
0x5c: {  	v1 =	vld.idx.msk [tilespmem:v1+s25+$0x0], $0xffff;
	_ =	sdelay $0x3  }
0x5d: {  	s22 =	simm.s32 $0x340  }
0x5e: {  	[tilespmem:s22+$0xFFFFFFC0] =	vst v1  }
0x5f: {  	[tilespmem:s22+$0xFFFFFFD0] =	vst v1  }
0x60: {  	s14 =	simm.s32 $0x1;
	[tilespmem:s22+$0xFFFFFFE0] =	vst v1  }
0x61: {  	s18 =	simm.s32 $0x2;
	v2 =	vmov s14;
	[tilespmem:s22+$0xFFFFFFF0] =	vst v1  }
.LBB2_5:
0x62: {  	p0 =	sne.s32 s18, $0x4F;
	[tilespmem:s22+$0x0] =	vst v1  }
0x63: {  	[tilespmem:s22+$0x10] =	vst v1  }
0x64: {  	[tilespmem:s22+$0x20] =	vst v1  }
0x65: {  	[tilespmem:s22+$0x30] =	vst v1  }
0x66: {  	v1 =	vld.idx.msk [tilespmem:v2+s25+$0x0], $0xffff;
	_ =	sdelay $0x4  }
.Ltmp1:
0x67: {  	s22 =	sadd.s32 $0x80, s22;
	(pc) =	sbr.rel @p0 .LBB2_5-.Ltmp1, $4  }
0x68: {  	[tilespmem:s22+$0xFFFFFFC0] =	vst v1  }
0x69: {  	[tilespmem:s22+$0xFFFFFFD0] =	vst v1  }
0x6a: {  	[tilespmem:s22+$0xFFFFFFE0] =	vst v1  }
0x6b: {  	v2 =	vmov s18;
	s18 =	sadd.s32 $0x1, s18;
	[tilespmem:s22+$0xFFFFFFF0] =	vst v1  }
0x6c: {  	[tilespmem:s22+$0x0] =	vst v1  }
0x6d: {  	[tilespmem:s22+$0x10] =	vst v1  }
0x6e: {  	[tilespmem:s22+$0x20] =	vst v1  }
0x6f: {  	[tilespmem:s22+$0x30] =	vst v1  }
0x70: {  	v1 =	vld.idx.msk [tilespmem:v2+s25+$0x0], $0xffff;
	_ =	sdelay $0x3  }
0x71: {  	s14 =	sadd.s32 $0x80, s22  }
0x72: {  	[tilespmem:s14+$0xFFFFFFC0] =	vst v1  }
0x73: {  	[tilespmem:s14+$0xFFFFFFD0] =	vst v1  }
0x74: {  	[tilespmem:s14+$0xFFFFFFE0] =	vst v1  }
0x75: {  	[tilespmem:s14+$0xFFFFFFF0] =	vst v1  }
0x76: {  	[tilespmem:s14+$0x0] =	vst v1  }
0x77: {  	[tilespmem:s14+$0x10] =	vst v1  }
0x78: {  	p0 =	seq.s32 s21, $0x0;
	s22 =	smul.u32 $0xF0, s21;
	[tilespmem:s14+$0x20] =	vst v1  }
0x79: {  	[tilespmem:s14+$0x30] =	vst v1;
	s14 =	simm.s32 @!p0 $0x9  }
0x7a: {  	s18 =	sadd.s32 s22, s10;
	_ =	swait.ge @!p0 [sflag:s14], $0x2800  }
0x7b: {  	s18 =	sshrl.u32 s18, $0x3;
	[sflag:s14] =	ssyncset.done @!p0 $0x0  }
0x7c: {  	s19 =	simm.s32 $0x0;
	[sflag:s14] =	ssyncadd.s32 @!p0 $0xFFFFD800;
	s14 =	sadd.s32 s5, s18  }
0x7d: {  	[tilespmem:s31], [sflag:$0x3] =	stream.linear.gather [hbm4b:s14+s19], $0x50, $0x38;
	[tilespmem:$0x1B380] =	vst v63  }
0x7e: {  	s18 =	sadd.s32 s2, s18  }
0x7f: {  	[tilespmem:s0], [sflag:$0x6] =	stream.linear.gather [hbm4b:s18+s19], $0x50, $0x38;
	[tilespmem:$0x1B380] =	vst v63  }
0x80: {  	_ = 	snop  }
0x81: {  	[spmem:s3] =	stream.indirect.scatter.add.f32 [tilespmem:s23], [sflag:$0x7], $0x80, s19, s1, $0xb8;
	[tilespmem:$0x1B380] =	vst v63  }
0x82: {  	_ =	swait.ge [sflag:s6], $0x50  }
0x83: {  	v1 =	vmov s19;
	[sflag:s6] =	ssyncset.done $0x0  }
0x84: {  	[sflag:s6] =	ssyncadd.s32 $0xFFFFFFB0  }
0x85: {  	_ =	swait.ge [sflag:s7], $0x50  }
0x86: {  	[sflag:s7] =	ssyncset.done $0x0  }
0x87: {  	[sflag:s7] =	ssyncadd.s32 $0xFFFFFFB0  }
0x88: {  	v1 =	vld.idx.msk [tilespmem:v1+s28+$0x0], $0xffff;
	_ =	sdelay $0x3  }
0x89: {  	s18 =	simm.s32 $0x2B40  }
0x8a: {  	[tilespmem:s18+$0xFFFFFFC0] =	vst v1  }
0x8b: {  	[tilespmem:s18+$0xFFFFFFD0] =	vst v1  }
0x8c: {  	s19 =	simm.s32 $0x1;
	[tilespmem:s18+$0xFFFFFFE0] =	vst v1  }
0x8d: {  	s14 =	simm.s32 $0x2;
	v2 =	vmov s19;
	[tilespmem:s18+$0xFFFFFFF0] =	vst v1  }
.LBB2_7:
0x8e: {  	p0 =	sne.s32 s14, $0x4F;
	[tilespmem:s18+$0x0] =	vst v1  }
0x8f: {  	[tilespmem:s18+$0x10] =	vst v1  }
0x90: {  	[tilespmem:s18+$0x20] =	vst v1  }
0x91: {  	[tilespmem:s18+$0x30] =	vst v1  }
0x92: {  	v1 =	vld.idx.msk [tilespmem:v2+s28+$0x0], $0xffff;
	_ =	sdelay $0x4  }
.Ltmp2:
0x93: {  	s18 =	sadd.s32 $0x80, s18;
	(pc) =	sbr.rel @p0 .LBB2_7-.Ltmp2, $4  }
0x94: {  	[tilespmem:s18+$0xFFFFFFC0] =	vst v1  }
0x95: {  	[tilespmem:s18+$0xFFFFFFD0] =	vst v1  }
0x96: {  	[tilespmem:s18+$0xFFFFFFE0] =	vst v1  }
0x97: {  	v2 =	vmov s14;
	s14 =	sadd.s32 $0x1, s14;
	[tilespmem:s18+$0xFFFFFFF0] =	vst v1  }
0x98: {  	[tilespmem:s18+$0x0] =	vst v1  }
0x99: {  	[tilespmem:s18+$0x10] =	vst v1  }
0x9a: {  	[tilespmem:s18+$0x20] =	vst v1  }
0x9b: {  	[tilespmem:s18+$0x30] =	vst v1  }
0x9c: {  	v1 =	vld.idx.msk [tilespmem:v2+s28+$0x0], $0xffff;
	_ =	sdelay $0x3  }
0x9d: {  	s14 =	sadd.s32 $0x80, s18  }
0x9e: {  	[tilespmem:s14+$0xFFFFFFC0] =	vst v1  }
0x9f: {  	[tilespmem:s14+$0xFFFFFFD0] =	vst v1  }
0xa0: {  	[tilespmem:s14+$0xFFFFFFE0] =	vst v1  }
0xa1: {  	[tilespmem:s14+$0xFFFFFFF0] =	vst v1  }
0xa2: {  	[tilespmem:s14+$0x0] =	vst v1  }
0xa3: {  	[tilespmem:s14+$0x10] =	vst v1  }
0xa4: {  	[tilespmem:s14+$0x20] =	vst v1  }
0xa5: {  	[tilespmem:s14+$0x30] =	vst v1  }
0xa6: {  	s18 =	sadd.s32 s22, s11;
	_ =	swait.ge [sflag:s8], $0x2800  }
0xa7: {  	s14 =	sshrl.u32 s18, $0x3;
	[sflag:s8] =	ssyncset.done $0x0  }
0xa8: {  	s19 =	simm.s32 $0x0;
	s18 =	sadd.s32 s5, s14;
	[sflag:s8] =	ssyncadd.s32 $0xFFFFD800  }
0xa9: {  	[tilespmem:s19], [sflag:$0x1] =	stream.linear.gather [hbm4b:s18+s19], $0x50, $0x38;
	[tilespmem:$0x1B380] =	vst v63  }
0xaa: {  	s14 =	sadd.s32 s2, s14  }
0xab: {  	[tilespmem:s25], [sflag:$0x4] =	stream.linear.gather [hbm4b:s14+s19], $0x50, $0x38;
	[tilespmem:$0x1B380] =	vst v63  }
0xac: {  	_ = 	snop  }
0xad: {  	[spmem:s3] =	stream.indirect.scatter.add.f32 [tilespmem:s9], [sflag:$0x8], $0x80, s26, s1, $0xb8;
	[tilespmem:$0x1B380] =	vst v63  }
0xae: {  	_ =	swait.ge [sflag:s13], $0x50  }
0xaf: {  	v1 =	vmov s19;
	[sflag:s13] =	ssyncset.done $0x0  }
0xb0: {  	[sflag:s13] =	ssyncadd.s32 $0xFFFFFFB0  }
0xb1: {  	_ =	swait.ge [sflag:s15], $0x50  }
0xb2: {  	[sflag:s15] =	ssyncset.done $0x0  }
0xb3: {  	[sflag:s15] =	ssyncadd.s32 $0xFFFFFFB0  }
0xb4: {  	v1 =	vld.idx.msk [tilespmem:v1+s0+$0x0], $0xffff;
	_ =	sdelay $0x3  }
0xb5: {  	s18 =	simm.s32 $0x5340  }
0xb6: {  	[tilespmem:s18+$0xFFFFFFC0] =	vst v1  }
0xb7: {  	[tilespmem:s18+$0xFFFFFFD0] =	vst v1  }
0xb8: {  	s19 =	simm.s32 $0x1;
	[tilespmem:s18+$0xFFFFFFE0] =	vst v1  }
0xb9: {  	s14 =	simm.s32 $0x2;
	v2 =	vmov s19;
	[tilespmem:s18+$0xFFFFFFF0] =	vst v1  }
.LBB2_9:
0xba: {  	p0 =	sne.s32 s14, $0x4F;
	[tilespmem:s18+$0x0] =	vst v1  }
0xbb: {  	[tilespmem:s18+$0x10] =	vst v1  }
0xbc: {  	[tilespmem:s18+$0x20] =	vst v1  }
0xbd: {  	[tilespmem:s18+$0x30] =	vst v1  }
0xbe: {  	v1 =	vld.idx.msk [tilespmem:v2+s0+$0x0], $0xffff;
	_ =	sdelay $0x4  }
.Ltmp3:
0xbf: {  	s18 =	sadd.s32 $0x80, s18;
	(pc) =	sbr.rel @p0 .LBB2_9-.Ltmp3, $4  }
0xc0: {  	[tilespmem:s18+$0xFFFFFFC0] =	vst v1  }
0xc1: {  	[tilespmem:s18+$0xFFFFFFD0] =	vst v1  }
0xc2: {  	[tilespmem:s18+$0xFFFFFFE0] =	vst v1  }
0xc3: {  	v2 =	vmov s14;
	s14 =	sadd.s32 $0x1, s14;
	[tilespmem:s18+$0xFFFFFFF0] =	vst v1  }
0xc4: {  	[tilespmem:s18+$0x0] =	vst v1  }
0xc5: {  	[tilespmem:s18+$0x10] =	vst v1  }
0xc6: {  	[tilespmem:s18+$0x20] =	vst v1  }
0xc7: {  	[tilespmem:s18+$0x30] =	vst v1  }
0xc8: {  	v1 =	vld.idx.msk [tilespmem:v2+s0+$0x0], $0xffff;
	_ =	sdelay $0x3  }
0xc9: {  	s14 =	sadd.s32 $0x80, s18  }
0xca: {  	[tilespmem:s14+$0xFFFFFFC0] =	vst v1  }
0xcb: {  	[tilespmem:s14+$0xFFFFFFD0] =	vst v1  }
0xcc: {  	[tilespmem:s14+$0xFFFFFFE0] =	vst v1  }
0xcd: {  	[tilespmem:s14+$0xFFFFFFF0] =	vst v1  }
0xce: {  	[tilespmem:s14+$0x0] =	vst v1  }
0xcf: {  	[tilespmem:s14+$0x10] =	vst v1  }
0xd0: {  	[tilespmem:s14+$0x20] =	vst v1  }
0xd1: {  	[tilespmem:s14+$0x30] =	vst v1  }
0xd2: {  	s19 =	sadd.s32 s22, s12;
	_ =	swait.ge [sflag:s16], $0x2800  }
0xd3: {  	s21 =	sadd.s32 $0x1, s21;
	s14 =	sshrl.u32 s19, $0x3;
	[sflag:s16] =	ssyncset.done $0x0  }
0xd4: {  	p0 =	sne.s32 s21, $0x29;
	s22 =	sadd.s32 s5, s14;
	[sflag:s16] =	ssyncadd.s32 $0xFFFFD800  }
0xd5: {  	[tilespmem:s26], [sflag:$0x2] =	stream.linear.gather [hbm4b:s22+s4], $0x50, $0x38;
	[tilespmem:$0x1B380] =	vst v63  }
.Ltmp4:
0xd6: {  	_ = 	snop;
	(pc) =	sbr.rel @p0 .LBB2_4-.Ltmp4, $4  }
0xd7: {  	s14 =	sadd.s32 s2, s14  }
0xd8: {  	[tilespmem:s28], [sflag:$0x5] =	stream.linear.gather [hbm4b:s14+s4], $0x50, $0x38;
	[tilespmem:$0x1B380] =	vst v63  }
0xd9: {  	_ = 	snop  }
0xda: {  	[spmem:s3] =	stream.indirect.scatter.add.f32 [tilespmem:s17], [sflag:$0x9], $0x80, s31, s1, $0xb8;
	[tilespmem:$0x1B380] =	vst v63  }
0xdb: {  	_ =	swait.ge [sflag:s29], $0x50;
	s14 =	simm.s32 $0x0  }
0xdc: {  	[sflag:s29] =	ssyncset.done $0x0;
	v1 =	vmov s14  }
0xdd: {  	[sflag:s29] =	ssyncadd.s32 $0xFFFFFFB0  }
0xde: {  	_ =	swait.ge [sflag:s30], $0x50  }
0xdf: {  	[sflag:s30] =	ssyncset.done $0x0  }
0xe0: {  	[sflag:s30] =	ssyncadd.s32 $0xFFFFFFB0  }
0xe1: {  	v1 =	vld.idx.msk [tilespmem:v1+s25+$0x0], $0xffff;
	_ =	sdelay $0x3  }
0xe2: {  	s18 =	simm.s32 $0x340  }
0xe3: {  	[tilespmem:s18+$0xFFFFFFC0] =	vst v1  }
0xe4: {  	[tilespmem:s18+$0xFFFFFFD0] =	vst v1  }
0xe5: {  	s22 =	simm.s32 $0x1;
	[tilespmem:s18+$0xFFFFFFE0] =	vst v1  }
0xe6: {  	v2 =	vmov s22;
	s14 =	simm.s32 $0x2;
	[tilespmem:s18+$0xFFFFFFF0] =	vst v1  }
.LBB2_12:
0xe7: {  	p0 =	sne.s32 s14, $0x4F;
	[tilespmem:s18+$0x0] =	vst v1  }
0xe8: {  	[tilespmem:s18+$0x10] =	vst v1  }
0xe9: {  	[tilespmem:s18+$0x20] =	vst v1  }
0xea: {  	[tilespmem:s18+$0x30] =	vst v1  }
0xeb: {  	v1 =	vld.idx.msk [tilespmem:v2+s25+$0x0], $0xffff;
	_ =	sdelay $0x4  }
.Ltmp5:
0xec: {  	s18 =	sadd.s32 $0x80, s18;
	(pc) =	sbr.rel @p0 .LBB2_12-.Ltmp5, $4  }
0xed: {  	[tilespmem:s18+$0xFFFFFFC0] =	vst v1  }
0xee: {  	[tilespmem:s18+$0xFFFFFFD0] =	vst v1  }
0xef: {  	[tilespmem:s18+$0xFFFFFFE0] =	vst v1  }
0xf0: {  	v2 =	vmov s14;
	s14 =	sadd.s32 $0x1, s14;
	[tilespmem:s18+$0xFFFFFFF0] =	vst v1  }
0xf1: {  	[tilespmem:s18+$0x0] =	vst v1  }
0xf2: {  	[tilespmem:s18+$0x10] =	vst v1  }
0xf3: {  	[tilespmem:s18+$0x20] =	vst v1  }
0xf4: {  	[tilespmem:s18+$0x30] =	vst v1  }
0xf5: {  	v1 =	vld.idx.msk [tilespmem:v2+s25+$0x0], $0xffff;
	_ =	sdelay $0x3  }
0xf6: {  	s14 =	sadd.s32 $0x80, s18  }
0xf7: {  	[tilespmem:s14+$0xFFFFFFC0] =	vst v1  }
0xf8: {  	[tilespmem:s14+$0xFFFFFFD0] =	vst v1  }
0xf9: {  	[tilespmem:s14+$0xFFFFFFE0] =	vst v1  }
0xfa: {  	[tilespmem:s14+$0xFFFFFFF0] =	vst v1  }
0xfb: {  	[tilespmem:s14+$0x0] =	vst v1  }
0xfc: {  	[tilespmem:s14+$0x10] =	vst v1  }
0xfd: {  	[tilespmem:s14+$0x20] =	vst v1  }
0xfe: {  	s20 =	simm.s32 $0x9;
	[tilespmem:s14+$0x30] =	vst v1  }
0xff: {  	_ =	swait.ge [sflag:s20], $0x2800  }
0x100: {  	[sflag:s20] =	ssyncset.done $0x0  }
0x101: {  	s21 =	simm.s32 $0x0;
	[sflag:s20] =	ssyncadd.s32 $0xFFFFD800  }
0x102: {  	[spmem:s3] =	stream.indirect.scatter.add.f32 [tilespmem:s23], [sflag:$0x7], $0x80, s21, s1, $0xb8;
	[tilespmem:$0x1B380] =	vst v63  }
0x103: {  	_ =	swait.ge [sflag:s6], $0x50  }
0x104: {  	v1 =	vmov s21;
	[sflag:s6] =	ssyncset.done $0x0  }
0x105: {  	[sflag:s6] =	ssyncadd.s32 $0xFFFFFFB0  }
0x106: {  	_ =	swait.ge [sflag:s7], $0x50  }
0x107: {  	[sflag:s7] =	ssyncset.done $0x0  }
0x108: {  	[sflag:s7] =	ssyncadd.s32 $0xFFFFFFB0  }
0x109: {  	v1 =	vld.idx.msk [tilespmem:v1+s28+$0x0], $0xffff;
	_ =	sdelay $0x3  }
0x10a: {  	s18 =	simm.s32 $0x2B40  }
0x10b: {  	[tilespmem:s18+$0xFFFFFFC0] =	vst v1  }
0x10c: {  	[tilespmem:s18+$0xFFFFFFD0] =	vst v1  }
0x10d: {  	s22 =	simm.s32 $0x1;
	[tilespmem:s18+$0xFFFFFFE0] =	vst v1  }
0x10e: {  	v2 =	vmov s22;
	s14 =	simm.s32 $0x2;
	s20 =	rddreg [dreg:$0x9];
	[tilespmem:s18+$0xFFFFFFF0] =	vst v1  }
.LBB2_14:
0x10f: {  	p0 =	sne.s32 s14, $0x4F;
	[tilespmem:s18+$0x0] =	vst v1  }
0x110: {  	[tilespmem:s18+$0x10] =	vst v1  }
0x111: {  	[tilespmem:s18+$0x20] =	vst v1  }
0x112: {  	[tilespmem:s18+$0x30] =	vst v1  }
0x113: {  	v1 =	vld.idx.msk [tilespmem:v2+s28+$0x0], $0xffff;
	_ =	sdelay $0x4  }
.Ltmp6:
0x114: {  	s18 =	sadd.s32 $0x80, s18;
	(pc) =	sbr.rel @p0 .LBB2_14-.Ltmp6, $4  }
0x115: {  	[tilespmem:s18+$0xFFFFFFC0] =	vst v1  }
0x116: {  	[tilespmem:s18+$0xFFFFFFD0] =	vst v1  }
0x117: {  	[tilespmem:s18+$0xFFFFFFE0] =	vst v1  }
0x118: {  	v2 =	vmov s14;
	s14 =	sadd.s32 $0x1, s14;
	[tilespmem:s18+$0xFFFFFFF0] =	vst v1  }
0x119: {  	[tilespmem:s18+$0x0] =	vst v1  }
0x11a: {  	[tilespmem:s18+$0x10] =	vst v1  }
0x11b: {  	[tilespmem:s18+$0x20] =	vst v1  }
0x11c: {  	[tilespmem:s18+$0x30] =	vst v1  }
0x11d: {  	v1 =	vld.idx.msk [tilespmem:v2+s28+$0x0], $0xffff;
	_ =	sdelay $0x3  }
0x11e: {  	s14 =	sadd.s32 $0x80, s18  }
0x11f: {  	[tilespmem:s14+$0xFFFFFFC0] =	vst v1  }
0x120: {  	[tilespmem:s14+$0xFFFFFFD0] =	vst v1  }
0x121: {  	[tilespmem:s14+$0xFFFFFFE0] =	vst v1  }
0x122: {  	[tilespmem:s14+$0xFFFFFFF0] =	vst v1  }
0x123: {  	[tilespmem:s14+$0x0] =	vst v1  }
0x124: {  	[tilespmem:s14+$0x10] =	vst v1  }
0x125: {  	[tilespmem:s14+$0x20] =	vst v1  }
0x126: {  	[tilespmem:s14+$0x30] =	vst v1  }
0x127: {  	_ =	swait.ge [sflag:s8], $0x2800  }
0x128: {  	[sflag:s8] =	ssyncset.done $0x0  }
0x129: {  	[sflag:s8] =	ssyncadd.s32 $0xFFFFD800  }
0x12a: {  	[spmem:s3] =	stream.indirect.scatter.add.f32 [tilespmem:s9], [sflag:$0x8], $0x80, s26, s1, $0xb8;
	[tilespmem:$0x1B380] =	vst v63  }
0x12b: {  	_ =	swait.ge [sflag:s16], $0x2800  }
0x12c: {  	[sflag:s16] =	ssyncset.done $0x0  }
0x12d: {  	s21 =	stileid.u32;
	[sflag:s16] =	ssyncadd.s32 $0xFFFFD800  }
0x12e: {  	s14 =	sshll.u32 s21, $0x6;
	[bflag:$0x0] =	sbarrier.arrive $0xFFFF  }
0x12f: {  	s22 =	sshrl.u32 s20, $0x3;
	s14 =	sor.u32 $0x1C0A, s14;
	s19 =	rddreg [dreg:$0x8]  }
0x130: {  	[hbm:s19], [sflag:s14] =	dma.local [spmem:s22], $0x2800  }
0x131: {  	_ =	swait.ge [sflag:s24], $0x2800  }
0x132: {  	s21 =	rddreg [dreg:$0x12]  }
0x133: {  	s22 =	rddreg [dreg:$0xa];
	s18 =	sadd.s32 $0x1, s21  }
0x134: {  	p0 =	sne.s32 s18, s22  }
.Ltmp7:
0x135: {  	_ = 	snop;
	(pc) =	sbr.rel @p0 .LBB2_1-.Ltmp7, $3  }
0x136: {  	_ =	sdelay $0x1  }
0x137: {  	[sflag:s24] =	ssyncset.done $0x0  }
0x138: {  	[sflag:s24] =	ssyncadd.s32 $0xFFFFD800  }
0x139: {  	_ =	sfence.sel $0x180000  }
0x13a: {  	[bflag:$0x0] =	sbarrier.arrive $0xFFFF  }
0x13b: {  	_ =	strace $0x90000047  }
0x13c: {  	s0 =	stileid.u32;
	[bflag:$0x2] =	sbarrier.arrive $0xFFFF  }
0x13d: {  	p0 =	sne.s32 s0, $0x0;
	s0 =	rddreg [dreg:$0x3]  }
0x13e: {  	s0 =	sadd.s32 @!p0 $0x100000, s0  }
0x13f: {  	[sflag:s0] =	ssyncadd.tile.s32 @!p0 $0x1;
	_ =	shalt  }
.Lfunc_end2:
_tile_overlayer_lowered:
.L_overlay_start_2:
0x140: {  	(tag) =	ssettag $0x2  }
0x141: {  	s0 =	rddreg [dreg:$0x0];
	s2 =	stileid.u32  }
0x142: {  	s1 =	rddreg [dreg:$0x1];
	p0 =	sne.s32 s2, $0x0  }
0x143: {  	s3 =	rddreg [dreg:$0x2];
	[bflag:$0x3] =	sbarrier.arrive $0xFFFF;
	s2 =	simm.s32 @!p0 $0x1C0A  }
0x144: {  	[timem:s3], [sflag:s2] =	dma.local @!p0 [hbm:s0], s1  }
0x145: {  	s0 =	simm.s32 @!p0 $0xA  }
0x146: {  	_ =	swait.ge @!p0 [sflag:s0], s1  }
0x147: {  	s1 =	ssub.s32 @!p0 $0x0, s1;
	[sflag:s0] =	ssyncset.done @!p0 $0x0  }
0x148: {  	[sflag:s0] =	ssyncadd.s32 @!p0 s1  }
0x149: {  	[bflag:$0x3] =	sbarrier.arrive $0xFFFF  }
0x14a: {  	_ =	shalt  }

// kernel: kernel.14.cloned.1.call-start
scs
__scs_entry_jumppad:
0x0: {  	(pc) =	sbr.rel $0x88, $3  }
0x1: {  	(tag) =	ssettag $0x0;
	lr =	simm.s32 $0x1  }
0x2: {  	[smem:$0x3F98] =	sst lr;
	_ =	strace $0xD0000000  }
0x3: {  	_ = 	snop  }
0x4: {  	_ = 	snop  }
0x5: {  	_ = 	snop  }
0x6: {  	_ = 	snop  }
0x7: {  	_ = 	snop  }
__scs_overlays_trampoline_lowered:
0x8: {  	[smem:$0x3FA7] =	sst s0  }
0x9: {  	[smem:$0x3FA8] =	sst s1  }
0xa: {  	[smem:$0x3FA9] =	sst s2  }
0xb: {  	[smem:$0x3FAA] =	sst s3  }
0xc: {  	[smem:$0x3FAB] =	sst s4  }
0xd: {  	[smem:$0x3FAC] =	sst s5  }
0xe: {  	[smem:$0x3FAD] =	sst s6  }
0xf: {  	[smem:$0x3FAE] =	sst s7  }
0x10: {  	[smem:$0x3FAF] =	sst s8  }
0x11: {  	[smem:$0x3FB0] =	sst s9;
	s0 =	simm.s32 @!p0 $0x0  }
0x12: {  	s1 =	sld [smem:$0x3F96];
	s0 =	simm.s32 @p0 $0x1  }
0x13: {  	[smem:$0x3FB1] =	sst s0;
	s0 =	simm.s32 @!p1 $0x0  }
0x14: {  	s2 =	sld [smem:$0x3F95];
	s0 =	simm.s32 @p1 $0x1  }
0x15: {  	[smem:$0x3FB2] =	sst s0;
	s0 =	simm.s32 @!p2 $0x0  }
0x16: {  	s3 =	sld [smem:$0x3FDB];
	s0 =	simm.s32 @p2 $0x1  }
0x17: {  	s4 =	simm.s32 $0x1BF5;
	[smem:$0x3FB4] =	sst s0  }
0x18: {  	s0 =	sld [smem:$0x3F97];
	_ =	swait.ge [sflag:s4], $0x0  }
0x19: {  	s7 =	sld [smem:$0x3F98]  }
0x1a: {  	s8 =	sadd.s32 $0xFFFFE003, lr  }
0x1b: {  	s9 =	sadd.s32 $0xFFFFFEF7, lr;
	s5 =	simm.s32 $0xFFFFFFFF;
	p2 =	slt.u32 s8, $0xFFFFF086  }
0x1c: {  	p1 =	slt.u32 s9, $0xF7A;
	s5 =	simm.s32 @!p2 $0x0  }
0x1d: {  	s5 =	simm.s32 @p1 $0x1;
	p0 =	seq.s32 s7, s2  }
0x1e: {  	s7 =	smul.u32 @!p0 $0xF7A, s2;
	p2 =	seq.s32 @!p0 s5, $0x0  }
0x1f: {  	s9 =	smul.u32 $0xF7A, s1;
	s8 =	simm.s32 @!p0 $0x1BF5;
	p2 =	por !p2, p0  }
0x20: {  	[sflag:s8] =	ssyncset.s32 @!p0 $0xFFFFF086;
	s6 =	sadd.s32 @!p0 s3, s7;
	s7 =	simm.s32 @!p0 $0x108  }
0x21: {  	s3 =	sadd.s32 s3, s9;
	s6 =	sadd.s32 @!p0 $0x88, s6;
	s7 =	simm.s32 @p2 $0x1082  }
0x22: {  	[simem:s7], [sflag:s8] =	dma.local @!p0 [hbm:s6], $0xF7A  }
0x23: {  	s9 =	sor.u32 $0xD0000000, s2;
	s6 =	simm.s32 $0x108;
	_ =	swait.ge @!p0 [sflag:s8], $0x0  }
0x24: {  	s3 =	sadd.s32 $0x88, s3;
	s6 =	simm.s32 @!p1 $0x1082;
	[sflag:s4] =	ssyncset.s32 $0xFFFFF086  }
0x25: {  	[simem:s6], [sflag:s4] =	dma.local [hbm:s3], $0xF7A  }
0x26: {  	[smem:$0x3F98] =	sst s1;
	(tag) =	ssettag s2;
	_ =	strace s9  }
0x27: {  	s1 =	sld [smem:$0x3FA8]  }
0x28: {  	s2 =	sld [smem:$0x3FA9]  }
0x29: {  	s4 =	sld [smem:$0x3FAB]  }
0x2a: {  	p0 =	seq.s32 s5, $0x0;
	s5 =	sld [smem:$0x3FAC]  }
0x2b: {  	s6 =	sld [smem:$0x3FAD]  }
0x2c: {  	s7 =	sld [smem:$0x3FAE]  }
0x2d: {  	s3 =	simm.s32 $0x108;
	s8 =	sld [smem:$0x3FAF]  }
0x2e: {  	s3 =	simm.s32 @!p0 $0x1082;
	s9 =	sld [smem:$0x3FB0]  }
0x2f: {  	lr =	sadd.s32 s0, s3;
	s0 =	sld [smem:$0x3FA7]  }
0x30: {  	s3 =	sld [smem:$0x3FAA]  }
0x31: {  	[smem:$0x3FB3] =	sst s10  }
0x32: {  	s10 =	sld [smem:$0x3FB1];
	_ =	sdelay $0x3  }
0x33: {  	p0 =	seq.s32 s10, $0x1;
	s10 =	sld [smem:$0x3FB3];
	_ =	sdelay $0x3  }
0x34: {  	[smem:$0x3FB3] =	sst s10  }
0x35: {  	s10 =	sld [smem:$0x3FB2];
	_ =	sdelay $0x3  }
0x36: {  	p1 =	seq.s32 s10, $0x1;
	s10 =	sld [smem:$0x3FB3];
	_ =	sdelay $0x3  }
0x37: {  	[smem:$0x3FB3] =	sst s10  }
0x38: {  	s10 =	sld [smem:$0x3FB4]  }
0x39: {  	_ = 	snop;
	(pc) =	sbr.ind lr, $3  }
0x3a: {  	_ = 	snop  }
0x3b: {  	_ = 	snop  }
0x3c: {  	p2 =	seq.s32 s10, $0x1;
	s10 =	sld [smem:$0x3FB3]  }
0x3d: {  	_ =	shalt  }
0x3e: {  	_ =	shalt  }
0x3f: {  	_ =	shalt  }
0x40: {  	_ =	shalt  }
0x41: {  	_ =	shalt  }
0x42: {  	_ =	shalt  }
0x43: {  	_ =	shalt  }
0x44: {  	_ =	shalt  }
0x45: {  	_ =	shalt  }
0x46: {  	_ =	shalt  }
0x47: {  	_ =	shalt  }
0x48: {  	_ =	shalt  }
0x49: {  	_ =	shalt  }
0x4a: {  	_ =	shalt  }
0x4b: {  	_ =	shalt  }
0x4c: {  	_ =	shalt  }
0x4d: {  	_ =	shalt  }
0x4e: {  	_ =	shalt  }
0x4f: {  	_ =	shalt  }
0x50: {  	_ =	shalt  }
0x51: {  	_ =	shalt  }
0x52: {  	_ =	shalt  }
0x53: {  	_ =	shalt  }
0x54: {  	_ =	shalt  }
0x55: {  	_ =	shalt  }
0x56: {  	_ =	shalt  }
0x57: {  	_ =	shalt  }
0x58: {  	_ =	shalt  }
0x59: {  	_ =	shalt  }
0x5a: {  	_ =	shalt  }
0x5b: {  	_ =	shalt  }
0x5c: {  	_ =	shalt  }
0x5d: {  	_ =	shalt  }
0x5e: {  	_ =	shalt  }
0x5f: {  	_ =	shalt  }
0x60: {  	_ =	shalt  }
0x61: {  	_ =	shalt  }
0x62: {  	_ =	shalt  }
0x63: {  	_ =	shalt  }
0x64: {  	_ =	shalt  }
0x65: {  	_ =	shalt  }
0x66: {  	_ =	shalt  }
0x67: {  	_ =	shalt  }
0x68: {  	_ =	shalt  }
0x69: {  	_ =	shalt  }
0x6a: {  	_ =	shalt  }
0x6b: {  	_ =	shalt  }
0x6c: {  	_ =	shalt  }
0x6d: {  	_ =	shalt  }
0x6e: {  	_ =	shalt  }
0x6f: {  	_ =	shalt  }
0x70: {  	_ =	shalt  }
0x71: {  	_ =	shalt  }
0x72: {  	_ =	shalt  }
0x73: {  	_ =	shalt  }
0x74: {  	_ =	shalt  }
0x75: {  	_ =	shalt  }
0x76: {  	_ =	shalt  }
0x77: {  	_ =	shalt  }
0x78: {  	_ =	shalt  }
0x79: {  	_ =	shalt  }
0x7a: {  	_ =	shalt  }
0x7b: {  	_ =	shalt  }
0x7c: {  	_ =	shalt  }
0x7d: {  	_ =	shalt  }
0x7e: {  	_ =	shalt  }
0x7f: {  	_ =	shalt  }
0x80: {  	_ =	shalt  }
0x81: {  	_ =	shalt  }
0x82: {  	_ =	shalt  }
0x83: {  	_ =	shalt  }
0x84: {  	_ =	shalt  }
0x85: {  	_ =	shalt  }
0x86: {  	_ =	shalt  }
0x87: {  	_ =	shalt  }
.Lfunc_end0:
.L_simem_size_0:
called_computation.1_lowered:
.L_overlay_start_0:
0x88: {  	s2 =	sld [smem:$0x3FD9]  }
0x89: {  	s3 =	sld [smem:$0x3FFE];
	_ =	sdelay $0x1  }
0x8a: {  	s1 =	srdreg.scid  }
0x8b: {  	s0 =	sand.u32 $0x1, s1  }
0x8c: {  	s17 =	sshll.u32 s0, $0xA;
	s2 =	sadd.s32 s3, s2  }
0x8d: {  	s2 =	sadd.s32 s2, s17  }
0x8e: {  	[smem:$0x3FBF] =	sst s2  }
0x8f: {  	_ = 	snop  }
0x90: {  	s2 =	sld [smem:$0x3FC7];
	(tm) =	ssettm $0x1  }
0x91: {  	s18 =	sld [smem:$0x3FFB];
	_ =	sdelay $0x3  }
0x92: {  	_ =	strace s18  }
0x93: {  	s3 =	sld [smem:$0x3FFC];
	_ =	sdelay $0x3  }
0x94: {  	_ =	strace s3  }
0x95: {  	s3 =	sld [smem:$0x3FFD];
	_ =	sdelay $0x3  }
0x96: {  	_ =	strace s3  }
0x97: {  	_ =	strace $0x8FFFFFFF  }
0x98: {  	s19 =	sld [smem:$0x3FDB];
	_ =	sdelay $0x1  }
0x99: {  	s4 =	simm.s32 $_scs_section_size  }
0x9a: {  	s5 =	simm.s32 $_size__tile_overlayer_lowered;
	s6 =	simm.s32 $_tile_overlayer_lowered  }
0x9b: {  	s22 =	simm.s32 $0x1BFF;
	s21 =	sshll.u32 s6, $0x1;
	s3 =	sadd.s32 s4, s19  }
0x9c: {  	s7 =	simm.s32 $0x0;
	s20 =	sshll.u32 s5, $0x1;
	s5 =	sadd.s32 s21, s3  }
0x9d: {  	[timem:s7], [sflag:s22] =	dma.local [hbm:s5], s20  }
0x9e: {  	_ =	swait.ge [sflag:s22], s20  }
0x9f: {  	s4 =	ssub.s32 $0x0, s20;
	[sflag:s22] =	ssyncset.done $0x0  }
0xa0: {  	[sflag:s22] =	ssyncadd.s32 s4;
	_ =	sdelay $0x1  }
0xa1: {  	s23 =	simm.s32 $0x1B8B  }
0xa2: {  	_ =	swait.ge [sflag:s23], $0x1  }
0xa3: {  	[sflag:s23] =	ssyncset.done $0x0  }
0xa4: {  	s25 =	simm.s32 $0x1B8E;
	s24 =	sld [smem:$0x3FFE];
	[sflag:s23] =	ssyncadd.s32 $0xFFFFFFFF  }
0xa5: {  	s26 =	simm.s32 $execute0_lowered;
	[smem:$0x3FD2] =	sst s25  }
0xa6: {  	s5 =	sshll.u32 s26, $0x1;
	_ =	strace $0x80000049;
	[dreg:$0x1] =	wrdreg $0xFFFFFFFF  }
0xa7: {  	s28 =	simm.s32 $_size_execute0_lowered;
	s3 =	sadd.s32 s3, s5;
	[dreg:$0x0] =	wrdreg $0x0  }
0xa8: {  	s5 =	sshll.u32 s28, $0x1;
	[dreg:$0x2] =	wrdreg s3  }
0xa9: {  	[dreg:$0x3] =	wrdreg s5  }
0xaa: {  	[dreg:$0x4] =	wrdreg $0xC0  }
0xab: {  	_ =	task [dreg:s7], $0x5FFFF  }
0xac: {  	[dreg:$0x1] =	wrdreg $0xFFFFFFFF  }
0xad: {  	[dreg:$0x0] =	wrdreg $0x60  }
0xae: {  	[dreg:$0x2] =	wrdreg s24  }
0xaf: {  	[dreg:$0x3] =	wrdreg s2  }
0xb0: {  	[dreg:$0x4] =	wrdreg $0x7C800  }
0xb1: {  	[dreg:$0x5] =	wrdreg $0x9  }
0xb2: {  	_ =	task.clear_ibuf [dreg:s7], $0x6FFFF;
	_ =	strace $0x90000049  }
0xb3: {  	s29 =	simm.s32 $0x9;
	_ =	strace $0x8000004B  }
0xb4: {  	_ =	swait.ge [sflag:s29], $0x1  }
0xb5: {  	[sflag:s29] =	ssyncadd.s32 $0xFFFFFFFF  }
0xb6: {  	_ =	strace $0x9000004B  }
0xb7: {  	_ =	sfence  }
0xb8: {  	s30 =	sld [smem:$0x0];
	_ =	sdelay $0x2  }
0xb9: {  	s31 =	sshll.u32 s1, $0xD;
	s1 =	sshrl.u32 s1, $0x2  }
0xba: {  	s3 =	sand.u32 $0x4000, s31;
	s1 =	sadd.s32 s1, s30  }
0xbb: {  	s0 =	sor.u32 s3, s0;
	s1 =	sshll.u32 s1, $0x11  }
0xbc: {  	s0 =	sor.u32 s1, s0  }
0xbd: {  	s0 =	sadd.s32 $0x8F2B, s0  }
0xbe: {  	[sflag:s0] =	ssyncadd.remote.s32 $0x1  }
0xbf: {  	_ =	sfence.sel $0xFFFF  }
0xc0: {  	[dreg:$0x0] =	wrdreg $0xFFFFFFFF;
	(pc) =	sbr.abs _section_cstart, $3  }
0xc1: {  	[dreg:$0x1] =	wrdreg $0xFFFFFFFF  }
0xc2: {  	_ =	task.clear_ibuf [dreg:s7], $0x2FFFF;
	_ =	strace $0x9FFFFFFF  }
0xc3: {  	(tm) =	ssettm $0x7FFFFFFF  }
tec
execute0_lowered:
.L_overlay_start_1:
0x0: {  	(tag) =	ssettag $0x1  }
0x1: {  	s0 =	rddreg [dreg:$0x0]  }
0x2: {  	s1 =	rddreg [dreg:$0x1]  }
0x3: {  	s2 =	rddreg [dreg:$0x2];
	s4 =	simm.s32 $0x0;
	s3 =	srdreg.scid  }
0x4: {  	s11 =	stileid.u32;
	s28 =	simm.s32 $0x480;
	s31 =	simm.s32 $0x300  }
0x5: {  	s29 =	simm.s32 $0xD;
	[smem:$0x7FF] =	sst s4;
	s8 =	smul.u32 $0x13800, s11  }
0x6: {  	s3 =	sand.u32 $0x1, s3;
	s9 =	sshll.u32 s11, $0x1;
	s15 =	smul.u32 $0x4E000, s11  }
0x7: {  	s5 =	sadd.s32 $0x16A00, s0;
	s7 =	smul.u32 $0x138800, s3;
	s9 =	sor.u32 s3, s9  }
0x8: {  	s6 =	sadd.s32 $0xCC00, s0;
	s3 =	ssub.s32 $0x2, s3;
	s9 =	smul.u32 $0x2710, s9  }
0x9: {  	s11 =	simm.s32 $0x2;
	_ =	strace $0x8000004A;
	s10 =	sshrl.u32 s3, $0x1  }
0xa: {  	s8 =	sadd.s32 s8, s7;
	s7 =	sadd.s32 $0x2E00, s0;
	s17 =	sadd.s32 $0xA0, s9  }
0xb: {  	s3 =	ssub.s32 s3, s10;
	s18 =	sadd.s32 $0xF0, s9;
	[dreg:$0xa] =	wrdreg s17  }
0xc: {  	s26 =	sshrl.u32 s9, $0x3;
	s9 =	sadd.s32 $0x140, s9;
	[dreg:$0xb] =	wrdreg s18  }
0xd: {  	s8 =	sshrl.u32 s8, $0x3;
	s19 =	smax.u32 s3, $0x1;
	[dreg:$0xc] =	wrdreg s9  }
0xe: {  	s3 =	simm.s32 $0x0;
	s30 =	sadd.s32 s6, s26;
	[dreg:$0xf] =	wrdreg s19  }
0xf: {  	s0 =	sadd.s32 s8, s0;
	s12 =	sadd.s32 s7, s26;
	[dreg:$0x4] =	wrdreg s30  }
0x10: {  	s13 =	sadd.s32 $0xA, s26;
	s8 =	sadd.s32 s1, s26;
	[dreg:$0x5] =	wrdreg s12  }
0x11: {  	s9 =	simm.s32 $0x1;
	[dreg:$0x6] =	wrdreg s8;
	s14 =	sadd.s32 s6, s13  }
0x12: {  	s17 =	simm.s32 $0x4;
	s16 =	sadd.s32 s7, s13;
	[dreg:$0x7] =	wrdreg s14  }
0x13: {  	s19 =	simm.s32 $0x7;
	s10 =	sadd.s32 s1, s13;
	[dreg:$0x8] =	wrdreg s16  }
0x14: {  	s8 =	sshrl.u32 s15, $0x2;
	s0 =	sadd.s32 $0x3DC00, s0;
	[dreg:$0x9] =	wrdreg s10  }
0x15: {  	s18 =	simm.s32 $0x8;
	[dreg:$0xd] =	wrdreg s0;
	s24 =	sadd.s32 s8, s2  }
0x16: {  	s12 =	simm.s32 $0x10;
	s20 =	sadd.s32 $0x2800, s24;
	[dreg:$0xe] =	wrdreg s24  }
0x17: {  	s13 =	simm.s32 $0xA;
	s21 =	sadd.s32 $0x5000, s24;
	[dreg:$0x10] =	wrdreg s20  }
0x18: {  	s15 =	simm.s32 $0x6;
	s22 =	sadd.s32 $0x7800, s24;
	[dreg:$0x11] =	wrdreg s21  }
0x19: {  	s8 =	simm.s32 $0x380;
	s23 =	sadd.s32 $0xA000, s24;
	[dreg:$0x12] =	wrdreg s22  }
0x1a: {  	s10 =	simm.s32 $0x50;
	s25 =	sadd.s32 $0xC800, s24;
	[dreg:$0x13] =	wrdreg s23  }
0x1b: {  	s14 =	simm.s32 $0xC;
	s26 =	sadd.s32 $0xF000, s24;
	[dreg:$0x14] =	wrdreg s25  }
0x1c: {  	s16 =	simm.s32 $0x9;
	s30 =	sadd.s32 $0x11800, s24;
	[dreg:$0x15] =	wrdreg s26  }
0x1d: {  	[dreg:$0x16] =	wrdreg s30;
	s22 =	simm.s32 $0x400;
	s23 =	simm.s32 $0x3  }
0x1e: {  	v0 =	vimm.f32 $0.0e+00;
	s25 =	simm.s32 $0xB;
	s26 =	simm.s32 $0x5;
	s20 =	simm.s32 $0xE  }
.LBB2_1:
0x1f: {  	[dreg:$0x17] =	wrdreg s3;
	s0 =	simm.s32 $0x0;
	s3 =	simm.s32 $0x200  }
.LBB2_2:
0x20: {  	p0 =	sne.s32 s3, $0x9E00;
	[tilespmem:s0+$0x4F0] =	vst v0  }
0x21: {  	[tilespmem:s0+$0x480] =	vst v0  }
0x22: {  	[tilespmem:s0+$0x490] =	vst v0  }
.Ltmp0:
0x23: {  	[tilespmem:s0+$0x4A0] =	vst v0;
	(pc) =	sbr.rel @p0 .LBB2_2-.Ltmp0, $4  }
0x24: {  	[tilespmem:s0+$0x4B0] =	vst v0  }
0x25: {  	[tilespmem:s0+$0x4C0] =	vst v0  }
0x26: {  	[tilespmem:s0+$0x4D0] =	vst v0  }
0x27: {  	[tilespmem:s0+$0x4E0] =	vst v0;
	s0 =	sshra.s32 s3, $0x2;
	s3 =	sadd.s32 $0x200, s3  }
0x28: {  	[tilespmem:s0+$0x4F0] =	vst v0  }
0x29: {  	[tilespmem:s0+$0x480] =	vst v0  }
0x2a: {  	[tilespmem:s0+$0x490] =	vst v0  }
0x2b: {  	[tilespmem:s0+$0x4A0] =	vst v0  }
0x2c: {  	[tilespmem:s0+$0x4B0] =	vst v0  }
0x2d: {  	[tilespmem:s0+$0x4C0] =	vst v0  }
0x2e: {  	[tilespmem:s0+$0x4D0] =	vst v0  }
0x2f: {  	[tilespmem:s0+$0x4E0] =	vst v0  }
0x30: {  	[spmem:s24] =	stream.linear.scatter [tilespmem:s28], [sflag:$0x10], $0x2800, $0x38;
	[tilespmem:$0x1B500] =	vst v63  }
0x31: {  	_ =	swait.ge [sflag:s12], $0x2800  }
0x32: {  	[sflag:s12] =	ssyncset.done $0x0  }
0x33: {  	s30 =	rddreg [dreg:$0x10];
	[sflag:s12] =	ssyncadd.s32 $0xFFFFD800  }
0x34: {  	[spmem:s30] =	stream.linear.scatter [tilespmem:s28], [sflag:$0x10], $0x2800, $0x38;
	[tilespmem:$0x1B500] =	vst v63  }
0x35: {  	_ =	swait.ge [sflag:s12], $0x2800  }
0x36: {  	[sflag:s12] =	ssyncset.done $0x0  }
0x37: {  	s3 =	rddreg [dreg:$0x11];
	[sflag:s12] =	ssyncadd.s32 $0xFFFFD800  }
0x38: {  	[spmem:s3] =	stream.linear.scatter [tilespmem:s28], [sflag:$0x10], $0x2800, $0x38;
	[tilespmem:$0x1B500] =	vst v63  }
0x39: {  	_ =	swait.ge [sflag:s12], $0x2800  }
0x3a: {  	[sflag:s12] =	ssyncset.done $0x0  }
0x3b: {  	s21 =	rddreg [dreg:$0x12];
	[sflag:s12] =	ssyncadd.s32 $0xFFFFD800  }
0x3c: {  	[spmem:s21] =	stream.linear.scatter [tilespmem:s28], [sflag:$0x10], $0x2800, $0x38;
	[tilespmem:$0x1B500] =	vst v63  }
0x3d: {  	_ =	swait.ge [sflag:s12], $0x2800  }
0x3e: {  	[sflag:s12] =	ssyncset.done $0x0  }
0x3f: {  	s24 =	rddreg [dreg:$0x13];
	[sflag:s12] =	ssyncadd.s32 $0xFFFFD800  }
0x40: {  	[spmem:s24] =	stream.linear.scatter [tilespmem:s28], [sflag:$0x10], $0x2800, $0x38;
	[tilespmem:$0x1B500] =	vst v63  }
0x41: {  	_ =	swait.ge [sflag:s12], $0x2800  }
0x42: {  	[sflag:s12] =	ssyncset.done $0x0  }
0x43: {  	s30 =	rddreg [dreg:$0x14];
	[sflag:s12] =	ssyncadd.s32 $0xFFFFD800  }
0x44: {  	[spmem:s30] =	stream.linear.scatter [tilespmem:s28], [sflag:$0x10], $0x2800, $0x38;
	[tilespmem:$0x1B500] =	vst v63  }
0x45: {  	_ =	swait.ge [sflag:s12], $0x2800  }
0x46: {  	[sflag:s12] =	ssyncset.done $0x0  }
0x47: {  	s3 =	rddreg [dreg:$0x15];
	[sflag:s12] =	ssyncadd.s32 $0xFFFFD800  }
0x48: {  	[spmem:s3] =	stream.linear.scatter [tilespmem:s28], [sflag:$0x10], $0x2800, $0x38;
	[tilespmem:$0x1B500] =	vst v63  }
0x49: {  	_ =	swait.ge [sflag:s12], $0x2800  }
0x4a: {  	[sflag:s12] =	ssyncset.done $0x0  }
0x4b: {  	s21 =	rddreg [dreg:$0x16];
	[sflag:s12] =	ssyncadd.s32 $0xFFFFD800  }
0x4c: {  	[spmem:s21] =	stream.linear.scatter [tilespmem:s28], [sflag:$0x10], $0x2800, $0x38;
	[tilespmem:$0x1B500] =	vst v63  }
0x4d: {  	_ =	swait.ge [sflag:s12], $0x2800  }
0x4e: {  	[sflag:s12] =	ssyncset.done $0x0  }
0x4f: {  	[sflag:s12] =	ssyncadd.s32 $0xFFFFD800  }
0x50: {  	[bflag:$0x0] =	sbarrier.arrive $0xFFFF  }
0x51: {  	s21 =	simm.s32 $0x0;
	s24 =	rddreg [dreg:$0x4]  }
0x52: {  	[tilespmem:s21], [sflag:$0x1] =	stream.linear.gather [hbm4b:s24+s21], $0x50, $0x38;
	[tilespmem:$0x1B500] =	vst v63  }
0x53: {  	s3 =	simm.s32 $0x180;
	s30 =	rddreg [dreg:$0x5]  }
0x54: {  	[tilespmem:s3], [sflag:$0x4] =	stream.linear.gather [hbm4b:s30+s21], $0x50, $0x38;
	[tilespmem:$0x1B500] =	vst v63  }
0x55: {  	s3 =	rddreg [dreg:$0x6]  }
0x56: {  	[tilespmem:s31], [sflag:$0x7] =	stream.linear.gather [hbm4b:s3+s21], $0x50, $0x38;
	[tilespmem:$0x1B500] =	vst v63  }
0x57: {  	s12 =	rddreg [dreg:$0x7];
	s3 =	simm.s32 $0x80  }
0x58: {  	[tilespmem:s3], [sflag:$0x2] =	stream.linear.gather [hbm4b:s12+s21], $0x50, $0x38;
	[tilespmem:$0x1B500] =	vst v63  }
0x59: {  	s24 =	rddreg [dreg:$0x8];
	s30 =	simm.s32 $0x200  }
0x5a: {  	[tilespmem:s30], [sflag:$0x5] =	stream.linear.gather [hbm4b:s24+s21], $0x50, $0x38;
	[tilespmem:$0x1B500] =	vst v63  }
0x5b: {  	s24 =	rddreg [dreg:$0x9]  }
0x5c: {  	[tilespmem:s8], [sflag:$0x8] =	stream.linear.gather [hbm4b:s24+s21], $0x50, $0x38;
	[tilespmem:$0x1B500] =	vst v63  }
0x5d: {  	_ =	swait.ge [sflag:s9], $0x50  }
0x5e: {  	[sflag:s9] =	ssyncset.done $0x0  }
0x5f: {  	[sflag:s9] =	ssyncadd.s32 $0xFFFFFFB0  }
0x60: {  	[tilespmem:s28], [sflag:$0xA] =	stream.indirect.gather [hbm4b:s5+s10], $0x80, s21, s10, $0xb8;
	[tilespmem:$0x1B500] =	vst v63  }
0x61: {  	_ =	swait.ge [sflag:s11], $0x50  }
0x62: {  	[sflag:s11] =	ssyncset.done $0x0  }
0x63: {  	s30 =	simm.s32 $0x2C80;
	s24 =	simm.s32 $0x0;
	[sflag:s11] =	ssyncadd.s32 $0xFFFFFFB0  }
0x64: {  	[tilespmem:s30], [sflag:$0xB] =	stream.indirect.gather [hbm4b:s5+s10], $0x80, s3, s10, $0xb8;
	[tilespmem:$0x1B500] =	vst v63  }
.LBB2_4:
0x65: {  	_ =	swait.ge [sflag:s13], $0x2800  }
0x66: {  	[sflag:s13] =	ssyncset.done $0x0  }
0x67: {  	[sflag:s13] =	ssyncadd.s32 $0xFFFFD800  }
0x68: {  	_ =	swait.ge [sflag:s17], $0x50  }
0x69: {  	[sflag:s17] =	ssyncset.done $0x0  }
0x6a: {  	[sflag:s17] =	ssyncadd.s32 $0xFFFFFFB0  }
0x6b: {  	s0 =	simm.s32 $0x0;
	_ =	swait.ge [sflag:s19], $0x50  }
0x6c: {  	v1 =	vmov s0;
	[sflag:s19] =	ssyncset.done $0x0  }
0x6d: {  	s0 =	simm.s32 $0x4C0;
	[sflag:s19] =	ssyncadd.s32 $0xFFFFFFB0  }
0x6e: {  	v5 =	vld [tilespmem:s0+$0x30]  }
0x6f: {  	v8 =	vld [tilespmem:s0+$0x10]  }
0x70: {  	v6 =	vld [tilespmem:s0+$0xFFFFFFC0]  }
0x71: {  	v2 =	vld.idx.msk [tilespmem:v1+s31+$0x0], $0xffff  }
0x72: {  	v10 =	vld [tilespmem:s0+$0xFFFFFFE0]  }
0x73: {  	v1 =	vld [tilespmem:s0+$0xFFFFFFF0]  }
0x74: {  	v3 =	vld [tilespmem:s0+$0x20]  }
0x75: {  	v4 =	vld [tilespmem:s0+$0xFFFFFFD0]  }
0x76: {  	v9 =	vmul.f32 v5, v2;
	v5 =	vld [tilespmem:s0+$0x0]  }
0x77: {  	v7 =	vmul.f32 v6, v2  }
0x78: {  	s30 =	simm.s32 $0x1;
	s3 =	simm.s32 $0x4C0;
	v6 =	vmul.f32 v10, v2;
	v8 =	vmul.f32 v8, v2  }
.LBB2_5:
0x79: {  	p0 =	sne.s32 s30, $0x4F  }
0x7a: {  	v4 =	vmul.f32 v4, v2;
	v3 =	vmul.f32 v3, v2;
	[tilespmem:s0+$0x30] =	vst v9;
	s3 =	sadd.s32 $0x80, s3;
	s12 =	smov.u32 s30;
	s30 =	sadd.s32 $0x1, s30  }
0x7b: {  	[tilespmem:s0+$0xFFFFFFC0] =	vst v7;
	v7 =	vmul.f32 v1, v2;
	v2 =	vmul.f32 v5, v2  }
0x7c: {  	[tilespmem:s0+$0x10] =	vst v8  }
0x7d: {  	v5 =	vmov s12;
	[tilespmem:s0+$0xFFFFFFE0] =	vst v6  }
0x7e: {  	v1 =	vld [tilespmem:s3+$0xFFFFFFF0];
	[tilespmem:s0+$0xFFFFFFF0] =	vst v7  }
0x7f: {  	v6 =	vld [tilespmem:s3+$0x30];
	[tilespmem:s0+$0x0] =	vst v2  }
0x80: {  	v8 =	vld [tilespmem:s3+$0x10];
	[tilespmem:s0+$0x20] =	vst v3  }
0x81: {  	v7 =	vld [tilespmem:s3+$0xFFFFFFC0];
	[tilespmem:s0+$0xFFFFFFD0] =	vst v4;
	s0 =	smov.u32 s3  }
0x82: {  	v2 =	vld.idx.msk [tilespmem:v5+s31+$0x0], $0xffff  }
0x83: {  	v10 =	vld [tilespmem:s3+$0xFFFFFFE0]  }
0x84: {  	v3 =	vld [tilespmem:s3+$0x20]  }
.Ltmp1:
0x85: {  	v4 =	vld [tilespmem:s3+$0xFFFFFFD0];
	(pc) =	sbr.rel @p0 .LBB2_5-.Ltmp1, $3  }
0x86: {  	v5 =	vld [tilespmem:s3+$0x0];
	_ =	sdelay $0x1  }
0x87: {  	v7 =	vmul.f32 v7, v2;
	v9 =	vmul.f32 v6, v2  }
0x88: {  	v8 =	vmul.f32 v8, v2;
	v6 =	vmul.f32 v10, v2  }
0x89: {  	[tilespmem:s0+$0x30] =	vst v9  }
0x8a: {  	[tilespmem:s0+$0xFFFFFFC0] =	vst v7  }
0x8b: {  	v1 =	vmul.f32 v1, v2;
	[tilespmem:s0+$0x10] =	vst v8  }
0x8c: {  	v3 =	vmul.f32 v3, v2;
	[tilespmem:s0+$0xFFFFFFE0] =	vst v6  }
0x8d: {  	v5 =	vmul.f32 v5, v2;
	[tilespmem:s0+$0xFFFFFFF0] =	vst v1  }
0x8e: {  	v1 =	vmul.f32 v4, v2;
	[tilespmem:s0+$0x20] =	vst v3  }
0x8f: {  	p0 =	seq.s32 s24, $0x0;
	[tilespmem:s0+$0x0] =	vst v5  }
0x90: {  	[tilespmem:s0+$0xFFFFFFD0] =	vst v1;
	s0 =	simm.s32 @!p0 $0xF  }
0x91: {  	s30 =	smul.u32 $0xF0, s24;
	_ =	swait.ge @!p0 [sflag:s0], $0x2800  }
0x92: {  	s3 =	rddreg [dreg:$0xa]  }
0x93: {  	s3 =	sadd.s32 s30, s3  }
0x94: {  	s12 =	simm.s32 $0x0;
	[sflag:s0] =	ssyncset.done @!p0 $0x0;
	s3 =	sshrl.u32 s3, $0x3  }
0x95: {  	s21 =	simm.s32 $0x100;
	[sflag:s0] =	ssyncadd.s32 @!p0 $0xFFFFD800;
	s0 =	sadd.s32 s6, s3  }
0x96: {  	[tilespmem:s21], [sflag:$0x3] =	stream.linear.gather [hbm4b:s0+s12], $0x50, $0x38;
	[tilespmem:$0x1B500] =	vst v63  }
0x97: {  	s28 =	simm.s32 $0x280;
	s0 =	sadd.s32 s7, s3  }
0x98: {  	[tilespmem:s28], [sflag:$0x6] =	stream.linear.gather [hbm4b:s0+s12], $0x50, $0x38;
	[tilespmem:$0x1B500] =	vst v63  }
0x99: {  	s3 =	sadd.s32 s1, s3  }
0x9a: {  	[tilespmem:s22], [sflag:$0x9] =	stream.linear.gather [hbm4b:s3+s12], $0x50, $0x38;
	[tilespmem:$0x1B500] =	vst v63  }
0x9b: {  	_ =	swait.ge [sflag:s23], $0x50  }
0x9c: {  	[sflag:s23] =	ssyncset.done $0x0  }
0x9d: {  	s3 =	simm.s32 $0x5480;
	[sflag:s23] =	ssyncadd.s32 $0xFFFFFFB0  }
0x9e: {  	[tilespmem:s3], [sflag:$0xC] =	stream.indirect.gather [hbm4b:s5+s10], $0x80, s21, s10, $0xb8;
	[tilespmem:$0x1B500] =	vst v63  }
0x9f: {  	s28 =	simm.s32 $0x480;
	s21 =	simm.s32 $0x180  }
0xa0: {  	[spmem:s2] =	stream.indirect.scatter.add.f32 [tilespmem:s28], [sflag:$0xD], $0x80, s21, s10, $0xb8;
	[tilespmem:$0x1B500] =	vst v63  }
0xa1: {  	_ =	swait.ge [sflag:s25], $0x2800  }
0xa2: {  	[sflag:s25] =	ssyncset.done $0x0  }
0xa3: {  	[sflag:s25] =	ssyncadd.s32 $0xFFFFD800  }
0xa4: {  	_ =	swait.ge [sflag:s26], $0x50  }
0xa5: {  	[sflag:s26] =	ssyncset.done $0x0  }
0xa6: {  	[sflag:s26] =	ssyncadd.s32 $0xFFFFFFB0  }
0xa7: {  	_ =	swait.ge [sflag:s18], $0x50  }
0xa8: {  	v1 =	vmov s12;
	[sflag:s18] =	ssyncset.done $0x0  }
0xa9: {  	s0 =	simm.s32 $0x2CC0;
	[sflag:s18] =	ssyncadd.s32 $0xFFFFFFB0  }
0xaa: {  	v5 =	vld [tilespmem:s0+$0x30]  }
0xab: {  	v8 =	vld [tilespmem:s0+$0x10]  }
0xac: {  	v6 =	vld [tilespmem:s0+$0xFFFFFFC0]  }
0xad: {  	v2 =	vld.idx.msk [tilespmem:v1+s8+$0x0], $0xffff  }
0xae: {  	v10 =	vld [tilespmem:s0+$0xFFFFFFE0]  }
0xaf: {  	v1 =	vld [tilespmem:s0+$0xFFFFFFF0]  }
0xb0: {  	v3 =	vld [tilespmem:s0+$0x20]  }
0xb1: {  	v4 =	vld [tilespmem:s0+$0xFFFFFFD0]  }
0xb2: {  	v9 =	vmul.f32 v5, v2;
	v5 =	vld [tilespmem:s0+$0x0]  }
0xb3: {  	v7 =	vmul.f32 v6, v2  }
0xb4: {  	s12 =	simm.s32 $0x2CC0;
	s3 =	simm.s32 $0x1;
	v6 =	vmul.f32 v10, v2;
	v8 =	vmul.f32 v8, v2  }
.LBB2_7:
0xb5: {  	p0 =	sne.s32 s3, $0x4F  }
0xb6: {  	v4 =	vmul.f32 v4, v2;
	v3 =	vmul.f32 v3, v2;
	[tilespmem:s0+$0x30] =	vst v9;
	s12 =	sadd.s32 $0x80, s12;
	s21 =	smov.u32 s3;
	s3 =	sadd.s32 $0x1, s3  }
0xb7: {  	[tilespmem:s0+$0xFFFFFFC0] =	vst v7;
	v7 =	vmul.f32 v1, v2;
	v2 =	vmul.f32 v5, v2  }
0xb8: {  	[tilespmem:s0+$0x10] =	vst v8  }
0xb9: {  	v5 =	vmov s21;
	[tilespmem:s0+$0xFFFFFFE0] =	vst v6  }
0xba: {  	v1 =	vld [tilespmem:s12+$0xFFFFFFF0];
	[tilespmem:s0+$0xFFFFFFF0] =	vst v7  }
0xbb: {  	v6 =	vld [tilespmem:s12+$0x30];
	[tilespmem:s0+$0x0] =	vst v2  }
0xbc: {  	v8 =	vld [tilespmem:s12+$0x10];
	[tilespmem:s0+$0x20] =	vst v3  }
0xbd: {  	v7 =	vld [tilespmem:s12+$0xFFFFFFC0];
	[tilespmem:s0+$0xFFFFFFD0] =	vst v4;
	s0 =	smov.u32 s12  }
0xbe: {  	v2 =	vld.idx.msk [tilespmem:v5+s8+$0x0], $0xffff  }
0xbf: {  	v10 =	vld [tilespmem:s12+$0xFFFFFFE0]  }
0xc0: {  	v3 =	vld [tilespmem:s12+$0x20]  }
.Ltmp2:
0xc1: {  	v4 =	vld [tilespmem:s12+$0xFFFFFFD0];
	(pc) =	sbr.rel @p0 .LBB2_7-.Ltmp2, $3  }
0xc2: {  	v5 =	vld [tilespmem:s12+$0x0];
	_ =	sdelay $0x1  }
0xc3: {  	v7 =	vmul.f32 v7, v2;
	v9 =	vmul.f32 v6, v2  }
0xc4: {  	v8 =	vmul.f32 v8, v2;
	v6 =	vmul.f32 v10, v2  }
0xc5: {  	[tilespmem:s0+$0x30] =	vst v9  }
0xc6: {  	[tilespmem:s0+$0xFFFFFFC0] =	vst v7  }
0xc7: {  	v1 =	vmul.f32 v1, v2;
	[tilespmem:s0+$0x10] =	vst v8  }
0xc8: {  	v3 =	vmul.f32 v3, v2;
	[tilespmem:s0+$0xFFFFFFE0] =	vst v6  }
0xc9: {  	v5 =	vmul.f32 v5, v2;
	[tilespmem:s0+$0xFFFFFFF0] =	vst v1  }
0xca: {  	v1 =	vmul.f32 v4, v2;
	[tilespmem:s0+$0x20] =	vst v3  }
0xcb: {  	[tilespmem:s0+$0x0] =	vst v5  }
0xcc: {  	[tilespmem:s0+$0xFFFFFFD0] =	vst v1  }
0xcd: {  	_ =	swait.ge [sflag:s29], $0x2800  }
0xce: {  	s21 =	rddreg [dreg:$0xb]  }
0xcf: {  	s0 =	sadd.s32 s30, s21  }
0xd0: {  	[sflag:s29] =	ssyncset.done $0x0;
	s0 =	sshrl.u32 s0, $0x3  }
0xd1: {  	s12 =	simm.s32 $0x0;
	[sflag:s29] =	ssyncadd.s32 $0xFFFFD800;
	s3 =	sadd.s32 s6, s0  }
0xd2: {  	[tilespmem:s12], [sflag:$0x1] =	stream.linear.gather [hbm4b:s3+s12], $0x50, $0x38;
	[tilespmem:$0x1B500] =	vst v63  }
0xd3: {  	s21 =	simm.s32 $0x180;
	s3 =	sadd.s32 s7, s0  }
0xd4: {  	[tilespmem:s21], [sflag:$0x4] =	stream.linear.gather [hbm4b:s3+s12], $0x50, $0x38;
	[tilespmem:$0x1B500] =	vst v63  }
0xd5: {  	s0 =	sadd.s32 s1, s0  }
0xd6: {  	[tilespmem:s31], [sflag:$0x7] =	stream.linear.gather [hbm4b:s0+s12], $0x50, $0x38;
	[tilespmem:$0x1B500] =	vst v63  }
0xd7: {  	_ =	swait.ge [sflag:s9], $0x50  }
0xd8: {  	[sflag:s9] =	ssyncset.done $0x0  }
0xd9: {  	[sflag:s9] =	ssyncadd.s32 $0xFFFFFFB0  }
0xda: {  	[tilespmem:s28], [sflag:$0xA] =	stream.indirect.gather [hbm4b:s5+s10], $0x80, s12, s10, $0xb8;
	[tilespmem:$0x1B500] =	vst v63  }
0xdb: {  	s3 =	simm.s32 $0x200;
	s21 =	simm.s32 $0x2C80  }
0xdc: {  	[spmem:s2] =	stream.indirect.scatter.add.f32 [tilespmem:s21], [sflag:$0xE], $0x80, s3, s10, $0xb8;
	[tilespmem:$0x1B500] =	vst v63  }
0xdd: {  	_ =	swait.ge [sflag:s14], $0x2800  }
0xde: {  	[sflag:s14] =	ssyncset.done $0x0  }
0xdf: {  	[sflag:s14] =	ssyncadd.s32 $0xFFFFD800  }
0xe0: {  	_ =	swait.ge [sflag:s15], $0x50  }
0xe1: {  	[sflag:s15] =	ssyncset.done $0x0  }
0xe2: {  	[sflag:s15] =	ssyncadd.s32 $0xFFFFFFB0  }
0xe3: {  	_ =	swait.ge [sflag:s16], $0x50  }
0xe4: {  	v1 =	vmov s12;
	[sflag:s16] =	ssyncset.done $0x0  }
0xe5: {  	s0 =	simm.s32 $0x54C0;
	[sflag:s16] =	ssyncadd.s32 $0xFFFFFFB0  }
0xe6: {  	v5 =	vld [tilespmem:s0+$0x30]  }
0xe7: {  	v8 =	vld [tilespmem:s0+$0x10]  }
0xe8: {  	v6 =	vld [tilespmem:s0+$0xFFFFFFC0]  }
0xe9: {  	v2 =	vld.idx.msk [tilespmem:v1+s22+$0x0], $0xffff  }
0xea: {  	v10 =	vld [tilespmem:s0+$0xFFFFFFE0]  }
0xeb: {  	v1 =	vld [tilespmem:s0+$0xFFFFFFF0]  }
0xec: {  	v3 =	vld [tilespmem:s0+$0x20]  }
0xed: {  	v4 =	vld [tilespmem:s0+$0xFFFFFFD0]  }
0xee: {  	v9 =	vmul.f32 v5, v2;
	v5 =	vld [tilespmem:s0+$0x0]  }
0xef: {  	v7 =	vmul.f32 v6, v2  }
0xf0: {  	s12 =	simm.s32 $0x54C0;
	s3 =	simm.s32 $0x1;
	v6 =	vmul.f32 v10, v2;
	v8 =	vmul.f32 v8, v2  }
.LBB2_9:
0xf1: {  	p0 =	sne.s32 s3, $0x4F  }
0xf2: {  	v4 =	vmul.f32 v4, v2;
	v3 =	vmul.f32 v3, v2;
	[tilespmem:s0+$0x30] =	vst v9;
	s12 =	sadd.s32 $0x80, s12;
	s21 =	smov.u32 s3;
	s3 =	sadd.s32 $0x1, s3  }
0xf3: {  	[tilespmem:s0+$0xFFFFFFC0] =	vst v7;
	v7 =	vmul.f32 v1, v2;
	v2 =	vmul.f32 v5, v2  }
0xf4: {  	[tilespmem:s0+$0x10] =	vst v8  }
0xf5: {  	v5 =	vmov s21;
	[tilespmem:s0+$0xFFFFFFE0] =	vst v6  }
0xf6: {  	v1 =	vld [tilespmem:s12+$0xFFFFFFF0];
	[tilespmem:s0+$0xFFFFFFF0] =	vst v7  }
0xf7: {  	v6 =	vld [tilespmem:s12+$0x30];
	[tilespmem:s0+$0x0] =	vst v2  }
0xf8: {  	v8 =	vld [tilespmem:s12+$0x10];
	[tilespmem:s0+$0x20] =	vst v3  }
0xf9: {  	v7 =	vld [tilespmem:s12+$0xFFFFFFC0];
	[tilespmem:s0+$0xFFFFFFD0] =	vst v4;
	s0 =	smov.u32 s12  }
0xfa: {  	v2 =	vld.idx.msk [tilespmem:v5+s22+$0x0], $0xffff  }
0xfb: {  	v10 =	vld [tilespmem:s12+$0xFFFFFFE0]  }
0xfc: {  	v3 =	vld [tilespmem:s12+$0x20]  }
.Ltmp3:
0xfd: {  	v4 =	vld [tilespmem:s12+$0xFFFFFFD0];
	(pc) =	sbr.rel @p0 .LBB2_9-.Ltmp3, $3  }
0xfe: {  	v5 =	vld [tilespmem:s12+$0x0];
	_ =	sdelay $0x1  }
0xff: {  	v7 =	vmul.f32 v7, v2;
	v9 =	vmul.f32 v6, v2  }
0x100: {  	v8 =	vmul.f32 v8, v2;
	v6 =	vmul.f32 v10, v2  }
0x101: {  	[tilespmem:s0+$0x30] =	vst v9  }
0x102: {  	[tilespmem:s0+$0xFFFFFFC0] =	vst v7  }
0x103: {  	v1 =	vmul.f32 v1, v2;
	[tilespmem:s0+$0x10] =	vst v8  }
0x104: {  	v3 =	vmul.f32 v3, v2;
	[tilespmem:s0+$0xFFFFFFE0] =	vst v6  }
0x105: {  	v5 =	vmul.f32 v5, v2;
	[tilespmem:s0+$0xFFFFFFF0] =	vst v1  }
0x106: {  	v1 =	vmul.f32 v4, v2;
	[tilespmem:s0+$0x20] =	vst v3  }
0x107: {  	[tilespmem:s0+$0x0] =	vst v5  }
0x108: {  	[tilespmem:s0+$0xFFFFFFD0] =	vst v1  }
0x109: {  	_ =	swait.ge [sflag:s20], $0x2800  }
0x10a: {  	s21 =	rddreg [dreg:$0xc]  }
0x10b: {  	s0 =	sadd.s32 s30, s21  }
0x10c: {  	[sflag:s20] =	ssyncset.done $0x0;
	s0 =	sshrl.u32 s0, $0x3  }
0x10d: {  	s12 =	simm.s32 $0x80;
	[sflag:s20] =	ssyncadd.s32 $0xFFFFD800;
	s3 =	sadd.s32 s6, s0  }
0x10e: {  	[tilespmem:s12], [sflag:$0x2] =	stream.linear.gather [hbm4b:s3+s4], $0x50, $0x38;
	[tilespmem:$0x1B500] =	vst v63  }
0x10f: {  	s21 =	simm.s32 $0x200;
	s30 =	sadd.s32 s7, s0  }
0x110: {  	[tilespmem:s21], [sflag:$0x5] =	stream.linear.gather [hbm4b:s30+s4], $0x50, $0x38;
	[tilespmem:$0x1B500] =	vst v63  }
0x111: {  	s24 =	sadd.s32 $0x1, s24;
	s0 =	sadd.s32 s1, s0  }
0x112: {  	[tilespmem:s8], [sflag:$0x8] =	stream.linear.gather [hbm4b:s0+s4], $0x50, $0x38;
	[tilespmem:$0x1B500] =	vst v63  }
0x113: {  	p0 =	sne.s32 s24, $0x29;
	_ =	swait.ge [sflag:s11], $0x50  }
.Ltmp4:
0x114: {  	[sflag:s11] =	ssyncset.done $0x0;
	(pc) =	sbr.rel @p0 .LBB2_4-.Ltmp4, $4  }
0x115: {  	s3 =	simm.s32 $0x2C80;
	[sflag:s11] =	ssyncadd.s32 $0xFFFFFFB0  }
0x116: {  	[tilespmem:s3], [sflag:$0xB] =	stream.indirect.gather [hbm4b:s5+s10], $0x80, s12, s10, $0xb8;
	[tilespmem:$0x1B500] =	vst v63  }
0x117: {  	s21 =	simm.s32 $0x280;
	s30 =	simm.s32 $0x5480  }
0x118: {  	[spmem:s2] =	stream.indirect.scatter.add.f32 [tilespmem:s30], [sflag:$0xF], $0x80, s21, s10, $0xb8;
	[tilespmem:$0x1B500] =	vst v63  }
0x119: {  	_ =	swait.ge [sflag:s13], $0x2800  }
0x11a: {  	[sflag:s13] =	ssyncset.done $0x0  }
0x11b: {  	[sflag:s13] =	ssyncadd.s32 $0xFFFFD800  }
0x11c: {  	_ =	swait.ge [sflag:s17], $0x50  }
0x11d: {  	[sflag:s17] =	ssyncset.done $0x0  }
0x11e: {  	[sflag:s17] =	ssyncadd.s32 $0xFFFFFFB0  }
0x11f: {  	s0 =	simm.s32 $0x0;
	_ =	swait.ge [sflag:s19], $0x50  }
0x120: {  	v1 =	vmov s0;
	[sflag:s19] =	ssyncset.done $0x0  }
0x121: {  	s0 =	simm.s32 $0x4C0;
	[sflag:s19] =	ssyncadd.s32 $0xFFFFFFB0  }
0x122: {  	v5 =	vld [tilespmem:s0+$0x30]  }
0x123: {  	v8 =	vld [tilespmem:s0+$0x10]  }
0x124: {  	v6 =	vld [tilespmem:s0+$0xFFFFFFC0]  }
0x125: {  	v2 =	vld.idx.msk [tilespmem:v1+s31+$0x0], $0xffff  }
0x126: {  	v10 =	vld [tilespmem:s0+$0xFFFFFFE0]  }
0x127: {  	v1 =	vld [tilespmem:s0+$0xFFFFFFF0]  }
0x128: {  	v3 =	vld [tilespmem:s0+$0x20]  }
0x129: {  	v4 =	vld [tilespmem:s0+$0xFFFFFFD0]  }
0x12a: {  	v9 =	vmul.f32 v5, v2;
	v5 =	vld [tilespmem:s0+$0x0]  }
0x12b: {  	v7 =	vmul.f32 v6, v2  }
0x12c: {  	s3 =	simm.s32 $0x1;
	s12 =	simm.s32 $0x4C0;
	v6 =	vmul.f32 v10, v2;
	v8 =	vmul.f32 v8, v2  }
.LBB2_12:
0x12d: {  	p0 =	sne.s32 s3, $0x4F  }
0x12e: {  	v4 =	vmul.f32 v4, v2;
	v3 =	vmul.f32 v3, v2;
	[tilespmem:s0+$0x30] =	vst v9;
	s12 =	sadd.s32 $0x80, s12;
	s21 =	smov.u32 s3;
	s3 =	sadd.s32 $0x1, s3  }
0x12f: {  	[tilespmem:s0+$0xFFFFFFC0] =	vst v7;
	v7 =	vmul.f32 v1, v2;
	v2 =	vmul.f32 v5, v2  }
0x130: {  	[tilespmem:s0+$0x10] =	vst v8  }
0x131: {  	v5 =	vmov s21;
	[tilespmem:s0+$0xFFFFFFE0] =	vst v6  }
0x132: {  	v1 =	vld [tilespmem:s12+$0xFFFFFFF0];
	[tilespmem:s0+$0xFFFFFFF0] =	vst v7  }
0x133: {  	v6 =	vld [tilespmem:s12+$0x30];
	[tilespmem:s0+$0x0] =	vst v2  }
0x134: {  	v8 =	vld [tilespmem:s12+$0x10];
	[tilespmem:s0+$0x20] =	vst v3  }
0x135: {  	v7 =	vld [tilespmem:s12+$0xFFFFFFC0];
	[tilespmem:s0+$0xFFFFFFD0] =	vst v4;
	s0 =	smov.u32 s12  }
0x136: {  	v2 =	vld.idx.msk [tilespmem:v5+s31+$0x0], $0xffff  }
0x137: {  	v10 =	vld [tilespmem:s12+$0xFFFFFFE0]  }
0x138: {  	v3 =	vld [tilespmem:s12+$0x20]  }
.Ltmp5:
0x139: {  	v4 =	vld [tilespmem:s12+$0xFFFFFFD0];
	(pc) =	sbr.rel @p0 .LBB2_12-.Ltmp5, $3  }
0x13a: {  	v5 =	vld [tilespmem:s12+$0x0];
	_ =	sdelay $0x1  }
0x13b: {  	v7 =	vmul.f32 v7, v2;
	v9 =	vmul.f32 v6, v2  }
0x13c: {  	v8 =	vmul.f32 v8, v2;
	v6 =	vmul.f32 v10, v2  }
0x13d: {  	[tilespmem:s0+$0x30] =	vst v9  }
0x13e: {  	[tilespmem:s0+$0xFFFFFFC0] =	vst v7  }
0x13f: {  	v1 =	vmul.f32 v1, v2;
	[tilespmem:s0+$0x10] =	vst v8  }
0x140: {  	v3 =	vmul.f32 v3, v2;
	[tilespmem:s0+$0xFFFFFFE0] =	vst v6  }
0x141: {  	v5 =	vmul.f32 v5, v2;
	[tilespmem:s0+$0xFFFFFFF0] =	vst v1  }
0x142: {  	v1 =	vmul.f32 v4, v2;
	[tilespmem:s0+$0x20] =	vst v3  }
0x143: {  	[tilespmem:s0+$0x0] =	vst v5  }
0x144: {  	s21 =	simm.s32 $0xF;
	[tilespmem:s0+$0xFFFFFFD0] =	vst v1  }
0x145: {  	_ =	swait.ge [sflag:s21], $0x2800  }
0x146: {  	[sflag:s21] =	ssyncset.done $0x0  }
0x147: {  	s24 =	simm.s32 $0x180;
	[sflag:s21] =	ssyncadd.s32 $0xFFFFD800  }
0x148: {  	[spmem:s2] =	stream.indirect.scatter.add.f32 [tilespmem:s28], [sflag:$0xD], $0x80, s24, s10, $0xb8;
	[tilespmem:$0x1B500] =	vst v63  }
0x149: {  	_ =	swait.ge [sflag:s25], $0x2800  }
0x14a: {  	[sflag:s25] =	ssyncset.done $0x0  }
0x14b: {  	[sflag:s25] =	ssyncadd.s32 $0xFFFFD800  }
0x14c: {  	_ =	swait.ge [sflag:s26], $0x50  }
0x14d: {  	[sflag:s26] =	ssyncset.done $0x0  }
0x14e: {  	[sflag:s26] =	ssyncadd.s32 $0xFFFFFFB0  }
0x14f: {  	s30 =	simm.s32 $0x0;
	_ =	swait.ge [sflag:s18], $0x50  }
0x150: {  	v1 =	vmov s30;
	[sflag:s18] =	ssyncset.done $0x0  }
0x151: {  	s0 =	simm.s32 $0x2CC0;
	[sflag:s18] =	ssyncadd.s32 $0xFFFFFFB0  }
0x152: {  	v5 =	vld [tilespmem:s0+$0x30]  }
0x153: {  	v8 =	vld [tilespmem:s0+$0x10]  }
0x154: {  	v6 =	vld [tilespmem:s0+$0xFFFFFFC0]  }
0x155: {  	v2 =	vld.idx.msk [tilespmem:v1+s8+$0x0], $0xffff  }
0x156: {  	v10 =	vld [tilespmem:s0+$0xFFFFFFE0]  }
0x157: {  	v1 =	vld [tilespmem:s0+$0xFFFFFFF0]  }
0x158: {  	v3 =	vld [tilespmem:s0+$0x20]  }
0x159: {  	v4 =	vld [tilespmem:s0+$0xFFFFFFD0]  }
0x15a: {  	v9 =	vmul.f32 v5, v2;
	v5 =	vld [tilespmem:s0+$0x0]  }
0x15b: {  	v7 =	vmul.f32 v6, v2  }
0x15c: {  	s3 =	simm.s32 $0x1;
	s12 =	simm.s32 $0x2CC0;
	s24 =	rddreg [dreg:$0xe];
	v6 =	vmul.f32 v10, v2;
	v8 =	vmul.f32 v8, v2  }
.LBB2_14:
0x15d: {  	p0 =	sne.s32 s3, $0x4F  }
0x15e: {  	v4 =	vmul.f32 v4, v2;
	v3 =	vmul.f32 v3, v2;
	[tilespmem:s0+$0x30] =	vst v9;
	s12 =	sadd.s32 $0x80, s12;
	s21 =	smov.u32 s3;
	s3 =	sadd.s32 $0x1, s3  }
0x15f: {  	[tilespmem:s0+$0xFFFFFFC0] =	vst v7;
	v7 =	vmul.f32 v1, v2;
	v2 =	vmul.f32 v5, v2  }
0x160: {  	[tilespmem:s0+$0x10] =	vst v8  }
0x161: {  	v5 =	vmov s21;
	[tilespmem:s0+$0xFFFFFFE0] =	vst v6  }
0x162: {  	v1 =	vld [tilespmem:s12+$0xFFFFFFF0];
	[tilespmem:s0+$0xFFFFFFF0] =	vst v7  }
0x163: {  	v6 =	vld [tilespmem:s12+$0x30];
	[tilespmem:s0+$0x0] =	vst v2  }
0x164: {  	v8 =	vld [tilespmem:s12+$0x10];
	[tilespmem:s0+$0x20] =	vst v3  }
0x165: {  	v7 =	vld [tilespmem:s12+$0xFFFFFFC0];
	[tilespmem:s0+$0xFFFFFFD0] =	vst v4;
	s0 =	smov.u32 s12  }
0x166: {  	v2 =	vld.idx.msk [tilespmem:v5+s8+$0x0], $0xffff  }
0x167: {  	v10 =	vld [tilespmem:s12+$0xFFFFFFE0]  }
0x168: {  	v3 =	vld [tilespmem:s12+$0x20]  }
.Ltmp6:
0x169: {  	v4 =	vld [tilespmem:s12+$0xFFFFFFD0];
	(pc) =	sbr.rel @p0 .LBB2_14-.Ltmp6, $3  }
0x16a: {  	v5 =	vld [tilespmem:s12+$0x0];
	_ =	sdelay $0x1  }
0x16b: {  	v7 =	vmul.f32 v7, v2;
	v9 =	vmul.f32 v6, v2  }
0x16c: {  	v8 =	vmul.f32 v8, v2;
	v6 =	vmul.f32 v10, v2  }
0x16d: {  	[tilespmem:s0+$0x30] =	vst v9  }
0x16e: {  	[tilespmem:s0+$0xFFFFFFC0] =	vst v7  }
0x16f: {  	v1 =	vmul.f32 v1, v2;
	[tilespmem:s0+$0x10] =	vst v8  }
0x170: {  	v3 =	vmul.f32 v3, v2;
	[tilespmem:s0+$0xFFFFFFE0] =	vst v6  }
0x171: {  	v5 =	vmul.f32 v5, v2;
	[tilespmem:s0+$0xFFFFFFF0] =	vst v1  }
0x172: {  	v1 =	vmul.f32 v4, v2;
	[tilespmem:s0+$0x20] =	vst v3  }
0x173: {  	[tilespmem:s0+$0x0] =	vst v5  }
0x174: {  	[tilespmem:s0+$0xFFFFFFD0] =	vst v1  }
0x175: {  	_ =	swait.ge [sflag:s29], $0x2800  }
0x176: {  	[sflag:s29] =	ssyncset.done $0x0  }
0x177: {  	s12 =	simm.s32 $0x200;
	s3 =	simm.s32 $0x2C80;
	[sflag:s29] =	ssyncadd.s32 $0xFFFFD800  }
0x178: {  	[spmem:s2] =	stream.indirect.scatter.add.f32 [tilespmem:s3], [sflag:$0xE], $0x80, s12, s10, $0xb8;
	[tilespmem:$0x1B500] =	vst v63  }
0x179: {  	_ =	swait.ge [sflag:s20], $0x2800  }
0x17a: {  	[sflag:s20] =	ssyncset.done $0x0  }
0x17b: {  	s21 =	stileid.u32;
	[sflag:s20] =	ssyncadd.s32 $0xFFFFD800  }
0x17c: {  	s0 =	sshll.u32 s21, $0x6;
	[bflag:$0x0] =	sbarrier.arrive $0xFFFF  }
0x17d: {  	s30 =	sshrl.u32 s24, $0x3;
	s0 =	sor.u32 $0x1C10, s0;
	s12 =	rddreg [dreg:$0xd]  }
0x17e: {  	[hbm:s12], [sflag:s0] =	dma.local [spmem:s30], $0x2800  }
0x17f: {  	s12 =	simm.s32 $0x10  }
0x180: {  	_ =	swait.ge [sflag:s12], $0x2800  }
0x181: {  	s21 =	rddreg [dreg:$0x17]  }
0x182: {  	s30 =	rddreg [dreg:$0xf];
	s3 =	sadd.s32 $0x1, s21  }
0x183: {  	p0 =	sne.s32 s3, s30  }
.Ltmp7:
0x184: {  	_ = 	snop;
	(pc) =	sbr.rel @p0 .LBB2_1-.Ltmp7, $3  }
0x185: {  	_ =	sdelay $0x1  }
0x186: {  	[sflag:s12] =	ssyncset.done $0x0  }
0x187: {  	[sflag:s12] =	ssyncadd.s32 $0xFFFFD800  }
0x188: {  	_ =	sfence.sel $0x180000  }
0x189: {  	[bflag:$0x0] =	sbarrier.arrive $0xFFFF  }
0x18a: {  	_ =	strace $0x9000004A  }
0x18b: {  	s0 =	stileid.u32;
	[bflag:$0x2] =	sbarrier.arrive $0xFFFF  }
0x18c: {  	p0 =	sne.s32 s0, $0x0;
	s0 =	rddreg [dreg:$0x3]  }
0x18d: {  	s0 =	sadd.s32 @!p0 $0x100000, s0  }
0x18e: {  	[sflag:s0] =	ssyncadd.tile.s32 @!p0 $0x1;
	_ =	shalt  }
.Lfunc_end2:
_tile_overlayer_lowered:
.L_overlay_start_2:
0x18f: {  	(tag) =	ssettag $0x2  }
0x190: {  	s0 =	rddreg [dreg:$0x0];
	s2 =	stileid.u32  }
0x191: {  	s1 =	rddreg [dreg:$0x1];
	p0 =	sne.s32 s2, $0x0  }
0x192: {  	s3 =	rddreg [dreg:$0x2];
	[bflag:$0x3] =	sbarrier.arrive $0xFFFF;
	s2 =	simm.s32 @!p0 $0x1C10  }
0x193: {  	[timem:s3], [sflag:s2] =	dma.local @!p0 [hbm:s0], s1  }
0x194: {  	s0 =	simm.s32 @!p0 $0x10  }
0x195: {  	_ =	swait.ge @!p0 [sflag:s0], s1  }
0x196: {  	s1 =	ssub.s32 @!p0 $0x0, s1;
	[sflag:s0] =	ssyncset.done @!p0 $0x0  }
0x197: {  	[sflag:s0] =	ssyncadd.s32 @!p0 s1  }
0x198: {  	[bflag:$0x3] =	sbarrier.arrive $0xFFFF  }
0x199: {  	_ =	shalt  }

// kernel: kernel.17.cloned.1.call-start
scs
__scs_entry_jumppad:
0x0: {  	(pc) =	sbr.rel $0x88, $3  }
0x1: {  	(tag) =	ssettag $0x0;
	lr =	simm.s32 $0x1  }
0x2: {  	[smem:$0x3F98] =	sst lr;
	_ =	strace $0xD0000000  }
0x3: {  	_ = 	snop  }
0x4: {  	_ = 	snop  }
0x5: {  	_ = 	snop  }
0x6: {  	_ = 	snop  }
0x7: {  	_ = 	snop  }
__scs_overlays_trampoline_lowered:
0x8: {  	[smem:$0x3FA7] =	sst s0  }
0x9: {  	[smem:$0x3FA8] =	sst s1  }
0xa: {  	[smem:$0x3FA9] =	sst s2  }
0xb: {  	[smem:$0x3FAA] =	sst s3  }
0xc: {  	[smem:$0x3FAB] =	sst s4  }
0xd: {  	[smem:$0x3FAC] =	sst s5  }
0xe: {  	[smem:$0x3FAD] =	sst s6  }
0xf: {  	[smem:$0x3FAE] =	sst s7  }
0x10: {  	[smem:$0x3FAF] =	sst s8  }
0x11: {  	[smem:$0x3FB0] =	sst s9;
	s0 =	simm.s32 @!p0 $0x0  }
0x12: {  	s1 =	sld [smem:$0x3F96];
	s0 =	simm.s32 @p0 $0x1  }
0x13: {  	[smem:$0x3FB1] =	sst s0;
	s0 =	simm.s32 @!p1 $0x0  }
0x14: {  	s2 =	sld [smem:$0x3F95];
	s0 =	simm.s32 @p1 $0x1  }
0x15: {  	[smem:$0x3FB2] =	sst s0;
	s0 =	simm.s32 @!p2 $0x0  }
0x16: {  	s3 =	sld [smem:$0x3FDB];
	s0 =	simm.s32 @p2 $0x1  }
0x17: {  	s4 =	simm.s32 $0x1BF5;
	[smem:$0x3FB4] =	sst s0  }
0x18: {  	s0 =	sld [smem:$0x3F97];
	_ =	swait.ge [sflag:s4], $0x0  }
0x19: {  	s7 =	sld [smem:$0x3F98]  }
0x1a: {  	s8 =	sadd.s32 $0xFFFFE003, lr  }
0x1b: {  	s9 =	sadd.s32 $0xFFFFFEF7, lr;
	s5 =	simm.s32 $0xFFFFFFFF;
	p2 =	slt.u32 s8, $0xFFFFF086  }
0x1c: {  	p1 =	slt.u32 s9, $0xF7A;
	s5 =	simm.s32 @!p2 $0x0  }
0x1d: {  	s5 =	simm.s32 @p1 $0x1;
	p0 =	seq.s32 s7, s2  }
0x1e: {  	s7 =	smul.u32 @!p0 $0xF7A, s2;
	p2 =	seq.s32 @!p0 s5, $0x0  }
0x1f: {  	s9 =	smul.u32 $0xF7A, s1;
	s8 =	simm.s32 @!p0 $0x1BF5;
	p2 =	por !p2, p0  }
0x20: {  	[sflag:s8] =	ssyncset.s32 @!p0 $0xFFFFF086;
	s6 =	sadd.s32 @!p0 s3, s7;
	s7 =	simm.s32 @!p0 $0x108  }
0x21: {  	s3 =	sadd.s32 s3, s9;
	s6 =	sadd.s32 @!p0 $0x88, s6;
	s7 =	simm.s32 @p2 $0x1082  }
0x22: {  	[simem:s7], [sflag:s8] =	dma.local @!p0 [hbm:s6], $0xF7A  }
0x23: {  	s9 =	sor.u32 $0xD0000000, s2;
	s6 =	simm.s32 $0x108;
	_ =	swait.ge @!p0 [sflag:s8], $0x0  }
0x24: {  	s3 =	sadd.s32 $0x88, s3;
	s6 =	simm.s32 @!p1 $0x1082;
	[sflag:s4] =	ssyncset.s32 $0xFFFFF086  }
0x25: {  	[simem:s6], [sflag:s4] =	dma.local [hbm:s3], $0xF7A  }
0x26: {  	[smem:$0x3F98] =	sst s1;
	(tag) =	ssettag s2;
	_ =	strace s9  }
0x27: {  	s1 =	sld [smem:$0x3FA8]  }
0x28: {  	s2 =	sld [smem:$0x3FA9]  }
0x29: {  	s4 =	sld [smem:$0x3FAB]  }
0x2a: {  	p0 =	seq.s32 s5, $0x0;
	s5 =	sld [smem:$0x3FAC]  }
0x2b: {  	s6 =	sld [smem:$0x3FAD]  }
0x2c: {  	s7 =	sld [smem:$0x3FAE]  }
0x2d: {  	s3 =	simm.s32 $0x108;
	s8 =	sld [smem:$0x3FAF]  }
0x2e: {  	s3 =	simm.s32 @!p0 $0x1082;
	s9 =	sld [smem:$0x3FB0]  }
0x2f: {  	lr =	sadd.s32 s0, s3;
	s0 =	sld [smem:$0x3FA7]  }
0x30: {  	s3 =	sld [smem:$0x3FAA]  }
0x31: {  	[smem:$0x3FB3] =	sst s10  }
0x32: {  	s10 =	sld [smem:$0x3FB1];
	_ =	sdelay $0x3  }
0x33: {  	p0 =	seq.s32 s10, $0x1;
	s10 =	sld [smem:$0x3FB3];
	_ =	sdelay $0x3  }
0x34: {  	[smem:$0x3FB3] =	sst s10  }
0x35: {  	s10 =	sld [smem:$0x3FB2];
	_ =	sdelay $0x3  }
0x36: {  	p1 =	seq.s32 s10, $0x1;
	s10 =	sld [smem:$0x3FB3];
	_ =	sdelay $0x3  }
0x37: {  	[smem:$0x3FB3] =	sst s10  }
0x38: {  	s10 =	sld [smem:$0x3FB4]  }
0x39: {  	_ = 	snop;
	(pc) =	sbr.ind lr, $3  }
0x3a: {  	_ = 	snop  }
0x3b: {  	_ = 	snop  }
0x3c: {  	p2 =	seq.s32 s10, $0x1;
	s10 =	sld [smem:$0x3FB3]  }
0x3d: {  	_ =	shalt  }
0x3e: {  	_ =	shalt  }
0x3f: {  	_ =	shalt  }
0x40: {  	_ =	shalt  }
0x41: {  	_ =	shalt  }
0x42: {  	_ =	shalt  }
0x43: {  	_ =	shalt  }
0x44: {  	_ =	shalt  }
0x45: {  	_ =	shalt  }
0x46: {  	_ =	shalt  }
0x47: {  	_ =	shalt  }
0x48: {  	_ =	shalt  }
0x49: {  	_ =	shalt  }
0x4a: {  	_ =	shalt  }
0x4b: {  	_ =	shalt  }
0x4c: {  	_ =	shalt  }
0x4d: {  	_ =	shalt  }
0x4e: {  	_ =	shalt  }
0x4f: {  	_ =	shalt  }
0x50: {  	_ =	shalt  }
0x51: {  	_ =	shalt  }
0x52: {  	_ =	shalt  }
0x53: {  	_ =	shalt  }
0x54: {  	_ =	shalt  }
0x55: {  	_ =	shalt  }
0x56: {  	_ =	shalt  }
0x57: {  	_ =	shalt  }
0x58: {  	_ =	shalt  }
0x59: {  	_ =	shalt  }
0x5a: {  	_ =	shalt  }
0x5b: {  	_ =	shalt  }
0x5c: {  	_ =	shalt  }
0x5d: {  	_ =	shalt  }
0x5e: {  	_ =	shalt  }
0x5f: {  	_ =	shalt  }
0x60: {  	_ =	shalt  }
0x61: {  	_ =	shalt  }
0x62: {  	_ =	shalt  }
0x63: {  	_ =	shalt  }
0x64: {  	_ =	shalt  }
0x65: {  	_ =	shalt  }
0x66: {  	_ =	shalt  }
0x67: {  	_ =	shalt  }
0x68: {  	_ =	shalt  }
0x69: {  	_ =	shalt  }
0x6a: {  	_ =	shalt  }
0x6b: {  	_ =	shalt  }
0x6c: {  	_ =	shalt  }
0x6d: {  	_ =	shalt  }
0x6e: {  	_ =	shalt  }
0x6f: {  	_ =	shalt  }
0x70: {  	_ =	shalt  }
0x71: {  	_ =	shalt  }
0x72: {  	_ =	shalt  }
0x73: {  	_ =	shalt  }
0x74: {  	_ =	shalt  }
0x75: {  	_ =	shalt  }
0x76: {  	_ =	shalt  }
0x77: {  	_ =	shalt  }
0x78: {  	_ =	shalt  }
0x79: {  	_ =	shalt  }
0x7a: {  	_ =	shalt  }
0x7b: {  	_ =	shalt  }
0x7c: {  	_ =	shalt  }
0x7d: {  	_ =	shalt  }
0x7e: {  	_ =	shalt  }
0x7f: {  	_ =	shalt  }
0x80: {  	_ =	shalt  }
0x81: {  	_ =	shalt  }
0x82: {  	_ =	shalt  }
0x83: {  	_ =	shalt  }
0x84: {  	_ =	shalt  }
0x85: {  	_ =	shalt  }
0x86: {  	_ =	shalt  }
0x87: {  	_ =	shalt  }
.Lfunc_end0:
.L_simem_size_0:
called_computation.2_lowered:
.L_overlay_start_0:
0x88: {  	s2 =	sld [smem:$0x3FD9]  }
0x89: {  	s3 =	sld [smem:$0x3FFE];
	_ =	sdelay $0x1  }
0x8a: {  	s1 =	srdreg.scid  }
0x8b: {  	s0 =	sand.u32 $0x1, s1  }
0x8c: {  	s17 =	sshll.u32 s0, $0xA;
	s2 =	sadd.s32 s3, s2  }
0x8d: {  	s2 =	sadd.s32 s2, s17  }
0x8e: {  	[smem:$0x3FBF] =	sst s2  }
0x8f: {  	_ = 	snop  }
0x90: {  	s2 =	sld [smem:$0x3FC7];
	(tm) =	ssettm $0x1  }
0x91: {  	s18 =	sld [smem:$0x3FFB];
	_ =	sdelay $0x3  }
0x92: {  	_ =	strace s18  }
0x93: {  	s3 =	sld [smem:$0x3FFC];
	_ =	sdelay $0x3  }
0x94: {  	_ =	strace s3  }
0x95: {  	s3 =	sld [smem:$0x3FFD];
	_ =	sdelay $0x3  }
0x96: {  	_ =	strace s3  }
0x97: {  	_ =	strace $0x8FFFFFFF  }
0x98: {  	s19 =	sld [smem:$0x3FDB];
	_ =	sdelay $0x1  }
0x99: {  	s4 =	simm.s32 $_scs_section_size  }
0x9a: {  	s5 =	simm.s32 $_size__tile_overlayer_lowered;
	s6 =	simm.s32 $_tile_overlayer_lowered  }
0x9b: {  	s22 =	simm.s32 $0x1BFF;
	s21 =	sshll.u32 s6, $0x1;
	s3 =	sadd.s32 s4, s19  }
0x9c: {  	s7 =	simm.s32 $0x0;
	s20 =	sshll.u32 s5, $0x1;
	s5 =	sadd.s32 s21, s3  }
0x9d: {  	[timem:s7], [sflag:s22] =	dma.local [hbm:s5], s20  }
0x9e: {  	_ =	swait.ge [sflag:s22], s20  }
0x9f: {  	s4 =	ssub.s32 $0x0, s20;
	[sflag:s22] =	ssyncset.done $0x0  }
0xa0: {  	[sflag:s22] =	ssyncadd.s32 s4;
	_ =	sdelay $0x1  }
0xa1: {  	s23 =	simm.s32 $0x1B8B  }
0xa2: {  	_ =	swait.ge [sflag:s23], $0x1  }
0xa3: {  	[sflag:s23] =	ssyncset.done $0x0  }
0xa4: {  	s25 =	simm.s32 $0x1B8E;
	s24 =	sld [smem:$0x3FFE];
	[sflag:s23] =	ssyncadd.s32 $0xFFFFFFFF  }
0xa5: {  	s26 =	simm.s32 $execute0_lowered;
	[smem:$0x3FD2] =	sst s25  }
0xa6: {  	s5 =	sshll.u32 s26, $0x1;
	_ =	strace $0x8000004C;
	[dreg:$0x1] =	wrdreg $0xFFFFFFFF  }
0xa7: {  	s28 =	simm.s32 $_size_execute0_lowered;
	s3 =	sadd.s32 s3, s5;
	[dreg:$0x0] =	wrdreg $0x0  }
0xa8: {  	s5 =	sshll.u32 s28, $0x1;
	[dreg:$0x2] =	wrdreg s3  }
0xa9: {  	[dreg:$0x3] =	wrdreg s5  }
0xaa: {  	[dreg:$0x4] =	wrdreg $0xC0  }
0xab: {  	_ =	task [dreg:s7], $0x5FFFF  }
0xac: {  	[dreg:$0x1] =	wrdreg $0xFFFFFFFF  }
0xad: {  	[dreg:$0x0] =	wrdreg $0x60  }
0xae: {  	[dreg:$0x2] =	wrdreg s24  }
0xaf: {  	[dreg:$0x3] =	wrdreg s2  }
0xb0: {  	[dreg:$0x4] =	wrdreg $0x7C800  }
0xb1: {  	[dreg:$0x5] =	wrdreg $0x9  }
0xb2: {  	_ =	task.clear_ibuf [dreg:s7], $0x6FFFF;
	_ =	strace $0x9000004C  }
0xb3: {  	s29 =	simm.s32 $0x9;
	_ =	strace $0x8000004E  }
0xb4: {  	_ =	swait.ge [sflag:s29], $0x1  }
0xb5: {  	[sflag:s29] =	ssyncadd.s32 $0xFFFFFFFF  }
0xb6: {  	_ =	strace $0x9000004E  }
0xb7: {  	_ =	sfence  }
0xb8: {  	s30 =	sld [smem:$0x0];
	_ =	sdelay $0x2  }
0xb9: {  	s31 =	sshll.u32 s1, $0xD;
	s1 =	sshrl.u32 s1, $0x2  }
0xba: {  	s3 =	sand.u32 $0x4000, s31;
	s1 =	sadd.s32 s1, s30  }
0xbb: {  	s0 =	sor.u32 s3, s0;
	s1 =	sshll.u32 s1, $0x11  }
0xbc: {  	s0 =	sor.u32 s1, s0  }
0xbd: {  	s0 =	sadd.s32 $0x8F2B, s0  }
0xbe: {  	[sflag:s0] =	ssyncadd.remote.s32 $0x1  }
0xbf: {  	_ =	sfence.sel $0xFFFF  }
0xc0: {  	[dreg:$0x0] =	wrdreg $0xFFFFFFFF;
	(pc) =	sbr.abs _section_cstart, $3  }
0xc1: {  	[dreg:$0x1] =	wrdreg $0xFFFFFFFF  }
0xc2: {  	_ =	task.clear_ibuf [dreg:s7], $0x2FFFF;
	_ =	strace $0x9FFFFFFF  }
0xc3: {  	(tm) =	ssettm $0x7FFFFFFF  }
tec
execute0_lowered:
.L_overlay_start_1:
0x0: {  	(tag) =	ssettag $0x1  }
0x1: {  	s0 =	rddreg [dreg:$0x0]  }
0x2: {  	s1 =	rddreg [dreg:$0x1]  }
0x3: {  	s2 =	rddreg [dreg:$0x2];
	s4 =	simm.s32 $0x0;
	s3 =	srdreg.scid  }
0x4: {  	s11 =	stileid.u32;
	s28 =	simm.s32 $0x480;
	s31 =	simm.s32 $0x300  }
0x5: {  	s29 =	simm.s32 $0xD;
	[smem:$0x7FF] =	sst s4;
	s8 =	smul.u32 $0x13800, s11  }
0x6: {  	s3 =	sand.u32 $0x1, s3;
	s9 =	sshll.u32 s11, $0x1;
	s15 =	smul.u32 $0x4E000, s11  }
0x7: {  	s5 =	sadd.s32 $0x16A00, s0;
	s7 =	smul.u32 $0x138800, s3;
	s9 =	sor.u32 s3, s9  }
0x8: {  	s6 =	sadd.s32 $0xCC00, s0;
	s3 =	ssub.s32 $0x2, s3;
	s9 =	smul.u32 $0x2710, s9  }
0x9: {  	s11 =	simm.s32 $0x2;
	_ =	strace $0x8000004D;
	s10 =	sshrl.u32 s3, $0x1  }
0xa: {  	s8 =	sadd.s32 s8, s7;
	s7 =	sadd.s32 $0x2E00, s0;
	s17 =	sadd.s32 $0xA0, s9  }
0xb: {  	s3 =	ssub.s32 s3, s10;
	s18 =	sadd.s32 $0xF0, s9;
	[dreg:$0xa] =	wrdreg s17  }
0xc: {  	s26 =	sshrl.u32 s9, $0x3;
	s9 =	sadd.s32 $0x140, s9;
	[dreg:$0xb] =	wrdreg s18  }
0xd: {  	s8 =	sshrl.u32 s8, $0x3;
	s19 =	smax.u32 s3, $0x1;
	[dreg:$0xc] =	wrdreg s9  }
0xe: {  	s3 =	simm.s32 $0x0;
	s30 =	sadd.s32 s6, s26;
	[dreg:$0xf] =	wrdreg s19  }
0xf: {  	s0 =	sadd.s32 s8, s0;
	s12 =	sadd.s32 s7, s26;
	[dreg:$0x4] =	wrdreg s30  }
0x10: {  	s13 =	sadd.s32 $0xA, s26;
	s8 =	sadd.s32 s1, s26;
	[dreg:$0x5] =	wrdreg s12  }
0x11: {  	s9 =	simm.s32 $0x1;
	[dreg:$0x6] =	wrdreg s8;
	s14 =	sadd.s32 s6, s13  }
0x12: {  	s17 =	simm.s32 $0x4;
	s16 =	sadd.s32 s7, s13;
	[dreg:$0x7] =	wrdreg s14  }
0x13: {  	s19 =	simm.s32 $0x7;
	s10 =	sadd.s32 s1, s13;
	[dreg:$0x8] =	wrdreg s16  }
0x14: {  	s8 =	sshrl.u32 s15, $0x2;
	s0 =	sadd.s32 $0x3DC00, s0;
	[dreg:$0x9] =	wrdreg s10  }
0x15: {  	s18 =	simm.s32 $0x8;
	[dreg:$0xd] =	wrdreg s0;
	s24 =	sadd.s32 s8, s2  }
0x16: {  	s12 =	simm.s32 $0x10;
	s20 =	sadd.s32 $0x2800, s24;
	[dreg:$0xe] =	wrdreg s24  }
0x17: {  	s13 =	simm.s32 $0xA;
	s21 =	sadd.s32 $0x5000, s24;
	[dreg:$0x10] =	wrdreg s20  }
0x18: {  	s15 =	simm.s32 $0x6;
	s22 =	sadd.s32 $0x7800, s24;
	[dreg:$0x11] =	wrdreg s21  }
0x19: {  	s8 =	simm.s32 $0x380;
	s23 =	sadd.s32 $0xA000, s24;
	[dreg:$0x12] =	wrdreg s22  }
0x1a: {  	s10 =	simm.s32 $0x50;
	s25 =	sadd.s32 $0xC800, s24;
	[dreg:$0x13] =	wrdreg s23  }
0x1b: {  	s14 =	simm.s32 $0xC;
	s26 =	sadd.s32 $0xF000, s24;
	[dreg:$0x14] =	wrdreg s25  }
0x1c: {  	s16 =	simm.s32 $0x9;
	s30 =	sadd.s32 $0x11800, s24;
	[dreg:$0x15] =	wrdreg s26  }
0x1d: {  	[dreg:$0x16] =	wrdreg s30;
	s22 =	simm.s32 $0x400;
	s23 =	simm.s32 $0x3  }
0x1e: {  	v0 =	vimm.f32 $0.0e+00;
	s25 =	simm.s32 $0xB;
	s26 =	simm.s32 $0x5;
	s20 =	simm.s32 $0xE  }
.LBB2_1:
0x1f: {  	[dreg:$0x17] =	wrdreg s3;
	s0 =	simm.s32 $0x0;
	s3 =	simm.s32 $0x200  }
.LBB2_2:
0x20: {  	p0 =	sne.s32 s3, $0x9E00;
	[tilespmem:s0+$0x4F0] =	vst v0  }
0x21: {  	[tilespmem:s0+$0x480] =	vst v0  }
0x22: {  	[tilespmem:s0+$0x490] =	vst v0  }
.Ltmp0:
0x23: {  	[tilespmem:s0+$0x4A0] =	vst v0;
	(pc) =	sbr.rel @p0 .LBB2_2-.Ltmp0, $4  }
0x24: {  	[tilespmem:s0+$0x4B0] =	vst v0  }
0x25: {  	[tilespmem:s0+$0x4C0] =	vst v0  }
0x26: {  	[tilespmem:s0+$0x4D0] =	vst v0  }
0x27: {  	[tilespmem:s0+$0x4E0] =	vst v0;
	s0 =	sshra.s32 s3, $0x2;
	s3 =	sadd.s32 $0x200, s3  }
0x28: {  	[tilespmem:s0+$0x4F0] =	vst v0  }
0x29: {  	[tilespmem:s0+$0x480] =	vst v0  }
0x2a: {  	[tilespmem:s0+$0x490] =	vst v0  }
0x2b: {  	[tilespmem:s0+$0x4A0] =	vst v0  }
0x2c: {  	[tilespmem:s0+$0x4B0] =	vst v0  }
0x2d: {  	[tilespmem:s0+$0x4C0] =	vst v0  }
0x2e: {  	[tilespmem:s0+$0x4D0] =	vst v0  }
0x2f: {  	[tilespmem:s0+$0x4E0] =	vst v0  }
0x30: {  	[spmem:s24] =	stream.linear.scatter [tilespmem:s28], [sflag:$0x10], $0x2800, $0x38;
	[tilespmem:$0x1B500] =	vst v63  }
0x31: {  	_ =	swait.ge [sflag:s12], $0x2800  }
0x32: {  	[sflag:s12] =	ssyncset.done $0x0  }
0x33: {  	s30 =	rddreg [dreg:$0x10];
	[sflag:s12] =	ssyncadd.s32 $0xFFFFD800  }
0x34: {  	[spmem:s30] =	stream.linear.scatter [tilespmem:s28], [sflag:$0x10], $0x2800, $0x38;
	[tilespmem:$0x1B500] =	vst v63  }
0x35: {  	_ =	swait.ge [sflag:s12], $0x2800  }
0x36: {  	[sflag:s12] =	ssyncset.done $0x0  }
0x37: {  	s3 =	rddreg [dreg:$0x11];
	[sflag:s12] =	ssyncadd.s32 $0xFFFFD800  }
0x38: {  	[spmem:s3] =	stream.linear.scatter [tilespmem:s28], [sflag:$0x10], $0x2800, $0x38;
	[tilespmem:$0x1B500] =	vst v63  }
0x39: {  	_ =	swait.ge [sflag:s12], $0x2800  }
0x3a: {  	[sflag:s12] =	ssyncset.done $0x0  }
0x3b: {  	s21 =	rddreg [dreg:$0x12];
	[sflag:s12] =	ssyncadd.s32 $0xFFFFD800  }
0x3c: {  	[spmem:s21] =	stream.linear.scatter [tilespmem:s28], [sflag:$0x10], $0x2800, $0x38;
	[tilespmem:$0x1B500] =	vst v63  }
0x3d: {  	_ =	swait.ge [sflag:s12], $0x2800  }
0x3e: {  	[sflag:s12] =	ssyncset.done $0x0  }
0x3f: {  	s24 =	rddreg [dreg:$0x13];
	[sflag:s12] =	ssyncadd.s32 $0xFFFFD800  }
0x40: {  	[spmem:s24] =	stream.linear.scatter [tilespmem:s28], [sflag:$0x10], $0x2800, $0x38;
	[tilespmem:$0x1B500] =	vst v63  }
0x41: {  	_ =	swait.ge [sflag:s12], $0x2800  }
0x42: {  	[sflag:s12] =	ssyncset.done $0x0  }
0x43: {  	s30 =	rddreg [dreg:$0x14];
	[sflag:s12] =	ssyncadd.s32 $0xFFFFD800  }
0x44: {  	[spmem:s30] =	stream.linear.scatter [tilespmem:s28], [sflag:$0x10], $0x2800, $0x38;
	[tilespmem:$0x1B500] =	vst v63  }
0x45: {  	_ =	swait.ge [sflag:s12], $0x2800  }
0x46: {  	[sflag:s12] =	ssyncset.done $0x0  }
0x47: {  	s3 =	rddreg [dreg:$0x15];
	[sflag:s12] =	ssyncadd.s32 $0xFFFFD800  }
0x48: {  	[spmem:s3] =	stream.linear.scatter [tilespmem:s28], [sflag:$0x10], $0x2800, $0x38;
	[tilespmem:$0x1B500] =	vst v63  }
0x49: {  	_ =	swait.ge [sflag:s12], $0x2800  }
0x4a: {  	[sflag:s12] =	ssyncset.done $0x0  }
0x4b: {  	s21 =	rddreg [dreg:$0x16];
	[sflag:s12] =	ssyncadd.s32 $0xFFFFD800  }
0x4c: {  	[spmem:s21] =	stream.linear.scatter [tilespmem:s28], [sflag:$0x10], $0x2800, $0x38;
	[tilespmem:$0x1B500] =	vst v63  }
0x4d: {  	_ =	swait.ge [sflag:s12], $0x2800  }
0x4e: {  	[sflag:s12] =	ssyncset.done $0x0  }
0x4f: {  	[sflag:s12] =	ssyncadd.s32 $0xFFFFD800  }
0x50: {  	[bflag:$0x0] =	sbarrier.arrive $0xFFFF  }
0x51: {  	s21 =	simm.s32 $0x0;
	s24 =	rddreg [dreg:$0x4]  }
0x52: {  	[tilespmem:s21], [sflag:$0x1] =	stream.linear.gather [hbm4b:s24+s21], $0x50, $0x38;
	[tilespmem:$0x1B500] =	vst v63  }
0x53: {  	s3 =	simm.s32 $0x180;
	s30 =	rddreg [dreg:$0x5]  }
0x54: {  	[tilespmem:s3], [sflag:$0x4] =	stream.linear.gather [hbm4b:s30+s21], $0x50, $0x38;
	[tilespmem:$0x1B500] =	vst v63  }
0x55: {  	s3 =	rddreg [dreg:$0x6]  }
0x56: {  	[tilespmem:s31], [sflag:$0x7] =	stream.linear.gather [hbm4b:s3+s21], $0x50, $0x38;
	[tilespmem:$0x1B500] =	vst v63  }
0x57: {  	s12 =	rddreg [dreg:$0x7];
	s3 =	simm.s32 $0x80  }
0x58: {  	[tilespmem:s3], [sflag:$0x2] =	stream.linear.gather [hbm4b:s12+s21], $0x50, $0x38;
	[tilespmem:$0x1B500] =	vst v63  }
0x59: {  	s24 =	rddreg [dreg:$0x8];
	s30 =	simm.s32 $0x200  }
0x5a: {  	[tilespmem:s30], [sflag:$0x5] =	stream.linear.gather [hbm4b:s24+s21], $0x50, $0x38;
	[tilespmem:$0x1B500] =	vst v63  }
0x5b: {  	s24 =	rddreg [dreg:$0x9]  }
0x5c: {  	[tilespmem:s8], [sflag:$0x8] =	stream.linear.gather [hbm4b:s24+s21], $0x50, $0x38;
	[tilespmem:$0x1B500] =	vst v63  }
0x5d: {  	_ =	swait.ge [sflag:s9], $0x50  }
0x5e: {  	[sflag:s9] =	ssyncset.done $0x0  }
0x5f: {  	[sflag:s9] =	ssyncadd.s32 $0xFFFFFFB0  }
0x60: {  	[tilespmem:s28], [sflag:$0xA] =	stream.indirect.gather [hbm4b:s5+s10], $0x80, s21, s10, $0xb8;
	[tilespmem:$0x1B500] =	vst v63  }
0x61: {  	_ =	swait.ge [sflag:s11], $0x50  }
0x62: {  	[sflag:s11] =	ssyncset.done $0x0  }
0x63: {  	s30 =	simm.s32 $0x2C80;
	s24 =	simm.s32 $0x0;
	[sflag:s11] =	ssyncadd.s32 $0xFFFFFFB0  }
0x64: {  	[tilespmem:s30], [sflag:$0xB] =	stream.indirect.gather [hbm4b:s5+s10], $0x80, s3, s10, $0xb8;
	[tilespmem:$0x1B500] =	vst v63  }
.LBB2_4:
0x65: {  	_ =	swait.ge [sflag:s13], $0x2800  }
0x66: {  	[sflag:s13] =	ssyncset.done $0x0  }
0x67: {  	[sflag:s13] =	ssyncadd.s32 $0xFFFFD800  }
0x68: {  	_ =	swait.ge [sflag:s17], $0x50  }
0x69: {  	[sflag:s17] =	ssyncset.done $0x0  }
0x6a: {  	[sflag:s17] =	ssyncadd.s32 $0xFFFFFFB0  }
0x6b: {  	s0 =	simm.s32 $0x0;
	_ =	swait.ge [sflag:s19], $0x50  }
0x6c: {  	v1 =	vmov s0;
	[sflag:s19] =	ssyncset.done $0x0  }
0x6d: {  	s0 =	simm.s32 $0x4C0;
	[sflag:s19] =	ssyncadd.s32 $0xFFFFFFB0  }
0x6e: {  	v5 =	vld [tilespmem:s0+$0x30]  }
0x6f: {  	v8 =	vld [tilespmem:s0+$0x10]  }
0x70: {  	v6 =	vld [tilespmem:s0+$0xFFFFFFC0]  }
0x71: {  	v2 =	vld.idx.msk [tilespmem:v1+s31+$0x0], $0xffff  }
0x72: {  	v10 =	vld [tilespmem:s0+$0xFFFFFFE0]  }
0x73: {  	v1 =	vld [tilespmem:s0+$0xFFFFFFF0]  }
0x74: {  	v3 =	vld [tilespmem:s0+$0x20]  }
0x75: {  	v4 =	vld [tilespmem:s0+$0xFFFFFFD0]  }
0x76: {  	v9 =	vmul.f32 v5, v2;
	v5 =	vld [tilespmem:s0+$0x0]  }
0x77: {  	v7 =	vmul.f32 v6, v2  }
0x78: {  	s30 =	simm.s32 $0x1;
	s3 =	simm.s32 $0x4C0;
	v6 =	vmul.f32 v10, v2;
	v8 =	vmul.f32 v8, v2  }
.LBB2_5:
0x79: {  	p0 =	sne.s32 s30, $0x4F  }
0x7a: {  	v4 =	vmul.f32 v4, v2;
	v3 =	vmul.f32 v3, v2;
	[tilespmem:s0+$0x30] =	vst v9;
	s3 =	sadd.s32 $0x80, s3;
	s12 =	smov.u32 s30;
	s30 =	sadd.s32 $0x1, s30  }
0x7b: {  	[tilespmem:s0+$0xFFFFFFC0] =	vst v7;
	v7 =	vmul.f32 v1, v2;
	v2 =	vmul.f32 v5, v2  }
0x7c: {  	[tilespmem:s0+$0x10] =	vst v8  }
0x7d: {  	v5 =	vmov s12;
	[tilespmem:s0+$0xFFFFFFE0] =	vst v6  }
0x7e: {  	v1 =	vld [tilespmem:s3+$0xFFFFFFF0];
	[tilespmem:s0+$0xFFFFFFF0] =	vst v7  }
0x7f: {  	v6 =	vld [tilespmem:s3+$0x30];
	[tilespmem:s0+$0x0] =	vst v2  }
0x80: {  	v8 =	vld [tilespmem:s3+$0x10];
	[tilespmem:s0+$0x20] =	vst v3  }
0x81: {  	v7 =	vld [tilespmem:s3+$0xFFFFFFC0];
	[tilespmem:s0+$0xFFFFFFD0] =	vst v4;
	s0 =	smov.u32 s3  }
0x82: {  	v2 =	vld.idx.msk [tilespmem:v5+s31+$0x0], $0xffff  }
0x83: {  	v10 =	vld [tilespmem:s3+$0xFFFFFFE0]  }
0x84: {  	v3 =	vld [tilespmem:s3+$0x20]  }
.Ltmp1:
0x85: {  	v4 =	vld [tilespmem:s3+$0xFFFFFFD0];
	(pc) =	sbr.rel @p0 .LBB2_5-.Ltmp1, $3  }
0x86: {  	v5 =	vld [tilespmem:s3+$0x0];
	_ =	sdelay $0x1  }
0x87: {  	v7 =	vmul.f32 v7, v2;
	v9 =	vmul.f32 v6, v2  }
0x88: {  	v8 =	vmul.f32 v8, v2;
	v6 =	vmul.f32 v10, v2  }
0x89: {  	[tilespmem:s0+$0x30] =	vst v9  }
0x8a: {  	[tilespmem:s0+$0xFFFFFFC0] =	vst v7  }
0x8b: {  	v1 =	vmul.f32 v1, v2;
	[tilespmem:s0+$0x10] =	vst v8  }
0x8c: {  	v3 =	vmul.f32 v3, v2;
	[tilespmem:s0+$0xFFFFFFE0] =	vst v6  }
0x8d: {  	v5 =	vmul.f32 v5, v2;
	[tilespmem:s0+$0xFFFFFFF0] =	vst v1  }
0x8e: {  	v1 =	vmul.f32 v4, v2;
	[tilespmem:s0+$0x20] =	vst v3  }
0x8f: {  	p0 =	seq.s32 s24, $0x0;
	[tilespmem:s0+$0x0] =	vst v5  }
0x90: {  	[tilespmem:s0+$0xFFFFFFD0] =	vst v1;
	s0 =	simm.s32 @!p0 $0xF  }
0x91: {  	s30 =	smul.u32 $0xF0, s24;
	_ =	swait.ge @!p0 [sflag:s0], $0x2800  }
0x92: {  	s3 =	rddreg [dreg:$0xa]  }
0x93: {  	s3 =	sadd.s32 s30, s3  }
0x94: {  	s12 =	simm.s32 $0x0;
	[sflag:s0] =	ssyncset.done @!p0 $0x0;
	s3 =	sshrl.u32 s3, $0x3  }
0x95: {  	s21 =	simm.s32 $0x100;
	[sflag:s0] =	ssyncadd.s32 @!p0 $0xFFFFD800;
	s0 =	sadd.s32 s6, s3  }
0x96: {  	[tilespmem:s21], [sflag:$0x3] =	stream.linear.gather [hbm4b:s0+s12], $0x50, $0x38;
	[tilespmem:$0x1B500] =	vst v63  }
0x97: {  	s28 =	simm.s32 $0x280;
	s0 =	sadd.s32 s7, s3  }
0x98: {  	[tilespmem:s28], [sflag:$0x6] =	stream.linear.gather [hbm4b:s0+s12], $0x50, $0x38;
	[tilespmem:$0x1B500] =	vst v63  }
0x99: {  	s3 =	sadd.s32 s1, s3  }
0x9a: {  	[tilespmem:s22], [sflag:$0x9] =	stream.linear.gather [hbm4b:s3+s12], $0x50, $0x38;
	[tilespmem:$0x1B500] =	vst v63  }
0x9b: {  	_ =	swait.ge [sflag:s23], $0x50  }
0x9c: {  	[sflag:s23] =	ssyncset.done $0x0  }
0x9d: {  	s3 =	simm.s32 $0x5480;
	[sflag:s23] =	ssyncadd.s32 $0xFFFFFFB0  }
0x9e: {  	[tilespmem:s3], [sflag:$0xC] =	stream.indirect.gather [hbm4b:s5+s10], $0x80, s21, s10, $0xb8;
	[tilespmem:$0x1B500] =	vst v63  }
0x9f: {  	s28 =	simm.s32 $0x480;
	s21 =	simm.s32 $0x180  }
0xa0: {  	[spmem:s2] =	stream.indirect.scatter.add.f32 [tilespmem:s28], [sflag:$0xD], $0x80, s21, s10, $0xb8;
	[tilespmem:$0x1B500] =	vst v63  }
0xa1: {  	_ =	swait.ge [sflag:s25], $0x2800  }
0xa2: {  	[sflag:s25] =	ssyncset.done $0x0  }
0xa3: {  	[sflag:s25] =	ssyncadd.s32 $0xFFFFD800  }
0xa4: {  	_ =	swait.ge [sflag:s26], $0x50  }
0xa5: {  	[sflag:s26] =	ssyncset.done $0x0  }
0xa6: {  	[sflag:s26] =	ssyncadd.s32 $0xFFFFFFB0  }
0xa7: {  	_ =	swait.ge [sflag:s18], $0x50  }
0xa8: {  	v1 =	vmov s12;
	[sflag:s18] =	ssyncset.done $0x0  }
0xa9: {  	s0 =	simm.s32 $0x2CC0;
	[sflag:s18] =	ssyncadd.s32 $0xFFFFFFB0  }
0xaa: {  	v5 =	vld [tilespmem:s0+$0x30]  }
0xab: {  	v8 =	vld [tilespmem:s0+$0x10]  }
0xac: {  	v6 =	vld [tilespmem:s0+$0xFFFFFFC0]  }
0xad: {  	v2 =	vld.idx.msk [tilespmem:v1+s8+$0x0], $0xffff  }
0xae: {  	v10 =	vld [tilespmem:s0+$0xFFFFFFE0]  }
0xaf: {  	v1 =	vld [tilespmem:s0+$0xFFFFFFF0]  }
0xb0: {  	v3 =	vld [tilespmem:s0+$0x20]  }
0xb1: {  	v4 =	vld [tilespmem:s0+$0xFFFFFFD0]  }
0xb2: {  	v9 =	vmul.f32 v5, v2;
	v5 =	vld [tilespmem:s0+$0x0]  }
0xb3: {  	v7 =	vmul.f32 v6, v2  }
0xb4: {  	s12 =	simm.s32 $0x2CC0;
	s3 =	simm.s32 $0x1;
	v6 =	vmul.f32 v10, v2;
	v8 =	vmul.f32 v8, v2  }
.LBB2_7:
0xb5: {  	p0 =	sne.s32 s3, $0x4F  }
0xb6: {  	v4 =	vmul.f32 v4, v2;
	v3 =	vmul.f32 v3, v2;
	[tilespmem:s0+$0x30] =	vst v9;
	s12 =	sadd.s32 $0x80, s12;
	s21 =	smov.u32 s3;
	s3 =	sadd.s32 $0x1, s3  }
0xb7: {  	[tilespmem:s0+$0xFFFFFFC0] =	vst v7;
	v7 =	vmul.f32 v1, v2;
	v2 =	vmul.f32 v5, v2  }
0xb8: {  	[tilespmem:s0+$0x10] =	vst v8  }
0xb9: {  	v5 =	vmov s21;
	[tilespmem:s0+$0xFFFFFFE0] =	vst v6  }
0xba: {  	v1 =	vld [tilespmem:s12+$0xFFFFFFF0];
	[tilespmem:s0+$0xFFFFFFF0] =	vst v7  }
0xbb: {  	v6 =	vld [tilespmem:s12+$0x30];
	[tilespmem:s0+$0x0] =	vst v2  }
0xbc: {  	v8 =	vld [tilespmem:s12+$0x10];
	[tilespmem:s0+$0x20] =	vst v3  }
0xbd: {  	v7 =	vld [tilespmem:s12+$0xFFFFFFC0];
	[tilespmem:s0+$0xFFFFFFD0] =	vst v4;
	s0 =	smov.u32 s12  }
0xbe: {  	v2 =	vld.idx.msk [tilespmem:v5+s8+$0x0], $0xffff  }
0xbf: {  	v10 =	vld [tilespmem:s12+$0xFFFFFFE0]  }
0xc0: {  	v3 =	vld [tilespmem:s12+$0x20]  }
.Ltmp2:
0xc1: {  	v4 =	vld [tilespmem:s12+$0xFFFFFFD0];
	(pc) =	sbr.rel @p0 .LBB2_7-.Ltmp2, $3  }
0xc2: {  	v5 =	vld [tilespmem:s12+$0x0];
	_ =	sdelay $0x1  }
0xc3: {  	v7 =	vmul.f32 v7, v2;
	v9 =	vmul.f32 v6, v2  }
0xc4: {  	v8 =	vmul.f32 v8, v2;
	v6 =	vmul.f32 v10, v2  }
0xc5: {  	[tilespmem:s0+$0x30] =	vst v9  }
0xc6: {  	[tilespmem:s0+$0xFFFFFFC0] =	vst v7  }
0xc7: {  	v1 =	vmul.f32 v1, v2;
	[tilespmem:s0+$0x10] =	vst v8  }
0xc8: {  	v3 =	vmul.f32 v3, v2;
	[tilespmem:s0+$0xFFFFFFE0] =	vst v6  }
0xc9: {  	v5 =	vmul.f32 v5, v2;
	[tilespmem:s0+$0xFFFFFFF0] =	vst v1  }
0xca: {  	v1 =	vmul.f32 v4, v2;
	[tilespmem:s0+$0x20] =	vst v3  }
0xcb: {  	[tilespmem:s0+$0x0] =	vst v5  }
0xcc: {  	[tilespmem:s0+$0xFFFFFFD0] =	vst v1  }
0xcd: {  	_ =	swait.ge [sflag:s29], $0x2800  }
0xce: {  	s21 =	rddreg [dreg:$0xb]  }
0xcf: {  	s0 =	sadd.s32 s30, s21  }
0xd0: {  	[sflag:s29] =	ssyncset.done $0x0;
	s0 =	sshrl.u32 s0, $0x3  }
0xd1: {  	s12 =	simm.s32 $0x0;
	[sflag:s29] =	ssyncadd.s32 $0xFFFFD800;
	s3 =	sadd.s32 s6, s0  }
0xd2: {  	[tilespmem:s12], [sflag:$0x1] =	stream.linear.gather [hbm4b:s3+s12], $0x50, $0x38;
	[tilespmem:$0x1B500] =	vst v63  }
0xd3: {  	s21 =	simm.s32 $0x180;
	s3 =	sadd.s32 s7, s0  }
0xd4: {  	[tilespmem:s21], [sflag:$0x4] =	stream.linear.gather [hbm4b:s3+s12], $0x50, $0x38;
	[tilespmem:$0x1B500] =	vst v63  }
0xd5: {  	s0 =	sadd.s32 s1, s0  }
0xd6: {  	[tilespmem:s31], [sflag:$0x7] =	stream.linear.gather [hbm4b:s0+s12], $0x50, $0x38;
	[tilespmem:$0x1B500] =	vst v63  }
0xd7: {  	_ =	swait.ge [sflag:s9], $0x50  }
0xd8: {  	[sflag:s9] =	ssyncset.done $0x0  }
0xd9: {  	[sflag:s9] =	ssyncadd.s32 $0xFFFFFFB0  }
0xda: {  	[tilespmem:s28], [sflag:$0xA] =	stream.indirect.gather [hbm4b:s5+s10], $0x80, s12, s10, $0xb8;
	[tilespmem:$0x1B500] =	vst v63  }
0xdb: {  	s3 =	simm.s32 $0x200;
	s21 =	simm.s32 $0x2C80  }
0xdc: {  	[spmem:s2] =	stream.indirect.scatter.add.f32 [tilespmem:s21], [sflag:$0xE], $0x80, s3, s10, $0xb8;
	[tilespmem:$0x1B500] =	vst v63  }
0xdd: {  	_ =	swait.ge [sflag:s14], $0x2800  }
0xde: {  	[sflag:s14] =	ssyncset.done $0x0  }
0xdf: {  	[sflag:s14] =	ssyncadd.s32 $0xFFFFD800  }
0xe0: {  	_ =	swait.ge [sflag:s15], $0x50  }
0xe1: {  	[sflag:s15] =	ssyncset.done $0x0  }
0xe2: {  	[sflag:s15] =	ssyncadd.s32 $0xFFFFFFB0  }
0xe3: {  	_ =	swait.ge [sflag:s16], $0x50  }
0xe4: {  	v1 =	vmov s12;
	[sflag:s16] =	ssyncset.done $0x0  }
0xe5: {  	s0 =	simm.s32 $0x54C0;
	[sflag:s16] =	ssyncadd.s32 $0xFFFFFFB0  }
0xe6: {  	v5 =	vld [tilespmem:s0+$0x30]  }
0xe7: {  	v8 =	vld [tilespmem:s0+$0x10]  }
0xe8: {  	v6 =	vld [tilespmem:s0+$0xFFFFFFC0]  }
0xe9: {  	v2 =	vld.idx.msk [tilespmem:v1+s22+$0x0], $0xffff  }
0xea: {  	v10 =	vld [tilespmem:s0+$0xFFFFFFE0]  }
0xeb: {  	v1 =	vld [tilespmem:s0+$0xFFFFFFF0]  }
0xec: {  	v3 =	vld [tilespmem:s0+$0x20]  }
0xed: {  	v4 =	vld [tilespmem:s0+$0xFFFFFFD0]  }
0xee: {  	v9 =	vmul.f32 v5, v2;
	v5 =	vld [tilespmem:s0+$0x0]  }
0xef: {  	v7 =	vmul.f32 v6, v2  }
0xf0: {  	s12 =	simm.s32 $0x54C0;
	s3 =	simm.s32 $0x1;
	v6 =	vmul.f32 v10, v2;
	v8 =	vmul.f32 v8, v2  }
.LBB2_9:
0xf1: {  	p0 =	sne.s32 s3, $0x4F  }
0xf2: {  	v4 =	vmul.f32 v4, v2;
	v3 =	vmul.f32 v3, v2;
	[tilespmem:s0+$0x30] =	vst v9;
	s12 =	sadd.s32 $0x80, s12;
	s21 =	smov.u32 s3;
	s3 =	sadd.s32 $0x1, s3  }
0xf3: {  	[tilespmem:s0+$0xFFFFFFC0] =	vst v7;
	v7 =	vmul.f32 v1, v2;
	v2 =	vmul.f32 v5, v2  }
0xf4: {  	[tilespmem:s0+$0x10] =	vst v8  }
0xf5: {  	v5 =	vmov s21;
	[tilespmem:s0+$0xFFFFFFE0] =	vst v6  }
0xf6: {  	v1 =	vld [tilespmem:s12+$0xFFFFFFF0];
	[tilespmem:s0+$0xFFFFFFF0] =	vst v7  }
0xf7: {  	v6 =	vld [tilespmem:s12+$0x30];
	[tilespmem:s0+$0x0] =	vst v2  }
0xf8: {  	v8 =	vld [tilespmem:s12+$0x10];
	[tilespmem:s0+$0x20] =	vst v3  }
0xf9: {  	v7 =	vld [tilespmem:s12+$0xFFFFFFC0];
	[tilespmem:s0+$0xFFFFFFD0] =	vst v4;
	s0 =	smov.u32 s12  }
0xfa: {  	v2 =	vld.idx.msk [tilespmem:v5+s22+$0x0], $0xffff  }
0xfb: {  	v10 =	vld [tilespmem:s12+$0xFFFFFFE0]  }
0xfc: {  	v3 =	vld [tilespmem:s12+$0x20]  }
.Ltmp3:
0xfd: {  	v4 =	vld [tilespmem:s12+$0xFFFFFFD0];
	(pc) =	sbr.rel @p0 .LBB2_9-.Ltmp3, $3  }
0xfe: {  	v5 =	vld [tilespmem:s12+$0x0];
	_ =	sdelay $0x1  }
0xff: {  	v7 =	vmul.f32 v7, v2;
	v9 =	vmul.f32 v6, v2  }
0x100: {  	v8 =	vmul.f32 v8, v2;
	v6 =	vmul.f32 v10, v2  }
0x101: {  	[tilespmem:s0+$0x30] =	vst v9  }
0x102: {  	[tilespmem:s0+$0xFFFFFFC0] =	vst v7  }
0x103: {  	v1 =	vmul.f32 v1, v2;
	[tilespmem:s0+$0x10] =	vst v8  }
0x104: {  	v3 =	vmul.f32 v3, v2;
	[tilespmem:s0+$0xFFFFFFE0] =	vst v6  }
0x105: {  	v5 =	vmul.f32 v5, v2;
	[tilespmem:s0+$0xFFFFFFF0] =	vst v1  }
0x106: {  	v1 =	vmul.f32 v4, v2;
	[tilespmem:s0+$0x20] =	vst v3  }
0x107: {  	[tilespmem:s0+$0x0] =	vst v5  }
0x108: {  	[tilespmem:s0+$0xFFFFFFD0] =	vst v1  }
0x109: {  	_ =	swait.ge [sflag:s20], $0x2800  }
0x10a: {  	s21 =	rddreg [dreg:$0xc]  }
0x10b: {  	s0 =	sadd.s32 s30, s21  }
0x10c: {  	[sflag:s20] =	ssyncset.done $0x0;
	s0 =	sshrl.u32 s0, $0x3  }
0x10d: {  	s12 =	simm.s32 $0x80;
	[sflag:s20] =	ssyncadd.s32 $0xFFFFD800;
	s3 =	sadd.s32 s6, s0  }
0x10e: {  	[tilespmem:s12], [sflag:$0x2] =	stream.linear.gather [hbm4b:s3+s4], $0x50, $0x38;
	[tilespmem:$0x1B500] =	vst v63  }
0x10f: {  	s21 =	simm.s32 $0x200;
	s30 =	sadd.s32 s7, s0  }
0x110: {  	[tilespmem:s21], [sflag:$0x5] =	stream.linear.gather [hbm4b:s30+s4], $0x50, $0x38;
	[tilespmem:$0x1B500] =	vst v63  }
0x111: {  	s24 =	sadd.s32 $0x1, s24;
	s0 =	sadd.s32 s1, s0  }
0x112: {  	[tilespmem:s8], [sflag:$0x8] =	stream.linear.gather [hbm4b:s0+s4], $0x50, $0x38;
	[tilespmem:$0x1B500] =	vst v63  }
0x113: {  	p0 =	sne.s32 s24, $0x29;
	_ =	swait.ge [sflag:s11], $0x50  }
.Ltmp4:
0x114: {  	[sflag:s11] =	ssyncset.done $0x0;
	(pc) =	sbr.rel @p0 .LBB2_4-.Ltmp4, $4  }
0x115: {  	s3 =	simm.s32 $0x2C80;
	[sflag:s11] =	ssyncadd.s32 $0xFFFFFFB0  }
0x116: {  	[tilespmem:s3], [sflag:$0xB] =	stream.indirect.gather [hbm4b:s5+s10], $0x80, s12, s10, $0xb8;
	[tilespmem:$0x1B500] =	vst v63  }
0x117: {  	s21 =	simm.s32 $0x280;
	s30 =	simm.s32 $0x5480  }
0x118: {  	[spmem:s2] =	stream.indirect.scatter.add.f32 [tilespmem:s30], [sflag:$0xF], $0x80, s21, s10, $0xb8;
	[tilespmem:$0x1B500] =	vst v63  }
0x119: {  	_ =	swait.ge [sflag:s13], $0x2800  }
0x11a: {  	[sflag:s13] =	ssyncset.done $0x0  }
0x11b: {  	[sflag:s13] =	ssyncadd.s32 $0xFFFFD800  }
0x11c: {  	_ =	swait.ge [sflag:s17], $0x50  }
0x11d: {  	[sflag:s17] =	ssyncset.done $0x0  }
0x11e: {  	[sflag:s17] =	ssyncadd.s32 $0xFFFFFFB0  }
0x11f: {  	s0 =	simm.s32 $0x0;
	_ =	swait.ge [sflag:s19], $0x50  }
0x120: {  	v1 =	vmov s0;
	[sflag:s19] =	ssyncset.done $0x0  }
0x121: {  	s0 =	simm.s32 $0x4C0;
	[sflag:s19] =	ssyncadd.s32 $0xFFFFFFB0  }
0x122: {  	v5 =	vld [tilespmem:s0+$0x30]  }
0x123: {  	v8 =	vld [tilespmem:s0+$0x10]  }
0x124: {  	v6 =	vld [tilespmem:s0+$0xFFFFFFC0]  }
0x125: {  	v2 =	vld.idx.msk [tilespmem:v1+s31+$0x0], $0xffff  }
0x126: {  	v10 =	vld [tilespmem:s0+$0xFFFFFFE0]  }
0x127: {  	v1 =	vld [tilespmem:s0+$0xFFFFFFF0]  }
0x128: {  	v3 =	vld [tilespmem:s0+$0x20]  }
0x129: {  	v4 =	vld [tilespmem:s0+$0xFFFFFFD0]  }
0x12a: {  	v9 =	vmul.f32 v5, v2;
	v5 =	vld [tilespmem:s0+$0x0]  }
0x12b: {  	v7 =	vmul.f32 v6, v2  }
0x12c: {  	s3 =	simm.s32 $0x1;
	s12 =	simm.s32 $0x4C0;
	v6 =	vmul.f32 v10, v2;
	v8 =	vmul.f32 v8, v2  }
.LBB2_12:
0x12d: {  	p0 =	sne.s32 s3, $0x4F  }
0x12e: {  	v4 =	vmul.f32 v4, v2;
	v3 =	vmul.f32 v3, v2;
	[tilespmem:s0+$0x30] =	vst v9;
	s12 =	sadd.s32 $0x80, s12;
	s21 =	smov.u32 s3;
	s3 =	sadd.s32 $0x1, s3  }
0x12f: {  	[tilespmem:s0+$0xFFFFFFC0] =	vst v7;
	v7 =	vmul.f32 v1, v2;
	v2 =	vmul.f32 v5, v2  }
0x130: {  	[tilespmem:s0+$0x10] =	vst v8  }
0x131: {  	v5 =	vmov s21;
	[tilespmem:s0+$0xFFFFFFE0] =	vst v6  }
0x132: {  	v1 =	vld [tilespmem:s12+$0xFFFFFFF0];
	[tilespmem:s0+$0xFFFFFFF0] =	vst v7  }
0x133: {  	v6 =	vld [tilespmem:s12+$0x30];
	[tilespmem:s0+$0x0] =	vst v2  }
0x134: {  	v8 =	vld [tilespmem:s12+$0x10];
	[tilespmem:s0+$0x20] =	vst v3  }
0x135: {  	v7 =	vld [tilespmem:s12+$0xFFFFFFC0];
	[tilespmem:s0+$0xFFFFFFD0] =	vst v4;
	s0 =	smov.u32 s12  }
0x136: {  	v2 =	vld.idx.msk [tilespmem:v5+s31+$0x0], $0xffff  }
0x137: {  	v10 =	vld [tilespmem:s12+$0xFFFFFFE0]  }
0x138: {  	v3 =	vld [tilespmem:s12+$0x20]  }
.Ltmp5:
0x139: {  	v4 =	vld [tilespmem:s12+$0xFFFFFFD0];
	(pc) =	sbr.rel @p0 .LBB2_12-.Ltmp5, $3  }
0x13a: {  	v5 =	vld [tilespmem:s12+$0x0];
	_ =	sdelay $0x1  }
0x13b: {  	v7 =	vmul.f32 v7, v2;
	v9 =	vmul.f32 v6, v2  }
0x13c: {  	v8 =	vmul.f32 v8, v2;
	v6 =	vmul.f32 v10, v2  }
0x13d: {  	[tilespmem:s0+$0x30] =	vst v9  }
0x13e: {  	[tilespmem:s0+$0xFFFFFFC0] =	vst v7  }
0x13f: {  	v1 =	vmul.f32 v1, v2;
	[tilespmem:s0+$0x10] =	vst v8  }
0x140: {  	v3 =	vmul.f32 v3, v2;
	[tilespmem:s0+$0xFFFFFFE0] =	vst v6  }
0x141: {  	v5 =	vmul.f32 v5, v2;
	[tilespmem:s0+$0xFFFFFFF0] =	vst v1  }
0x142: {  	v1 =	vmul.f32 v4, v2;
	[tilespmem:s0+$0x20] =	vst v3  }
0x143: {  	[tilespmem:s0+$0x0] =	vst v5  }
0x144: {  	s21 =	simm.s32 $0xF;
	[tilespmem:s0+$0xFFFFFFD0] =	vst v1  }
0x145: {  	_ =	swait.ge [sflag:s21], $0x2800  }
0x146: {  	[sflag:s21] =	ssyncset.done $0x0  }
0x147: {  	s24 =	simm.s32 $0x180;
	[sflag:s21] =	ssyncadd.s32 $0xFFFFD800  }
0x148: {  	[spmem:s2] =	stream.indirect.scatter.add.f32 [tilespmem:s28], [sflag:$0xD], $0x80, s24, s10, $0xb8;
	[tilespmem:$0x1B500] =	vst v63  }
0x149: {  	_ =	swait.ge [sflag:s25], $0x2800  }
0x14a: {  	[sflag:s25] =	ssyncset.done $0x0  }
0x14b: {  	[sflag:s25] =	ssyncadd.s32 $0xFFFFD800  }
0x14c: {  	_ =	swait.ge [sflag:s26], $0x50  }
0x14d: {  	[sflag:s26] =	ssyncset.done $0x0  }
0x14e: {  	[sflag:s26] =	ssyncadd.s32 $0xFFFFFFB0  }
0x14f: {  	s30 =	simm.s32 $0x0;
	_ =	swait.ge [sflag:s18], $0x50  }
0x150: {  	v1 =	vmov s30;
	[sflag:s18] =	ssyncset.done $0x0  }
0x151: {  	s0 =	simm.s32 $0x2CC0;
	[sflag:s18] =	ssyncadd.s32 $0xFFFFFFB0  }
0x152: {  	v5 =	vld [tilespmem:s0+$0x30]  }
0x153: {  	v8 =	vld [tilespmem:s0+$0x10]  }
0x154: {  	v6 =	vld [tilespmem:s0+$0xFFFFFFC0]  }
0x155: {  	v2 =	vld.idx.msk [tilespmem:v1+s8+$0x0], $0xffff  }
0x156: {  	v10 =	vld [tilespmem:s0+$0xFFFFFFE0]  }
0x157: {  	v1 =	vld [tilespmem:s0+$0xFFFFFFF0]  }
0x158: {  	v3 =	vld [tilespmem:s0+$0x20]  }
0x159: {  	v4 =	vld [tilespmem:s0+$0xFFFFFFD0]  }
0x15a: {  	v9 =	vmul.f32 v5, v2;
	v5 =	vld [tilespmem:s0+$0x0]  }
0x15b: {  	v7 =	vmul.f32 v6, v2  }
0x15c: {  	s3 =	simm.s32 $0x1;
	s12 =	simm.s32 $0x2CC0;
	s24 =	rddreg [dreg:$0xe];
	v6 =	vmul.f32 v10, v2;
	v8 =	vmul.f32 v8, v2  }
.LBB2_14:
0x15d: {  	p0 =	sne.s32 s3, $0x4F  }
0x15e: {  	v4 =	vmul.f32 v4, v2;
	v3 =	vmul.f32 v3, v2;
	[tilespmem:s0+$0x30] =	vst v9;
	s12 =	sadd.s32 $0x80, s12;
	s21 =	smov.u32 s3;
	s3 =	sadd.s32 $0x1, s3  }
0x15f: {  	[tilespmem:s0+$0xFFFFFFC0] =	vst v7;
	v7 =	vmul.f32 v1, v2;
	v2 =	vmul.f32 v5, v2  }
0x160: {  	[tilespmem:s0+$0x10] =	vst v8  }
0x161: {  	v5 =	vmov s21;
	[tilespmem:s0+$0xFFFFFFE0] =	vst v6  }
0x162: {  	v1 =	vld [tilespmem:s12+$0xFFFFFFF0];
	[tilespmem:s0+$0xFFFFFFF0] =	vst v7  }
0x163: {  	v6 =	vld [tilespmem:s12+$0x30];
	[tilespmem:s0+$0x0] =	vst v2  }
0x164: {  	v8 =	vld [tilespmem:s12+$0x10];
	[tilespmem:s0+$0x20] =	vst v3  }
0x165: {  	v7 =	vld [tilespmem:s12+$0xFFFFFFC0];
	[tilespmem:s0+$0xFFFFFFD0] =	vst v4;
	s0 =	smov.u32 s12  }
0x166: {  	v2 =	vld.idx.msk [tilespmem:v5+s8+$0x0], $0xffff  }
0x167: {  	v10 =	vld [tilespmem:s12+$0xFFFFFFE0]  }
0x168: {  	v3 =	vld [tilespmem:s12+$0x20]  }
.Ltmp6:
0x169: {  	v4 =	vld [tilespmem:s12+$0xFFFFFFD0];
	(pc) =	sbr.rel @p0 .LBB2_14-.Ltmp6, $3  }
0x16a: {  	v5 =	vld [tilespmem:s12+$0x0];
	_ =	sdelay $0x1  }
0x16b: {  	v7 =	vmul.f32 v7, v2;
	v9 =	vmul.f32 v6, v2  }
0x16c: {  	v8 =	vmul.f32 v8, v2;
	v6 =	vmul.f32 v10, v2  }
0x16d: {  	[tilespmem:s0+$0x30] =	vst v9  }
0x16e: {  	[tilespmem:s0+$0xFFFFFFC0] =	vst v7  }
0x16f: {  	v1 =	vmul.f32 v1, v2;
	[tilespmem:s0+$0x10] =	vst v8  }
0x170: {  	v3 =	vmul.f32 v3, v2;
	[tilespmem:s0+$0xFFFFFFE0] =	vst v6  }
0x171: {  	v5 =	vmul.f32 v5, v2;
	[tilespmem:s0+$0xFFFFFFF0] =	vst v1  }
0x172: {  	v1 =	vmul.f32 v4, v2;
	[tilespmem:s0+$0x20] =	vst v3  }
0x173: {  	[tilespmem:s0+$0x0] =	vst v5  }
0x174: {  	[tilespmem:s0+$0xFFFFFFD0] =	vst v1  }
0x175: {  	_ =	swait.ge [sflag:s29], $0x2800  }
0x176: {  	[sflag:s29] =	ssyncset.done $0x0  }
0x177: {  	s12 =	simm.s32 $0x200;
	s3 =	simm.s32 $0x2C80;
	[sflag:s29] =	ssyncadd.s32 $0xFFFFD800  }
0x178: {  	[spmem:s2] =	stream.indirect.scatter.add.f32 [tilespmem:s3], [sflag:$0xE], $0x80, s12, s10, $0xb8;
	[tilespmem:$0x1B500] =	vst v63  }
0x179: {  	_ =	swait.ge [sflag:s20], $0x2800  }
0x17a: {  	[sflag:s20] =	ssyncset.done $0x0  }
0x17b: {  	s21 =	stileid.u32;
	[sflag:s20] =	ssyncadd.s32 $0xFFFFD800  }
0x17c: {  	s0 =	sshll.u32 s21, $0x6;
	[bflag:$0x0] =	sbarrier.arrive $0xFFFF  }
0x17d: {  	s30 =	sshrl.u32 s24, $0x3;
	s0 =	sor.u32 $0x1C10, s0;
	s12 =	rddreg [dreg:$0xd]  }
0x17e: {  	[hbm:s12], [sflag:s0] =	dma.local [spmem:s30], $0x2800  }
0x17f: {  	s12 =	simm.s32 $0x10  }
0x180: {  	_ =	swait.ge [sflag:s12], $0x2800  }
0x181: {  	s21 =	rddreg [dreg:$0x17]  }
0x182: {  	s30 =	rddreg [dreg:$0xf];
	s3 =	sadd.s32 $0x1, s21  }
0x183: {  	p0 =	sne.s32 s3, s30  }
.Ltmp7:
0x184: {  	_ = 	snop;
	(pc) =	sbr.rel @p0 .LBB2_1-.Ltmp7, $3  }
0x185: {  	_ =	sdelay $0x1  }
0x186: {  	[sflag:s12] =	ssyncset.done $0x0  }
0x187: {  	[sflag:s12] =	ssyncadd.s32 $0xFFFFD800  }
0x188: {  	_ =	sfence.sel $0x180000  }
0x189: {  	[bflag:$0x0] =	sbarrier.arrive $0xFFFF  }
0x18a: {  	_ =	strace $0x9000004D  }
0x18b: {  	s0 =	stileid.u32;
	[bflag:$0x2] =	sbarrier.arrive $0xFFFF  }
0x18c: {  	p0 =	sne.s32 s0, $0x0;
	s0 =	rddreg [dreg:$0x3]  }
0x18d: {  	s0 =	sadd.s32 @!p0 $0x100000, s0  }
0x18e: {  	[sflag:s0] =	ssyncadd.tile.s32 @!p0 $0x1;
	_ =	shalt  }
.Lfunc_end2:
_tile_overlayer_lowered:
.L_overlay_start_2:
0x18f: {  	(tag) =	ssettag $0x2  }
0x190: {  	s0 =	rddreg [dreg:$0x0];
	s2 =	stileid.u32  }
0x191: {  	s1 =	rddreg [dreg:$0x1];
	p0 =	sne.s32 s2, $0x0  }
0x192: {  	s3 =	rddreg [dreg:$0x2];
	[bflag:$0x3] =	sbarrier.arrive $0xFFFF;
	s2 =	simm.s32 @!p0 $0x1C10  }
0x193: {  	[timem:s3], [sflag:s2] =	dma.local @!p0 [hbm:s0], s1  }
0x194: {  	s0 =	simm.s32 @!p0 $0x10  }
0x195: {  	_ =	swait.ge @!p0 [sflag:s0], s1  }
0x196: {  	s1 =	ssub.s32 @!p0 $0x0, s1;
	[sflag:s0] =	ssyncset.done @!p0 $0x0  }
0x197: {  	[sflag:s0] =	ssyncadd.s32 @!p0 s1  }
0x198: {  	[bflag:$0x3] =	sbarrier.arrive $0xFFFF  }
0x199: {  	_ =	shalt  }

// kernel: kernel.20.cloned.1.call-start
scs
__scs_entry_jumppad:
0x0: {  	(pc) =	sbr.rel $0x88, $3  }
0x1: {  	(tag) =	ssettag $0x0;
	lr =	simm.s32 $0x1  }
0x2: {  	[smem:$0x3F98] =	sst lr;
	_ =	strace $0xD0000000  }
0x3: {  	_ = 	snop  }
0x4: {  	_ = 	snop  }
0x5: {  	_ = 	snop  }
0x6: {  	_ = 	snop  }
0x7: {  	_ = 	snop  }
__scs_overlays_trampoline_lowered:
0x8: {  	[smem:$0x3FA7] =	sst s0  }
0x9: {  	[smem:$0x3FA8] =	sst s1  }
0xa: {  	[smem:$0x3FA9] =	sst s2  }
0xb: {  	[smem:$0x3FAA] =	sst s3  }
0xc: {  	[smem:$0x3FAB] =	sst s4  }
0xd: {  	[smem:$0x3FAC] =	sst s5  }
0xe: {  	[smem:$0x3FAD] =	sst s6  }
0xf: {  	[smem:$0x3FAE] =	sst s7  }
0x10: {  	[smem:$0x3FAF] =	sst s8  }
0x11: {  	[smem:$0x3FB0] =	sst s9;
	s0 =	simm.s32 @!p0 $0x0  }
0x12: {  	s1 =	sld [smem:$0x3F96];
	s0 =	simm.s32 @p0 $0x1  }
0x13: {  	[smem:$0x3FB1] =	sst s0;
	s0 =	simm.s32 @!p1 $0x0  }
0x14: {  	s2 =	sld [smem:$0x3F95];
	s0 =	simm.s32 @p1 $0x1  }
0x15: {  	[smem:$0x3FB2] =	sst s0;
	s0 =	simm.s32 @!p2 $0x0  }
0x16: {  	s3 =	sld [smem:$0x3FDB];
	s0 =	simm.s32 @p2 $0x1  }
0x17: {  	s4 =	simm.s32 $0x1BF5;
	[smem:$0x3FB4] =	sst s0  }
0x18: {  	s0 =	sld [smem:$0x3F97];
	_ =	swait.ge [sflag:s4], $0x0  }
0x19: {  	s7 =	sld [smem:$0x3F98]  }
0x1a: {  	s8 =	sadd.s32 $0xFFFFE003, lr  }
0x1b: {  	s9 =	sadd.s32 $0xFFFFFEF7, lr;
	s5 =	simm.s32 $0xFFFFFFFF;
	p2 =	slt.u32 s8, $0xFFFFF086  }
0x1c: {  	p1 =	slt.u32 s9, $0xF7A;
	s5 =	simm.s32 @!p2 $0x0  }
0x1d: {  	s5 =	simm.s32 @p1 $0x1;
	p0 =	seq.s32 s7, s2  }
0x1e: {  	s7 =	smul.u32 @!p0 $0xF7A, s2;
	p2 =	seq.s32 @!p0 s5, $0x0  }
0x1f: {  	s9 =	smul.u32 $0xF7A, s1;
	s8 =	simm.s32 @!p0 $0x1BF5;
	p2 =	por !p2, p0  }
0x20: {  	[sflag:s8] =	ssyncset.s32 @!p0 $0xFFFFF086;
	s6 =	sadd.s32 @!p0 s3, s7;
	s7 =	simm.s32 @!p0 $0x108  }
0x21: {  	s3 =	sadd.s32 s3, s9;
	s6 =	sadd.s32 @!p0 $0x88, s6;
	s7 =	simm.s32 @p2 $0x1082  }
0x22: {  	[simem:s7], [sflag:s8] =	dma.local @!p0 [hbm:s6], $0xF7A  }
0x23: {  	s9 =	sor.u32 $0xD0000000, s2;
	s6 =	simm.s32 $0x108;
	_ =	swait.ge @!p0 [sflag:s8], $0x0  }
0x24: {  	s3 =	sadd.s32 $0x88, s3;
	s6 =	simm.s32 @!p1 $0x1082;
	[sflag:s4] =	ssyncset.s32 $0xFFFFF086  }
0x25: {  	[simem:s6], [sflag:s4] =	dma.local [hbm:s3], $0xF7A  }
0x26: {  	[smem:$0x3F98] =	sst s1;
	(tag) =	ssettag s2;
	_ =	strace s9  }
0x27: {  	s1 =	sld [smem:$0x3FA8]  }
0x28: {  	s2 =	sld [smem:$0x3FA9]  }
0x29: {  	s4 =	sld [smem:$0x3FAB]  }
0x2a: {  	p0 =	seq.s32 s5, $0x0;
	s5 =	sld [smem:$0x3FAC]  }
0x2b: {  	s6 =	sld [smem:$0x3FAD]  }
0x2c: {  	s7 =	sld [smem:$0x3FAE]  }
0x2d: {  	s3 =	simm.s32 $0x108;
	s8 =	sld [smem:$0x3FAF]  }
0x2e: {  	s3 =	simm.s32 @!p0 $0x1082;
	s9 =	sld [smem:$0x3FB0]  }
0x2f: {  	lr =	sadd.s32 s0, s3;
	s0 =	sld [smem:$0x3FA7]  }
0x30: {  	s3 =	sld [smem:$0x3FAA]  }
0x31: {  	[smem:$0x3FB3] =	sst s10  }
0x32: {  	s10 =	sld [smem:$0x3FB1];
	_ =	sdelay $0x3  }
0x33: {  	p0 =	seq.s32 s10, $0x1;
	s10 =	sld [smem:$0x3FB3];
	_ =	sdelay $0x3  }
0x34: {  	[smem:$0x3FB3] =	sst s10  }
0x35: {  	s10 =	sld [smem:$0x3FB2];
	_ =	sdelay $0x3  }
0x36: {  	p1 =	seq.s32 s10, $0x1;
	s10 =	sld [smem:$0x3FB3];
	_ =	sdelay $0x3  }
0x37: {  	[smem:$0x3FB3] =	sst s10  }
0x38: {  	s10 =	sld [smem:$0x3FB4]  }
0x39: {  	_ = 	snop;
	(pc) =	sbr.ind lr, $3  }
0x3a: {  	_ = 	snop  }
0x3b: {  	_ = 	snop  }
0x3c: {  	p2 =	seq.s32 s10, $0x1;
	s10 =	sld [smem:$0x3FB3]  }
0x3d: {  	_ =	shalt  }
0x3e: {  	_ =	shalt  }
0x3f: {  	_ =	shalt  }
0x40: {  	_ =	shalt  }
0x41: {  	_ =	shalt  }
0x42: {  	_ =	shalt  }
0x43: {  	_ =	shalt  }
0x44: {  	_ =	shalt  }
0x45: {  	_ =	shalt  }
0x46: {  	_ =	shalt  }
0x47: {  	_ =	shalt  }
0x48: {  	_ =	shalt  }
0x49: {  	_ =	shalt  }
0x4a: {  	_ =	shalt  }
0x4b: {  	_ =	shalt  }
0x4c: {  	_ =	shalt  }
0x4d: {  	_ =	shalt  }
0x4e: {  	_ =	shalt  }
0x4f: {  	_ =	shalt  }
0x50: {  	_ =	shalt  }
0x51: {  	_ =	shalt  }
0x52: {  	_ =	shalt  }
0x53: {  	_ =	shalt  }
0x54: {  	_ =	shalt  }
0x55: {  	_ =	shalt  }
0x56: {  	_ =	shalt  }
0x57: {  	_ =	shalt  }
0x58: {  	_ =	shalt  }
0x59: {  	_ =	shalt  }
0x5a: {  	_ =	shalt  }
0x5b: {  	_ =	shalt  }
0x5c: {  	_ =	shalt  }
0x5d: {  	_ =	shalt  }
0x5e: {  	_ =	shalt  }
0x5f: {  	_ =	shalt  }
0x60: {  	_ =	shalt  }
0x61: {  	_ =	shalt  }
0x62: {  	_ =	shalt  }
0x63: {  	_ =	shalt  }
0x64: {  	_ =	shalt  }
0x65: {  	_ =	shalt  }
0x66: {  	_ =	shalt  }
0x67: {  	_ =	shalt  }
0x68: {  	_ =	shalt  }
0x69: {  	_ =	shalt  }
0x6a: {  	_ =	shalt  }
0x6b: {  	_ =	shalt  }
0x6c: {  	_ =	shalt  }
0x6d: {  	_ =	shalt  }
0x6e: {  	_ =	shalt  }
0x6f: {  	_ =	shalt  }
0x70: {  	_ =	shalt  }
0x71: {  	_ =	shalt  }
0x72: {  	_ =	shalt  }
0x73: {  	_ =	shalt  }
0x74: {  	_ =	shalt  }
0x75: {  	_ =	shalt  }
0x76: {  	_ =	shalt  }
0x77: {  	_ =	shalt  }
0x78: {  	_ =	shalt  }
0x79: {  	_ =	shalt  }
0x7a: {  	_ =	shalt  }
0x7b: {  	_ =	shalt  }
0x7c: {  	_ =	shalt  }
0x7d: {  	_ =	shalt  }
0x7e: {  	_ =	shalt  }
0x7f: {  	_ =	shalt  }
0x80: {  	_ =	shalt  }
0x81: {  	_ =	shalt  }
0x82: {  	_ =	shalt  }
0x83: {  	_ =	shalt  }
0x84: {  	_ =	shalt  }
0x85: {  	_ =	shalt  }
0x86: {  	_ =	shalt  }
0x87: {  	_ =	shalt  }
.Lfunc_end0:
.L_simem_size_0:
called_computation.3_lowered:
.L_overlay_start_0:
0x88: {  	s2 =	sld [smem:$0x3FD9]  }
0x89: {  	s3 =	sld [smem:$0x3FFE];
	_ =	sdelay $0x1  }
0x8a: {  	s1 =	srdreg.scid  }
0x8b: {  	s0 =	sand.u32 $0x1, s1  }
0x8c: {  	s17 =	sshll.u32 s0, $0xA;
	s2 =	sadd.s32 s3, s2  }
0x8d: {  	s2 =	sadd.s32 s2, s17  }
0x8e: {  	[smem:$0x3FBF] =	sst s2  }
0x8f: {  	_ = 	snop  }
0x90: {  	s2 =	sld [smem:$0x3FC7];
	(tm) =	ssettm $0x1  }
0x91: {  	s18 =	sld [smem:$0x3FFB];
	_ =	sdelay $0x3  }
0x92: {  	_ =	strace s18  }
0x93: {  	s3 =	sld [smem:$0x3FFC];
	_ =	sdelay $0x3  }
0x94: {  	_ =	strace s3  }
0x95: {  	s3 =	sld [smem:$0x3FFD];
	_ =	sdelay $0x3  }
0x96: {  	_ =	strace s3  }
0x97: {  	_ =	strace $0x8FFFFFFF  }
0x98: {  	s19 =	sld [smem:$0x3FDB];
	_ =	sdelay $0x1  }
0x99: {  	s4 =	simm.s32 $_scs_section_size  }
0x9a: {  	s5 =	simm.s32 $_size__tile_overlayer_lowered;
	s6 =	simm.s32 $_tile_overlayer_lowered  }
0x9b: {  	s22 =	simm.s32 $0x1BFF;
	s21 =	sshll.u32 s6, $0x1;
	s3 =	sadd.s32 s4, s19  }
0x9c: {  	s7 =	simm.s32 $0x0;
	s20 =	sshll.u32 s5, $0x1;
	s5 =	sadd.s32 s21, s3  }
0x9d: {  	[timem:s7], [sflag:s22] =	dma.local [hbm:s5], s20  }
0x9e: {  	_ =	swait.ge [sflag:s22], s20  }
0x9f: {  	s4 =	ssub.s32 $0x0, s20;
	[sflag:s22] =	ssyncset.done $0x0  }
0xa0: {  	[sflag:s22] =	ssyncadd.s32 s4;
	_ =	sdelay $0x1  }
0xa1: {  	s23 =	simm.s32 $0x1B8B  }
0xa2: {  	_ =	swait.ge [sflag:s23], $0x1  }
0xa3: {  	[sflag:s23] =	ssyncset.done $0x0  }
0xa4: {  	s25 =	simm.s32 $0x1B8E;
	s24 =	sld [smem:$0x3FFE];
	[sflag:s23] =	ssyncadd.s32 $0xFFFFFFFF  }
0xa5: {  	s26 =	simm.s32 $execute0_lowered;
	[smem:$0x3FD2] =	sst s25  }
0xa6: {  	s5 =	sshll.u32 s26, $0x1;
	_ =	strace $0x8000004F;
	[dreg:$0x1] =	wrdreg $0xFFFFFFFF  }
0xa7: {  	s28 =	simm.s32 $_size_execute0_lowered;
	s3 =	sadd.s32 s3, s5;
	[dreg:$0x0] =	wrdreg $0x0  }
0xa8: {  	s5 =	sshll.u32 s28, $0x1;
	[dreg:$0x2] =	wrdreg s3  }
0xa9: {  	[dreg:$0x3] =	wrdreg s5  }
0xaa: {  	[dreg:$0x4] =	wrdreg $0xC0  }
0xab: {  	_ =	task [dreg:s7], $0x5FFFF  }
0xac: {  	[dreg:$0x1] =	wrdreg $0xFFFFFFFF  }
0xad: {  	[dreg:$0x0] =	wrdreg $0x60  }
0xae: {  	[dreg:$0x2] =	wrdreg s24  }
0xaf: {  	[dreg:$0x3] =	wrdreg s2  }
0xb0: {  	[dreg:$0x4] =	wrdreg $0x7C800  }
0xb1: {  	[dreg:$0x5] =	wrdreg $0x9  }
0xb2: {  	_ =	task.clear_ibuf [dreg:s7], $0x6FFFF;
	_ =	strace $0x9000004F  }
0xb3: {  	s29 =	simm.s32 $0x9;
	_ =	strace $0x80000051  }
0xb4: {  	_ =	swait.ge [sflag:s29], $0x1  }
0xb5: {  	[sflag:s29] =	ssyncadd.s32 $0xFFFFFFFF  }
0xb6: {  	_ =	strace $0x90000051  }
0xb7: {  	_ =	sfence  }
0xb8: {  	s30 =	sld [smem:$0x0];
	_ =	sdelay $0x2  }
0xb9: {  	s31 =	sshll.u32 s1, $0xD;
	s1 =	sshrl.u32 s1, $0x2  }
0xba: {  	s3 =	sand.u32 $0x4000, s31;
	s1 =	sadd.s32 s1, s30  }
0xbb: {  	s0 =	sor.u32 s3, s0;
	s1 =	sshll.u32 s1, $0x11  }
0xbc: {  	s0 =	sor.u32 s1, s0  }
0xbd: {  	s0 =	sadd.s32 $0x8F2B, s0  }
0xbe: {  	[sflag:s0] =	ssyncadd.remote.s32 $0x1  }
0xbf: {  	_ =	sfence.sel $0xFFFF  }
0xc0: {  	[dreg:$0x0] =	wrdreg $0xFFFFFFFF;
	(pc) =	sbr.abs _section_cstart, $3  }
0xc1: {  	[dreg:$0x1] =	wrdreg $0xFFFFFFFF  }
0xc2: {  	_ =	task.clear_ibuf [dreg:s7], $0x2FFFF;
	_ =	strace $0x9FFFFFFF  }
0xc3: {  	(tm) =	ssettm $0x7FFFFFFF  }
tec
execute0_lowered:
.L_overlay_start_1:
0x0: {  	(tag) =	ssettag $0x1  }
0x1: {  	s0 =	rddreg [dreg:$0x0]  }
0x2: {  	s1 =	rddreg [dreg:$0x1]  }
0x3: {  	s2 =	rddreg [dreg:$0x2];
	s4 =	simm.s32 $0x0;
	s3 =	srdreg.scid  }
0x4: {  	s11 =	stileid.u32;
	s28 =	simm.s32 $0x480;
	s31 =	simm.s32 $0x300  }
0x5: {  	s29 =	simm.s32 $0xD;
	[smem:$0x7FF] =	sst s4;
	s8 =	smul.u32 $0x13800, s11  }
0x6: {  	s3 =	sand.u32 $0x1, s3;
	s9 =	sshll.u32 s11, $0x1;
	s15 =	smul.u32 $0x4E000, s11  }
0x7: {  	s5 =	sadd.s32 $0x16A00, s0;
	s7 =	smul.u32 $0x138800, s3;
	s9 =	sor.u32 s3, s9  }
0x8: {  	s6 =	sadd.s32 $0xCC00, s0;
	s3 =	ssub.s32 $0x2, s3;
	s9 =	smul.u32 $0x2710, s9  }
0x9: {  	s11 =	simm.s32 $0x2;
	_ =	strace $0x80000050;
	s10 =	sshrl.u32 s3, $0x1  }
0xa: {  	s8 =	sadd.s32 s8, s7;
	s7 =	sadd.s32 $0x2E00, s0;
	s17 =	sadd.s32 $0xA0, s9  }
0xb: {  	s3 =	ssub.s32 s3, s10;
	s18 =	sadd.s32 $0xF0, s9;
	[dreg:$0xa] =	wrdreg s17  }
0xc: {  	s26 =	sshrl.u32 s9, $0x3;
	s9 =	sadd.s32 $0x140, s9;
	[dreg:$0xb] =	wrdreg s18  }
0xd: {  	s8 =	sshrl.u32 s8, $0x3;
	s19 =	smax.u32 s3, $0x1;
	[dreg:$0xc] =	wrdreg s9  }
0xe: {  	s3 =	simm.s32 $0x0;
	s30 =	sadd.s32 s6, s26;
	[dreg:$0xf] =	wrdreg s19  }
0xf: {  	s0 =	sadd.s32 s8, s0;
	s12 =	sadd.s32 s7, s26;
	[dreg:$0x4] =	wrdreg s30  }
0x10: {  	s13 =	sadd.s32 $0xA, s26;
	s8 =	sadd.s32 s1, s26;
	[dreg:$0x5] =	wrdreg s12  }
0x11: {  	s9 =	simm.s32 $0x1;
	[dreg:$0x6] =	wrdreg s8;
	s14 =	sadd.s32 s6, s13  }
0x12: {  	s17 =	simm.s32 $0x4;
	s16 =	sadd.s32 s7, s13;
	[dreg:$0x7] =	wrdreg s14  }
0x13: {  	s19 =	simm.s32 $0x7;
	s10 =	sadd.s32 s1, s13;
	[dreg:$0x8] =	wrdreg s16  }
0x14: {  	s8 =	sshrl.u32 s15, $0x2;
	s0 =	sadd.s32 $0x3DC00, s0;
	[dreg:$0x9] =	wrdreg s10  }
0x15: {  	s18 =	simm.s32 $0x8;
	[dreg:$0xd] =	wrdreg s0;
	s24 =	sadd.s32 s8, s2  }
0x16: {  	s12 =	simm.s32 $0x10;
	s20 =	sadd.s32 $0x2800, s24;
	[dreg:$0xe] =	wrdreg s24  }
0x17: {  	s13 =	simm.s32 $0xA;
	s21 =	sadd.s32 $0x5000, s24;
	[dreg:$0x10] =	wrdreg s20  }
0x18: {  	s15 =	simm.s32 $0x6;
	s22 =	sadd.s32 $0x7800, s24;
	[dreg:$0x11] =	wrdreg s21  }
0x19: {  	s8 =	simm.s32 $0x380;
	s23 =	sadd.s32 $0xA000, s24;
	[dreg:$0x12] =	wrdreg s22  }
0x1a: {  	s10 =	simm.s32 $0x50;
	s25 =	sadd.s32 $0xC800, s24;
	[dreg:$0x13] =	wrdreg s23  }
0x1b: {  	s14 =	simm.s32 $0xC;
	s26 =	sadd.s32 $0xF000, s24;
	[dreg:$0x14] =	wrdreg s25  }
0x1c: {  	s16 =	simm.s32 $0x9;
	s30 =	sadd.s32 $0x11800, s24;
	[dreg:$0x15] =	wrdreg s26  }
0x1d: {  	[dreg:$0x16] =	wrdreg s30;
	s22 =	simm.s32 $0x400;
	s23 =	simm.s32 $0x3  }
0x1e: {  	v0 =	vimm.f32 $0.0e+00;
	s25 =	simm.s32 $0xB;
	s26 =	simm.s32 $0x5;
	s20 =	simm.s32 $0xE  }
.LBB2_1:
0x1f: {  	[dreg:$0x17] =	wrdreg s3;
	s0 =	simm.s32 $0x0;
	s3 =	simm.s32 $0x200  }
.LBB2_2:
0x20: {  	p0 =	sne.s32 s3, $0x9E00;
	[tilespmem:s0+$0x4F0] =	vst v0  }
0x21: {  	[tilespmem:s0+$0x480] =	vst v0  }
0x22: {  	[tilespmem:s0+$0x490] =	vst v0  }
.Ltmp0:
0x23: {  	[tilespmem:s0+$0x4A0] =	vst v0;
	(pc) =	sbr.rel @p0 .LBB2_2-.Ltmp0, $4  }
0x24: {  	[tilespmem:s0+$0x4B0] =	vst v0  }
0x25: {  	[tilespmem:s0+$0x4C0] =	vst v0  }
0x26: {  	[tilespmem:s0+$0x4D0] =	vst v0  }
0x27: {  	[tilespmem:s0+$0x4E0] =	vst v0;
	s0 =	sshra.s32 s3, $0x2;
	s3 =	sadd.s32 $0x200, s3  }
0x28: {  	[tilespmem:s0+$0x4F0] =	vst v0  }
0x29: {  	[tilespmem:s0+$0x480] =	vst v0  }
0x2a: {  	[tilespmem:s0+$0x490] =	vst v0  }
0x2b: {  	[tilespmem:s0+$0x4A0] =	vst v0  }
0x2c: {  	[tilespmem:s0+$0x4B0] =	vst v0  }
0x2d: {  	[tilespmem:s0+$0x4C0] =	vst v0  }
0x2e: {  	[tilespmem:s0+$0x4D0] =	vst v0  }
0x2f: {  	[tilespmem:s0+$0x4E0] =	vst v0  }
0x30: {  	[spmem:s24] =	stream.linear.scatter [tilespmem:s28], [sflag:$0x10], $0x2800, $0x38;
	[tilespmem:$0x1B500] =	vst v63  }
0x31: {  	_ =	swait.ge [sflag:s12], $0x2800  }
0x32: {  	[sflag:s12] =	ssyncset.done $0x0  }
0x33: {  	s30 =	rddreg [dreg:$0x10];
	[sflag:s12] =	ssyncadd.s32 $0xFFFFD800  }
0x34: {  	[spmem:s30] =	stream.linear.scatter [tilespmem:s28], [sflag:$0x10], $0x2800, $0x38;
	[tilespmem:$0x1B500] =	vst v63  }
0x35: {  	_ =	swait.ge [sflag:s12], $0x2800  }
0x36: {  	[sflag:s12] =	ssyncset.done $0x0  }
0x37: {  	s3 =	rddreg [dreg:$0x11];
	[sflag:s12] =	ssyncadd.s32 $0xFFFFD800  }
0x38: {  	[spmem:s3] =	stream.linear.scatter [tilespmem:s28], [sflag:$0x10], $0x2800, $0x38;
	[tilespmem:$0x1B500] =	vst v63  }
0x39: {  	_ =	swait.ge [sflag:s12], $0x2800  }
0x3a: {  	[sflag:s12] =	ssyncset.done $0x0  }
0x3b: {  	s21 =	rddreg [dreg:$0x12];
	[sflag:s12] =	ssyncadd.s32 $0xFFFFD800  }
0x3c: {  	[spmem:s21] =	stream.linear.scatter [tilespmem:s28], [sflag:$0x10], $0x2800, $0x38;
	[tilespmem:$0x1B500] =	vst v63  }
0x3d: {  	_ =	swait.ge [sflag:s12], $0x2800  }
0x3e: {  	[sflag:s12] =	ssyncset.done $0x0  }
0x3f: {  	s24 =	rddreg [dreg:$0x13];
	[sflag:s12] =	ssyncadd.s32 $0xFFFFD800  }
0x40: {  	[spmem:s24] =	stream.linear.scatter [tilespmem:s28], [sflag:$0x10], $0x2800, $0x38;
	[tilespmem:$0x1B500] =	vst v63  }
0x41: {  	_ =	swait.ge [sflag:s12], $0x2800  }
0x42: {  	[sflag:s12] =	ssyncset.done $0x0  }
0x43: {  	s30 =	rddreg [dreg:$0x14];
	[sflag:s12] =	ssyncadd.s32 $0xFFFFD800  }
0x44: {  	[spmem:s30] =	stream.linear.scatter [tilespmem:s28], [sflag:$0x10], $0x2800, $0x38;
	[tilespmem:$0x1B500] =	vst v63  }
0x45: {  	_ =	swait.ge [sflag:s12], $0x2800  }
0x46: {  	[sflag:s12] =	ssyncset.done $0x0  }
0x47: {  	s3 =	rddreg [dreg:$0x15];
	[sflag:s12] =	ssyncadd.s32 $0xFFFFD800  }
0x48: {  	[spmem:s3] =	stream.linear.scatter [tilespmem:s28], [sflag:$0x10], $0x2800, $0x38;
	[tilespmem:$0x1B500] =	vst v63  }
0x49: {  	_ =	swait.ge [sflag:s12], $0x2800  }
0x4a: {  	[sflag:s12] =	ssyncset.done $0x0  }
0x4b: {  	s21 =	rddreg [dreg:$0x16];
	[sflag:s12] =	ssyncadd.s32 $0xFFFFD800  }
0x4c: {  	[spmem:s21] =	stream.linear.scatter [tilespmem:s28], [sflag:$0x10], $0x2800, $0x38;
	[tilespmem:$0x1B500] =	vst v63  }
0x4d: {  	_ =	swait.ge [sflag:s12], $0x2800  }
0x4e: {  	[sflag:s12] =	ssyncset.done $0x0  }
0x4f: {  	[sflag:s12] =	ssyncadd.s32 $0xFFFFD800  }
0x50: {  	[bflag:$0x0] =	sbarrier.arrive $0xFFFF  }
0x51: {  	s21 =	simm.s32 $0x0;
	s24 =	rddreg [dreg:$0x4]  }
0x52: {  	[tilespmem:s21], [sflag:$0x1] =	stream.linear.gather [hbm4b:s24+s21], $0x50, $0x38;
	[tilespmem:$0x1B500] =	vst v63  }
0x53: {  	s3 =	simm.s32 $0x180;
	s30 =	rddreg [dreg:$0x5]  }
0x54: {  	[tilespmem:s3], [sflag:$0x4] =	stream.linear.gather [hbm4b:s30+s21], $0x50, $0x38;
	[tilespmem:$0x1B500] =	vst v63  }
0x55: {  	s3 =	rddreg [dreg:$0x6]  }
0x56: {  	[tilespmem:s31], [sflag:$0x7] =	stream.linear.gather [hbm4b:s3+s21], $0x50, $0x38;
	[tilespmem:$0x1B500] =	vst v63  }
0x57: {  	s12 =	rddreg [dreg:$0x7];
	s3 =	simm.s32 $0x80  }
0x58: {  	[tilespmem:s3], [sflag:$0x2] =	stream.linear.gather [hbm4b:s12+s21], $0x50, $0x38;
	[tilespmem:$0x1B500] =	vst v63  }
0x59: {  	s24 =	rddreg [dreg:$0x8];
	s30 =	simm.s32 $0x200  }
0x5a: {  	[tilespmem:s30], [sflag:$0x5] =	stream.linear.gather [hbm4b:s24+s21], $0x50, $0x38;
	[tilespmem:$0x1B500] =	vst v63  }
0x5b: {  	s24 =	rddreg [dreg:$0x9]  }
0x5c: {  	[tilespmem:s8], [sflag:$0x8] =	stream.linear.gather [hbm4b:s24+s21], $0x50, $0x38;
	[tilespmem:$0x1B500] =	vst v63  }
0x5d: {  	_ =	swait.ge [sflag:s9], $0x50  }
0x5e: {  	[sflag:s9] =	ssyncset.done $0x0  }
0x5f: {  	[sflag:s9] =	ssyncadd.s32 $0xFFFFFFB0  }
0x60: {  	[tilespmem:s28], [sflag:$0xA] =	stream.indirect.gather [hbm4b:s5+s10], $0x80, s21, s10, $0xb8;
	[tilespmem:$0x1B500] =	vst v63  }
0x61: {  	_ =	swait.ge [sflag:s11], $0x50  }
0x62: {  	[sflag:s11] =	ssyncset.done $0x0  }
0x63: {  	s30 =	simm.s32 $0x2C80;
	s24 =	simm.s32 $0x0;
	[sflag:s11] =	ssyncadd.s32 $0xFFFFFFB0  }
0x64: {  	[tilespmem:s30], [sflag:$0xB] =	stream.indirect.gather [hbm4b:s5+s10], $0x80, s3, s10, $0xb8;
	[tilespmem:$0x1B500] =	vst v63  }
.LBB2_4:
0x65: {  	_ =	swait.ge [sflag:s13], $0x2800  }
0x66: {  	[sflag:s13] =	ssyncset.done $0x0  }
0x67: {  	[sflag:s13] =	ssyncadd.s32 $0xFFFFD800  }
0x68: {  	_ =	swait.ge [sflag:s17], $0x50  }
0x69: {  	[sflag:s17] =	ssyncset.done $0x0  }
0x6a: {  	[sflag:s17] =	ssyncadd.s32 $0xFFFFFFB0  }
0x6b: {  	s0 =	simm.s32 $0x0;
	_ =	swait.ge [sflag:s19], $0x50  }
0x6c: {  	v1 =	vmov s0;
	[sflag:s19] =	ssyncset.done $0x0  }
0x6d: {  	s0 =	simm.s32 $0x4C0;
	[sflag:s19] =	ssyncadd.s32 $0xFFFFFFB0  }
0x6e: {  	v5 =	vld [tilespmem:s0+$0x30]  }
0x6f: {  	v8 =	vld [tilespmem:s0+$0x10]  }
0x70: {  	v6 =	vld [tilespmem:s0+$0xFFFFFFC0]  }
0x71: {  	v2 =	vld.idx.msk [tilespmem:v1+s31+$0x0], $0xffff  }
0x72: {  	v10 =	vld [tilespmem:s0+$0xFFFFFFE0]  }
0x73: {  	v1 =	vld [tilespmem:s0+$0xFFFFFFF0]  }
0x74: {  	v3 =	vld [tilespmem:s0+$0x20]  }
0x75: {  	v4 =	vld [tilespmem:s0+$0xFFFFFFD0]  }
0x76: {  	v9 =	vmul.f32 v5, v2;
	v5 =	vld [tilespmem:s0+$0x0]  }
0x77: {  	v7 =	vmul.f32 v6, v2  }
0x78: {  	s30 =	simm.s32 $0x1;
	s3 =	simm.s32 $0x4C0;
	v6 =	vmul.f32 v10, v2;
	v8 =	vmul.f32 v8, v2  }
.LBB2_5:
0x79: {  	p0 =	sne.s32 s30, $0x4F  }
0x7a: {  	v4 =	vmul.f32 v4, v2;
	v3 =	vmul.f32 v3, v2;
	[tilespmem:s0+$0x30] =	vst v9;
	s3 =	sadd.s32 $0x80, s3;
	s12 =	smov.u32 s30;
	s30 =	sadd.s32 $0x1, s30  }
0x7b: {  	[tilespmem:s0+$0xFFFFFFC0] =	vst v7;
	v7 =	vmul.f32 v1, v2;
	v2 =	vmul.f32 v5, v2  }
0x7c: {  	[tilespmem:s0+$0x10] =	vst v8  }
0x7d: {  	v5 =	vmov s12;
	[tilespmem:s0+$0xFFFFFFE0] =	vst v6  }
0x7e: {  	v1 =	vld [tilespmem:s3+$0xFFFFFFF0];
	[tilespmem:s0+$0xFFFFFFF0] =	vst v7  }
0x7f: {  	v6 =	vld [tilespmem:s3+$0x30];
	[tilespmem:s0+$0x0] =	vst v2  }
0x80: {  	v8 =	vld [tilespmem:s3+$0x10];
	[tilespmem:s0+$0x20] =	vst v3  }
0x81: {  	v7 =	vld [tilespmem:s3+$0xFFFFFFC0];
	[tilespmem:s0+$0xFFFFFFD0] =	vst v4;
	s0 =	smov.u32 s3  }
0x82: {  	v2 =	vld.idx.msk [tilespmem:v5+s31+$0x0], $0xffff  }
0x83: {  	v10 =	vld [tilespmem:s3+$0xFFFFFFE0]  }
0x84: {  	v3 =	vld [tilespmem:s3+$0x20]  }
.Ltmp1:
0x85: {  	v4 =	vld [tilespmem:s3+$0xFFFFFFD0];
	(pc) =	sbr.rel @p0 .LBB2_5-.Ltmp1, $3  }
0x86: {  	v5 =	vld [tilespmem:s3+$0x0];
	_ =	sdelay $0x1  }
0x87: {  	v7 =	vmul.f32 v7, v2;
	v9 =	vmul.f32 v6, v2  }
0x88: {  	v8 =	vmul.f32 v8, v2;
	v6 =	vmul.f32 v10, v2  }
0x89: {  	[tilespmem:s0+$0x30] =	vst v9  }
0x8a: {  	[tilespmem:s0+$0xFFFFFFC0] =	vst v7  }
0x8b: {  	v1 =	vmul.f32 v1, v2;
	[tilespmem:s0+$0x10] =	vst v8  }
0x8c: {  	v3 =	vmul.f32 v3, v2;
	[tilespmem:s0+$0xFFFFFFE0] =	vst v6  }
0x8d: {  	v5 =	vmul.f32 v5, v2;
	[tilespmem:s0+$0xFFFFFFF0] =	vst v1  }
0x8e: {  	v1 =	vmul.f32 v4, v2;
	[tilespmem:s0+$0x20] =	vst v3  }
0x8f: {  	p0 =	seq.s32 s24, $0x0;
	[tilespmem:s0+$0x0] =	vst v5  }
0x90: {  	[tilespmem:s0+$0xFFFFFFD0] =	vst v1;
	s0 =	simm.s32 @!p0 $0xF  }
0x91: {  	s30 =	smul.u32 $0xF0, s24;
	_ =	swait.ge @!p0 [sflag:s0], $0x2800  }
0x92: {  	s3 =	rddreg [dreg:$0xa]  }
0x93: {  	s3 =	sadd.s32 s30, s3  }
0x94: {  	s12 =	simm.s32 $0x0;
	[sflag:s0] =	ssyncset.done @!p0 $0x0;
	s3 =	sshrl.u32 s3, $0x3  }
0x95: {  	s21 =	simm.s32 $0x100;
	[sflag:s0] =	ssyncadd.s32 @!p0 $0xFFFFD800;
	s0 =	sadd.s32 s6, s3  }
0x96: {  	[tilespmem:s21], [sflag:$0x3] =	stream.linear.gather [hbm4b:s0+s12], $0x50, $0x38;
	[tilespmem:$0x1B500] =	vst v63  }
0x97: {  	s28 =	simm.s32 $0x280;
	s0 =	sadd.s32 s7, s3  }
0x98: {  	[tilespmem:s28], [sflag:$0x6] =	stream.linear.gather [hbm4b:s0+s12], $0x50, $0x38;
	[tilespmem:$0x1B500] =	vst v63  }
0x99: {  	s3 =	sadd.s32 s1, s3  }
0x9a: {  	[tilespmem:s22], [sflag:$0x9] =	stream.linear.gather [hbm4b:s3+s12], $0x50, $0x38;
	[tilespmem:$0x1B500] =	vst v63  }
0x9b: {  	_ =	swait.ge [sflag:s23], $0x50  }
0x9c: {  	[sflag:s23] =	ssyncset.done $0x0  }
0x9d: {  	s3 =	simm.s32 $0x5480;
	[sflag:s23] =	ssyncadd.s32 $0xFFFFFFB0  }
0x9e: {  	[tilespmem:s3], [sflag:$0xC] =	stream.indirect.gather [hbm4b:s5+s10], $0x80, s21, s10, $0xb8;
	[tilespmem:$0x1B500] =	vst v63  }
0x9f: {  	s28 =	simm.s32 $0x480;
	s21 =	simm.s32 $0x180  }
0xa0: {  	[spmem:s2] =	stream.indirect.scatter.add.f32 [tilespmem:s28], [sflag:$0xD], $0x80, s21, s10, $0xb8;
	[tilespmem:$0x1B500] =	vst v63  }
0xa1: {  	_ =	swait.ge [sflag:s25], $0x2800  }
0xa2: {  	[sflag:s25] =	ssyncset.done $0x0  }
0xa3: {  	[sflag:s25] =	ssyncadd.s32 $0xFFFFD800  }
0xa4: {  	_ =	swait.ge [sflag:s26], $0x50  }
0xa5: {  	[sflag:s26] =	ssyncset.done $0x0  }
0xa6: {  	[sflag:s26] =	ssyncadd.s32 $0xFFFFFFB0  }
0xa7: {  	_ =	swait.ge [sflag:s18], $0x50  }
0xa8: {  	v1 =	vmov s12;
	[sflag:s18] =	ssyncset.done $0x0  }
0xa9: {  	s0 =	simm.s32 $0x2CC0;
	[sflag:s18] =	ssyncadd.s32 $0xFFFFFFB0  }
0xaa: {  	v5 =	vld [tilespmem:s0+$0x30]  }
0xab: {  	v8 =	vld [tilespmem:s0+$0x10]  }
0xac: {  	v6 =	vld [tilespmem:s0+$0xFFFFFFC0]  }
0xad: {  	v2 =	vld.idx.msk [tilespmem:v1+s8+$0x0], $0xffff  }
0xae: {  	v10 =	vld [tilespmem:s0+$0xFFFFFFE0]  }
0xaf: {  	v1 =	vld [tilespmem:s0+$0xFFFFFFF0]  }
0xb0: {  	v3 =	vld [tilespmem:s0+$0x20]  }
0xb1: {  	v4 =	vld [tilespmem:s0+$0xFFFFFFD0]  }
0xb2: {  	v9 =	vmul.f32 v5, v2;
	v5 =	vld [tilespmem:s0+$0x0]  }
0xb3: {  	v7 =	vmul.f32 v6, v2  }
0xb4: {  	s12 =	simm.s32 $0x2CC0;
	s3 =	simm.s32 $0x1;
	v6 =	vmul.f32 v10, v2;
	v8 =	vmul.f32 v8, v2  }
.LBB2_7:
0xb5: {  	p0 =	sne.s32 s3, $0x4F  }
0xb6: {  	v4 =	vmul.f32 v4, v2;
	v3 =	vmul.f32 v3, v2;
	[tilespmem:s0+$0x30] =	vst v9;
	s12 =	sadd.s32 $0x80, s12;
	s21 =	smov.u32 s3;
	s3 =	sadd.s32 $0x1, s3  }
0xb7: {  	[tilespmem:s0+$0xFFFFFFC0] =	vst v7;
	v7 =	vmul.f32 v1, v2;
	v2 =	vmul.f32 v5, v2  }
0xb8: {  	[tilespmem:s0+$0x10] =	vst v8  }
0xb9: {  	v5 =	vmov s21;
	[tilespmem:s0+$0xFFFFFFE0] =	vst v6  }
0xba: {  	v1 =	vld [tilespmem:s12+$0xFFFFFFF0];
	[tilespmem:s0+$0xFFFFFFF0] =	vst v7  }
0xbb: {  	v6 =	vld [tilespmem:s12+$0x30];
	[tilespmem:s0+$0x0] =	vst v2  }
0xbc: {  	v8 =	vld [tilespmem:s12+$0x10];
	[tilespmem:s0+$0x20] =	vst v3  }
0xbd: {  	v7 =	vld [tilespmem:s12+$0xFFFFFFC0];
	[tilespmem:s0+$0xFFFFFFD0] =	vst v4;
	s0 =	smov.u32 s12  }
0xbe: {  	v2 =	vld.idx.msk [tilespmem:v5+s8+$0x0], $0xffff  }
0xbf: {  	v10 =	vld [tilespmem:s12+$0xFFFFFFE0]  }
0xc0: {  	v3 =	vld [tilespmem:s12+$0x20]  }
.Ltmp2:
0xc1: {  	v4 =	vld [tilespmem:s12+$0xFFFFFFD0];
	(pc) =	sbr.rel @p0 .LBB2_7-.Ltmp2, $3  }
0xc2: {  	v5 =	vld [tilespmem:s12+$0x0];
	_ =	sdelay $0x1  }
0xc3: {  	v7 =	vmul.f32 v7, v2;
	v9 =	vmul.f32 v6, v2  }
0xc4: {  	v8 =	vmul.f32 v8, v2;
	v6 =	vmul.f32 v10, v2  }
0xc5: {  	[tilespmem:s0+$0x30] =	vst v9  }
0xc6: {  	[tilespmem:s0+$0xFFFFFFC0] =	vst v7  }
0xc7: {  	v1 =	vmul.f32 v1, v2;
	[tilespmem:s0+$0x10] =	vst v8  }
0xc8: {  	v3 =	vmul.f32 v3, v2;
	[tilespmem:s0+$0xFFFFFFE0] =	vst v6  }
0xc9: {  	v5 =	vmul.f32 v5, v2;
	[tilespmem:s0+$0xFFFFFFF0] =	vst v1  }
0xca: {  	v1 =	vmul.f32 v4, v2;
	[tilespmem:s0+$0x20] =	vst v3  }
0xcb: {  	[tilespmem:s0+$0x0] =	vst v5  }
0xcc: {  	[tilespmem:s0+$0xFFFFFFD0] =	vst v1  }
0xcd: {  	_ =	swait.ge [sflag:s29], $0x2800  }
0xce: {  	s21 =	rddreg [dreg:$0xb]  }
0xcf: {  	s0 =	sadd.s32 s30, s21  }
0xd0: {  	[sflag:s29] =	ssyncset.done $0x0;
	s0 =	sshrl.u32 s0, $0x3  }
0xd1: {  	s12 =	simm.s32 $0x0;
	[sflag:s29] =	ssyncadd.s32 $0xFFFFD800;
	s3 =	sadd.s32 s6, s0  }
0xd2: {  	[tilespmem:s12], [sflag:$0x1] =	stream.linear.gather [hbm4b:s3+s12], $0x50, $0x38;
	[tilespmem:$0x1B500] =	vst v63  }
0xd3: {  	s21 =	simm.s32 $0x180;
	s3 =	sadd.s32 s7, s0  }
0xd4: {  	[tilespmem:s21], [sflag:$0x4] =	stream.linear.gather [hbm4b:s3+s12], $0x50, $0x38;
	[tilespmem:$0x1B500] =	vst v63  }
0xd5: {  	s0 =	sadd.s32 s1, s0  }
0xd6: {  	[tilespmem:s31], [sflag:$0x7] =	stream.linear.gather [hbm4b:s0+s12], $0x50, $0x38;
	[tilespmem:$0x1B500] =	vst v63  }
0xd7: {  	_ =	swait.ge [sflag:s9], $0x50  }
0xd8: {  	[sflag:s9] =	ssyncset.done $0x0  }
0xd9: {  	[sflag:s9] =	ssyncadd.s32 $0xFFFFFFB0  }
0xda: {  	[tilespmem:s28], [sflag:$0xA] =	stream.indirect.gather [hbm4b:s5+s10], $0x80, s12, s10, $0xb8;
	[tilespmem:$0x1B500] =	vst v63  }
0xdb: {  	s3 =	simm.s32 $0x200;
	s21 =	simm.s32 $0x2C80  }
0xdc: {  	[spmem:s2] =	stream.indirect.scatter.add.f32 [tilespmem:s21], [sflag:$0xE], $0x80, s3, s10, $0xb8;
	[tilespmem:$0x1B500] =	vst v63  }
0xdd: {  	_ =	swait.ge [sflag:s14], $0x2800  }
0xde: {  	[sflag:s14] =	ssyncset.done $0x0  }
0xdf: {  	[sflag:s14] =	ssyncadd.s32 $0xFFFFD800  }
0xe0: {  	_ =	swait.ge [sflag:s15], $0x50  }
0xe1: {  	[sflag:s15] =	ssyncset.done $0x0  }
0xe2: {  	[sflag:s15] =	ssyncadd.s32 $0xFFFFFFB0  }
0xe3: {  	_ =	swait.ge [sflag:s16], $0x50  }
0xe4: {  	v1 =	vmov s12;
	[sflag:s16] =	ssyncset.done $0x0  }
0xe5: {  	s0 =	simm.s32 $0x54C0;
	[sflag:s16] =	ssyncadd.s32 $0xFFFFFFB0  }
0xe6: {  	v5 =	vld [tilespmem:s0+$0x30]  }
0xe7: {  	v8 =	vld [tilespmem:s0+$0x10]  }
0xe8: {  	v6 =	vld [tilespmem:s0+$0xFFFFFFC0]  }
0xe9: {  	v2 =	vld.idx.msk [tilespmem:v1+s22+$0x0], $0xffff  }
0xea: {  	v10 =	vld [tilespmem:s0+$0xFFFFFFE0]  }
0xeb: {  	v1 =	vld [tilespmem:s0+$0xFFFFFFF0]  }
0xec: {  	v3 =	vld [tilespmem:s0+$0x20]  }
0xed: {  	v4 =	vld [tilespmem:s0+$0xFFFFFFD0]  }
0xee: {  	v9 =	vmul.f32 v5, v2;
	v5 =	vld [tilespmem:s0+$0x0]  }
0xef: {  	v7 =	vmul.f32 v6, v2  }
0xf0: {  	s12 =	simm.s32 $0x54C0;
	s3 =	simm.s32 $0x1;
	v6 =	vmul.f32 v10, v2;
	v8 =	vmul.f32 v8, v2  }
.LBB2_9:
0xf1: {  	p0 =	sne.s32 s3, $0x4F  }
0xf2: {  	v4 =	vmul.f32 v4, v2;
	v3 =	vmul.f32 v3, v2;
	[tilespmem:s0+$0x30] =	vst v9;
	s12 =	sadd.s32 $0x80, s12;
	s21 =	smov.u32 s3;
	s3 =	sadd.s32 $0x1, s3  }
0xf3: {  	[tilespmem:s0+$0xFFFFFFC0] =	vst v7;
	v7 =	vmul.f32 v1, v2;
	v2 =	vmul.f32 v5, v2  }
0xf4: {  	[tilespmem:s0+$0x10] =	vst v8  }
0xf5: {  	v5 =	vmov s21;
	[tilespmem:s0+$0xFFFFFFE0] =	vst v6  }
0xf6: {  	v1 =	vld [tilespmem:s12+$0xFFFFFFF0];
	[tilespmem:s0+$0xFFFFFFF0] =	vst v7  }
0xf7: {  	v6 =	vld [tilespmem:s12+$0x30];
	[tilespmem:s0+$0x0] =	vst v2  }
0xf8: {  	v8 =	vld [tilespmem:s12+$0x10];
	[tilespmem:s0+$0x20] =	vst v3  }
0xf9: {  	v7 =	vld [tilespmem:s12+$0xFFFFFFC0];
	[tilespmem:s0+$0xFFFFFFD0] =	vst v4;
	s0 =	smov.u32 s12  }
0xfa: {  	v2 =	vld.idx.msk [tilespmem:v5+s22+$0x0], $0xffff  }
0xfb: {  	v10 =	vld [tilespmem:s12+$0xFFFFFFE0]  }
0xfc: {  	v3 =	vld [tilespmem:s12+$0x20]  }
.Ltmp3:
0xfd: {  	v4 =	vld [tilespmem:s12+$0xFFFFFFD0];
	(pc) =	sbr.rel @p0 .LBB2_9-.Ltmp3, $3  }
0xfe: {  	v5 =	vld [tilespmem:s12+$0x0];
	_ =	sdelay $0x1  }
0xff: {  	v7 =	vmul.f32 v7, v2;
	v9 =	vmul.f32 v6, v2  }
0x100: {  	v8 =	vmul.f32 v8, v2;
	v6 =	vmul.f32 v10, v2  }
0x101: {  	[tilespmem:s0+$0x30] =	vst v9  }
0x102: {  	[tilespmem:s0+$0xFFFFFFC0] =	vst v7  }
0x103: {  	v1 =	vmul.f32 v1, v2;
	[tilespmem:s0+$0x10] =	vst v8  }
0x104: {  	v3 =	vmul.f32 v3, v2;
	[tilespmem:s0+$0xFFFFFFE0] =	vst v6  }
0x105: {  	v5 =	vmul.f32 v5, v2;
	[tilespmem:s0+$0xFFFFFFF0] =	vst v1  }
0x106: {  	v1 =	vmul.f32 v4, v2;
	[tilespmem:s0+$0x20] =	vst v3  }
0x107: {  	[tilespmem:s0+$0x0] =	vst v5  }
0x108: {  	[tilespmem:s0+$0xFFFFFFD0] =	vst v1  }
0x109: {  	_ =	swait.ge [sflag:s20], $0x2800  }
0x10a: {  	s21 =	rddreg [dreg:$0xc]  }
0x10b: {  	s0 =	sadd.s32 s30, s21  }
0x10c: {  	[sflag:s20] =	ssyncset.done $0x0;
	s0 =	sshrl.u32 s0, $0x3  }
0x10d: {  	s12 =	simm.s32 $0x80;
	[sflag:s20] =	ssyncadd.s32 $0xFFFFD800;
	s3 =	sadd.s32 s6, s0  }
0x10e: {  	[tilespmem:s12], [sflag:$0x2] =	stream.linear.gather [hbm4b:s3+s4], $0x50, $0x38;
	[tilespmem:$0x1B500] =	vst v63  }
0x10f: {  	s21 =	simm.s32 $0x200;
	s30 =	sadd.s32 s7, s0  }
0x110: {  	[tilespmem:s21], [sflag:$0x5] =	stream.linear.gather [hbm4b:s30+s4], $0x50, $0x38;
	[tilespmem:$0x1B500] =	vst v63  }
0x111: {  	s24 =	sadd.s32 $0x1, s24;
	s0 =	sadd.s32 s1, s0  }
0x112: {  	[tilespmem:s8], [sflag:$0x8] =	stream.linear.gather [hbm4b:s0+s4], $0x50, $0x38;
	[tilespmem:$0x1B500] =	vst v63  }
0x113: {  	p0 =	sne.s32 s24, $0x29;
	_ =	swait.ge [sflag:s11], $0x50  }
.Ltmp4:
0x114: {  	[sflag:s11] =	ssyncset.done $0x0;
	(pc) =	sbr.rel @p0 .LBB2_4-.Ltmp4, $4  }
0x115: {  	s3 =	simm.s32 $0x2C80;
	[sflag:s11] =	ssyncadd.s32 $0xFFFFFFB0  }
0x116: {  	[tilespmem:s3], [sflag:$0xB] =	stream.indirect.gather [hbm4b:s5+s10], $0x80, s12, s10, $0xb8;
	[tilespmem:$0x1B500] =	vst v63  }
0x117: {  	s21 =	simm.s32 $0x280;
	s30 =	simm.s32 $0x5480  }
0x118: {  	[spmem:s2] =	stream.indirect.scatter.add.f32 [tilespmem:s30], [sflag:$0xF], $0x80, s21, s10, $0xb8;
	[tilespmem:$0x1B500] =	vst v63  }
0x119: {  	_ =	swait.ge [sflag:s13], $0x2800  }
0x11a: {  	[sflag:s13] =	ssyncset.done $0x0  }
0x11b: {  	[sflag:s13] =	ssyncadd.s32 $0xFFFFD800  }
0x11c: {  	_ =	swait.ge [sflag:s17], $0x50  }
0x11d: {  	[sflag:s17] =	ssyncset.done $0x0  }
0x11e: {  	[sflag:s17] =	ssyncadd.s32 $0xFFFFFFB0  }
0x11f: {  	s0 =	simm.s32 $0x0;
	_ =	swait.ge [sflag:s19], $0x50  }
0x120: {  	v1 =	vmov s0;
	[sflag:s19] =	ssyncset.done $0x0  }
0x121: {  	s0 =	simm.s32 $0x4C0;
	[sflag:s19] =	ssyncadd.s32 $0xFFFFFFB0  }
0x122: {  	v5 =	vld [tilespmem:s0+$0x30]  }
0x123: {  	v8 =	vld [tilespmem:s0+$0x10]  }
0x124: {  	v6 =	vld [tilespmem:s0+$0xFFFFFFC0]  }
0x125: {  	v2 =	vld.idx.msk [tilespmem:v1+s31+$0x0], $0xffff  }
0x126: {  	v10 =	vld [tilespmem:s0+$0xFFFFFFE0]  }
0x127: {  	v1 =	vld [tilespmem:s0+$0xFFFFFFF0]  }
0x128: {  	v3 =	vld [tilespmem:s0+$0x20]  }
0x129: {  	v4 =	vld [tilespmem:s0+$0xFFFFFFD0]  }
0x12a: {  	v9 =	vmul.f32 v5, v2;
	v5 =	vld [tilespmem:s0+$0x0]  }
0x12b: {  	v7 =	vmul.f32 v6, v2  }
0x12c: {  	s3 =	simm.s32 $0x1;
	s12 =	simm.s32 $0x4C0;
	v6 =	vmul.f32 v10, v2;
	v8 =	vmul.f32 v8, v2  }
.LBB2_12:
0x12d: {  	p0 =	sne.s32 s3, $0x4F  }
0x12e: {  	v4 =	vmul.f32 v4, v2;
	v3 =	vmul.f32 v3, v2;
	[tilespmem:s0+$0x30] =	vst v9;
	s12 =	sadd.s32 $0x80, s12;
	s21 =	smov.u32 s3;
	s3 =	sadd.s32 $0x1, s3  }
0x12f: {  	[tilespmem:s0+$0xFFFFFFC0] =	vst v7;
	v7 =	vmul.f32 v1, v2;
	v2 =	vmul.f32 v5, v2  }
0x130: {  	[tilespmem:s0+$0x10] =	vst v8  }
0x131: {  	v5 =	vmov s21;
	[tilespmem:s0+$0xFFFFFFE0] =	vst v6  }
0x132: {  	v1 =	vld [tilespmem:s12+$0xFFFFFFF0];
	[tilespmem:s0+$0xFFFFFFF0] =	vst v7  }
0x133: {  	v6 =	vld [tilespmem:s12+$0x30];
	[tilespmem:s0+$0x0] =	vst v2  }
0x134: {  	v8 =	vld [tilespmem:s12+$0x10];
	[tilespmem:s0+$0x20] =	vst v3  }
0x135: {  	v7 =	vld [tilespmem:s12+$0xFFFFFFC0];
	[tilespmem:s0+$0xFFFFFFD0] =	vst v4;
	s0 =	smov.u32 s12  }
0x136: {  	v2 =	vld.idx.msk [tilespmem:v5+s31+$0x0], $0xffff  }
0x137: {  	v10 =	vld [tilespmem:s12+$0xFFFFFFE0]  }
0x138: {  	v3 =	vld [tilespmem:s12+$0x20]  }
.Ltmp5:
0x139: {  	v4 =	vld [tilespmem:s12+$0xFFFFFFD0];
	(pc) =	sbr.rel @p0 .LBB2_12-.Ltmp5, $3  }
0x13a: {  	v5 =	vld [tilespmem:s12+$0x0];
	_ =	sdelay $0x1  }
0x13b: {  	v7 =	vmul.f32 v7, v2;
	v9 =	vmul.f32 v6, v2  }
0x13c: {  	v8 =	vmul.f32 v8, v2;
	v6 =	vmul.f32 v10, v2  }
0x13d: {  	[tilespmem:s0+$0x30] =	vst v9  }
0x13e: {  	[tilespmem:s0+$0xFFFFFFC0] =	vst v7  }
0x13f: {  	v1 =	vmul.f32 v1, v2;
	[tilespmem:s0+$0x10] =	vst v8  }
0x140: {  	v3 =	vmul.f32 v3, v2;
	[tilespmem:s0+$0xFFFFFFE0] =	vst v6  }
0x141: {  	v5 =	vmul.f32 v5, v2;
	[tilespmem:s0+$0xFFFFFFF0] =	vst v1  }
0x142: {  	v1 =	vmul.f32 v4, v2;
	[tilespmem:s0+$0x20] =	vst v3  }
0x143: {  	[tilespmem:s0+$0x0] =	vst v5  }
0x144: {  	s21 =	simm.s32 $0xF;
	[tilespmem:s0+$0xFFFFFFD0] =	vst v1  }
0x145: {  	_ =	swait.ge [sflag:s21], $0x2800  }
0x146: {  	[sflag:s21] =	ssyncset.done $0x0  }
0x147: {  	s24 =	simm.s32 $0x180;
	[sflag:s21] =	ssyncadd.s32 $0xFFFFD800  }
0x148: {  	[spmem:s2] =	stream.indirect.scatter.add.f32 [tilespmem:s28], [sflag:$0xD], $0x80, s24, s10, $0xb8;
	[tilespmem:$0x1B500] =	vst v63  }
0x149: {  	_ =	swait.ge [sflag:s25], $0x2800  }
0x14a: {  	[sflag:s25] =	ssyncset.done $0x0  }
0x14b: {  	[sflag:s25] =	ssyncadd.s32 $0xFFFFD800  }
0x14c: {  	_ =	swait.ge [sflag:s26], $0x50  }
0x14d: {  	[sflag:s26] =	ssyncset.done $0x0  }
0x14e: {  	[sflag:s26] =	ssyncadd.s32 $0xFFFFFFB0  }
0x14f: {  	s30 =	simm.s32 $0x0;
	_ =	swait.ge [sflag:s18], $0x50  }
0x150: {  	v1 =	vmov s30;
	[sflag:s18] =	ssyncset.done $0x0  }
0x151: {  	s0 =	simm.s32 $0x2CC0;
	[sflag:s18] =	ssyncadd.s32 $0xFFFFFFB0  }
0x152: {  	v5 =	vld [tilespmem:s0+$0x30]  }
0x153: {  	v8 =	vld [tilespmem:s0+$0x10]  }
0x154: {  	v6 =	vld [tilespmem:s0+$0xFFFFFFC0]  }
0x155: {  	v2 =	vld.idx.msk [tilespmem:v1+s8+$0x0], $0xffff  }
0x156: {  	v10 =	vld [tilespmem:s0+$0xFFFFFFE0]  }
0x157: {  	v1 =	vld [tilespmem:s0+$0xFFFFFFF0]  }
0x158: {  	v3 =	vld [tilespmem:s0+$0x20]  }
0x159: {  	v4 =	vld [tilespmem:s0+$0xFFFFFFD0]  }
0x15a: {  	v9 =	vmul.f32 v5, v2;
	v5 =	vld [tilespmem:s0+$0x0]  }
0x15b: {  	v7 =	vmul.f32 v6, v2  }
0x15c: {  	s3 =	simm.s32 $0x1;
	s12 =	simm.s32 $0x2CC0;
	s24 =	rddreg [dreg:$0xe];
	v6 =	vmul.f32 v10, v2;
	v8 =	vmul.f32 v8, v2  }
.LBB2_14:
0x15d: {  	p0 =	sne.s32 s3, $0x4F  }
0x15e: {  	v4 =	vmul.f32 v4, v2;
	v3 =	vmul.f32 v3, v2;
	[tilespmem:s0+$0x30] =	vst v9;
	s12 =	sadd.s32 $0x80, s12;
	s21 =	smov.u32 s3;
	s3 =	sadd.s32 $0x1, s3  }
0x15f: {  	[tilespmem:s0+$0xFFFFFFC0] =	vst v7;
	v7 =	vmul.f32 v1, v2;
	v2 =	vmul.f32 v5, v2  }
0x160: {  	[tilespmem:s0+$0x10] =	vst v8  }
0x161: {  	v5 =	vmov s21;
	[tilespmem:s0+$0xFFFFFFE0] =	vst v6  }
0x162: {  	v1 =	vld [tilespmem:s12+$0xFFFFFFF0];
	[tilespmem:s0+$0xFFFFFFF0] =	vst v7  }
0x163: {  	v6 =	vld [tilespmem:s12+$0x30];
	[tilespmem:s0+$0x0] =	vst v2  }
0x164: {  	v8 =	vld [tilespmem:s12+$0x10];
	[tilespmem:s0+$0x20] =	vst v3  }
0x165: {  	v7 =	vld [tilespmem:s12+$0xFFFFFFC0];
	[tilespmem:s0+$0xFFFFFFD0] =	vst v4;
	s0 =	smov.u32 s12  }
0x166: {  	v2 =	vld.idx.msk [tilespmem:v5+s8+$0x0], $0xffff  }
0x167: {  	v10 =	vld [tilespmem:s12+$0xFFFFFFE0]  }
0x168: {  	v3 =	vld [tilespmem:s12+$0x20]  }
.Ltmp6:
0x169: {  	v4 =	vld [tilespmem:s12+$0xFFFFFFD0];
	(pc) =	sbr.rel @p0 .LBB2_14-.Ltmp6, $3  }
0x16a: {  	v5 =	vld [tilespmem:s12+$0x0];
	_ =	sdelay $0x1  }
0x16b: {  	v7 =	vmul.f32 v7, v2;
	v9 =	vmul.f32 v6, v2  }
0x16c: {  	v8 =	vmul.f32 v8, v2;
	v6 =	vmul.f32 v10, v2  }
0x16d: {  	[tilespmem:s0+$0x30] =	vst v9  }
0x16e: {  	[tilespmem:s0+$0xFFFFFFC0] =	vst v7  }
0x16f: {  	v1 =	vmul.f32 v1, v2;
	[tilespmem:s0+$0x10] =	vst v8  }
0x170: {  	v3 =	vmul.f32 v3, v2;
	[tilespmem:s0+$0xFFFFFFE0] =	vst v6  }
0x171: {  	v5 =	vmul.f32 v5, v2;
	[tilespmem:s0+$0xFFFFFFF0] =	vst v1  }
0x172: {  	v1 =	vmul.f32 v4, v2;
	[tilespmem:s0+$0x20] =	vst v3  }
0x173: {  	[tilespmem:s0+$0x0] =	vst v5  }
0x174: {  	[tilespmem:s0+$0xFFFFFFD0] =	vst v1  }
0x175: {  	_ =	swait.ge [sflag:s29], $0x2800  }
0x176: {  	[sflag:s29] =	ssyncset.done $0x0  }
0x177: {  	s12 =	simm.s32 $0x200;
	s3 =	simm.s32 $0x2C80;
	[sflag:s29] =	ssyncadd.s32 $0xFFFFD800  }
0x178: {  	[spmem:s2] =	stream.indirect.scatter.add.f32 [tilespmem:s3], [sflag:$0xE], $0x80, s12, s10, $0xb8;
	[tilespmem:$0x1B500] =	vst v63  }
0x179: {  	_ =	swait.ge [sflag:s20], $0x2800  }
0x17a: {  	[sflag:s20] =	ssyncset.done $0x0  }
0x17b: {  	s21 =	stileid.u32;
	[sflag:s20] =	ssyncadd.s32 $0xFFFFD800  }
0x17c: {  	s0 =	sshll.u32 s21, $0x6;
	[bflag:$0x0] =	sbarrier.arrive $0xFFFF  }
0x17d: {  	s30 =	sshrl.u32 s24, $0x3;
	s0 =	sor.u32 $0x1C10, s0;
	s12 =	rddreg [dreg:$0xd]  }
0x17e: {  	[hbm:s12], [sflag:s0] =	dma.local [spmem:s30], $0x2800  }
0x17f: {  	s12 =	simm.s32 $0x10  }
0x180: {  	_ =	swait.ge [sflag:s12], $0x2800  }
0x181: {  	s21 =	rddreg [dreg:$0x17]  }
0x182: {  	s30 =	rddreg [dreg:$0xf];
	s3 =	sadd.s32 $0x1, s21  }
0x183: {  	p0 =	sne.s32 s3, s30  }
.Ltmp7:
0x184: {  	_ = 	snop;
	(pc) =	sbr.rel @p0 .LBB2_1-.Ltmp7, $3  }
0x185: {  	_ =	sdelay $0x1  }
0x186: {  	[sflag:s12] =	ssyncset.done $0x0  }
0x187: {  	[sflag:s12] =	ssyncadd.s32 $0xFFFFD800  }
0x188: {  	_ =	sfence.sel $0x180000  }
0x189: {  	[bflag:$0x0] =	sbarrier.arrive $0xFFFF  }
0x18a: {  	_ =	strace $0x90000050  }
0x18b: {  	s0 =	stileid.u32;
	[bflag:$0x2] =	sbarrier.arrive $0xFFFF  }
0x18c: {  	p0 =	sne.s32 s0, $0x0;
	s0 =	rddreg [dreg:$0x3]  }
0x18d: {  	s0 =	sadd.s32 @!p0 $0x100000, s0  }
0x18e: {  	[sflag:s0] =	ssyncadd.tile.s32 @!p0 $0x1;
	_ =	shalt  }
.Lfunc_end2:
_tile_overlayer_lowered:
.L_overlay_start_2:
0x18f: {  	(tag) =	ssettag $0x2  }
0x190: {  	s0 =	rddreg [dreg:$0x0];
	s2 =	stileid.u32  }
0x191: {  	s1 =	rddreg [dreg:$0x1];
	p0 =	sne.s32 s2, $0x0  }
0x192: {  	s3 =	rddreg [dreg:$0x2];
	[bflag:$0x3] =	sbarrier.arrive $0xFFFF;
	s2 =	simm.s32 @!p0 $0x1C10  }
0x193: {  	[timem:s3], [sflag:s2] =	dma.local @!p0 [hbm:s0], s1  }
0x194: {  	s0 =	simm.s32 @!p0 $0x10  }
0x195: {  	_ =	swait.ge @!p0 [sflag:s0], s1  }
0x196: {  	s1 =	ssub.s32 @!p0 $0x0, s1;
	[sflag:s0] =	ssyncset.done @!p0 $0x0  }
0x197: {  	[sflag:s0] =	ssyncadd.s32 @!p0 s1  }
0x198: {  	[bflag:$0x3] =	sbarrier.arrive $0xFFFF  }
0x199: {  	_ =	shalt  }

</sc_bundles>
